<compile_context>
chip_gen: v7x
topology: tpu7x:2x2x1
jax: 0.10.2.dev20260603
libtpu: 0.0.44.dev20260713+nightly
codegen_flags: <defaults>
</compile_context>

<pallas_src>
import functools

import jax
import jax.numpy as jnp
from jax import lax
from jax.experimental import pallas as pl
from jax.experimental.pallas import tpu as pltpu
from jax.experimental.pallas import tpu_sc as plsc

N = 10000
E = 320000
D = 128
H = 128
OUT = 64
G = 64

NC = 2
NS = 16
NPAD = 10240
CHUNK = 128
EPAD = 327680

_vector_mesh = plsc.VectorSubcoreMesh(core_axis_name="c", subcore_axis_name="s")


def _sc_degree(dst2d, ones_c, zeros_n):
    rows = dst2d.shape[0]
    rows_per_w = rows // (NC * NS)
    stripe = NPAD // NS

    @functools.partial(
        pl.kernel,
        out_type=jax.ShapeDtypeStruct((NC, NPAD), jnp.float32),
        mesh=_vector_mesh,
        scratch_types=[
            pltpu.VMEM((rows // (NC * NS), CHUNK), jnp.int32),
            pltpu.VMEM((CHUNK,), jnp.float32),
            pltpu.VMEM_SHARED((NPAD,), jnp.float32),
            pltpu.SemaphoreType.DMA,
        ],
    )
    def k(dst_hbm, ones_hbm, zeros_hbm, out_hbm, idx_v, ones_v, acc, ssem):
        c = lax.axis_index("c")
        s = lax.axis_index("s")
        w = c * NS + s
        pltpu.sync_copy(zeros_hbm.at[pl.ds(s * stripe, stripe)],
                        acc.at[pl.ds(s * stripe, stripe)])
        pltpu.sync_copy(ones_hbm, ones_v)
        pltpu.sync_copy(dst_hbm.at[pl.ds(w * rows_per_w, rows_per_w)], idx_v)
        plsc.subcore_barrier()
        scatters = [
            pltpu.async_copy(ones_v, acc.at[idx_v.at[j]], ssem, add=True)
            for j in range(rows_per_w)
        ]
        for cp in scatters:
            cp.wait()
        plsc.subcore_barrier()
        pltpu.sync_copy(acc.at[pl.ds(s * stripe, stripe)],
                        out_hbm.at[c].at[pl.ds(s * stripe, stripe)])

    return k(dst2d, ones_c, zeros_n)


def _sc_scatter(hp, src2d, dst2d):
    rows = src2d.shape[0]
    rows_per_tile = rows // (NC * NS)
    SB = 16
    n_sb = rows_per_tile // SB
    stripe = NPAD // NS

    @functools.partial(
        pl.kernel,
        out_type=jax.ShapeDtypeStruct((NC, NPAD, H), jnp.float32),
        mesh=_vector_mesh,
        scratch_types=[
            pltpu.VMEM((2, SB, CHUNK), jnp.int32),
            pltpu.VMEM((2, SB, CHUNK), jnp.int32),
            pltpu.VMEM((CHUNK, H), jnp.float32),
            pltpu.VMEM((CHUNK, H), jnp.float32),
            pltpu.VMEM_SHARED((NPAD, H), jnp.float32),
            pltpu.SemaphoreType.DMA,
            pltpu.SemaphoreType.DMA,
            pltpu.SemaphoreType.DMA,
            pltpu.SemaphoreType.DMA,
            pltpu.SemaphoreType.DMA,
        ],
    )
    def k(hp_hbm, src_hbm, dst_hbm, out_hbm, src_v, dst_v,
          rows_a, rows_b, acc, gsem, hsem, isem0, isem1, initsem):
        c = lax.axis_index("c")
        s = lax.axis_index("s")
        base = (c * NS + s) * rows_per_tile

        zero16 = jnp.zeros((16,), jnp.float32)

        @pl.loop(0, CHUNK)
        def _(r):
            for cb in range(H // 16):
                rows_a[r, pl.ds(cb * 16, 16)] = zero16

        for kk in range(stripe // CHUNK):
            pltpu.async_copy(rows_a,
                             acc.at[pl.ds(s * stripe + kk * CHUNK, CHUNK)],
                             initsem)
        pltpu.async_copy(src_hbm.at[pl.ds(base, SB)], src_v.at[0], isem0)
        pltpu.async_copy(dst_hbm.at[pl.ds(base, SB)], dst_v.at[0], isem0)
        pltpu.make_async_copy(src_hbm.at[pl.ds(base, SB)], src_v.at[0],
                              isem0).wait()
        pltpu.make_async_copy(dst_hbm.at[pl.ds(base, SB)], dst_v.at[0],
                              isem0).wait()
        pltpu.async_copy(hp_hbm.at[src_v.at[0].at[1]], rows_b, hsem)
        for kk in range(stripe // CHUNK):
            pltpu.make_async_copy(
                rows_a, acc.at[pl.ds(s * stripe + kk * CHUNK, CHUNK)],
                initsem).wait()
        pltpu.async_copy(hp_hbm.at[src_v.at[0].at[0]], rows_a, gsem)
        plsc.subcore_barrier()

        @pl.loop(0, n_sb)
        def _(sb):
            p = sb % 2
            r_next = base + (sb + 1) * SB

            @pl.when(sb < n_sb - 1)
            def _():
                pltpu.async_copy(src_hbm.at[pl.ds(r_next, SB)],
                                 src_v.at[1 - p], isem1)
                pltpu.async_copy(dst_hbm.at[pl.ds(r_next, SB)],
                                 dst_v.at[1 - p], isem1)

            sidx = src_v.at[p]
            didx = dst_v.at[p]

            @pl.loop(0, SB // 2)
            def _(i):
                ca = 2 * i
                pltpu.make_async_copy(hp_hbm.at[sidx.at[ca]], rows_a,
                                      gsem).wait()
                pltpu.sync_copy(rows_a, acc.at[didx.at[ca]], add=True)

                @pl.when(i < SB // 2 - 1)
                def _():
                    pltpu.async_copy(hp_hbm.at[sidx.at[ca + 2]], rows_a, gsem)

                pltpu.make_async_copy(hp_hbm.at[sidx.at[ca + 1]], rows_b,
                                      hsem).wait()
                pltpu.sync_copy(rows_b, acc.at[didx.at[ca + 1]], add=True)

                @pl.when(i < SB // 2 - 1)
                def _():
                    pltpu.async_copy(hp_hbm.at[sidx.at[ca + 3]], rows_b, hsem)

            @pl.when(sb < n_sb - 1)
            def _():
                pltpu.make_async_copy(src_hbm.at[pl.ds(r_next, SB)],
                                      src_v.at[1 - p], isem1).wait()
                pltpu.make_async_copy(dst_hbm.at[pl.ds(r_next, SB)],
                                      dst_v.at[1 - p], isem1).wait()
                pltpu.async_copy(hp_hbm.at[src_v.at[1 - p].at[0]], rows_a,
                                 gsem)
                pltpu.async_copy(hp_hbm.at[src_v.at[1 - p].at[1]], rows_b,
                                 hsem)

        plsc.subcore_barrier()
        pltpu.sync_copy(acc.at[pl.ds(s * stripe, stripe)],
                        out_hbm.at[c].at[pl.ds(s * stripe, stripe)])

    return k(hp, src2d, dst2d)


def _dinv_col(hist_ref):
    return lax.rsqrt(1.0 + hist_ref[0] + hist_ref[1])


def _pad_rows(h):
    return jnp.concatenate(
        [h, jnp.zeros((NPAD - N, h.shape[1]), jnp.float32)], axis=0)


def _tc_layer1(x, W1, hist3):
    def body(x_ref, w_ref, hist_ref, out_ref):
        dinv = _dinv_col(hist_ref)
        h = jnp.dot(x_ref[...] * dinv[:N], w_ref[...],
                    preferred_element_type=jnp.float32)
        out_ref[...] = _pad_rows(h)

    return pl.pallas_call(
        body,
        out_shape=jax.ShapeDtypeStruct((NPAD, H), jnp.float32),
    )(x, W1, hist3)


def _tc_layer2(agg1, hp1, hist3, b1, W2):
    def body(agg_ref, hp_ref, hist_ref, b_ref, w_ref, out_ref):
        dinv = _dinv_col(hist_ref)
        aggc = agg_ref[0, :N] + agg_ref[1, :N] + hp_ref[:N]
        out1 = jax.nn.relu(aggc * dinv[:N] + b_ref[...])
        h2 = jnp.dot(out1, w_ref[...], preferred_element_type=jnp.float32)
        out_ref[...] = _pad_rows(h2 * dinv[:N])

    return pl.pallas_call(
        body,
        out_shape=jax.ShapeDtypeStruct((NPAD, H), jnp.float32),
    )(agg1, hp1, hist3, b1, W2)


def _tc_pool(agg2, hp2, hist3, b2, batch2d, W3, b3):
    def body(agg_ref, hp_ref, hist_ref, b2_ref, batch_ref, w3_ref, b3_ref,
             out_ref):
        dinv = _dinv_col(hist_ref)
        aggc = agg_ref[0, :N] + agg_ref[1, :N] + hp_ref[:N]
        out2 = jax.nn.relu(aggc * dinv[:N] + b2_ref[...])
        gids = lax.broadcasted_iota(jnp.int32, (G, 1), 0)
        P = (batch_ref[...] == gids).astype(jnp.float32)
        counts = jnp.sum(P, axis=1, keepdims=True)
        pooled = jnp.dot(P, out2, preferred_element_type=jnp.float32)
        pooled = pooled / jnp.maximum(counts, 1.0)
        out_ref[...] = (
            jnp.dot(pooled, w3_ref[...], preferred_element_type=jnp.float32)
            + b3_ref[...])

    return pl.pallas_call(
        body,
        out_shape=jax.ShapeDtypeStruct((G, OUT), jnp.float32),
    )(agg2, hp2, hist3, b2, batch2d, W3, b3)


def kernel(x, edge_index, batch, W1, b1, W2, b2, W3, b3):
    src = edge_index[0]
    dst = edge_index[1]
    pad_ids = N + (jnp.arange(EPAD - E, dtype=jnp.int32) % (NPAD - N))
    src2d = jnp.concatenate([src, pad_ids]).reshape(-1, CHUNK)
    dst2d = jnp.concatenate([dst, pad_ids]).reshape(-1, CHUNK)
    ones_c = jnp.ones((CHUNK,), jnp.float32)
    zeros_n = jnp.zeros((NPAD,), jnp.float32)

    hist = _sc_degree(dst2d, ones_c, zeros_n)
    hist3 = hist.reshape(NC, NPAD, 1)
    hp1 = _tc_layer1(x, W1, hist3)
    agg1 = _sc_scatter(hp1, src2d, dst2d)
    hp2 = _tc_layer2(agg1, hp1, hist3, b1.reshape(1, H), W2)
    agg2 = _sc_scatter(hp2, src2d, dst2d)
    return _tc_pool(agg2, hp2, hist3, b2.reshape(1, H), batch.reshape(1, N),
                    W3, b3.reshape(1, OUT))

# --- scband reference (transcript-rebuilt; emitter-appended) ---
"""Pipeline reference for scband-gcn-36412732735797 (READ-ONLY COPY).

The authoritative reference and input builder live on the scoring server;
editing this copy changes nothing except your own understanding.
"""

import jax, jax.numpy as jnp
import numpy as np

N = 10000
E = 320000
D = 128
H = 128
OUT = 64
G = 64


def setup_inputs(seed: int = 0) -> dict:
    key = jax.random.key(seed)
    ks = jax.random.split(key, 9)
    x = jax.random.normal(ks[0], (N, D), dtype=jnp.float32)
    edge_index = jax.random.randint(ks[1], (2, E), 0, N, dtype=jnp.int32)
    batch = jnp.sort(jax.random.randint(ks[2], (N,), 0, G, dtype=jnp.int32))
    W1 = jax.random.normal(ks[3], (D, H), dtype=jnp.float32) * 0.05
    b1 = jnp.zeros((H,), dtype=jnp.float32)
    W2 = jax.random.normal(ks[4], (H, H), dtype=jnp.float32) * 0.05
    b2 = jnp.zeros((H,), dtype=jnp.float32)
    W3 = jax.random.normal(ks[5], (H, OUT), dtype=jnp.float32) * 0.05
    b3 = jnp.zeros((OUT,), dtype=jnp.float32)
    return {"x": x, "edge_index": edge_index, "batch": batch,
            "W1": W1, "b1": b1, "W2": W2, "b2": b2, "W3": W3, "b3": b3}


def _gcn_conv(x, s, d, norm, W, b):
    # GCNConv: out = scatter_add(norm * (X W)[src] -> dst) + b
    h = x @ W
    msg = h[s] * norm[:, None]
    out = jnp.zeros((x.shape[0], h.shape[1]), dtype=h.dtype).at[d].add(msg)
    return out + b


def reference(x, edge_index, batch, W1, b1, W2, b2, W3, b3):
    n = x.shape[0]
    src = edge_index[0]
    dst = edge_index[1]
    loop = jnp.arange(n, dtype=src.dtype)
    s = jnp.concatenate([src, loop])
    d = jnp.concatenate([dst, loop])
    # symmetric normalization with self-loops: D^{-1/2} (A+I) D^{-1/2}
    deg = jnp.zeros((n,), dtype=jnp.float32).at[d].add(1.0)
    dinv = jnp.where(deg > 0, 1.0 / jnp.sqrt(deg), 0.0)
    norm = dinv[s] * dinv[d]

    h = _gcn_conv(x, s, d, norm, W1, b1)
    h = jax.nn.relu(h)
    h = _gcn_conv(h, s, d, norm, W2, b2)
    h = jax.nn.relu(h)

    # global_mean_pool over graphs
    sums = jax.ops.segment_sum(h, batch, num_segments=G)
    counts = jax.ops.segment_sum(jnp.ones((n,), dtype=jnp.float32), batch, num_segments=G)
    pooled = sums / jnp.maximum(counts, 1.0)[:, None]

    # dropout p=0.5 is identity in eval mode
    out = pooled @ W3 + b3
    return out

if __name__ == "__main__":
    import jax
    _d = setup_inputs()
    print(jax.jit(kernel)(*tuple(_d.values())))

</pallas_src>

<mosaic_0001>
#map = affine_map<(d0, d1) -> (0, 0)>
#map1 = affine_map<(d0, d1) -> (0)>
module attributes {stable_mosaic.version = 14 : i64} {
  func.func @k(%arg0: i32, %arg1: i32, %arg2: memref<2560x128xi32, #tpu.memory_space<hbm>>, %arg3: memref<128xf32, #tpu.memory_space<hbm>>, %arg4: memref<10240xf32, #tpu.memory_space<hbm>>, %arg5: memref<2x10240xf32, #tpu.memory_space<hbm>>, %arg6: memref<80x128xi32, #tpu.memory_space<vmem>>, %arg7: memref<128xf32, #tpu.memory_space<vmem>>, %arg8: memref<10240xf32, #tpu.memory_space<vmem_shared>>, %arg9: memref<!tpu.dma_semaphore, #tpu.memory_space<semaphore_mem>>) attributes {dimension_semantics = [#tpu.dimension_semantics<core_parallel>, #tpu.dimension_semantics<subcore_parallel>], iteration_bounds = array<i64: 2, 16>, scalar_prefetch = 0 : i64, scratch_operands = 4 : i64, tpu.core_type = #tpu.core_type<sc_vector_subcore>, window_params = [{transform_indices = #map}, {transform_indices = #map1}, {transform_indices = #map1}, {transform_indices = #map}]} {
    %mul3A = arith.constant 16 : i32
    %mul3A_0 = arith.muli %arg0, %mul3A : i32
    %add3A = arith.addi %mul3A_0, %arg1 : i32
    %mul3A_1 = arith.constant 640 : i32
    %mul3A_2 = arith.muli %arg1, %mul3A_1 : i32
    %mul3A_3 = arith.constant 640 : i32
    %mul3A_4 = arith.muli %arg1, %mul3A_3 : i32
    "tpu.region"() ({
      %run_scoped3A = tpu.sem_alloc : memref<!tpu.dma_semaphore, #tpu.memory_space<semaphore_mem>>
      %dma_start3A_970 = tpu.memref_slice %arg8[%mul3A_4] : memref<10240xf32, #tpu.memory_space<vmem_shared>> -> memref<640xf32, #tpu.memory_space<vmem_shared>>
      %dma_start3A_971 = tpu.memref_slice %arg4[%mul3A_2] : memref<10240xf32, #tpu.memory_space<hbm>> -> memref<640xf32, #tpu.memory_space<hbm>>
      tpu.enqueue_dma source(%dma_start3A_971 : memref<640xf32, #tpu.memory_space<hbm>>) target(%dma_start3A_970 : memref<640xf32, #tpu.memory_space<vmem_shared>>) target_semaphore(%run_scoped3A : memref<!tpu.dma_semaphore, #tpu.memory_space<semaphore_mem>>)
      %dma_wait3A_972 = tpu.memref_slice %arg8[%mul3A_4] : memref<10240xf32, #tpu.memory_space<vmem_shared>> -> memref<640xf32, #tpu.memory_space<vmem_shared>>
      %dma_wait3A_973 = tpu.memref_slice %arg4[%mul3A_2] : memref<10240xf32, #tpu.memory_space<hbm>> -> memref<640xf32, #tpu.memory_space<hbm>>
      tpu.wait_dma2 semaphore(%run_scoped3A : memref<!tpu.dma_semaphore, #tpu.memory_space<semaphore_mem>>) src(%dma_wait3A_973 : memref<640xf32, #tpu.memory_space<hbm>>) dst(%dma_wait3A_972 : memref<640xf32, #tpu.memory_space<vmem_shared>>)
      tpu.yield
    }) : () -> ()
    "tpu.region"() ({
      %run_scoped3A = tpu.sem_alloc : memref<!tpu.dma_semaphore, #tpu.memory_space<semaphore_mem>>
      tpu.enqueue_dma source(%arg3 : memref<128xf32, #tpu.memory_space<hbm>>) target(%arg7 : memref<128xf32, #tpu.memory_space<vmem>>) target_semaphore(%run_scoped3A : memref<!tpu.dma_semaphore, #tpu.memory_space<semaphore_mem>>)
      tpu.wait_dma2 semaphore(%run_scoped3A : memref<!tpu.dma_semaphore, #tpu.memory_space<semaphore_mem>>) src(%arg3 : memref<128xf32, #tpu.memory_space<hbm>>) dst(%arg7 : memref<128xf32, #tpu.memory_space<vmem>>)
      tpu.yield
    }) : () -> ()
    %mul3A_5 = arith.constant 80 : i32
    %mul3A_6 = arith.muli %add3A, %mul3A_5 : i32
    "tpu.region"() ({
      %run_scoped3A = tpu.sem_alloc : memref<!tpu.dma_semaphore, #tpu.memory_space<semaphore_mem>>
      %dma_start3A_970 = arith.constant 0 : i32
      %dma_start3A_971 = tpu.memref_slice %arg2[%mul3A_6, %dma_start3A_970] : memref<2560x128xi32, #tpu.memory_space<hbm>> -> memref<80x128xi32, #tpu.memory_space<hbm>>
      %dma_start3A_972 = arith.constant 0 : i32
      %dma_start3A_973 = tpu.memref_slice %arg2[%mul3A_6, %dma_start3A_972] : memref<2560x128xi32, #tpu.memory_space<hbm>> -> memref<80x128xi32, #tpu.memory_space<hbm>>
      tpu.enqueue_dma source(%dma_start3A_973 : memref<80x128xi32, #tpu.memory_space<hbm>>) target(%arg6 : memref<80x128xi32, #tpu.memory_space<vmem>>) target_semaphore(%run_scoped3A : memref<!tpu.dma_semaphore, #tpu.memory_space<semaphore_mem>>)
      %dma_wait3A_974 = arith.constant 0 : i32
      %dma_wait3A_975 = tpu.memref_slice %arg2[%mul3A_6, %dma_wait3A_974] : memref<2560x128xi32, #tpu.memory_space<hbm>> -> memref<80x128xi32, #tpu.memory_space<hbm>>
      %dma_wait3A_976 = arith.constant 0 : i32
      %dma_wait3A_977 = tpu.memref_slice %arg2[%mul3A_6, %dma_wait3A_976] : memref<2560x128xi32, #tpu.memory_space<hbm>> -> memref<80x128xi32, #tpu.memory_space<hbm>>
      tpu.wait_dma2 semaphore(%run_scoped3A : memref<!tpu.dma_semaphore, #tpu.memory_space<semaphore_mem>>) src(%dma_wait3A_977 : memref<80x128xi32, #tpu.memory_space<hbm>>) dst(%arg6 : memref<80x128xi32, #tpu.memory_space<vmem>>)
      tpu.yield
    }) : () -> ()
    %barrier3A = arith.constant 0 : index
    tpu.barrier barrier_id(%barrier3A)
    %dma_start3A = arith.constant 0 : i32
    %dma_start3A_7 = arith.constant 0 : i32
    %dma_start3A_8 = tpu.memref_slice %arg6[%dma_start3A, %dma_start3A_7] : memref<80x128xi32, #tpu.memory_space<vmem>> -> memref<1x128xi32, #tpu.memory_space<vmem>>
    %dma_start3A_9 = tpu.memref_squeeze %dma_start3A_8 : memref<1x128xi32, #tpu.memory_space<vmem>> -> memref<128xi32, #tpu.memory_space<vmem>>
    %dma_start3A_10 = arith.constant 0 : i32
    %dma_start3A_11 = tpu.memref_slice %arg8[%dma_start3A_10] : memref<10240xf32, #tpu.memory_space<vmem_shared>> -> memref<10240xf32, #tpu.memory_space<vmem_shared>>
    tpu.enqueue_indirect_dma source(%arg7 : memref<128xf32, #tpu.memory_space<vmem>>) target(%dma_start3A_11 : memref<10240xf32, #tpu.memory_space<vmem_shared>>) offsets(%dma_start3A_9 : memref<128xi32, #tpu.memory_space<vmem>>) semaphore(%arg9 : memref<!tpu.dma_semaphore, #tpu.memory_space<semaphore_mem>>) {add = true}
    %dma_start3A_12 = arith.constant 1 : i32
    %dma_start3A_13 = arith.constant 0 : i32
    %dma_start3A_14 = tpu.memref_slice %arg6[%dma_start3A_12, %dma_start3A_13] : memref<80x128xi32, #tpu.memory_space<vmem>> -> memref<1x128xi32, #tpu.memory_space<vmem>>
    %dma_start3A_15 = tpu.memref_squeeze %dma_start3A_14 : memref<1x128xi32, #tpu.memory_space<vmem>> -> memref<128xi32, #tpu.memory_space<vmem>>
    %dma_start3A_16 = arith.constant 0 : i32
    %dma_start3A_17 = tpu.memref_slice %arg8[%dma_start3A_16] : memref<10240xf32, #tpu.memory_space<vmem_shared>> -> memref<10240xf32, #tpu.memory_space<vmem_shared>>
    tpu.enqueue_indirect_dma source(%arg7 : memref<128xf32, #tpu.memory_space<vmem>>) target(%dma_start3A_17 : memref<10240xf32, #tpu.memory_space<vmem_shared>>) offsets(%dma_start3A_15 : memref<128xi32, #tpu.memory_space<vmem>>) semaphore(%arg9 : memref<!tpu.dma_semaphore, #tpu.memory_space<semaphore_mem>>) {add = true}
    %dma_start3A_18 = arith.constant 2 : i32
    %dma_start3A_19 = arith.constant 0 : i32
    %dma_start3A_20 = tpu.memref_slice %arg6[%dma_start3A_18, %dma_start3A_19] : memref<80x128xi32, #tpu.memory_space<vmem>> -> memref<1x128xi32, #tpu.memory_space<vmem>>
    %dma_start3A_21 = tpu.memref_squeeze %dma_start3A_20 : memref<1x128xi32, #tpu.memory_space<vmem>> -> memref<128xi32, #tpu.memory_space<vmem>>
    %dma_start3A_22 = arith.constant 0 : i32
    %dma_start3A_23 = tpu.memref_slice %arg8[%dma_start3A_22] : memref<10240xf32, #tpu.memory_space<vmem_shared>> -> memref<10240xf32, #tpu.memory_space<vmem_shared>>
    tpu.enqueue_indirect_dma source(%arg7 : memref<128xf32, #tpu.memory_space<vmem>>) target(%dma_start3A_23 : memref<10240xf32, #tpu.memory_space<vmem_shared>>) offsets(%dma_start3A_21 : memref<128xi32, #tpu.memory_space<vmem>>) semaphore(%arg9 : memref<!tpu.dma_semaphore, #tpu.memory_space<semaphore_mem>>) {add = true}
    %dma_start3A_24 = arith.constant 3 : i32
    %dma_start3A_25 = arith.constant 0 : i32
    %dma_start3A_26 = tpu.memref_slice %arg6[%dma_start3A_24, %dma_start3A_25] : memref<80x128xi32, #tpu.memory_space<vmem>> -> memref<1x128xi32, #tpu.memory_space<vmem>>
    %dma_start3A_27 = tpu.memref_squeeze %dma_start3A_26 : memref<1x128xi32, #tpu.memory_space<vmem>> -> memref<128xi32, #tpu.memory_space<vmem>>
    %dma_start3A_28 = arith.constant 0 : i32
    %dma_start3A_29 = tpu.memref_slice %arg8[%dma_start3A_28] : memref<10240xf32, #tpu.memory_space<vmem_shared>> -> memref<10240xf32, #tpu.memory_space<vmem_shared>>
    tpu.enqueue_indirect_dma source(%arg7 : memref<128xf32, #tpu.memory_space<vmem>>) target(%dma_start3A_29 : memref<10240xf32, #tpu.memory_space<vmem_shared>>) offsets(%dma_start3A_27 : memref<128xi32, #tpu.memory_space<vmem>>) semaphore(%arg9 : memref<!tpu.dma_semaphore, #tpu.memory_space<semaphore_mem>>) {add = true}
    %dma_start3A_30 = arith.constant 4 : i32
    %dma_start3A_31 = arith.constant 0 : i32
    %dma_start3A_32 = tpu.memref_slice %arg6[%dma_start3A_30, %dma_start3A_31] : memref<80x128xi32, #tpu.memory_space<vmem>> -> memref<1x128xi32, #tpu.memory_space<vmem>>
    %dma_start3A_33 = tpu.memref_squeeze %dma_start3A_32 : memref<1x128xi32, #tpu.memory_space<vmem>> -> memref<128xi32, #tpu.memory_space<vmem>>
    %dma_start3A_34 = arith.constant 0 : i32
    %dma_start3A_35 = tpu.memref_slice %arg8[%dma_start3A_34] : memref<10240xf32, #tpu.memory_space<vmem_shared>> -> memref<10240xf32, #tpu.memory_space<vmem_shared>>
    tpu.enqueue_indirect_dma source(%arg7 : memref<128xf32, #tpu.memory_space<vmem>>) target(%dma_start3A_35 : memref<10240xf32, #tpu.memory_space<vmem_shared>>) offsets(%dma_start3A_33 : memref<128xi32, #tpu.memory_space<vmem>>) semaphore(%arg9 : memref<!tpu.dma_semaphore, #tpu.memory_space<semaphore_mem>>) {add = true}
    %dma_start3A_36 = arith.constant 5 : i32
    %dma_start3A_37 = arith.constant 0 : i32
    %dma_start3A_38 = tpu.memref_slice %arg6[%dma_start3A_36, %dma_start3A_37] : memref<80x128xi32, #tpu.memory_space<vmem>> -> memref<1x128xi32, #tpu.memory_space<vmem>>
    %dma_start3A_39 = tpu.memref_squeeze %dma_start3A_38 : memref<1x128xi32, #tpu.memory_space<vmem>> -> memref<128xi32, #tpu.memory_space<vmem>>
    %dma_start3A_40 = arith.constant 0 : i32
    %dma_start3A_41 = tpu.memref_slice %arg8[%dma_start3A_40] : memref<10240xf32, #tpu.memory_space<vmem_shared>> -> memref<10240xf32, #tpu.memory_space<vmem_shared>>
    tpu.enqueue_indirect_dma source(%arg7 : memref<128xf32, #tpu.memory_space<vmem>>) target(%dma_start3A_41 : memref<10240xf32, #tpu.memory_space<vmem_shared>>) offsets(%dma_start3A_39 : memref<128xi32, #tpu.memory_space<vmem>>) semaphore(%arg9 : memref<!tpu.dma_semaphore, #tpu.memory_space<semaphore_mem>>) {add = true}
    %dma_start3A_42 = arith.constant 6 : i32
    %dma_start3A_43 = arith.constant 0 : i32
    %dma_start3A_44 = tpu.memref_slice %arg6[%dma_start3A_42, %dma_start3A_43] : memref<80x128xi32, #tpu.memory_space<vmem>> -> memref<1x128xi32, #tpu.memory_space<vmem>>
    %dma_start3A_45 = tpu.memref_squeeze %dma_start3A_44 : memref<1x128xi32, #tpu.memory_space<vmem>> -> memref<128xi32, #tpu.memory_space<vmem>>
    %dma_start3A_46 = arith.constant 0 : i32
    %dma_start3A_47 = tpu.memref_slice %arg8[%dma_start3A_46] : memref<10240xf32, #tpu.memory_space<vmem_shared>> -> memref<10240xf32, #tpu.memory_space<vmem_shared>>
    tpu.enqueue_indirect_dma source(%arg7 : memref<128xf32, #tpu.memory_space<vmem>>) target(%dma_start3A_47 : memref<10240xf32, #tpu.memory_space<vmem_shared>>) offsets(%dma_start3A_45 : memref<128xi32, #tpu.memory_space<vmem>>) semaphore(%arg9 : memref<!tpu.dma_semaphore, #tpu.memory_space<semaphore_mem>>) {add = true}
    %dma_start3A_48 = arith.constant 7 : i32
    %dma_start3A_49 = arith.constant 0 : i32
    %dma_start3A_50 = tpu.memref_slice %arg6[%dma_start3A_48, %dma_start3A_49] : memref<80x128xi32, #tpu.memory_space<vmem>> -> memref<1x128xi32, #tpu.memory_space<vmem>>
    %dma_start3A_51 = tpu.memref_squeeze %dma_start3A_50 : memref<1x128xi32, #tpu.memory_space<vmem>> -> memref<128xi32, #tpu.memory_space<vmem>>
    %dma_start3A_52 = arith.constant 0 : i32
    %dma_start3A_53 = tpu.memref_slice %arg8[%dma_start3A_52] : memref<10240xf32, #tpu.memory_space<vmem_shared>> -> memref<10240xf32, #tpu.memory_space<vmem_shared>>
    tpu.enqueue_indirect_dma source(%arg7 : memref<128xf32, #tpu.memory_space<vmem>>) target(%dma_start3A_53 : memref<10240xf32, #tpu.memory_space<vmem_shared>>) offsets(%dma_start3A_51 : memref<128xi32, #tpu.memory_space<vmem>>) semaphore(%arg9 : memref<!tpu.dma_semaphore, #tpu.memory_space<semaphore_mem>>) {add = true}
    %dma_start3A_54 = arith.constant 8 : i32
    %dma_start3A_55 = arith.constant 0 : i32
    %dma_start3A_56 = tpu.memref_slice %arg6[%dma_start3A_54, %dma_start3A_55] : memref<80x128xi32, #tpu.memory_space<vmem>> -> memref<1x128xi32, #tpu.memory_space<vmem>>
    %dma_start3A_57 = tpu.memref_squeeze %dma_start3A_56 : memref<1x128xi32, #tpu.memory_space<vmem>> -> memref<128xi32, #tpu.memory_space<vmem>>
    %dma_start3A_58 = arith.constant 0 : i32
    %dma_start3A_59 = tpu.memref_slice %arg8[%dma_start3A_58] : memref<10240xf32, #tpu.memory_space<vmem_shared>> -> memref<10240xf32, #tpu.memory_space<vmem_shared>>
    tpu.enqueue_indirect_dma source(%arg7 : memref<128xf32, #tpu.memory_space<vmem>>) target(%dma_start3A_59 : memref<10240xf32, #tpu.memory_space<vmem_shared>>) offsets(%dma_start3A_57 : memref<128xi32, #tpu.memory_space<vmem>>) semaphore(%arg9 : memref<!tpu.dma_semaphore, #tpu.memory_space<semaphore_mem>>) {add = true}
    %dma_start3A_60 = arith.constant 9 : i32
    %dma_start3A_61 = arith.constant 0 : i32
    %dma_start3A_62 = tpu.memref_slice %arg6[%dma_start3A_60, %dma_start3A_61] : memref<80x128xi32, #tpu.memory_space<vmem>> -> memref<1x128xi32, #tpu.memory_space<vmem>>
    %dma_start3A_63 = tpu.memref_squeeze %dma_start3A_62 : memref<1x128xi32, #tpu.memory_space<vmem>> -> memref<128xi32, #tpu.memory_space<vmem>>
    %dma_start3A_64 = arith.constant 0 : i32
    %dma_start3A_65 = tpu.memref_slice %arg8[%dma_start3A_64] : memref<10240xf32, #tpu.memory_space<vmem_shared>> -> memref<10240xf32, #tpu.memory_space<vmem_shared>>
    tpu.enqueue_indirect_dma source(%arg7 : memref<128xf32, #tpu.memory_space<vmem>>) target(%dma_start3A_65 : memref<10240xf32, #tpu.memory_space<vmem_shared>>) offsets(%dma_start3A_63 : memref<128xi32, #tpu.memory_space<vmem>>) semaphore(%arg9 : memref<!tpu.dma_semaphore, #tpu.memory_space<semaphore_mem>>) {add = true}
    %dma_start3A_66 = arith.constant 10 : i32
    %dma_start3A_67 = arith.constant 0 : i32
    %dma_start3A_68 = tpu.memref_slice %arg6[%dma_start3A_66, %dma_start3A_67] : memref<80x128xi32, #tpu.memory_space<vmem>> -> memref<1x128xi32, #tpu.memory_space<vmem>>
    %dma_start3A_69 = tpu.memref_squeeze %dma_start3A_68 : memref<1x128xi32, #tpu.memory_space<vmem>> -> memref<128xi32, #tpu.memory_space<vmem>>
    %dma_start3A_70 = arith.constant 0 : i32
    %dma_start3A_71 = tpu.memref_slice %arg8[%dma_start3A_70] : memref<10240xf32, #tpu.memory_space<vmem_shared>> -> memref<10240xf32, #tpu.memory_space<vmem_shared>>
    tpu.enqueue_indirect_dma source(%arg7 : memref<128xf32, #tpu.memory_space<vmem>>) target(%dma_start3A_71 : memref<10240xf32, #tpu.memory_space<vmem_shared>>) offsets(%dma_start3A_69 : memref<128xi32, #tpu.memory_space<vmem>>) semaphore(%arg9 : memref<!tpu.dma_semaphore, #tpu.memory_space<semaphore_mem>>) {add = true}
    %dma_start3A_72 = arith.constant 11 : i32
    %dma_start3A_73 = arith.constant 0 : i32
    %dma_start3A_74 = tpu.memref_slice %arg6[%dma_start3A_72, %dma_start3A_73] : memref<80x128xi32, #tpu.memory_space<vmem>> -> memref<1x128xi32, #tpu.memory_space<vmem>>
    %dma_start3A_75 = tpu.memref_squeeze %dma_start3A_74 : memref<1x128xi32, #tpu.memory_space<vmem>> -> memref<128xi32, #tpu.memory_space<vmem>>
    %dma_start3A_76 = arith.constant 0 : i32
    %dma_start3A_77 = tpu.memref_slice %arg8[%dma_start3A_76] : memref<10240xf32, #tpu.memory_space<vmem_shared>> -> memref<10240xf32, #tpu.memory_space<vmem_shared>>
    tpu.enqueue_indirect_dma source(%arg7 : memref<128xf32, #tpu.memory_space<vmem>>) target(%dma_start3A_77 : memref<10240xf32, #tpu.memory_space<vmem_shared>>) offsets(%dma_start3A_75 : memref<128xi32, #tpu.memory_space<vmem>>) semaphore(%arg9 : memref<!tpu.dma_semaphore, #tpu.memory_space<semaphore_mem>>) {add = true}
    %dma_start3A_78 = arith.constant 12 : i32
    %dma_start3A_79 = arith.constant 0 : i32
    %dma_start3A_80 = tpu.memref_slice %arg6[%dma_start3A_78, %dma_start3A_79] : memref<80x128xi32, #tpu.memory_space<vmem>> -> memref<1x128xi32, #tpu.memory_space<vmem>>
    %dma_start3A_81 = tpu.memref_squeeze %dma_start3A_80 : memref<1x128xi32, #tpu.memory_space<vmem>> -> memref<128xi32, #tpu.memory_space<vmem>>
    %dma_start3A_82 = arith.constant 0 : i32
    %dma_start3A_83 = tpu.memref_slice %arg8[%dma_start3A_82] : memref<10240xf32, #tpu.memory_space<vmem_shared>> -> memref<10240xf32, #tpu.memory_space<vmem_shared>>
    tpu.enqueue_indirect_dma source(%arg7 : memref<128xf32, #tpu.memory_space<vmem>>) target(%dma_start3A_83 : memref<10240xf32, #tpu.memory_space<vmem_shared>>) offsets(%dma_start3A_81 : memref<128xi32, #tpu.memory_space<vmem>>) semaphore(%arg9 : memref<!tpu.dma_semaphore, #tpu.memory_space<semaphore_mem>>) {add = true}
    %dma_start3A_84 = arith.constant 13 : i32
    %dma_start3A_85 = arith.constant 0 : i32
    %dma_start3A_86 = tpu.memref_slice %arg6[%dma_start3A_84, %dma_start3A_85] : memref<80x128xi32, #tpu.memory_space<vmem>> -> memref<1x128xi32, #tpu.memory_space<vmem>>
    %dma_start3A_87 = tpu.memref_squeeze %dma_start3A_86 : memref<1x128xi32, #tpu.memory_space<vmem>> -> memref<128xi32, #tpu.memory_space<vmem>>
    %dma_start3A_88 = arith.constant 0 : i32
    %dma_start3A_89 = tpu.memref_slice %arg8[%dma_start3A_88] : memref<10240xf32, #tpu.memory_space<vmem_shared>> -> memref<10240xf32, #tpu.memory_space<vmem_shared>>
    tpu.enqueue_indirect_dma source(%arg7 : memref<128xf32, #tpu.memory_space<vmem>>) target(%dma_start3A_89 : memref<10240xf32, #tpu.memory_space<vmem_shared>>) offsets(%dma_start3A_87 : memref<128xi32, #tpu.memory_space<vmem>>) semaphore(%arg9 : memref<!tpu.dma_semaphore, #tpu.memory_space<semaphore_mem>>) {add = true}
    %dma_start3A_90 = arith.constant 14 : i32
    %dma_start3A_91 = arith.constant 0 : i32
    %dma_start3A_92 = tpu.memref_slice %arg6[%dma_start3A_90, %dma_start3A_91] : memref<80x128xi32, #tpu.memory_space<vmem>> -> memref<1x128xi32, #tpu.memory_space<vmem>>
    %dma_start3A_93 = tpu.memref_squeeze %dma_start3A_92 : memref<1x128xi32, #tpu.memory_space<vmem>> -> memref<128xi32, #tpu.memory_space<vmem>>
    %dma_start3A_94 = arith.constant 0 : i32
    %dma_start3A_95 = tpu.memref_slice %arg8[%dma_start3A_94] : memref<10240xf32, #tpu.memory_space<vmem_shared>> -> memref<10240xf32, #tpu.memory_space<vmem_shared>>
    tpu.enqueue_indirect_dma source(%arg7 : memref<128xf32, #tpu.memory_space<vmem>>) target(%dma_start3A_95 : memref<10240xf32, #tpu.memory_space<vmem_shared>>) offsets(%dma_start3A_93 : memref<128xi32, #tpu.memory_space<vmem>>) semaphore(%arg9 : memref<!tpu.dma_semaphore, #tpu.memory_space<semaphore_mem>>) {add = true}
    %dma_start3A_96 = arith.constant 15 : i32
    %dma_start3A_97 = arith.constant 0 : i32
    %dma_start3A_98 = tpu.memref_slice %arg6[%dma_start3A_96, %dma_start3A_97] : memref<80x128xi32, #tpu.memory_space<vmem>> -> memref<1x128xi32, #tpu.memory_space<vmem>>
    %dma_start3A_99 = tpu.memref_squeeze %dma_start3A_98 : memref<1x128xi32, #tpu.memory_space<vmem>> -> memref<128xi32, #tpu.memory_space<vmem>>
    %dma_start3A_100 = arith.constant 0 : i32
    %dma_start3A_101 = tpu.memref_slice %arg8[%dma_start3A_100] : memref<10240xf32, #tpu.memory_space<vmem_shared>> -> memref<10240xf32, #tpu.memory_space<vmem_shared>>
    tpu.enqueue_indirect_dma source(%arg7 : memref<128xf32, #tpu.memory_space<vmem>>) target(%dma_start3A_101 : memref<10240xf32, #tpu.memory_space<vmem_shared>>) offsets(%dma_start3A_99 : memref<128xi32, #tpu.memory_space<vmem>>) semaphore(%arg9 : memref<!tpu.dma_semaphore, #tpu.memory_space<semaphore_mem>>) {add = true}
    %dma_start3A_102 = arith.constant 16 : i32
    %dma_start3A_103 = arith.constant 0 : i32
    %dma_start3A_104 = tpu.memref_slice %arg6[%dma_start3A_102, %dma_start3A_103] : memref<80x128xi32, #tpu.memory_space<vmem>> -> memref<1x128xi32, #tpu.memory_space<vmem>>
    %dma_start3A_105 = tpu.memref_squeeze %dma_start3A_104 : memref<1x128xi32, #tpu.memory_space<vmem>> -> memref<128xi32, #tpu.memory_space<vmem>>
    %dma_start3A_106 = arith.constant 0 : i32
    %dma_start3A_107 = tpu.memref_slice %arg8[%dma_start3A_106] : memref<10240xf32, #tpu.memory_space<vmem_shared>> -> memref<10240xf32, #tpu.memory_space<vmem_shared>>
    tpu.enqueue_indirect_dma source(%arg7 : memref<128xf32, #tpu.memory_space<vmem>>) target(%dma_start3A_107 : memref<10240xf32, #tpu.memory_space<vmem_shared>>) offsets(%dma_start3A_105 : memref<128xi32, #tpu.memory_space<vmem>>) semaphore(%arg9 : memref<!tpu.dma_semaphore, #tpu.memory_space<semaphore_mem>>) {add = true}
    %dma_start3A_108 = arith.constant 17 : i32
    %dma_start3A_109 = arith.constant 0 : i32
    %dma_start3A_110 = tpu.memref_slice %arg6[%dma_start3A_108, %dma_start3A_109] : memref<80x128xi32, #tpu.memory_space<vmem>> -> memref<1x128xi32, #tpu.memory_space<vmem>>
    %dma_start3A_111 = tpu.memref_squeeze %dma_start3A_110 : memref<1x128xi32, #tpu.memory_space<vmem>> -> memref<128xi32, #tpu.memory_space<vmem>>
    %dma_start3A_112 = arith.constant 0 : i32
    %dma_start3A_113 = tpu.memref_slice %arg8[%dma_start3A_112] : memref<10240xf32, #tpu.memory_space<vmem_shared>> -> memref<10240xf32, #tpu.memory_space<vmem_shared>>
    tpu.enqueue_indirect_dma source(%arg7 : memref<128xf32, #tpu.memory_space<vmem>>) target(%dma_start3A_113 : memref<10240xf32, #tpu.memory_space<vmem_shared>>) offsets(%dma_start3A_111 : memref<128xi32, #tpu.memory_space<vmem>>) semaphore(%arg9 : memref<!tpu.dma_semaphore, #tpu.memory_space<semaphore_mem>>) {add = true}
    %dma_start3A_114 = arith.constant 18 : i32
    %dma_start3A_115 = arith.constant 0 : i32
    %dma_start3A_116 = tpu.memref_slice %arg6[%dma_start3A_114, %dma_start3A_115] : memref<80x128xi32, #tpu.memory_space<vmem>> -> memref<1x128xi32, #tpu.memory_space<vmem>>
    %dma_start3A_117 = tpu.memref_squeeze %dma_start3A_116 : memref<1x128xi32, #tpu.memory_space<vmem>> -> memref<128xi32, #tpu.memory_space<vmem>>
    %dma_start3A_118 = arith.constant 0 : i32
    %dma_start3A_119 = tpu.memref_slice %arg8[%dma_start3A_118] : memref<10240xf32, #tpu.memory_space<vmem_shared>> -> memref<10240xf32, #tpu.memory_space<vmem_shared>>
    tpu.enqueue_indirect_dma source(%arg7 : memref<128xf32, #tpu.memory_space<vmem>>) target(%dma_start3A_119 : memref<10240xf32, #tpu.memory_space<vmem_shared>>) offsets(%dma_start3A_117 : memref<128xi32, #tpu.memory_space<vmem>>) semaphore(%arg9 : memref<!tpu.dma_semaphore, #tpu.memory_space<semaphore_mem>>) {add = true}
    %dma_start3A_120 = arith.constant 19 : i32
    %dma_start3A_121 = arith.constant 0 : i32
    %dma_start3A_122 = tpu.memref_slice %arg6[%dma_start3A_120, %dma_start3A_121] : memref<80x128xi32, #tpu.memory_space<vmem>> -> memref<1x128xi32, #tpu.memory_space<vmem>>
    %dma_start3A_123 = tpu.memref_squeeze %dma_start3A_122 : memref<1x128xi32, #tpu.memory_space<vmem>> -> memref<128xi32, #tpu.memory_space<vmem>>
    %dma_start3A_124 = arith.constant 0 : i32
    %dma_start3A_125 = tpu.memref_slice %arg8[%dma_start3A_124] : memref<10240xf32, #tpu.memory_space<vmem_shared>> -> memref<10240xf32, #tpu.memory_space<vmem_shared>>
    tpu.enqueue_indirect_dma source(%arg7 : memref<128xf32, #tpu.memory_space<vmem>>) target(%dma_start3A_125 : memref<10240xf32, #tpu.memory_space<vmem_shared>>) offsets(%dma_start3A_123 : memref<128xi32, #tpu.memory_space<vmem>>) semaphore(%arg9 : memref<!tpu.dma_semaphore, #tpu.memory_space<semaphore_mem>>) {add = true}
    %dma_start3A_126 = arith.constant 20 : i32
    %dma_start3A_127 = arith.constant 0 : i32
    %dma_start3A_128 = tpu.memref_slice %arg6[%dma_start3A_126, %dma_start3A_127] : memref<80x128xi32, #tpu.memory_space<vmem>> -> memref<1x128xi32, #tpu.memory_space<vmem>>
    %dma_start3A_129 = tpu.memref_squeeze %dma_start3A_128 : memref<1x128xi32, #tpu.memory_space<vmem>> -> memref<128xi32, #tpu.memory_space<vmem>>
    %dma_start3A_130 = arith.constant 0 : i32
    %dma_start3A_131 = tpu.memref_slice %arg8[%dma_start3A_130] : memref<10240xf32, #tpu.memory_space<vmem_shared>> -> memref<10240xf32, #tpu.memory_space<vmem_shared>>
    tpu.enqueue_indirect_dma source(%arg7 : memref<128xf32, #tpu.memory_space<vmem>>) target(%dma_start3A_131 : memref<10240xf32, #tpu.memory_space<vmem_shared>>) offsets(%dma_start3A_129 : memref<128xi32, #tpu.memory_space<vmem>>) semaphore(%arg9 : memref<!tpu.dma_semaphore, #tpu.memory_space<semaphore_mem>>) {add = true}
    %dma_start3A_132 = arith.constant 21 : i32
    %dma_start3A_133 = arith.constant 0 : i32
    %dma_start3A_134 = tpu.memref_slice %arg6[%dma_start3A_132, %dma_start3A_133] : memref<80x128xi32, #tpu.memory_space<vmem>> -> memref<1x128xi32, #tpu.memory_space<vmem>>
    %dma_start3A_135 = tpu.memref_squeeze %dma_start3A_134 : memref<1x128xi32, #tpu.memory_space<vmem>> -> memref<128xi32, #tpu.memory_space<vmem>>
    %dma_start3A_136 = arith.constant 0 : i32
    %dma_start3A_137 = tpu.memref_slice %arg8[%dma_start3A_136] : memref<10240xf32, #tpu.memory_space<vmem_shared>> -> memref<10240xf32, #tpu.memory_space<vmem_shared>>
    tpu.enqueue_indirect_dma source(%arg7 : memref<128xf32, #tpu.memory_space<vmem>>) target(%dma_start3A_137 : memref<10240xf32, #tpu.memory_space<vmem_shared>>) offsets(%dma_start3A_135 : memref<128xi32, #tpu.memory_space<vmem>>) semaphore(%arg9 : memref<!tpu.dma_semaphore, #tpu.memory_space<semaphore_mem>>) {add = true}
    %dma_start3A_138 = arith.constant 22 : i32
    %dma_start3A_139 = arith.constant 0 : i32
    %dma_start3A_140 = tpu.memref_slice %arg6[%dma_start3A_138, %dma_start3A_139] : memref<80x128xi32, #tpu.memory_space<vmem>> -> memref<1x128xi32, #tpu.memory_space<vmem>>
    %dma_start3A_141 = tpu.memref_squeeze %dma_start3A_140 : memref<1x128xi32, #tpu.memory_space<vmem>> -> memref<128xi32, #tpu.memory_space<vmem>>
    %dma_start3A_142 = arith.constant 0 : i32
    %dma_start3A_143 = tpu.memref_slice %arg8[%dma_start3A_142] : memref<10240xf32, #tpu.memory_space<vmem_shared>> -> memref<10240xf32, #tpu.memory_space<vmem_shared>>
    tpu.enqueue_indirect_dma source(%arg7 : memref<128xf32, #tpu.memory_space<vmem>>) target(%dma_start3A_143 : memref<10240xf32, #tpu.memory_space<vmem_shared>>) offsets(%dma_start3A_141 : memref<128xi32, #tpu.memory_space<vmem>>) semaphore(%arg9 : memref<!tpu.dma_semaphore, #tpu.memory_space<semaphore_mem>>) {add = true}
    %dma_start3A_144 = arith.constant 23 : i32
    %dma_start3A_145 = arith.constant 0 : i32
    %dma_start3A_146 = tpu.memref_slice %arg6[%dma_start3A_144, %dma_start3A_145] : memref<80x128xi32, #tpu.memory_space<vmem>> -> memref<1x128xi32, #tpu.memory_space<vmem>>
    %dma_start3A_147 = tpu.memref_squeeze %dma_start3A_146 : memref<1x128xi32, #tpu.memory_space<vmem>> -> memref<128xi32, #tpu.memory_space<vmem>>
    %dma_start3A_148 = arith.constant 0 : i32
    %dma_start3A_149 = tpu.memref_slice %arg8[%dma_start3A_148] : memref<10240xf32, #tpu.memory_space<vmem_shared>> -> memref<10240xf32, #tpu.memory_space<vmem_shared>>
    tpu.enqueue_indirect_dma source(%arg7 : memref<128xf32, #tpu.memory_space<vmem>>) target(%dma_start3A_149 : memref<10240xf32, #tpu.memory_space<vmem_shared>>) offsets(%dma_start3A_147 : memref<128xi32, #tpu.memory_space<vmem>>) semaphore(%arg9 : memref<!tpu.dma_semaphore, #tpu.memory_space<semaphore_mem>>) {add = true}
    %dma_start3A_150 = arith.constant 24 : i32
    %dma_start3A_151 = arith.constant 0 : i32
    %dma_start3A_152 = tpu.memref_slice %arg6[%dma_start3A_150, %dma_start3A_151] : memref<80x128xi32, #tpu.memory_space<vmem>> -> memref<1x128xi32, #tpu.memory_space<vmem>>
    %dma_start3A_153 = tpu.memref_squeeze %dma_start3A_152 : memref<1x128xi32, #tpu.memory_space<vmem>> -> memref<128xi32, #tpu.memory_space<vmem>>
    %dma_start3A_154 = arith.constant 0 : i32
    %dma_start3A_155 = tpu.memref_slice %arg8[%dma_start3A_154] : memref<10240xf32, #tpu.memory_space<vmem_shared>> -> memref<10240xf32, #tpu.memory_space<vmem_shared>>
    tpu.enqueue_indirect_dma source(%arg7 : memref<128xf32, #tpu.memory_space<vmem>>) target(%dma_start3A_155 : memref<10240xf32, #tpu.memory_space<vmem_shared>>) offsets(%dma_start3A_153 : memref<128xi32, #tpu.memory_space<vmem>>) semaphore(%arg9 : memref<!tpu.dma_semaphore, #tpu.memory_space<semaphore_mem>>) {add = true}
    %dma_start3A_156 = arith.constant 25 : i32
    %dma_start3A_157 = arith.constant 0 : i32
    %dma_start3A_158 = tpu.memref_slice %arg6[%dma_start3A_156, %dma_start3A_157] : memref<80x128xi32, #tpu.memory_space<vmem>> -> memref<1x128xi32, #tpu.memory_space<vmem>>
    %dma_start3A_159 = tpu.memref_squeeze %dma_start3A_158 : memref<1x128xi32, #tpu.memory_space<vmem>> -> memref<128xi32, #tpu.memory_space<vmem>>
    %dma_start3A_160 = arith.constant 0 : i32
    %dma_start3A_161 = tpu.memref_slice %arg8[%dma_start3A_160] : memref<10240xf32, #tpu.memory_space<vmem_shared>> -> memref<10240xf32, #tpu.memory_space<vmem_shared>>
    tpu.enqueue_indirect_dma source(%arg7 : memref<128xf32, #tpu.memory_space<vmem>>) target(%dma_start3A_161 : memref<10240xf32, #tpu.memory_space<vmem_shared>>) offsets(%dma_start3A_159 : memref<128xi32, #tpu.memory_space<vmem>>) semaphore(%arg9 : memref<!tpu.dma_semaphore, #tpu.memory_space<semaphore_mem>>) {add = true}
    %dma_start3A_162 = arith.constant 26 : i32
    %dma_start3A_163 = arith.constant 0 : i32
    %dma_start3A_164 = tpu.memref_slice %arg6[%dma_start3A_162, %dma_start3A_163] : memref<80x128xi32, #tpu.memory_space<vmem>> -> memref<1x128xi32, #tpu.memory_space<vmem>>
    %dma_start3A_165 = tpu.memref_squeeze %dma_start3A_164 : memref<1x128xi32, #tpu.memory_space<vmem>> -> memref<128xi32, #tpu.memory_space<vmem>>
    %dma_start3A_166 = arith.constant 0 : i32
    %dma_start3A_167 = tpu.memref_slice %arg8[%dma_start3A_166] : memref<10240xf32, #tpu.memory_space<vmem_shared>> -> memref<10240xf32, #tpu.memory_space<vmem_shared>>
    tpu.enqueue_indirect_dma source(%arg7 : memref<128xf32, #tpu.memory_space<vmem>>) target(%dma_start3A_167 : memref<10240xf32, #tpu.memory_space<vmem_shared>>) offsets(%dma_start3A_165 : memref<128xi32, #tpu.memory_space<vmem>>) semaphore(%arg9 : memref<!tpu.dma_semaphore, #tpu.memory_space<semaphore_mem>>) {add = true}
    %dma_start3A_168 = arith.constant 27 : i32
    %dma_start3A_169 = arith.constant 0 : i32
    %dma_start3A_170 = tpu.memref_slice %arg6[%dma_start3A_168, %dma_start3A_169] : memref<80x128xi32, #tpu.memory_space<vmem>> -> memref<1x128xi32, #tpu.memory_space<vmem>>
    %dma_start3A_171 = tpu.memref_squeeze %dma_start3A_170 : memref<1x128xi32, #tpu.memory_space<vmem>> -> memref<128xi32, #tpu.memory_space<vmem>>
    %dma_start3A_172 = arith.constant 0 : i32
    %dma_start3A_173 = tpu.memref_slice %arg8[%dma_start3A_172] : memref<10240xf32, #tpu.memory_space<vmem_shared>> -> memref<10240xf32, #tpu.memory_space<vmem_shared>>
    tpu.enqueue_indirect_dma source(%arg7 : memref<128xf32, #tpu.memory_space<vmem>>) target(%dma_start3A_173 : memref<10240xf32, #tpu.memory_space<vmem_shared>>) offsets(%dma_start3A_171 : memref<128xi32, #tpu.memory_space<vmem>>) semaphore(%arg9 : memref<!tpu.dma_semaphore, #tpu.memory_space<semaphore_mem>>) {add = true}
    %dma_start3A_174 = arith.constant 28 : i32
    %dma_start3A_175 = arith.constant 0 : i32
    %dma_start3A_176 = tpu.memref_slice %arg6[%dma_start3A_174, %dma_start3A_175] : memref<80x128xi32, #tpu.memory_space<vmem>> -> memref<1x128xi32, #tpu.memory_space<vmem>>
    %dma_start3A_177 = tpu.memref_squeeze %dma_start3A_176 : memref<1x128xi32, #tpu.memory_space<vmem>> -> memref<128xi32, #tpu.memory_space<vmem>>
    %dma_start3A_178 = arith.constant 0 : i32
    %dma_start3A_179 = tpu.memref_slice %arg8[%dma_start3A_178] : memref<10240xf32, #tpu.memory_space<vmem_shared>> -> memref<10240xf32, #tpu.memory_space<vmem_shared>>
    tpu.enqueue_indirect_dma source(%arg7 : memref<128xf32, #tpu.memory_space<vmem>>) target(%dma_start3A_179 : memref<10240xf32, #tpu.memory_space<vmem_shared>>) offsets(%dma_start3A_177 : memref<128xi32, #tpu.memory_space<vmem>>) semaphore(%arg9 : memref<!tpu.dma_semaphore, #tpu.memory_space<semaphore_mem>>) {add = true}
    %dma_start3A_180 = arith.constant 29 : i32
    %dma_start3A_181 = arith.constant 0 : i32
    %dma_start3A_182 = tpu.memref_slice %arg6[%dma_start3A_180, %dma_start3A_181] : memref<80x128xi32, #tpu.memory_space<vmem>> -> memref<1x128xi32, #tpu.memory_space<vmem>>
    %dma_start3A_183 = tpu.memref_squeeze %dma_start3A_182 : memref<1x128xi32, #tpu.memory_space<vmem>> -> memref<128xi32, #tpu.memory_space<vmem>>
    %dma_start3A_184 = arith.constant 0 : i32
    %dma_start3A_185 = tpu.memref_slice %arg8[%dma_start3A_184] : memref<10240xf32, #tpu.memory_space<vmem_shared>> -> memref<10240xf32, #tpu.memory_space<vmem_shared>>
    tpu.enqueue_indirect_dma source(%arg7 : memref<128xf32, #tpu.memory_space<vmem>>) target(%dma_start3A_185 : memref<10240xf32, #tpu.memory_space<vmem_shared>>) offsets(%dma_start3A_183 : memref<128xi32, #tpu.memory_space<vmem>>) semaphore(%arg9 : memref<!tpu.dma_semaphore, #tpu.memory_space<semaphore_mem>>) {add = true}
    %dma_start3A_186 = arith.constant 30 : i32
    %dma_start3A_187 = arith.constant 0 : i32
    %dma_start3A_188 = tpu.memref_slice %arg6[%dma_start3A_186, %dma_start3A_187] : memref<80x128xi32, #tpu.memory_space<vmem>> -> memref<1x128xi32, #tpu.memory_space<vmem>>
    %dma_start3A_189 = tpu.memref_squeeze %dma_start3A_188 : memref<1x128xi32, #tpu.memory_space<vmem>> -> memref<128xi32, #tpu.memory_space<vmem>>
    %dma_start3A_190 = arith.constant 0 : i32
    %dma_start3A_191 = tpu.memref_slice %arg8[%dma_start3A_190] : memref<10240xf32, #tpu.memory_space<vmem_shared>> -> memref<10240xf32, #tpu.memory_space<vmem_shared>>
    tpu.enqueue_indirect_dma source(%arg7 : memref<128xf32, #tpu.memory_space<vmem>>) target(%dma_start3A_191 : memref<10240xf32, #tpu.memory_space<vmem_shared>>) offsets(%dma_start3A_189 : memref<128xi32, #tpu.memory_space<vmem>>) semaphore(%arg9 : memref<!tpu.dma_semaphore, #tpu.memory_space<semaphore_mem>>) {add = true}
    %dma_start3A_192 = arith.constant 31 : i32
    %dma_start3A_193 = arith.constant 0 : i32
    %dma_start3A_194 = tpu.memref_slice %arg6[%dma_start3A_192, %dma_start3A_193] : memref<80x128xi32, #tpu.memory_space<vmem>> -> memref<1x128xi32, #tpu.memory_space<vmem>>
    %dma_start3A_195 = tpu.memref_squeeze %dma_start3A_194 : memref<1x128xi32, #tpu.memory_space<vmem>> -> memref<128xi32, #tpu.memory_space<vmem>>
    %dma_start3A_196 = arith.constant 0 : i32
    %dma_start3A_197 = tpu.memref_slice %arg8[%dma_start3A_196] : memref<10240xf32, #tpu.memory_space<vmem_shared>> -> memref<10240xf32, #tpu.memory_space<vmem_shared>>
    tpu.enqueue_indirect_dma source(%arg7 : memref<128xf32, #tpu.memory_space<vmem>>) target(%dma_start3A_197 : memref<10240xf32, #tpu.memory_space<vmem_shared>>) offsets(%dma_start3A_195 : memref<128xi32, #tpu.memory_space<vmem>>) semaphore(%arg9 : memref<!tpu.dma_semaphore, #tpu.memory_space<semaphore_mem>>) {add = true}
    %dma_start3A_198 = arith.constant 32 : i32
    %dma_start3A_199 = arith.constant 0 : i32
    %dma_start3A_200 = tpu.memref_slice %arg6[%dma_start3A_198, %dma_start3A_199] : memref<80x128xi32, #tpu.memory_space<vmem>> -> memref<1x128xi32, #tpu.memory_space<vmem>>
    %dma_start3A_201 = tpu.memref_squeeze %dma_start3A_200 : memref<1x128xi32, #tpu.memory_space<vmem>> -> memref<128xi32, #tpu.memory_space<vmem>>
    %dma_start3A_202 = arith.constant 0 : i32
    %dma_start3A_203 = tpu.memref_slice %arg8[%dma_start3A_202] : memref<10240xf32, #tpu.memory_space<vmem_shared>> -> memref<10240xf32, #tpu.memory_space<vmem_shared>>
    tpu.enqueue_indirect_dma source(%arg7 : memref<128xf32, #tpu.memory_space<vmem>>) target(%dma_start3A_203 : memref<10240xf32, #tpu.memory_space<vmem_shared>>) offsets(%dma_start3A_201 : memref<128xi32, #tpu.memory_space<vmem>>) semaphore(%arg9 : memref<!tpu.dma_semaphore, #tpu.memory_space<semaphore_mem>>) {add = true}
    %dma_start3A_204 = arith.constant 33 : i32
    %dma_start3A_205 = arith.constant 0 : i32
    %dma_start3A_206 = tpu.memref_slice %arg6[%dma_start3A_204, %dma_start3A_205] : memref<80x128xi32, #tpu.memory_space<vmem>> -> memref<1x128xi32, #tpu.memory_space<vmem>>
    %dma_start3A_207 = tpu.memref_squeeze %dma_start3A_206 : memref<1x128xi32, #tpu.memory_space<vmem>> -> memref<128xi32, #tpu.memory_space<vmem>>
    %dma_start3A_208 = arith.constant 0 : i32
    %dma_start3A_209 = tpu.memref_slice %arg8[%dma_start3A_208] : memref<10240xf32, #tpu.memory_space<vmem_shared>> -> memref<10240xf32, #tpu.memory_space<vmem_shared>>
    tpu.enqueue_indirect_dma source(%arg7 : memref<128xf32, #tpu.memory_space<vmem>>) target(%dma_start3A_209 : memref<10240xf32, #tpu.memory_space<vmem_shared>>) offsets(%dma_start3A_207 : memref<128xi32, #tpu.memory_space<vmem>>) semaphore(%arg9 : memref<!tpu.dma_semaphore, #tpu.memory_space<semaphore_mem>>) {add = true}
    %dma_start3A_210 = arith.constant 34 : i32
    %dma_start3A_211 = arith.constant 0 : i32
    %dma_start3A_212 = tpu.memref_slice %arg6[%dma_start3A_210, %dma_start3A_211] : memref<80x128xi32, #tpu.memory_space<vmem>> -> memref<1x128xi32, #tpu.memory_space<vmem>>
    %dma_start3A_213 = tpu.memref_squeeze %dma_start3A_212 : memref<1x128xi32, #tpu.memory_space<vmem>> -> memref<128xi32, #tpu.memory_space<vmem>>
    %dma_start3A_214 = arith.constant 0 : i32
    %dma_start3A_215 = tpu.memref_slice %arg8[%dma_start3A_214] : memref<10240xf32, #tpu.memory_space<vmem_shared>> -> memref<10240xf32, #tpu.memory_space<vmem_shared>>
    tpu.enqueue_indirect_dma source(%arg7 : memref<128xf32, #tpu.memory_space<vmem>>) target(%dma_start3A_215 : memref<10240xf32, #tpu.memory_space<vmem_shared>>) offsets(%dma_start3A_213 : memref<128xi32, #tpu.memory_space<vmem>>) semaphore(%arg9 : memref<!tpu.dma_semaphore, #tpu.memory_space<semaphore_mem>>) {add = true}
    %dma_start3A_216 = arith.constant 35 : i32
    %dma_start3A_217 = arith.constant 0 : i32
    %dma_start3A_218 = tpu.memref_slice %arg6[%dma_start3A_216, %dma_start3A_217] : memref<80x128xi32, #tpu.memory_space<vmem>> -> memref<1x128xi32, #tpu.memory_space<vmem>>
    %dma_start3A_219 = tpu.memref_squeeze %dma_start3A_218 : memref<1x128xi32, #tpu.memory_space<vmem>> -> memref<128xi32, #tpu.memory_space<vmem>>
    %dma_start3A_220 = arith.constant 0 : i32
    %dma_start3A_221 = tpu.memref_slice %arg8[%dma_start3A_220] : memref<10240xf32, #tpu.memory_space<vmem_shared>> -> memref<10240xf32, #tpu.memory_space<vmem_shared>>
    tpu.enqueue_indirect_dma source(%arg7 : memref<128xf32, #tpu.memory_space<vmem>>) target(%dma_start3A_221 : memref<10240xf32, #tpu.memory_space<vmem_shared>>) offsets(%dma_start3A_219 : memref<128xi32, #tpu.memory_space<vmem>>) semaphore(%arg9 : memref<!tpu.dma_semaphore, #tpu.memory_space<semaphore_mem>>) {add = true}
    %dma_start3A_222 = arith.constant 36 : i32
    %dma_start3A_223 = arith.constant 0 : i32
    %dma_start3A_224 = tpu.memref_slice %arg6[%dma_start3A_222, %dma_start3A_223] : memref<80x128xi32, #tpu.memory_space<vmem>> -> memref<1x128xi32, #tpu.memory_space<vmem>>
    %dma_start3A_225 = tpu.memref_squeeze %dma_start3A_224 : memref<1x128xi32, #tpu.memory_space<vmem>> -> memref<128xi32, #tpu.memory_space<vmem>>
    %dma_start3A_226 = arith.constant 0 : i32
    %dma_start3A_227 = tpu.memref_slice %arg8[%dma_start3A_226] : memref<10240xf32, #tpu.memory_space<vmem_shared>> -> memref<10240xf32, #tpu.memory_space<vmem_shared>>
    tpu.enqueue_indirect_dma source(%arg7 : memref<128xf32, #tpu.memory_space<vmem>>) target(%dma_start3A_227 : memref<10240xf32, #tpu.memory_space<vmem_shared>>) offsets(%dma_start3A_225 : memref<128xi32, #tpu.memory_space<vmem>>) semaphore(%arg9 : memref<!tpu.dma_semaphore, #tpu.memory_space<semaphore_mem>>) {add = true}
    %dma_start3A_228 = arith.constant 37 : i32
    %dma_start3A_229 = arith.constant 0 : i32
    %dma_start3A_230 = tpu.memref_slice %arg6[%dma_start3A_228, %dma_start3A_229] : memref<80x128xi32, #tpu.memory_space<vmem>> -> memref<1x128xi32, #tpu.memory_space<vmem>>
    %dma_start3A_231 = tpu.memref_squeeze %dma_start3A_230 : memref<1x128xi32, #tpu.memory_space<vmem>> -> memref<128xi32, #tpu.memory_space<vmem>>
    %dma_start3A_232 = arith.constant 0 : i32
    %dma_start3A_233 = tpu.memref_slice %arg8[%dma_start3A_232] : memref<10240xf32, #tpu.memory_space<vmem_shared>> -> memref<10240xf32, #tpu.memory_space<vmem_shared>>
    tpu.enqueue_indirect_dma source(%arg7 : memref<128xf32, #tpu.memory_space<vmem>>) target(%dma_start3A_233 : memref<10240xf32, #tpu.memory_space<vmem_shared>>) offsets(%dma_start3A_231 : memref<128xi32, #tpu.memory_space<vmem>>) semaphore(%arg9 : memref<!tpu.dma_semaphore, #tpu.memory_space<semaphore_mem>>) {add = true}
    %dma_start3A_234 = arith.constant 38 : i32
    %dma_start3A_235 = arith.constant 0 : i32
    %dma_start3A_236 = tpu.memref_slice %arg6[%dma_start3A_234, %dma_start3A_235] : memref<80x128xi32, #tpu.memory_space<vmem>> -> memref<1x128xi32, #tpu.memory_space<vmem>>
    %dma_start3A_237 = tpu.memref_squeeze %dma_start3A_236 : memref<1x128xi32, #tpu.memory_space<vmem>> -> memref<128xi32, #tpu.memory_space<vmem>>
    %dma_start3A_238 = arith.constant 0 : i32
    %dma_start3A_239 = tpu.memref_slice %arg8[%dma_start3A_238] : memref<10240xf32, #tpu.memory_space<vmem_shared>> -> memref<10240xf32, #tpu.memory_space<vmem_shared>>
    tpu.enqueue_indirect_dma source(%arg7 : memref<128xf32, #tpu.memory_space<vmem>>) target(%dma_start3A_239 : memref<10240xf32, #tpu.memory_space<vmem_shared>>) offsets(%dma_start3A_237 : memref<128xi32, #tpu.memory_space<vmem>>) semaphore(%arg9 : memref<!tpu.dma_semaphore, #tpu.memory_space<semaphore_mem>>) {add = true}
    %dma_start3A_240 = arith.constant 39 : i32
    %dma_start3A_241 = arith.constant 0 : i32
    %dma_start3A_242 = tpu.memref_slice %arg6[%dma_start3A_240, %dma_start3A_241] : memref<80x128xi32, #tpu.memory_space<vmem>> -> memref<1x128xi32, #tpu.memory_space<vmem>>
    %dma_start3A_243 = tpu.memref_squeeze %dma_start3A_242 : memref<1x128xi32, #tpu.memory_space<vmem>> -> memref<128xi32, #tpu.memory_space<vmem>>
    %dma_start3A_244 = arith.constant 0 : i32
    %dma_start3A_245 = tpu.memref_slice %arg8[%dma_start3A_244] : memref<10240xf32, #tpu.memory_space<vmem_shared>> -> memref<10240xf32, #tpu.memory_space<vmem_shared>>
    tpu.enqueue_indirect_dma source(%arg7 : memref<128xf32, #tpu.memory_space<vmem>>) target(%dma_start3A_245 : memref<10240xf32, #tpu.memory_space<vmem_shared>>) offsets(%dma_start3A_243 : memref<128xi32, #tpu.memory_space<vmem>>) semaphore(%arg9 : memref<!tpu.dma_semaphore, #tpu.memory_space<semaphore_mem>>) {add = true}
    %dma_start3A_246 = arith.constant 40 : i32
    %dma_start3A_247 = arith.constant 0 : i32
    %dma_start3A_248 = tpu.memref_slice %arg6[%dma_start3A_246, %dma_start3A_247] : memref<80x128xi32, #tpu.memory_space<vmem>> -> memref<1x128xi32, #tpu.memory_space<vmem>>
    %dma_start3A_249 = tpu.memref_squeeze %dma_start3A_248 : memref<1x128xi32, #tpu.memory_space<vmem>> -> memref<128xi32, #tpu.memory_space<vmem>>
    %dma_start3A_250 = arith.constant 0 : i32
    %dma_start3A_251 = tpu.memref_slice %arg8[%dma_start3A_250] : memref<10240xf32, #tpu.memory_space<vmem_shared>> -> memref<10240xf32, #tpu.memory_space<vmem_shared>>
    tpu.enqueue_indirect_dma source(%arg7 : memref<128xf32, #tpu.memory_space<vmem>>) target(%dma_start3A_251 : memref<10240xf32, #tpu.memory_space<vmem_shared>>) offsets(%dma_start3A_249 : memref<128xi32, #tpu.memory_space<vmem>>) semaphore(%arg9 : memref<!tpu.dma_semaphore, #tpu.memory_space<semaphore_mem>>) {add = true}
    %dma_start3A_252 = arith.constant 41 : i32
    %dma_start3A_253 = arith.constant 0 : i32
    %dma_start3A_254 = tpu.memref_slice %arg6[%dma_start3A_252, %dma_start3A_253] : memref<80x128xi32, #tpu.memory_space<vmem>> -> memref<1x128xi32, #tpu.memory_space<vmem>>
    %dma_start3A_255 = tpu.memref_squeeze %dma_start3A_254 : memref<1x128xi32, #tpu.memory_space<vmem>> -> memref<128xi32, #tpu.memory_space<vmem>>
    %dma_start3A_256 = arith.constant 0 : i32
    %dma_start3A_257 = tpu.memref_slice %arg8[%dma_start3A_256] : memref<10240xf32, #tpu.memory_space<vmem_shared>> -> memref<10240xf32, #tpu.memory_space<vmem_shared>>
    tpu.enqueue_indirect_dma source(%arg7 : memref<128xf32, #tpu.memory_space<vmem>>) target(%dma_start3A_257 : memref<10240xf32, #tpu.memory_space<vmem_shared>>) offsets(%dma_start3A_255 : memref<128xi32, #tpu.memory_space<vmem>>) semaphore(%arg9 : memref<!tpu.dma_semaphore, #tpu.memory_space<semaphore_mem>>) {add = true}
    %dma_start3A_258 = arith.constant 42 : i32
    %dma_start3A_259 = arith.constant 0 : i32
    %dma_start3A_260 = tpu.memref_slice %arg6[%dma_start3A_258, %dma_start3A_259] : memref<80x128xi32, #tpu.memory_space<vmem>> -> memref<1x128xi32, #tpu.memory_space<vmem>>
    %dma_start3A_261 = tpu.memref_squeeze %dma_start3A_260 : memref<1x128xi32, #tpu.memory_space<vmem>> -> memref<128xi32, #tpu.memory_space<vmem>>
    %dma_start3A_262 = arith.constant 0 : i32
    %dma_start3A_263 = tpu.memref_slice %arg8[%dma_start3A_262] : memref<10240xf32, #tpu.memory_space<vmem_shared>> -> memref<10240xf32, #tpu.memory_space<vmem_shared>>
    tpu.enqueue_indirect_dma source(%arg7 : memref<128xf32, #tpu.memory_space<vmem>>) target(%dma_start3A_263 : memref<10240xf32, #tpu.memory_space<vmem_shared>>) offsets(%dma_start3A_261 : memref<128xi32, #tpu.memory_space<vmem>>) semaphore(%arg9 : memref<!tpu.dma_semaphore, #tpu.memory_space<semaphore_mem>>) {add = true}
    %dma_start3A_264 = arith.constant 43 : i32
    %dma_start3A_265 = arith.constant 0 : i32
    %dma_start3A_266 = tpu.memref_slice %arg6[%dma_start3A_264, %dma_start3A_265] : memref<80x128xi32, #tpu.memory_space<vmem>> -> memref<1x128xi32, #tpu.memory_space<vmem>>
    %dma_start3A_267 = tpu.memref_squeeze %dma_start3A_266 : memref<1x128xi32, #tpu.memory_space<vmem>> -> memref<128xi32, #tpu.memory_space<vmem>>
    %dma_start3A_268 = arith.constant 0 : i32
    %dma_start3A_269 = tpu.memref_slice %arg8[%dma_start3A_268] : memref<10240xf32, #tpu.memory_space<vmem_shared>> -> memref<10240xf32, #tpu.memory_space<vmem_shared>>
    tpu.enqueue_indirect_dma source(%arg7 : memref<128xf32, #tpu.memory_space<vmem>>) target(%dma_start3A_269 : memref<10240xf32, #tpu.memory_space<vmem_shared>>) offsets(%dma_start3A_267 : memref<128xi32, #tpu.memory_space<vmem>>) semaphore(%arg9 : memref<!tpu.dma_semaphore, #tpu.memory_space<semaphore_mem>>) {add = true}
    %dma_start3A_270 = arith.constant 44 : i32
    %dma_start3A_271 = arith.constant 0 : i32
    %dma_start3A_272 = tpu.memref_slice %arg6[%dma_start3A_270, %dma_start3A_271] : memref<80x128xi32, #tpu.memory_space<vmem>> -> memref<1x128xi32, #tpu.memory_space<vmem>>
    %dma_start3A_273 = tpu.memref_squeeze %dma_start3A_272 : memref<1x128xi32, #tpu.memory_space<vmem>> -> memref<128xi32, #tpu.memory_space<vmem>>
    %dma_start3A_274 = arith.constant 0 : i32
    %dma_start3A_275 = tpu.memref_slice %arg8[%dma_start3A_274] : memref<10240xf32, #tpu.memory_space<vmem_shared>> -> memref<10240xf32, #tpu.memory_space<vmem_shared>>
    tpu.enqueue_indirect_dma source(%arg7 : memref<128xf32, #tpu.memory_space<vmem>>) target(%dma_start3A_275 : memref<10240xf32, #tpu.memory_space<vmem_shared>>) offsets(%dma_start3A_273 : memref<128xi32, #tpu.memory_space<vmem>>) semaphore(%arg9 : memref<!tpu.dma_semaphore, #tpu.memory_space<semaphore_mem>>) {add = true}
    %dma_start3A_276 = arith.constant 45 : i32
    %dma_start3A_277 = arith.constant 0 : i32
    %dma_start3A_278 = tpu.memref_slice %arg6[%dma_start3A_276, %dma_start3A_277] : memref<80x128xi32, #tpu.memory_space<vmem>> -> memref<1x128xi32, #tpu.memory_space<vmem>>
    %dma_start3A_279 = tpu.memref_squeeze %dma_start3A_278 : memref<1x128xi32, #tpu.memory_space<vmem>> -> memref<128xi32, #tpu.memory_space<vmem>>
    %dma_start3A_280 = arith.constant 0 : i32
    %dma_start3A_281 = tpu.memref_slice %arg8[%dma_start3A_280] : memref<10240xf32, #tpu.memory_space<vmem_shared>> -> memref<10240xf32, #tpu.memory_space<vmem_shared>>
    tpu.enqueue_indirect_dma source(%arg7 : memref<128xf32, #tpu.memory_space<vmem>>) target(%dma_start3A_281 : memref<10240xf32, #tpu.memory_space<vmem_shared>>) offsets(%dma_start3A_279 : memref<128xi32, #tpu.memory_space<vmem>>) semaphore(%arg9 : memref<!tpu.dma_semaphore, #tpu.memory_space<semaphore_mem>>) {add = true}
    %dma_start3A_282 = arith.constant 46 : i32
    %dma_start3A_283 = arith.constant 0 : i32
    %dma_start3A_284 = tpu.memref_slice %arg6[%dma_start3A_282, %dma_start3A_283] : memref<80x128xi32, #tpu.memory_space<vmem>> -> memref<1x128xi32, #tpu.memory_space<vmem>>
    %dma_start3A_285 = tpu.memref_squeeze %dma_start3A_284 : memref<1x128xi32, #tpu.memory_space<vmem>> -> memref<128xi32, #tpu.memory_space<vmem>>
    %dma_start3A_286 = arith.constant 0 : i32
    %dma_start3A_287 = tpu.memref_slice %arg8[%dma_start3A_286] : memref<10240xf32, #tpu.memory_space<vmem_shared>> -> memref<10240xf32, #tpu.memory_space<vmem_shared>>
    tpu.enqueue_indirect_dma source(%arg7 : memref<128xf32, #tpu.memory_space<vmem>>) target(%dma_start3A_287 : memref<10240xf32, #tpu.memory_space<vmem_shared>>) offsets(%dma_start3A_285 : memref<128xi32, #tpu.memory_space<vmem>>) semaphore(%arg9 : memref<!tpu.dma_semaphore, #tpu.memory_space<semaphore_mem>>) {add = true}
    %dma_start3A_288 = arith.constant 47 : i32
    %dma_start3A_289 = arith.constant 0 : i32
    %dma_start3A_290 = tpu.memref_slice %arg6[%dma_start3A_288, %dma_start3A_289] : memref<80x128xi32, #tpu.memory_space<vmem>> -> memref<1x128xi32, #tpu.memory_space<vmem>>
    %dma_start3A_291 = tpu.memref_squeeze %dma_start3A_290 : memref<1x128xi32, #tpu.memory_space<vmem>> -> memref<128xi32, #tpu.memory_space<vmem>>
    %dma_start3A_292 = arith.constant 0 : i32
    %dma_start3A_293 = tpu.memref_slice %arg8[%dma_start3A_292] : memref<10240xf32, #tpu.memory_space<vmem_shared>> -> memref<10240xf32, #tpu.memory_space<vmem_shared>>
    tpu.enqueue_indirect_dma source(%arg7 : memref<128xf32, #tpu.memory_space<vmem>>) target(%dma_start3A_293 : memref<10240xf32, #tpu.memory_space<vmem_shared>>) offsets(%dma_start3A_291 : memref<128xi32, #tpu.memory_space<vmem>>) semaphore(%arg9 : memref<!tpu.dma_semaphore, #tpu.memory_space<semaphore_mem>>) {add = true}
    %dma_start3A_294 = arith.constant 48 : i32
    %dma_start3A_295 = arith.constant 0 : i32
    %dma_start3A_296 = tpu.memref_slice %arg6[%dma_start3A_294, %dma_start3A_295] : memref<80x128xi32, #tpu.memory_space<vmem>> -> memref<1x128xi32, #tpu.memory_space<vmem>>
    %dma_start3A_297 = tpu.memref_squeeze %dma_start3A_296 : memref<1x128xi32, #tpu.memory_space<vmem>> -> memref<128xi32, #tpu.memory_space<vmem>>
    %dma_start3A_298 = arith.constant 0 : i32
    %dma_start3A_299 = tpu.memref_slice %arg8[%dma_start3A_298] : memref<10240xf32, #tpu.memory_space<vmem_shared>> -> memref<10240xf32, #tpu.memory_space<vmem_shared>>
    tpu.enqueue_indirect_dma source(%arg7 : memref<128xf32, #tpu.memory_space<vmem>>) target(%dma_start3A_299 : memref<10240xf32, #tpu.memory_space<vmem_shared>>) offsets(%dma_start3A_297 : memref<128xi32, #tpu.memory_space<vmem>>) semaphore(%arg9 : memref<!tpu.dma_semaphore, #tpu.memory_space<semaphore_mem>>) {add = true}
    %dma_start3A_300 = arith.constant 49 : i32
    %dma_start3A_301 = arith.constant 0 : i32
    %dma_start3A_302 = tpu.memref_slice %arg6[%dma_start3A_300, %dma_start3A_301] : memref<80x128xi32, #tpu.memory_space<vmem>> -> memref<1x128xi32, #tpu.memory_space<vmem>>
    %dma_start3A_303 = tpu.memref_squeeze %dma_start3A_302 : memref<1x128xi32, #tpu.memory_space<vmem>> -> memref<128xi32, #tpu.memory_space<vmem>>
    %dma_start3A_304 = arith.constant 0 : i32
    %dma_start3A_305 = tpu.memref_slice %arg8[%dma_start3A_304] : memref<10240xf32, #tpu.memory_space<vmem_shared>> -> memref<10240xf32, #tpu.memory_space<vmem_shared>>
    tpu.enqueue_indirect_dma source(%arg7 : memref<128xf32, #tpu.memory_space<vmem>>) target(%dma_start3A_305 : memref<10240xf32, #tpu.memory_space<vmem_shared>>) offsets(%dma_start3A_303 : memref<128xi32, #tpu.memory_space<vmem>>) semaphore(%arg9 : memref<!tpu.dma_semaphore, #tpu.memory_space<semaphore_mem>>) {add = true}
    %dma_start3A_306 = arith.constant 50 : i32
    %dma_start3A_307 = arith.constant 0 : i32
    %dma_start3A_308 = tpu.memref_slice %arg6[%dma_start3A_306, %dma_start3A_307] : memref<80x128xi32, #tpu.memory_space<vmem>> -> memref<1x128xi32, #tpu.memory_space<vmem>>
    %dma_start3A_309 = tpu.memref_squeeze %dma_start3A_308 : memref<1x128xi32, #tpu.memory_space<vmem>> -> memref<128xi32, #tpu.memory_space<vmem>>
    %dma_start3A_310 = arith.constant 0 : i32
    %dma_start3A_311 = tpu.memref_slice %arg8[%dma_start3A_310] : memref<10240xf32, #tpu.memory_space<vmem_shared>> -> memref<10240xf32, #tpu.memory_space<vmem_shared>>
    tpu.enqueue_indirect_dma source(%arg7 : memref<128xf32, #tpu.memory_space<vmem>>) target(%dma_start3A_311 : memref<10240xf32, #tpu.memory_space<vmem_shared>>) offsets(%dma_start3A_309 : memref<128xi32, #tpu.memory_space<vmem>>) semaphore(%arg9 : memref<!tpu.dma_semaphore, #tpu.memory_space<semaphore_mem>>) {add = true}
    %dma_start3A_312 = arith.constant 51 : i32
    %dma_start3A_313 = arith.constant 0 : i32
    %dma_start3A_314 = tpu.memref_slice %arg6[%dma_start3A_312, %dma_start3A_313] : memref<80x128xi32, #tpu.memory_space<vmem>> -> memref<1x128xi32, #tpu.memory_space<vmem>>
    %dma_start3A_315 = tpu.memref_squeeze %dma_start3A_314 : memref<1x128xi32, #tpu.memory_space<vmem>> -> memref<128xi32, #tpu.memory_space<vmem>>
    %dma_start3A_316 = arith.constant 0 : i32
    %dma_start3A_317 = tpu.memref_slice %arg8[%dma_start3A_316] : memref<10240xf32, #tpu.memory_space<vmem_shared>> -> memref<10240xf32, #tpu.memory_space<vmem_shared>>
    tpu.enqueue_indirect_dma source(%arg7 : memref<128xf32, #tpu.memory_space<vmem>>) target(%dma_start3A_317 : memref<10240xf32, #tpu.memory_space<vmem_shared>>) offsets(%dma_start3A_315 : memref<128xi32, #tpu.memory_space<vmem>>) semaphore(%arg9 : memref<!tpu.dma_semaphore, #tpu.memory_space<semaphore_mem>>) {add = true}
    %dma_start3A_318 = arith.constant 52 : i32
    %dma_start3A_319 = arith.constant 0 : i32
    %dma_start3A_320 = tpu.memref_slice %arg6[%dma_start3A_318, %dma_start3A_319] : memref<80x128xi32, #tpu.memory_space<vmem>> -> memref<1x128xi32, #tpu.memory_space<vmem>>
    %dma_start3A_321 = tpu.memref_squeeze %dma_start3A_320 : memref<1x128xi32, #tpu.memory_space<vmem>> -> memref<128xi32, #tpu.memory_space<vmem>>
    %dma_start3A_322 = arith.constant 0 : i32
    %dma_start3A_323 = tpu.memref_slice %arg8[%dma_start3A_322] : memref<10240xf32, #tpu.memory_space<vmem_shared>> -> memref<10240xf32, #tpu.memory_space<vmem_shared>>
    tpu.enqueue_indirect_dma source(%arg7 : memref<128xf32, #tpu.memory_space<vmem>>) target(%dma_start3A_323 : memref<10240xf32, #tpu.memory_space<vmem_shared>>) offsets(%dma_start3A_321 : memref<128xi32, #tpu.memory_space<vmem>>) semaphore(%arg9 : memref<!tpu.dma_semaphore, #tpu.memory_space<semaphore_mem>>) {add = true}
    %dma_start3A_324 = arith.constant 53 : i32
    %dma_start3A_325 = arith.constant 0 : i32
    %dma_start3A_326 = tpu.memref_slice %arg6[%dma_start3A_324, %dma_start3A_325] : memref<80x128xi32, #tpu.memory_space<vmem>> -> memref<1x128xi32, #tpu.memory_space<vmem>>
    %dma_start3A_327 = tpu.memref_squeeze %dma_start3A_326 : memref<1x128xi32, #tpu.memory_space<vmem>> -> memref<128xi32, #tpu.memory_space<vmem>>
    %dma_start3A_328 = arith.constant 0 : i32
    %dma_start3A_329 = tpu.memref_slice %arg8[%dma_start3A_328] : memref<10240xf32, #tpu.memory_space<vmem_shared>> -> memref<10240xf32, #tpu.memory_space<vmem_shared>>
    tpu.enqueue_indirect_dma source(%arg7 : memref<128xf32, #tpu.memory_space<vmem>>) target(%dma_start3A_329 : memref<10240xf32, #tpu.memory_space<vmem_shared>>) offsets(%dma_start3A_327 : memref<128xi32, #tpu.memory_space<vmem>>) semaphore(%arg9 : memref<!tpu.dma_semaphore, #tpu.memory_space<semaphore_mem>>) {add = true}
    %dma_start3A_330 = arith.constant 54 : i32
    %dma_start3A_331 = arith.constant 0 : i32
    %dma_start3A_332 = tpu.memref_slice %arg6[%dma_start3A_330, %dma_start3A_331] : memref<80x128xi32, #tpu.memory_space<vmem>> -> memref<1x128xi32, #tpu.memory_space<vmem>>
    %dma_start3A_333 = tpu.memref_squeeze %dma_start3A_332 : memref<1x128xi32, #tpu.memory_space<vmem>> -> memref<128xi32, #tpu.memory_space<vmem>>
    %dma_start3A_334 = arith.constant 0 : i32
    %dma_start3A_335 = tpu.memref_slice %arg8[%dma_start3A_334] : memref<10240xf32, #tpu.memory_space<vmem_shared>> -> memref<10240xf32, #tpu.memory_space<vmem_shared>>
    tpu.enqueue_indirect_dma source(%arg7 : memref<128xf32, #tpu.memory_space<vmem>>) target(%dma_start3A_335 : memref<10240xf32, #tpu.memory_space<vmem_shared>>) offsets(%dma_start3A_333 : memref<128xi32, #tpu.memory_space<vmem>>) semaphore(%arg9 : memref<!tpu.dma_semaphore, #tpu.memory_space<semaphore_mem>>) {add = true}
    %dma_start3A_336 = arith.constant 55 : i32
    %dma_start3A_337 = arith.constant 0 : i32
    %dma_start3A_338 = tpu.memref_slice %arg6[%dma_start3A_336, %dma_start3A_337] : memref<80x128xi32, #tpu.memory_space<vmem>> -> memref<1x128xi32, #tpu.memory_space<vmem>>
    %dma_start3A_339 = tpu.memref_squeeze %dma_start3A_338 : memref<1x128xi32, #tpu.memory_space<vmem>> -> memref<128xi32, #tpu.memory_space<vmem>>
    %dma_start3A_340 = arith.constant 0 : i32
    %dma_start3A_341 = tpu.memref_slice %arg8[%dma_start3A_340] : memref<10240xf32, #tpu.memory_space<vmem_shared>> -> memref<10240xf32, #tpu.memory_space<vmem_shared>>
    tpu.enqueue_indirect_dma source(%arg7 : memref<128xf32, #tpu.memory_space<vmem>>) target(%dma_start3A_341 : memref<10240xf32, #tpu.memory_space<vmem_shared>>) offsets(%dma_start3A_339 : memref<128xi32, #tpu.memory_space<vmem>>) semaphore(%arg9 : memref<!tpu.dma_semaphore, #tpu.memory_space<semaphore_mem>>) {add = true}
    %dma_start3A_342 = arith.constant 56 : i32
    %dma_start3A_343 = arith.constant 0 : i32
    %dma_start3A_344 = tpu.memref_slice %arg6[%dma_start3A_342, %dma_start3A_343] : memref<80x128xi32, #tpu.memory_space<vmem>> -> memref<1x128xi32, #tpu.memory_space<vmem>>
    %dma_start3A_345 = tpu.memref_squeeze %dma_start3A_344 : memref<1x128xi32, #tpu.memory_space<vmem>> -> memref<128xi32, #tpu.memory_space<vmem>>
    %dma_start3A_346 = arith.constant 0 : i32
    %dma_start3A_347 = tpu.memref_slice %arg8[%dma_start3A_346] : memref<10240xf32, #tpu.memory_space<vmem_shared>> -> memref<10240xf32, #tpu.memory_space<vmem_shared>>
    tpu.enqueue_indirect_dma source(%arg7 : memref<128xf32, #tpu.memory_space<vmem>>) target(%dma_start3A_347 : memref<10240xf32, #tpu.memory_space<vmem_shared>>) offsets(%dma_start3A_345 : memref<128xi32, #tpu.memory_space<vmem>>) semaphore(%arg9 : memref<!tpu.dma_semaphore, #tpu.memory_space<semaphore_mem>>) {add = true}
    %dma_start3A_348 = arith.constant 57 : i32
    %dma_start3A_349 = arith.constant 0 : i32
    %dma_start3A_350 = tpu.memref_slice %arg6[%dma_start3A_348, %dma_start3A_349] : memref<80x128xi32, #tpu.memory_space<vmem>> -> memref<1x128xi32, #tpu.memory_space<vmem>>
    %dma_start3A_351 = tpu.memref_squeeze %dma_start3A_350 : memref<1x128xi32, #tpu.memory_space<vmem>> -> memref<128xi32, #tpu.memory_space<vmem>>
    %dma_start3A_352 = arith.constant 0 : i32
    %dma_start3A_353 = tpu.memref_slice %arg8[%dma_start3A_352] : memref<10240xf32, #tpu.memory_space<vmem_shared>> -> memref<10240xf32, #tpu.memory_space<vmem_shared>>
    tpu.enqueue_indirect_dma source(%arg7 : memref<128xf32, #tpu.memory_space<vmem>>) target(%dma_start3A_353 : memref<10240xf32, #tpu.memory_space<vmem_shared>>) offsets(%dma_start3A_351 : memref<128xi32, #tpu.memory_space<vmem>>) semaphore(%arg9 : memref<!tpu.dma_semaphore, #tpu.memory_space<semaphore_mem>>) {add = true}
    %dma_start3A_354 = arith.constant 58 : i32
    %dma_start3A_355 = arith.constant 0 : i32
    %dma_start3A_356 = tpu.memref_slice %arg6[%dma_start3A_354, %dma_start3A_355] : memref<80x128xi32, #tpu.memory_space<vmem>> -> memref<1x128xi32, #tpu.memory_space<vmem>>
    %dma_start3A_357 = tpu.memref_squeeze %dma_start3A_356 : memref<1x128xi32, #tpu.memory_space<vmem>> -> memref<128xi32, #tpu.memory_space<vmem>>
    %dma_start3A_358 = arith.constant 0 : i32
    %dma_start3A_359 = tpu.memref_slice %arg8[%dma_start3A_358] : memref<10240xf32, #tpu.memory_space<vmem_shared>> -> memref<10240xf32, #tpu.memory_space<vmem_shared>>
    tpu.enqueue_indirect_dma source(%arg7 : memref<128xf32, #tpu.memory_space<vmem>>) target(%dma_start3A_359 : memref<10240xf32, #tpu.memory_space<vmem_shared>>) offsets(%dma_start3A_357 : memref<128xi32, #tpu.memory_space<vmem>>) semaphore(%arg9 : memref<!tpu.dma_semaphore, #tpu.memory_space<semaphore_mem>>) {add = true}
    %dma_start3A_360 = arith.constant 59 : i32
    %dma_start3A_361 = arith.constant 0 : i32
    %dma_start3A_362 = tpu.memref_slice %arg6[%dma_start3A_360, %dma_start3A_361] : memref<80x128xi32, #tpu.memory_space<vmem>> -> memref<1x128xi32, #tpu.memory_space<vmem>>
    %dma_start3A_363 = tpu.memref_squeeze %dma_start3A_362 : memref<1x128xi32, #tpu.memory_space<vmem>> -> memref<128xi32, #tpu.memory_space<vmem>>
    %dma_start3A_364 = arith.constant 0 : i32
    %dma_start3A_365 = tpu.memref_slice %arg8[%dma_start3A_364] : memref<10240xf32, #tpu.memory_space<vmem_shared>> -> memref<10240xf32, #tpu.memory_space<vmem_shared>>
    tpu.enqueue_indirect_dma source(%arg7 : memref<128xf32, #tpu.memory_space<vmem>>) target(%dma_start3A_365 : memref<10240xf32, #tpu.memory_space<vmem_shared>>) offsets(%dma_start3A_363 : memref<128xi32, #tpu.memory_space<vmem>>) semaphore(%arg9 : memref<!tpu.dma_semaphore, #tpu.memory_space<semaphore_mem>>) {add = true}
    %dma_start3A_366 = arith.constant 60 : i32
    %dma_start3A_367 = arith.constant 0 : i32
    %dma_start3A_368 = tpu.memref_slice %arg6[%dma_start3A_366, %dma_start3A_367] : memref<80x128xi32, #tpu.memory_space<vmem>> -> memref<1x128xi32, #tpu.memory_space<vmem>>
    %dma_start3A_369 = tpu.memref_squeeze %dma_start3A_368 : memref<1x128xi32, #tpu.memory_space<vmem>> -> memref<128xi32, #tpu.memory_space<vmem>>
    %dma_start3A_370 = arith.constant 0 : i32
    %dma_start3A_371 = tpu.memref_slice %arg8[%dma_start3A_370] : memref<10240xf32, #tpu.memory_space<vmem_shared>> -> memref<10240xf32, #tpu.memory_space<vmem_shared>>
    tpu.enqueue_indirect_dma source(%arg7 : memref<128xf32, #tpu.memory_space<vmem>>) target(%dma_start3A_371 : memref<10240xf32, #tpu.memory_space<vmem_shared>>) offsets(%dma_start3A_369 : memref<128xi32, #tpu.memory_space<vmem>>) semaphore(%arg9 : memref<!tpu.dma_semaphore, #tpu.memory_space<semaphore_mem>>) {add = true}
    %dma_start3A_372 = arith.constant 61 : i32
    %dma_start3A_373 = arith.constant 0 : i32
    %dma_start3A_374 = tpu.memref_slice %arg6[%dma_start3A_372, %dma_start3A_373] : memref<80x128xi32, #tpu.memory_space<vmem>> -> memref<1x128xi32, #tpu.memory_space<vmem>>
    %dma_start3A_375 = tpu.memref_squeeze %dma_start3A_374 : memref<1x128xi32, #tpu.memory_space<vmem>> -> memref<128xi32, #tpu.memory_space<vmem>>
    %dma_start3A_376 = arith.constant 0 : i32
    %dma_start3A_377 = tpu.memref_slice %arg8[%dma_start3A_376] : memref<10240xf32, #tpu.memory_space<vmem_shared>> -> memref<10240xf32, #tpu.memory_space<vmem_shared>>
    tpu.enqueue_indirect_dma source(%arg7 : memref<128xf32, #tpu.memory_space<vmem>>) target(%dma_start3A_377 : memref<10240xf32, #tpu.memory_space<vmem_shared>>) offsets(%dma_start3A_375 : memref<128xi32, #tpu.memory_space<vmem>>) semaphore(%arg9 : memref<!tpu.dma_semaphore, #tpu.memory_space<semaphore_mem>>) {add = true}
    %dma_start3A_378 = arith.constant 62 : i32
    %dma_start3A_379 = arith.constant 0 : i32
    %dma_start3A_380 = tpu.memref_slice %arg6[%dma_start3A_378, %dma_start3A_379] : memref<80x128xi32, #tpu.memory_space<vmem>> -> memref<1x128xi32, #tpu.memory_space<vmem>>
    %dma_start3A_381 = tpu.memref_squeeze %dma_start3A_380 : memref<1x128xi32, #tpu.memory_space<vmem>> -> memref<128xi32, #tpu.memory_space<vmem>>
    %dma_start3A_382 = arith.constant 0 : i32
    %dma_start3A_383 = tpu.memref_slice %arg8[%dma_start3A_382] : memref<10240xf32, #tpu.memory_space<vmem_shared>> -> memref<10240xf32, #tpu.memory_space<vmem_shared>>
    tpu.enqueue_indirect_dma source(%arg7 : memref<128xf32, #tpu.memory_space<vmem>>) target(%dma_start3A_383 : memref<10240xf32, #tpu.memory_space<vmem_shared>>) offsets(%dma_start3A_381 : memref<128xi32, #tpu.memory_space<vmem>>) semaphore(%arg9 : memref<!tpu.dma_semaphore, #tpu.memory_space<semaphore_mem>>) {add = true}
    %dma_start3A_384 = arith.constant 63 : i32
    %dma_start3A_385 = arith.constant 0 : i32
    %dma_start3A_386 = tpu.memref_slice %arg6[%dma_start3A_384, %dma_start3A_385] : memref<80x128xi32, #tpu.memory_space<vmem>> -> memref<1x128xi32, #tpu.memory_space<vmem>>
    %dma_start3A_387 = tpu.memref_squeeze %dma_start3A_386 : memref<1x128xi32, #tpu.memory_space<vmem>> -> memref<128xi32, #tpu.memory_space<vmem>>
    %dma_start3A_388 = arith.constant 0 : i32
    %dma_start3A_389 = tpu.memref_slice %arg8[%dma_start3A_388] : memref<10240xf32, #tpu.memory_space<vmem_shared>> -> memref<10240xf32, #tpu.memory_space<vmem_shared>>
    tpu.enqueue_indirect_dma source(%arg7 : memref<128xf32, #tpu.memory_space<vmem>>) target(%dma_start3A_389 : memref<10240xf32, #tpu.memory_space<vmem_shared>>) offsets(%dma_start3A_387 : memref<128xi32, #tpu.memory_space<vmem>>) semaphore(%arg9 : memref<!tpu.dma_semaphore, #tpu.memory_space<semaphore_mem>>) {add = true}
    %dma_start3A_390 = arith.constant 64 : i32
    %dma_start3A_391 = arith.constant 0 : i32
    %dma_start3A_392 = tpu.memref_slice %arg6[%dma_start3A_390, %dma_start3A_391] : memref<80x128xi32, #tpu.memory_space<vmem>> -> memref<1x128xi32, #tpu.memory_space<vmem>>
    %dma_start3A_393 = tpu.memref_squeeze %dma_start3A_392 : memref<1x128xi32, #tpu.memory_space<vmem>> -> memref<128xi32, #tpu.memory_space<vmem>>
    %dma_start3A_394 = arith.constant 0 : i32
    %dma_start3A_395 = tpu.memref_slice %arg8[%dma_start3A_394] : memref<10240xf32, #tpu.memory_space<vmem_shared>> -> memref<10240xf32, #tpu.memory_space<vmem_shared>>
    tpu.enqueue_indirect_dma source(%arg7 : memref<128xf32, #tpu.memory_space<vmem>>) target(%dma_start3A_395 : memref<10240xf32, #tpu.memory_space<vmem_shared>>) offsets(%dma_start3A_393 : memref<128xi32, #tpu.memory_space<vmem>>) semaphore(%arg9 : memref<!tpu.dma_semaphore, #tpu.memory_space<semaphore_mem>>) {add = true}
    %dma_start3A_396 = arith.constant 65 : i32
    %dma_start3A_397 = arith.constant 0 : i32
    %dma_start3A_398 = tpu.memref_slice %arg6[%dma_start3A_396, %dma_start3A_397] : memref<80x128xi32, #tpu.memory_space<vmem>> -> memref<1x128xi32, #tpu.memory_space<vmem>>
    %dma_start3A_399 = tpu.memref_squeeze %dma_start3A_398 : memref<1x128xi32, #tpu.memory_space<vmem>> -> memref<128xi32, #tpu.memory_space<vmem>>
    %dma_start3A_400 = arith.constant 0 : i32
    %dma_start3A_401 = tpu.memref_slice %arg8[%dma_start3A_400] : memref<10240xf32, #tpu.memory_space<vmem_shared>> -> memref<10240xf32, #tpu.memory_space<vmem_shared>>
    tpu.enqueue_indirect_dma source(%arg7 : memref<128xf32, #tpu.memory_space<vmem>>) target(%dma_start3A_401 : memref<10240xf32, #tpu.memory_space<vmem_shared>>) offsets(%dma_start3A_399 : memref<128xi32, #tpu.memory_space<vmem>>) semaphore(%arg9 : memref<!tpu.dma_semaphore, #tpu.memory_space<semaphore_mem>>) {add = true}
    %dma_start3A_402 = arith.constant 66 : i32
    %dma_start3A_403 = arith.constant 0 : i32
    %dma_start3A_404 = tpu.memref_slice %arg6[%dma_start3A_402, %dma_start3A_403] : memref<80x128xi32, #tpu.memory_space<vmem>> -> memref<1x128xi32, #tpu.memory_space<vmem>>
    %dma_start3A_405 = tpu.memref_squeeze %dma_start3A_404 : memref<1x128xi32, #tpu.memory_space<vmem>> -> memref<128xi32, #tpu.memory_space<vmem>>
    %dma_start3A_406 = arith.constant 0 : i32
    %dma_start3A_407 = tpu.memref_slice %arg8[%dma_start3A_406] : memref<10240xf32, #tpu.memory_space<vmem_shared>> -> memref<10240xf32, #tpu.memory_space<vmem_shared>>
    tpu.enqueue_indirect_dma source(%arg7 : memref<128xf32, #tpu.memory_space<vmem>>) target(%dma_start3A_407 : memref<10240xf32, #tpu.memory_space<vmem_shared>>) offsets(%dma_start3A_405 : memref<128xi32, #tpu.memory_space<vmem>>) semaphore(%arg9 : memref<!tpu.dma_semaphore, #tpu.memory_space<semaphore_mem>>) {add = true}
    %dma_start3A_408 = arith.constant 67 : i32
    %dma_start3A_409 = arith.constant 0 : i32
    %dma_start3A_410 = tpu.memref_slice %arg6[%dma_start3A_408, %dma_start3A_409] : memref<80x128xi32, #tpu.memory_space<vmem>> -> memref<1x128xi32, #tpu.memory_space<vmem>>
    %dma_start3A_411 = tpu.memref_squeeze %dma_start3A_410 : memref<1x128xi32, #tpu.memory_space<vmem>> -> memref<128xi32, #tpu.memory_space<vmem>>
    %dma_start3A_412 = arith.constant 0 : i32
    %dma_start3A_413 = tpu.memref_slice %arg8[%dma_start3A_412] : memref<10240xf32, #tpu.memory_space<vmem_shared>> -> memref<10240xf32, #tpu.memory_space<vmem_shared>>
    tpu.enqueue_indirect_dma source(%arg7 : memref<128xf32, #tpu.memory_space<vmem>>) target(%dma_start3A_413 : memref<10240xf32, #tpu.memory_space<vmem_shared>>) offsets(%dma_start3A_411 : memref<128xi32, #tpu.memory_space<vmem>>) semaphore(%arg9 : memref<!tpu.dma_semaphore, #tpu.memory_space<semaphore_mem>>) {add = true}
    %dma_start3A_414 = arith.constant 68 : i32
    %dma_start3A_415 = arith.constant 0 : i32
    %dma_start3A_416 = tpu.memref_slice %arg6[%dma_start3A_414, %dma_start3A_415] : memref<80x128xi32, #tpu.memory_space<vmem>> -> memref<1x128xi32, #tpu.memory_space<vmem>>
    %dma_start3A_417 = tpu.memref_squeeze %dma_start3A_416 : memref<1x128xi32, #tpu.memory_space<vmem>> -> memref<128xi32, #tpu.memory_space<vmem>>
    %dma_start3A_418 = arith.constant 0 : i32
    %dma_start3A_419 = tpu.memref_slice %arg8[%dma_start3A_418] : memref<10240xf32, #tpu.memory_space<vmem_shared>> -> memref<10240xf32, #tpu.memory_space<vmem_shared>>
    tpu.enqueue_indirect_dma source(%arg7 : memref<128xf32, #tpu.memory_space<vmem>>) target(%dma_start3A_419 : memref<10240xf32, #tpu.memory_space<vmem_shared>>) offsets(%dma_start3A_417 : memref<128xi32, #tpu.memory_space<vmem>>) semaphore(%arg9 : memref<!tpu.dma_semaphore, #tpu.memory_space<semaphore_mem>>) {add = true}
    %dma_start3A_420 = arith.constant 69 : i32
    %dma_start3A_421 = arith.constant 0 : i32
    %dma_start3A_422 = tpu.memref_slice %arg6[%dma_start3A_420, %dma_start3A_421] : memref<80x128xi32, #tpu.memory_space<vmem>> -> memref<1x128xi32, #tpu.memory_space<vmem>>
    %dma_start3A_423 = tpu.memref_squeeze %dma_start3A_422 : memref<1x128xi32, #tpu.memory_space<vmem>> -> memref<128xi32, #tpu.memory_space<vmem>>
    %dma_start3A_424 = arith.constant 0 : i32
    %dma_start3A_425 = tpu.memref_slice %arg8[%dma_start3A_424] : memref<10240xf32, #tpu.memory_space<vmem_shared>> -> memref<10240xf32, #tpu.memory_space<vmem_shared>>
    tpu.enqueue_indirect_dma source(%arg7 : memref<128xf32, #tpu.memory_space<vmem>>) target(%dma_start3A_425 : memref<10240xf32, #tpu.memory_space<vmem_shared>>) offsets(%dma_start3A_423 : memref<128xi32, #tpu.memory_space<vmem>>) semaphore(%arg9 : memref<!tpu.dma_semaphore, #tpu.memory_space<semaphore_mem>>) {add = true}
    %dma_start3A_426 = arith.constant 70 : i32
    %dma_start3A_427 = arith.constant 0 : i32
    %dma_start3A_428 = tpu.memref_slice %arg6[%dma_start3A_426, %dma_start3A_427] : memref<80x128xi32, #tpu.memory_space<vmem>> -> memref<1x128xi32, #tpu.memory_space<vmem>>
    %dma_start3A_429 = tpu.memref_squeeze %dma_start3A_428 : memref<1x128xi32, #tpu.memory_space<vmem>> -> memref<128xi32, #tpu.memory_space<vmem>>
    %dma_start3A_430 = arith.constant 0 : i32
    %dma_start3A_431 = tpu.memref_slice %arg8[%dma_start3A_430] : memref<10240xf32, #tpu.memory_space<vmem_shared>> -> memref<10240xf32, #tpu.memory_space<vmem_shared>>
    tpu.enqueue_indirect_dma source(%arg7 : memref<128xf32, #tpu.memory_space<vmem>>) target(%dma_start3A_431 : memref<10240xf32, #tpu.memory_space<vmem_shared>>) offsets(%dma_start3A_429 : memref<128xi32, #tpu.memory_space<vmem>>) semaphore(%arg9 : memref<!tpu.dma_semaphore, #tpu.memory_space<semaphore_mem>>) {add = true}
    %dma_start3A_432 = arith.constant 71 : i32
    %dma_start3A_433 = arith.constant 0 : i32
    %dma_start3A_434 = tpu.memref_slice %arg6[%dma_start3A_432, %dma_start3A_433] : memref<80x128xi32, #tpu.memory_space<vmem>> -> memref<1x128xi32, #tpu.memory_space<vmem>>
    %dma_start3A_435 = tpu.memref_squeeze %dma_start3A_434 : memref<1x128xi32, #tpu.memory_space<vmem>> -> memref<128xi32, #tpu.memory_space<vmem>>
    %dma_start3A_436 = arith.constant 0 : i32
    %dma_start3A_437 = tpu.memref_slice %arg8[%dma_start3A_436] : memref<10240xf32, #tpu.memory_space<vmem_shared>> -> memref<10240xf32, #tpu.memory_space<vmem_shared>>
    tpu.enqueue_indirect_dma source(%arg7 : memref<128xf32, #tpu.memory_space<vmem>>) target(%dma_start3A_437 : memref<10240xf32, #tpu.memory_space<vmem_shared>>) offsets(%dma_start3A_435 : memref<128xi32, #tpu.memory_space<vmem>>) semaphore(%arg9 : memref<!tpu.dma_semaphore, #tpu.memory_space<semaphore_mem>>) {add = true}
    %dma_start3A_438 = arith.constant 72 : i32
    %dma_start3A_439 = arith.constant 0 : i32
    %dma_start3A_440 = tpu.memref_slice %arg6[%dma_start3A_438, %dma_start3A_439] : memref<80x128xi32, #tpu.memory_space<vmem>> -> memref<1x128xi32, #tpu.memory_space<vmem>>
    %dma_start3A_441 = tpu.memref_squeeze %dma_start3A_440 : memref<1x128xi32, #tpu.memory_space<vmem>> -> memref<128xi32, #tpu.memory_space<vmem>>
    %dma_start3A_442 = arith.constant 0 : i32
    %dma_start3A_443 = tpu.memref_slice %arg8[%dma_start3A_442] : memref<10240xf32, #tpu.memory_space<vmem_shared>> -> memref<10240xf32, #tpu.memory_space<vmem_shared>>
    tpu.enqueue_indirect_dma source(%arg7 : memref<128xf32, #tpu.memory_space<vmem>>) target(%dma_start3A_443 : memref<10240xf32, #tpu.memory_space<vmem_shared>>) offsets(%dma_start3A_441 : memref<128xi32, #tpu.memory_space<vmem>>) semaphore(%arg9 : memref<!tpu.dma_semaphore, #tpu.memory_space<semaphore_mem>>) {add = true}
    %dma_start3A_444 = arith.constant 73 : i32
    %dma_start3A_445 = arith.constant 0 : i32
    %dma_start3A_446 = tpu.memref_slice %arg6[%dma_start3A_444, %dma_start3A_445] : memref<80x128xi32, #tpu.memory_space<vmem>> -> memref<1x128xi32, #tpu.memory_space<vmem>>
    %dma_start3A_447 = tpu.memref_squeeze %dma_start3A_446 : memref<1x128xi32, #tpu.memory_space<vmem>> -> memref<128xi32, #tpu.memory_space<vmem>>
    %dma_start3A_448 = arith.constant 0 : i32
    %dma_start3A_449 = tpu.memref_slice %arg8[%dma_start3A_448] : memref<10240xf32, #tpu.memory_space<vmem_shared>> -> memref<10240xf32, #tpu.memory_space<vmem_shared>>
    tpu.enqueue_indirect_dma source(%arg7 : memref<128xf32, #tpu.memory_space<vmem>>) target(%dma_start3A_449 : memref<10240xf32, #tpu.memory_space<vmem_shared>>) offsets(%dma_start3A_447 : memref<128xi32, #tpu.memory_space<vmem>>) semaphore(%arg9 : memref<!tpu.dma_semaphore, #tpu.memory_space<semaphore_mem>>) {add = true}
    %dma_start3A_450 = arith.constant 74 : i32
    %dma_start3A_451 = arith.constant 0 : i32
    %dma_start3A_452 = tpu.memref_slice %arg6[%dma_start3A_450, %dma_start3A_451] : memref<80x128xi32, #tpu.memory_space<vmem>> -> memref<1x128xi32, #tpu.memory_space<vmem>>
    %dma_start3A_453 = tpu.memref_squeeze %dma_start3A_452 : memref<1x128xi32, #tpu.memory_space<vmem>> -> memref<128xi32, #tpu.memory_space<vmem>>
    %dma_start3A_454 = arith.constant 0 : i32
    %dma_start3A_455 = tpu.memref_slice %arg8[%dma_start3A_454] : memref<10240xf32, #tpu.memory_space<vmem_shared>> -> memref<10240xf32, #tpu.memory_space<vmem_shared>>
    tpu.enqueue_indirect_dma source(%arg7 : memref<128xf32, #tpu.memory_space<vmem>>) target(%dma_start3A_455 : memref<10240xf32, #tpu.memory_space<vmem_shared>>) offsets(%dma_start3A_453 : memref<128xi32, #tpu.memory_space<vmem>>) semaphore(%arg9 : memref<!tpu.dma_semaphore, #tpu.memory_space<semaphore_mem>>) {add = true}
    %dma_start3A_456 = arith.constant 75 : i32
    %dma_start3A_457 = arith.constant 0 : i32
    %dma_start3A_458 = tpu.memref_slice %arg6[%dma_start3A_456, %dma_start3A_457] : memref<80x128xi32, #tpu.memory_space<vmem>> -> memref<1x128xi32, #tpu.memory_space<vmem>>
    %dma_start3A_459 = tpu.memref_squeeze %dma_start3A_458 : memref<1x128xi32, #tpu.memory_space<vmem>> -> memref<128xi32, #tpu.memory_space<vmem>>
    %dma_start3A_460 = arith.constant 0 : i32
    %dma_start3A_461 = tpu.memref_slice %arg8[%dma_start3A_460] : memref<10240xf32, #tpu.memory_space<vmem_shared>> -> memref<10240xf32, #tpu.memory_space<vmem_shared>>
    tpu.enqueue_indirect_dma source(%arg7 : memref<128xf32, #tpu.memory_space<vmem>>) target(%dma_start3A_461 : memref<10240xf32, #tpu.memory_space<vmem_shared>>) offsets(%dma_start3A_459 : memref<128xi32, #tpu.memory_space<vmem>>) semaphore(%arg9 : memref<!tpu.dma_semaphore, #tpu.memory_space<semaphore_mem>>) {add = true}
    %dma_start3A_462 = arith.constant 76 : i32
    %dma_start3A_463 = arith.constant 0 : i32
    %dma_start3A_464 = tpu.memref_slice %arg6[%dma_start3A_462, %dma_start3A_463] : memref<80x128xi32, #tpu.memory_space<vmem>> -> memref<1x128xi32, #tpu.memory_space<vmem>>
    %dma_start3A_465 = tpu.memref_squeeze %dma_start3A_464 : memref<1x128xi32, #tpu.memory_space<vmem>> -> memref<128xi32, #tpu.memory_space<vmem>>
    %dma_start3A_466 = arith.constant 0 : i32
    %dma_start3A_467 = tpu.memref_slice %arg8[%dma_start3A_466] : memref<10240xf32, #tpu.memory_space<vmem_shared>> -> memref<10240xf32, #tpu.memory_space<vmem_shared>>
    tpu.enqueue_indirect_dma source(%arg7 : memref<128xf32, #tpu.memory_space<vmem>>) target(%dma_start3A_467 : memref<10240xf32, #tpu.memory_space<vmem_shared>>) offsets(%dma_start3A_465 : memref<128xi32, #tpu.memory_space<vmem>>) semaphore(%arg9 : memref<!tpu.dma_semaphore, #tpu.memory_space<semaphore_mem>>) {add = true}
    %dma_start3A_468 = arith.constant 77 : i32
    %dma_start3A_469 = arith.constant 0 : i32
    %dma_start3A_470 = tpu.memref_slice %arg6[%dma_start3A_468, %dma_start3A_469] : memref<80x128xi32, #tpu.memory_space<vmem>> -> memref<1x128xi32, #tpu.memory_space<vmem>>
    %dma_start3A_471 = tpu.memref_squeeze %dma_start3A_470 : memref<1x128xi32, #tpu.memory_space<vmem>> -> memref<128xi32, #tpu.memory_space<vmem>>
    %dma_start3A_472 = arith.constant 0 : i32
    %dma_start3A_473 = tpu.memref_slice %arg8[%dma_start3A_472] : memref<10240xf32, #tpu.memory_space<vmem_shared>> -> memref<10240xf32, #tpu.memory_space<vmem_shared>>
    tpu.enqueue_indirect_dma source(%arg7 : memref<128xf32, #tpu.memory_space<vmem>>) target(%dma_start3A_473 : memref<10240xf32, #tpu.memory_space<vmem_shared>>) offsets(%dma_start3A_471 : memref<128xi32, #tpu.memory_space<vmem>>) semaphore(%arg9 : memref<!tpu.dma_semaphore, #tpu.memory_space<semaphore_mem>>) {add = true}
    %dma_start3A_474 = arith.constant 78 : i32
    %dma_start3A_475 = arith.constant 0 : i32
    %dma_start3A_476 = tpu.memref_slice %arg6[%dma_start3A_474, %dma_start3A_475] : memref<80x128xi32, #tpu.memory_space<vmem>> -> memref<1x128xi32, #tpu.memory_space<vmem>>
    %dma_start3A_477 = tpu.memref_squeeze %dma_start3A_476 : memref<1x128xi32, #tpu.memory_space<vmem>> -> memref<128xi32, #tpu.memory_space<vmem>>
    %dma_start3A_478 = arith.constant 0 : i32
    %dma_start3A_479 = tpu.memref_slice %arg8[%dma_start3A_478] : memref<10240xf32, #tpu.memory_space<vmem_shared>> -> memref<10240xf32, #tpu.memory_space<vmem_shared>>
    tpu.enqueue_indirect_dma source(%arg7 : memref<128xf32, #tpu.memory_space<vmem>>) target(%dma_start3A_479 : memref<10240xf32, #tpu.memory_space<vmem_shared>>) offsets(%dma_start3A_477 : memref<128xi32, #tpu.memory_space<vmem>>) semaphore(%arg9 : memref<!tpu.dma_semaphore, #tpu.memory_space<semaphore_mem>>) {add = true}
    %dma_start3A_480 = arith.constant 79 : i32
    %dma_start3A_481 = arith.constant 0 : i32
    %dma_start3A_482 = tpu.memref_slice %arg6[%dma_start3A_480, %dma_start3A_481] : memref<80x128xi32, #tpu.memory_space<vmem>> -> memref<1x128xi32, #tpu.memory_space<vmem>>
    %dma_start3A_483 = tpu.memref_squeeze %dma_start3A_482 : memref<1x128xi32, #tpu.memory_space<vmem>> -> memref<128xi32, #tpu.memory_space<vmem>>
    %dma_start3A_484 = arith.constant 0 : i32
    %dma_start3A_485 = tpu.memref_slice %arg8[%dma_start3A_484] : memref<10240xf32, #tpu.memory_space<vmem_shared>> -> memref<10240xf32, #tpu.memory_space<vmem_shared>>
    tpu.enqueue_indirect_dma source(%arg7 : memref<128xf32, #tpu.memory_space<vmem>>) target(%dma_start3A_485 : memref<10240xf32, #tpu.memory_space<vmem_shared>>) offsets(%dma_start3A_483 : memref<128xi32, #tpu.memory_space<vmem>>) semaphore(%arg9 : memref<!tpu.dma_semaphore, #tpu.memory_space<semaphore_mem>>) {add = true}
    %dma_wait3A = arith.constant 0 : i32
    %dma_wait3A_486 = arith.constant 0 : i32
    %dma_wait3A_487 = tpu.memref_slice %arg6[%dma_wait3A, %dma_wait3A_486] : memref<80x128xi32, #tpu.memory_space<vmem>> -> memref<1x128xi32, #tpu.memory_space<vmem>>
    %dma_wait3A_488 = tpu.memref_squeeze %dma_wait3A_487 : memref<1x128xi32, #tpu.memory_space<vmem>> -> memref<128xi32, #tpu.memory_space<vmem>>
    %dma_wait3A_489 = arith.constant 0 : i32
    %dma_wait3A_490 = tpu.memref_slice %arg8[%dma_wait3A_489] : memref<10240xf32, #tpu.memory_space<vmem_shared>> -> memref<10240xf32, #tpu.memory_space<vmem_shared>>
    tpu.wait_indirect_dma semaphore(%arg9 : memref<!tpu.dma_semaphore, #tpu.memory_space<semaphore_mem>>) src(%arg7 : memref<128xf32, #tpu.memory_space<vmem>>) dst(%dma_wait3A_490 : memref<10240xf32, #tpu.memory_space<vmem_shared>>)
    %dma_wait3A_491 = arith.constant 1 : i32
    %dma_wait3A_492 = arith.constant 0 : i32
    %dma_wait3A_493 = tpu.memref_slice %arg6[%dma_wait3A_491, %dma_wait3A_492] : memref<80x128xi32, #tpu.memory_space<vmem>> -> memref<1x128xi32, #tpu.memory_space<vmem>>
    %dma_wait3A_494 = tpu.memref_squeeze %dma_wait3A_493 : memref<1x128xi32, #tpu.memory_space<vmem>> -> memref<128xi32, #tpu.memory_space<vmem>>
    %dma_wait3A_495 = arith.constant 0 : i32
    %dma_wait3A_496 = tpu.memref_slice %arg8[%dma_wait3A_495] : memref<10240xf32, #tpu.memory_space<vmem_shared>> -> memref<10240xf32, #tpu.memory_space<vmem_shared>>
    tpu.wait_indirect_dma semaphore(%arg9 : memref<!tpu.dma_semaphore, #tpu.memory_space<semaphore_mem>>) src(%arg7 : memref<128xf32, #tpu.memory_space<vmem>>) dst(%dma_wait3A_496 : memref<10240xf32, #tpu.memory_space<vmem_shared>>)
    %dma_wait3A_497 = arith.constant 2 : i32
    %dma_wait3A_498 = arith.constant 0 : i32
    %dma_wait3A_499 = tpu.memref_slice %arg6[%dma_wait3A_497, %dma_wait3A_498] : memref<80x128xi32, #tpu.memory_space<vmem>> -> memref<1x128xi32, #tpu.memory_space<vmem>>
    %dma_wait3A_500 = tpu.memref_squeeze %dma_wait3A_499 : memref<1x128xi32, #tpu.memory_space<vmem>> -> memref<128xi32, #tpu.memory_space<vmem>>
    %dma_wait3A_501 = arith.constant 0 : i32
    %dma_wait3A_502 = tpu.memref_slice %arg8[%dma_wait3A_501] : memref<10240xf32, #tpu.memory_space<vmem_shared>> -> memref<10240xf32, #tpu.memory_space<vmem_shared>>
    tpu.wait_indirect_dma semaphore(%arg9 : memref<!tpu.dma_semaphore, #tpu.memory_space<semaphore_mem>>) src(%arg7 : memref<128xf32, #tpu.memory_space<vmem>>) dst(%dma_wait3A_502 : memref<10240xf32, #tpu.memory_space<vmem_shared>>)
    %dma_wait3A_503 = arith.constant 3 : i32
    %dma_wait3A_504 = arith.constant 0 : i32
    %dma_wait3A_505 = tpu.memref_slice %arg6[%dma_wait3A_503, %dma_wait3A_504] : memref<80x128xi32, #tpu.memory_space<vmem>> -> memref<1x128xi32, #tpu.memory_space<vmem>>
    %dma_wait3A_506 = tpu.memref_squeeze %dma_wait3A_505 : memref<1x128xi32, #tpu.memory_space<vmem>> -> memref<128xi32, #tpu.memory_space<vmem>>
    %dma_wait3A_507 = arith.constant 0 : i32
    %dma_wait3A_508 = tpu.memref_slice %arg8[%dma_wait3A_507] : memref<10240xf32, #tpu.memory_space<vmem_shared>> -> memref<10240xf32, #tpu.memory_space<vmem_shared>>
    tpu.wait_indirect_dma semaphore(%arg9 : memref<!tpu.dma_semaphore, #tpu.memory_space<semaphore_mem>>) src(%arg7 : memref<128xf32, #tpu.memory_space<vmem>>) dst(%dma_wait3A_508 : memref<10240xf32, #tpu.memory_space<vmem_shared>>)
    %dma_wait3A_509 = arith.constant 4 : i32
    %dma_wait3A_510 = arith.constant 0 : i32
    %dma_wait3A_511 = tpu.memref_slice %arg6[%dma_wait3A_509, %dma_wait3A_510] : memref<80x128xi32, #tpu.memory_space<vmem>> -> memref<1x128xi32, #tpu.memory_space<vmem>>
    %dma_wait3A_512 = tpu.memref_squeeze %dma_wait3A_511 : memref<1x128xi32, #tpu.memory_space<vmem>> -> memref<128xi32, #tpu.memory_space<vmem>>
    %dma_wait3A_513 = arith.constant 0 : i32
    %dma_wait3A_514 = tpu.memref_slice %arg8[%dma_wait3A_513] : memref<10240xf32, #tpu.memory_space<vmem_shared>> -> memref<10240xf32, #tpu.memory_space<vmem_shared>>
    tpu.wait_indirect_dma semaphore(%arg9 : memref<!tpu.dma_semaphore, #tpu.memory_space<semaphore_mem>>) src(%arg7 : memref<128xf32, #tpu.memory_space<vmem>>) dst(%dma_wait3A_514 : memref<10240xf32, #tpu.memory_space<vmem_shared>>)
    %dma_wait3A_515 = arith.constant 5 : i32
    %dma_wait3A_516 = arith.constant 0 : i32
    %dma_wait3A_517 = tpu.memref_slice %arg6[%dma_wait3A_515, %dma_wait3A_516] : memref<80x128xi32, #tpu.memory_space<vmem>> -> memref<1x128xi32, #tpu.memory_space<vmem>>
    %dma_wait3A_518 = tpu.memref_squeeze %dma_wait3A_517 : memref<1x128xi32, #tpu.memory_space<vmem>> -> memref<128xi32, #tpu.memory_space<vmem>>
    %dma_wait3A_519 = arith.constant 0 : i32
    %dma_wait3A_520 = tpu.memref_slice %arg8[%dma_wait3A_519] : memref<10240xf32, #tpu.memory_space<vmem_shared>> -> memref<10240xf32, #tpu.memory_space<vmem_shared>>
    tpu.wait_indirect_dma semaphore(%arg9 : memref<!tpu.dma_semaphore, #tpu.memory_space<semaphore_mem>>) src(%arg7 : memref<128xf32, #tpu.memory_space<vmem>>) dst(%dma_wait3A_520 : memref<10240xf32, #tpu.memory_space<vmem_shared>>)
    %dma_wait3A_521 = arith.constant 6 : i32
    %dma_wait3A_522 = arith.constant 0 : i32
    %dma_wait3A_523 = tpu.memref_slice %arg6[%dma_wait3A_521, %dma_wait3A_522] : memref<80x128xi32, #tpu.memory_space<vmem>> -> memref<1x128xi32, #tpu.memory_space<vmem>>
    %dma_wait3A_524 = tpu.memref_squeeze %dma_wait3A_523 : memref<1x128xi32, #tpu.memory_space<vmem>> -> memref<128xi32, #tpu.memory_space<vmem>>
    %dma_wait3A_525 = arith.constant 0 : i32
    %dma_wait3A_526 = tpu.memref_slice %arg8[%dma_wait3A_525] : memref<10240xf32, #tpu.memory_space<vmem_shared>> -> memref<10240xf32, #tpu.memory_space<vmem_shared>>
    tpu.wait_indirect_dma semaphore(%arg9 : memref<!tpu.dma_semaphore, #tpu.memory_space<semaphore_mem>>) src(%arg7 : memref<128xf32, #tpu.memory_space<vmem>>) dst(%dma_wait3A_526 : memref<10240xf32, #tpu.memory_space<vmem_shared>>)
    %dma_wait3A_527 = arith.constant 7 : i32
    %dma_wait3A_528 = arith.constant 0 : i32
    %dma_wait3A_529 = tpu.memref_slice %arg6[%dma_wait3A_527, %dma_wait3A_528] : memref<80x128xi32, #tpu.memory_space<vmem>> -> memref<1x128xi32, #tpu.memory_space<vmem>>
    %dma_wait3A_530 = tpu.memref_squeeze %dma_wait3A_529 : memref<1x128xi32, #tpu.memory_space<vmem>> -> memref<128xi32, #tpu.memory_space<vmem>>
    %dma_wait3A_531 = arith.constant 0 : i32
    %dma_wait3A_532 = tpu.memref_slice %arg8[%dma_wait3A_531] : memref<10240xf32, #tpu.memory_space<vmem_shared>> -> memref<10240xf32, #tpu.memory_space<vmem_shared>>
    tpu.wait_indirect_dma semaphore(%arg9 : memref<!tpu.dma_semaphore, #tpu.memory_space<semaphore_mem>>) src(%arg7 : memref<128xf32, #tpu.memory_space<vmem>>) dst(%dma_wait3A_532 : memref<10240xf32, #tpu.memory_space<vmem_shared>>)
    %dma_wait3A_533 = arith.constant 8 : i32
    %dma_wait3A_534 = arith.constant 0 : i32
    %dma_wait3A_535 = tpu.memref_slice %arg6[%dma_wait3A_533, %dma_wait3A_534] : memref<80x128xi32, #tpu.memory_space<vmem>> -> memref<1x128xi32, #tpu.memory_space<vmem>>
    %dma_wait3A_536 = tpu.memref_squeeze %dma_wait3A_535 : memref<1x128xi32, #tpu.memory_space<vmem>> -> memref<128xi32, #tpu.memory_space<vmem>>
    %dma_wait3A_537 = arith.constant 0 : i32
    %dma_wait3A_538 = tpu.memref_slice %arg8[%dma_wait3A_537] : memref<10240xf32, #tpu.memory_space<vmem_shared>> -> memref<10240xf32, #tpu.memory_space<vmem_shared>>
    tpu.wait_indirect_dma semaphore(%arg9 : memref<!tpu.dma_semaphore, #tpu.memory_space<semaphore_mem>>) src(%arg7 : memref<128xf32, #tpu.memory_space<vmem>>) dst(%dma_wait3A_538 : memref<10240xf32, #tpu.memory_space<vmem_shared>>)
    %dma_wait3A_539 = arith.constant 9 : i32
    %dma_wait3A_540 = arith.constant 0 : i32
    %dma_wait3A_541 = tpu.memref_slice %arg6[%dma_wait3A_539, %dma_wait3A_540] : memref<80x128xi32, #tpu.memory_space<vmem>> -> memref<1x128xi32, #tpu.memory_space<vmem>>
    %dma_wait3A_542 = tpu.memref_squeeze %dma_wait3A_541 : memref<1x128xi32, #tpu.memory_space<vmem>> -> memref<128xi32, #tpu.memory_space<vmem>>
    %dma_wait3A_543 = arith.constant 0 : i32
    %dma_wait3A_544 = tpu.memref_slice %arg8[%dma_wait3A_543] : memref<10240xf32, #tpu.memory_space<vmem_shared>> -> memref<10240xf32, #tpu.memory_space<vmem_shared>>
    tpu.wait_indirect_dma semaphore(%arg9 : memref<!tpu.dma_semaphore, #tpu.memory_space<semaphore_mem>>) src(%arg7 : memref<128xf32, #tpu.memory_space<vmem>>) dst(%dma_wait3A_544 : memref<10240xf32, #tpu.memory_space<vmem_shared>>)
    %dma_wait3A_545 = arith.constant 10 : i32
    %dma_wait3A_546 = arith.constant 0 : i32
    %dma_wait3A_547 = tpu.memref_slice %arg6[%dma_wait3A_545, %dma_wait3A_546] : memref<80x128xi32, #tpu.memory_space<vmem>> -> memref<1x128xi32, #tpu.memory_space<vmem>>
    %dma_wait3A_548 = tpu.memref_squeeze %dma_wait3A_547 : memref<1x128xi32, #tpu.memory_space<vmem>> -> memref<128xi32, #tpu.memory_space<vmem>>
    %dma_wait3A_549 = arith.constant 0 : i32
    %dma_wait3A_550 = tpu.memref_slice %arg8[%dma_wait3A_549] : memref<10240xf32, #tpu.memory_space<vmem_shared>> -> memref<10240xf32, #tpu.memory_space<vmem_shared>>
    tpu.wait_indirect_dma semaphore(%arg9 : memref<!tpu.dma_semaphore, #tpu.memory_space<semaphore_mem>>) src(%arg7 : memref<128xf32, #tpu.memory_space<vmem>>) dst(%dma_wait3A_550 : memref<10240xf32, #tpu.memory_space<vmem_shared>>)
    %dma_wait3A_551 = arith.constant 11 : i32
    %dma_wait3A_552 = arith.constant 0 : i32
    %dma_wait3A_553 = tpu.memref_slice %arg6[%dma_wait3A_551, %dma_wait3A_552] : memref<80x128xi32, #tpu.memory_space<vmem>> -> memref<1x128xi32, #tpu.memory_space<vmem>>
    %dma_wait3A_554 = tpu.memref_squeeze %dma_wait3A_553 : memref<1x128xi32, #tpu.memory_space<vmem>> -> memref<128xi32, #tpu.memory_space<vmem>>
    %dma_wait3A_555 = arith.constant 0 : i32
    %dma_wait3A_556 = tpu.memref_slice %arg8[%dma_wait3A_555] : memref<10240xf32, #tpu.memory_space<vmem_shared>> -> memref<10240xf32, #tpu.memory_space<vmem_shared>>
    tpu.wait_indirect_dma semaphore(%arg9 : memref<!tpu.dma_semaphore, #tpu.memory_space<semaphore_mem>>) src(%arg7 : memref<128xf32, #tpu.memory_space<vmem>>) dst(%dma_wait3A_556 : memref<10240xf32, #tpu.memory_space<vmem_shared>>)
    %dma_wait3A_557 = arith.constant 12 : i32
    %dma_wait3A_558 = arith.constant 0 : i32
    %dma_wait3A_559 = tpu.memref_slice %arg6[%dma_wait3A_557, %dma_wait3A_558] : memref<80x128xi32, #tpu.memory_space<vmem>> -> memref<1x128xi32, #tpu.memory_space<vmem>>
    %dma_wait3A_560 = tpu.memref_squeeze %dma_wait3A_559 : memref<1x128xi32, #tpu.memory_space<vmem>> -> memref<128xi32, #tpu.memory_space<vmem>>
    %dma_wait3A_561 = arith.constant 0 : i32
    %dma_wait3A_562 = tpu.memref_slice %arg8[%dma_wait3A_561] : memref<10240xf32, #tpu.memory_space<vmem_shared>> -> memref<10240xf32, #tpu.memory_space<vmem_shared>>
    tpu.wait_indirect_dma semaphore(%arg9 : memref<!tpu.dma_semaphore, #tpu.memory_space<semaphore_mem>>) src(%arg7 : memref<128xf32, #tpu.memory_space<vmem>>) dst(%dma_wait3A_562 : memref<10240xf32, #tpu.memory_space<vmem_shared>>)
    %dma_wait3A_563 = arith.constant 13 : i32
    %dma_wait3A_564 = arith.constant 0 : i32
    %dma_wait3A_565 = tpu.memref_slice %arg6[%dma_wait3A_563, %dma_wait3A_564] : memref<80x128xi32, #tpu.memory_space<vmem>> -> memref<1x128xi32, #tpu.memory_space<vmem>>
    %dma_wait3A_566 = tpu.memref_squeeze %dma_wait3A_565 : memref<1x128xi32, #tpu.memory_space<vmem>> -> memref<128xi32, #tpu.memory_space<vmem>>
    %dma_wait3A_567 = arith.constant 0 : i32
    %dma_wait3A_568 = tpu.memref_slice %arg8[%dma_wait3A_567] : memref<10240xf32, #tpu.memory_space<vmem_shared>> -> memref<10240xf32, #tpu.memory_space<vmem_shared>>
    tpu.wait_indirect_dma semaphore(%arg9 : memref<!tpu.dma_semaphore, #tpu.memory_space<semaphore_mem>>) src(%arg7 : memref<128xf32, #tpu.memory_space<vmem>>) dst(%dma_wait3A_568 : memref<10240xf32, #tpu.memory_space<vmem_shared>>)
    %dma_wait3A_569 = arith.constant 14 : i32
    %dma_wait3A_570 = arith.constant 0 : i32
    %dma_wait3A_571 = tpu.memref_slice %arg6[%dma_wait3A_569, %dma_wait3A_570] : memref<80x128xi32, #tpu.memory_space<vmem>> -> memref<1x128xi32, #tpu.memory_space<vmem>>
    %dma_wait3A_572 = tpu.memref_squeeze %dma_wait3A_571 : memref<1x128xi32, #tpu.memory_space<vmem>> -> memref<128xi32, #tpu.memory_space<vmem>>
    %dma_wait3A_573 = arith.constant 0 : i32
    %dma_wait3A_574 = tpu.memref_slice %arg8[%dma_wait3A_573] : memref<10240xf32, #tpu.memory_space<vmem_shared>> -> memref<10240xf32, #tpu.memory_space<vmem_shared>>
    tpu.wait_indirect_dma semaphore(%arg9 : memref<!tpu.dma_semaphore, #tpu.memory_space<semaphore_mem>>) src(%arg7 : memref<128xf32, #tpu.memory_space<vmem>>) dst(%dma_wait3A_574 : memref<10240xf32, #tpu.memory_space<vmem_shared>>)
    %dma_wait3A_575 = arith.constant 15 : i32
    %dma_wait3A_576 = arith.constant 0 : i32
    %dma_wait3A_577 = tpu.memref_slice %arg6[%dma_wait3A_575, %dma_wait3A_576] : memref<80x128xi32, #tpu.memory_space<vmem>> -> memref<1x128xi32, #tpu.memory_space<vmem>>
    %dma_wait3A_578 = tpu.memref_squeeze %dma_wait3A_577 : memref<1x128xi32, #tpu.memory_space<vmem>> -> memref<128xi32, #tpu.memory_space<vmem>>
    %dma_wait3A_579 = arith.constant 0 : i32
    %dma_wait3A_580 = tpu.memref_slice %arg8[%dma_wait3A_579] : memref<10240xf32, #tpu.memory_space<vmem_shared>> -> memref<10240xf32, #tpu.memory_space<vmem_shared>>
    tpu.wait_indirect_dma semaphore(%arg9 : memref<!tpu.dma_semaphore, #tpu.memory_space<semaphore_mem>>) src(%arg7 : memref<128xf32, #tpu.memory_space<vmem>>) dst(%dma_wait3A_580 : memref<10240xf32, #tpu.memory_space<vmem_shared>>)
    %dma_wait3A_581 = arith.constant 16 : i32
    %dma_wait3A_582 = arith.constant 0 : i32
    %dma_wait3A_583 = tpu.memref_slice %arg6[%dma_wait3A_581, %dma_wait3A_582] : memref<80x128xi32, #tpu.memory_space<vmem>> -> memref<1x128xi32, #tpu.memory_space<vmem>>
    %dma_wait3A_584 = tpu.memref_squeeze %dma_wait3A_583 : memref<1x128xi32, #tpu.memory_space<vmem>> -> memref<128xi32, #tpu.memory_space<vmem>>
    %dma_wait3A_585 = arith.constant 0 : i32
    %dma_wait3A_586 = tpu.memref_slice %arg8[%dma_wait3A_585] : memref<10240xf32, #tpu.memory_space<vmem_shared>> -> memref<10240xf32, #tpu.memory_space<vmem_shared>>
    tpu.wait_indirect_dma semaphore(%arg9 : memref<!tpu.dma_semaphore, #tpu.memory_space<semaphore_mem>>) src(%arg7 : memref<128xf32, #tpu.memory_space<vmem>>) dst(%dma_wait3A_586 : memref<10240xf32, #tpu.memory_space<vmem_shared>>)
    %dma_wait3A_587 = arith.constant 17 : i32
    %dma_wait3A_588 = arith.constant 0 : i32
    %dma_wait3A_589 = tpu.memref_slice %arg6[%dma_wait3A_587, %dma_wait3A_588] : memref<80x128xi32, #tpu.memory_space<vmem>> -> memref<1x128xi32, #tpu.memory_space<vmem>>
    %dma_wait3A_590 = tpu.memref_squeeze %dma_wait3A_589 : memref<1x128xi32, #tpu.memory_space<vmem>> -> memref<128xi32, #tpu.memory_space<vmem>>
    %dma_wait3A_591 = arith.constant 0 : i32
    %dma_wait3A_592 = tpu.memref_slice %arg8[%dma_wait3A_591] : memref<10240xf32, #tpu.memory_space<vmem_shared>> -> memref<10240xf32, #tpu.memory_space<vmem_shared>>
    tpu.wait_indirect_dma semaphore(%arg9 : memref<!tpu.dma_semaphore, #tpu.memory_space<semaphore_mem>>) src(%arg7 : memref<128xf32, #tpu.memory_space<vmem>>) dst(%dma_wait3A_592 : memref<10240xf32, #tpu.memory_space<vmem_shared>>)
    %dma_wait3A_593 = arith.constant 18 : i32
    %dma_wait3A_594 = arith.constant 0 : i32
    %dma_wait3A_595 = tpu.memref_slice %arg6[%dma_wait3A_593, %dma_wait3A_594] : memref<80x128xi32, #tpu.memory_space<vmem>> -> memref<1x128xi32, #tpu.memory_space<vmem>>
    %dma_wait3A_596 = tpu.memref_squeeze %dma_wait3A_595 : memref<1x128xi32, #tpu.memory_space<vmem>> -> memref<128xi32, #tpu.memory_space<vmem>>
    %dma_wait3A_597 = arith.constant 0 : i32
    %dma_wait3A_598 = tpu.memref_slice %arg8[%dma_wait3A_597] : memref<10240xf32, #tpu.memory_space<vmem_shared>> -> memref<10240xf32, #tpu.memory_space<vmem_shared>>
    tpu.wait_indirect_dma semaphore(%arg9 : memref<!tpu.dma_semaphore, #tpu.memory_space<semaphore_mem>>) src(%arg7 : memref<128xf32, #tpu.memory_space<vmem>>) dst(%dma_wait3A_598 : memref<10240xf32, #tpu.memory_space<vmem_shared>>)
    %dma_wait3A_599 = arith.constant 19 : i32
    %dma_wait3A_600 = arith.constant 0 : i32
    %dma_wait3A_601 = tpu.memref_slice %arg6[%dma_wait3A_599, %dma_wait3A_600] : memref<80x128xi32, #tpu.memory_space<vmem>> -> memref<1x128xi32, #tpu.memory_space<vmem>>
    %dma_wait3A_602 = tpu.memref_squeeze %dma_wait3A_601 : memref<1x128xi32, #tpu.memory_space<vmem>> -> memref<128xi32, #tpu.memory_space<vmem>>
    %dma_wait3A_603 = arith.constant 0 : i32
    %dma_wait3A_604 = tpu.memref_slice %arg8[%dma_wait3A_603] : memref<10240xf32, #tpu.memory_space<vmem_shared>> -> memref<10240xf32, #tpu.memory_space<vmem_shared>>
    tpu.wait_indirect_dma semaphore(%arg9 : memref<!tpu.dma_semaphore, #tpu.memory_space<semaphore_mem>>) src(%arg7 : memref<128xf32, #tpu.memory_space<vmem>>) dst(%dma_wait3A_604 : memref<10240xf32, #tpu.memory_space<vmem_shared>>)
    %dma_wait3A_605 = arith.constant 20 : i32
    %dma_wait3A_606 = arith.constant 0 : i32
    %dma_wait3A_607 = tpu.memref_slice %arg6[%dma_wait3A_605, %dma_wait3A_606] : memref<80x128xi32, #tpu.memory_space<vmem>> -> memref<1x128xi32, #tpu.memory_space<vmem>>
    %dma_wait3A_608 = tpu.memref_squeeze %dma_wait3A_607 : memref<1x128xi32, #tpu.memory_space<vmem>> -> memref<128xi32, #tpu.memory_space<vmem>>
    %dma_wait3A_609 = arith.constant 0 : i32
    %dma_wait3A_610 = tpu.memref_slice %arg8[%dma_wait3A_609] : memref<10240xf32, #tpu.memory_space<vmem_shared>> -> memref<10240xf32, #tpu.memory_space<vmem_shared>>
    tpu.wait_indirect_dma semaphore(%arg9 : memref<!tpu.dma_semaphore, #tpu.memory_space<semaphore_mem>>) src(%arg7 : memref<128xf32, #tpu.memory_space<vmem>>) dst(%dma_wait3A_610 : memref<10240xf32, #tpu.memory_space<vmem_shared>>)
    %dma_wait3A_611 = arith.constant 21 : i32
    %dma_wait3A_612 = arith.constant 0 : i32
    %dma_wait3A_613 = tpu.memref_slice %arg6[%dma_wait3A_611, %dma_wait3A_612] : memref<80x128xi32, #tpu.memory_space<vmem>> -> memref<1x128xi32, #tpu.memory_space<vmem>>
    %dma_wait3A_614 = tpu.memref_squeeze %dma_wait3A_613 : memref<1x128xi32, #tpu.memory_space<vmem>> -> memref<128xi32, #tpu.memory_space<vmem>>
    %dma_wait3A_615 = arith.constant 0 : i32
    %dma_wait3A_616 = tpu.memref_slice %arg8[%dma_wait3A_615] : memref<10240xf32, #tpu.memory_space<vmem_shared>> -> memref<10240xf32, #tpu.memory_space<vmem_shared>>
    tpu.wait_indirect_dma semaphore(%arg9 : memref<!tpu.dma_semaphore, #tpu.memory_space<semaphore_mem>>) src(%arg7 : memref<128xf32, #tpu.memory_space<vmem>>) dst(%dma_wait3A_616 : memref<10240xf32, #tpu.memory_space<vmem_shared>>)
    %dma_wait3A_617 = arith.constant 22 : i32
    %dma_wait3A_618 = arith.constant 0 : i32
    %dma_wait3A_619 = tpu.memref_slice %arg6[%dma_wait3A_617, %dma_wait3A_618] : memref<80x128xi32, #tpu.memory_space<vmem>> -> memref<1x128xi32, #tpu.memory_space<vmem>>
    %dma_wait3A_620 = tpu.memref_squeeze %dma_wait3A_619 : memref<1x128xi32, #tpu.memory_space<vmem>> -> memref<128xi32, #tpu.memory_space<vmem>>
    %dma_wait3A_621 = arith.constant 0 : i32
    %dma_wait3A_622 = tpu.memref_slice %arg8[%dma_wait3A_621] : memref<10240xf32, #tpu.memory_space<vmem_shared>> -> memref<10240xf32, #tpu.memory_space<vmem_shared>>
    tpu.wait_indirect_dma semaphore(%arg9 : memref<!tpu.dma_semaphore, #tpu.memory_space<semaphore_mem>>) src(%arg7 : memref<128xf32, #tpu.memory_space<vmem>>) dst(%dma_wait3A_622 : memref<10240xf32, #tpu.memory_space<vmem_shared>>)
    %dma_wait3A_623 = arith.constant 23 : i32
    %dma_wait3A_624 = arith.constant 0 : i32
    %dma_wait3A_625 = tpu.memref_slice %arg6[%dma_wait3A_623, %dma_wait3A_624] : memref<80x128xi32, #tpu.memory_space<vmem>> -> memref<1x128xi32, #tpu.memory_space<vmem>>
    %dma_wait3A_626 = tpu.memref_squeeze %dma_wait3A_625 : memref<1x128xi32, #tpu.memory_space<vmem>> -> memref<128xi32, #tpu.memory_space<vmem>>
    %dma_wait3A_627 = arith.constant 0 : i32
    %dma_wait3A_628 = tpu.memref_slice %arg8[%dma_wait3A_627] : memref<10240xf32, #tpu.memory_space<vmem_shared>> -> memref<10240xf32, #tpu.memory_space<vmem_shared>>
    tpu.wait_indirect_dma semaphore(%arg9 : memref<!tpu.dma_semaphore, #tpu.memory_space<semaphore_mem>>) src(%arg7 : memref<128xf32, #tpu.memory_space<vmem>>) dst(%dma_wait3A_628 : memref<10240xf32, #tpu.memory_space<vmem_shared>>)
    %dma_wait3A_629 = arith.constant 24 : i32
    %dma_wait3A_630 = arith.constant 0 : i32
    %dma_wait3A_631 = tpu.memref_slice %arg6[%dma_wait3A_629, %dma_wait3A_630] : memref<80x128xi32, #tpu.memory_space<vmem>> -> memref<1x128xi32, #tpu.memory_space<vmem>>
    %dma_wait3A_632 = tpu.memref_squeeze %dma_wait3A_631 : memref<1x128xi32, #tpu.memory_space<vmem>> -> memref<128xi32, #tpu.memory_space<vmem>>
    %dma_wait3A_633 = arith.constant 0 : i32
    %dma_wait3A_634 = tpu.memref_slice %arg8[%dma_wait3A_633] : memref<10240xf32, #tpu.memory_space<vmem_shared>> -> memref<10240xf32, #tpu.memory_space<vmem_shared>>
    tpu.wait_indirect_dma semaphore(%arg9 : memref<!tpu.dma_semaphore, #tpu.memory_space<semaphore_mem>>) src(%arg7 : memref<128xf32, #tpu.memory_space<vmem>>) dst(%dma_wait3A_634 : memref<10240xf32, #tpu.memory_space<vmem_shared>>)
    %dma_wait3A_635 = arith.constant 25 : i32
    %dma_wait3A_636 = arith.constant 0 : i32
    %dma_wait3A_637 = tpu.memref_slice %arg6[%dma_wait3A_635, %dma_wait3A_636] : memref<80x128xi32, #tpu.memory_space<vmem>> -> memref<1x128xi32, #tpu.memory_space<vmem>>
    %dma_wait3A_638 = tpu.memref_squeeze %dma_wait3A_637 : memref<1x128xi32, #tpu.memory_space<vmem>> -> memref<128xi32, #tpu.memory_space<vmem>>
    %dma_wait3A_639 = arith.constant 0 : i32
    %dma_wait3A_640 = tpu.memref_slice %arg8[%dma_wait3A_639] : memref<10240xf32, #tpu.memory_space<vmem_shared>> -> memref<10240xf32, #tpu.memory_space<vmem_shared>>
    tpu.wait_indirect_dma semaphore(%arg9 : memref<!tpu.dma_semaphore, #tpu.memory_space<semaphore_mem>>) src(%arg7 : memref<128xf32, #tpu.memory_space<vmem>>) dst(%dma_wait3A_640 : memref<10240xf32, #tpu.memory_space<vmem_shared>>)
    %dma_wait3A_641 = arith.constant 26 : i32
    %dma_wait3A_642 = arith.constant 0 : i32
    %dma_wait3A_643 = tpu.memref_slice %arg6[%dma_wait3A_641, %dma_wait3A_642] : memref<80x128xi32, #tpu.memory_space<vmem>> -> memref<1x128xi32, #tpu.memory_space<vmem>>
    %dma_wait3A_644 = tpu.memref_squeeze %dma_wait3A_643 : memref<1x128xi32, #tpu.memory_space<vmem>> -> memref<128xi32, #tpu.memory_space<vmem>>
    %dma_wait3A_645 = arith.constant 0 : i32
    %dma_wait3A_646 = tpu.memref_slice %arg8[%dma_wait3A_645] : memref<10240xf32, #tpu.memory_space<vmem_shared>> -> memref<10240xf32, #tpu.memory_space<vmem_shared>>
    tpu.wait_indirect_dma semaphore(%arg9 : memref<!tpu.dma_semaphore, #tpu.memory_space<semaphore_mem>>) src(%arg7 : memref<128xf32, #tpu.memory_space<vmem>>) dst(%dma_wait3A_646 : memref<10240xf32, #tpu.memory_space<vmem_shared>>)
    %dma_wait3A_647 = arith.constant 27 : i32
    %dma_wait3A_648 = arith.constant 0 : i32
    %dma_wait3A_649 = tpu.memref_slice %arg6[%dma_wait3A_647, %dma_wait3A_648] : memref<80x128xi32, #tpu.memory_space<vmem>> -> memref<1x128xi32, #tpu.memory_space<vmem>>
    %dma_wait3A_650 = tpu.memref_squeeze %dma_wait3A_649 : memref<1x128xi32, #tpu.memory_space<vmem>> -> memref<128xi32, #tpu.memory_space<vmem>>
    %dma_wait3A_651 = arith.constant 0 : i32
    %dma_wait3A_652 = tpu.memref_slice %arg8[%dma_wait3A_651] : memref<10240xf32, #tpu.memory_space<vmem_shared>> -> memref<10240xf32, #tpu.memory_space<vmem_shared>>
    tpu.wait_indirect_dma semaphore(%arg9 : memref<!tpu.dma_semaphore, #tpu.memory_space<semaphore_mem>>) src(%arg7 : memref<128xf32, #tpu.memory_space<vmem>>) dst(%dma_wait3A_652 : memref<10240xf32, #tpu.memory_space<vmem_shared>>)
    %dma_wait3A_653 = arith.constant 28 : i32
    %dma_wait3A_654 = arith.constant 0 : i32
    %dma_wait3A_655 = tpu.memref_slice %arg6[%dma_wait3A_653, %dma_wait3A_654] : memref<80x128xi32, #tpu.memory_space<vmem>> -> memref<1x128xi32, #tpu.memory_space<vmem>>
    %dma_wait3A_656 = tpu.memref_squeeze %dma_wait3A_655 : memref<1x128xi32, #tpu.memory_space<vmem>> -> memref<128xi32, #tpu.memory_space<vmem>>
    %dma_wait3A_657 = arith.constant 0 : i32
    %dma_wait3A_658 = tpu.memref_slice %arg8[%dma_wait3A_657] : memref<10240xf32, #tpu.memory_space<vmem_shared>> -> memref<10240xf32, #tpu.memory_space<vmem_shared>>
    tpu.wait_indirect_dma semaphore(%arg9 : memref<!tpu.dma_semaphore, #tpu.memory_space<semaphore_mem>>) src(%arg7 : memref<128xf32, #tpu.memory_space<vmem>>) dst(%dma_wait3A_658 : memref<10240xf32, #tpu.memory_space<vmem_shared>>)
    %dma_wait3A_659 = arith.constant 29 : i32
    %dma_wait3A_660 = arith.constant 0 : i32
    %dma_wait3A_661 = tpu.memref_slice %arg6[%dma_wait3A_659, %dma_wait3A_660] : memref<80x128xi32, #tpu.memory_space<vmem>> -> memref<1x128xi32, #tpu.memory_space<vmem>>
    %dma_wait3A_662 = tpu.memref_squeeze %dma_wait3A_661 : memref<1x128xi32, #tpu.memory_space<vmem>> -> memref<128xi32, #tpu.memory_space<vmem>>
    %dma_wait3A_663 = arith.constant 0 : i32
    %dma_wait3A_664 = tpu.memref_slice %arg8[%dma_wait3A_663] : memref<10240xf32, #tpu.memory_space<vmem_shared>> -> memref<10240xf32, #tpu.memory_space<vmem_shared>>
    tpu.wait_indirect_dma semaphore(%arg9 : memref<!tpu.dma_semaphore, #tpu.memory_space<semaphore_mem>>) src(%arg7 : memref<128xf32, #tpu.memory_space<vmem>>) dst(%dma_wait3A_664 : memref<10240xf32, #tpu.memory_space<vmem_shared>>)
    %dma_wait3A_665 = arith.constant 30 : i32
    %dma_wait3A_666 = arith.constant 0 : i32
    %dma_wait3A_667 = tpu.memref_slice %arg6[%dma_wait3A_665, %dma_wait3A_666] : memref<80x128xi32, #tpu.memory_space<vmem>> -> memref<1x128xi32, #tpu.memory_space<vmem>>
    %dma_wait3A_668 = tpu.memref_squeeze %dma_wait3A_667 : memref<1x128xi32, #tpu.memory_space<vmem>> -> memref<128xi32, #tpu.memory_space<vmem>>
    %dma_wait3A_669 = arith.constant 0 : i32
    %dma_wait3A_670 = tpu.memref_slice %arg8[%dma_wait3A_669] : memref<10240xf32, #tpu.memory_space<vmem_shared>> -> memref<10240xf32, #tpu.memory_space<vmem_shared>>
    tpu.wait_indirect_dma semaphore(%arg9 : memref<!tpu.dma_semaphore, #tpu.memory_space<semaphore_mem>>) src(%arg7 : memref<128xf32, #tpu.memory_space<vmem>>) dst(%dma_wait3A_670 : memref<10240xf32, #tpu.memory_space<vmem_shared>>)
    %dma_wait3A_671 = arith.constant 31 : i32
    %dma_wait3A_672 = arith.constant 0 : i32
    %dma_wait3A_673 = tpu.memref_slice %arg6[%dma_wait3A_671, %dma_wait3A_672] : memref<80x128xi32, #tpu.memory_space<vmem>> -> memref<1x128xi32, #tpu.memory_space<vmem>>
    %dma_wait3A_674 = tpu.memref_squeeze %dma_wait3A_673 : memref<1x128xi32, #tpu.memory_space<vmem>> -> memref<128xi32, #tpu.memory_space<vmem>>
    %dma_wait3A_675 = arith.constant 0 : i32
    %dma_wait3A_676 = tpu.memref_slice %arg8[%dma_wait3A_675] : memref<10240xf32, #tpu.memory_space<vmem_shared>> -> memref<10240xf32, #tpu.memory_space<vmem_shared>>
    tpu.wait_indirect_dma semaphore(%arg9 : memref<!tpu.dma_semaphore, #tpu.memory_space<semaphore_mem>>) src(%arg7 : memref<128xf32, #tpu.memory_space<vmem>>) dst(%dma_wait3A_676 : memref<10240xf32, #tpu.memory_space<vmem_shared>>)
    %dma_wait3A_677 = arith.constant 32 : i32
    %dma_wait3A_678 = arith.constant 0 : i32
    %dma_wait3A_679 = tpu.memref_slice %arg6[%dma_wait3A_677, %dma_wait3A_678] : memref<80x128xi32, #tpu.memory_space<vmem>> -> memref<1x128xi32, #tpu.memory_space<vmem>>
    %dma_wait3A_680 = tpu.memref_squeeze %dma_wait3A_679 : memref<1x128xi32, #tpu.memory_space<vmem>> -> memref<128xi32, #tpu.memory_space<vmem>>
    %dma_wait3A_681 = arith.constant 0 : i32
    %dma_wait3A_682 = tpu.memref_slice %arg8[%dma_wait3A_681] : memref<10240xf32, #tpu.memory_space<vmem_shared>> -> memref<10240xf32, #tpu.memory_space<vmem_shared>>
    tpu.wait_indirect_dma semaphore(%arg9 : memref<!tpu.dma_semaphore, #tpu.memory_space<semaphore_mem>>) src(%arg7 : memref<128xf32, #tpu.memory_space<vmem>>) dst(%dma_wait3A_682 : memref<10240xf32, #tpu.memory_space<vmem_shared>>)
    %dma_wait3A_683 = arith.constant 33 : i32
    %dma_wait3A_684 = arith.constant 0 : i32
    %dma_wait3A_685 = tpu.memref_slice %arg6[%dma_wait3A_683, %dma_wait3A_684] : memref<80x128xi32, #tpu.memory_space<vmem>> -> memref<1x128xi32, #tpu.memory_space<vmem>>
    %dma_wait3A_686 = tpu.memref_squeeze %dma_wait3A_685 : memref<1x128xi32, #tpu.memory_space<vmem>> -> memref<128xi32, #tpu.memory_space<vmem>>
    %dma_wait3A_687 = arith.constant 0 : i32
    %dma_wait3A_688 = tpu.memref_slice %arg8[%dma_wait3A_687] : memref<10240xf32, #tpu.memory_space<vmem_shared>> -> memref<10240xf32, #tpu.memory_space<vmem_shared>>
    tpu.wait_indirect_dma semaphore(%arg9 : memref<!tpu.dma_semaphore, #tpu.memory_space<semaphore_mem>>) src(%arg7 : memref<128xf32, #tpu.memory_space<vmem>>) dst(%dma_wait3A_688 : memref<10240xf32, #tpu.memory_space<vmem_shared>>)
    %dma_wait3A_689 = arith.constant 34 : i32
    %dma_wait3A_690 = arith.constant 0 : i32
    %dma_wait3A_691 = tpu.memref_slice %arg6[%dma_wait3A_689, %dma_wait3A_690] : memref<80x128xi32, #tpu.memory_space<vmem>> -> memref<1x128xi32, #tpu.memory_space<vmem>>
    %dma_wait3A_692 = tpu.memref_squeeze %dma_wait3A_691 : memref<1x128xi32, #tpu.memory_space<vmem>> -> memref<128xi32, #tpu.memory_space<vmem>>
    %dma_wait3A_693 = arith.constant 0 : i32
    %dma_wait3A_694 = tpu.memref_slice %arg8[%dma_wait3A_693] : memref<10240xf32, #tpu.memory_space<vmem_shared>> -> memref<10240xf32, #tpu.memory_space<vmem_shared>>
    tpu.wait_indirect_dma semaphore(%arg9 : memref<!tpu.dma_semaphore, #tpu.memory_space<semaphore_mem>>) src(%arg7 : memref<128xf32, #tpu.memory_space<vmem>>) dst(%dma_wait3A_694 : memref<10240xf32, #tpu.memory_space<vmem_shared>>)
    %dma_wait3A_695 = arith.constant 35 : i32
    %dma_wait3A_696 = arith.constant 0 : i32
    %dma_wait3A_697 = tpu.memref_slice %arg6[%dma_wait3A_695, %dma_wait3A_696] : memref<80x128xi32, #tpu.memory_space<vmem>> -> memref<1x128xi32, #tpu.memory_space<vmem>>
    %dma_wait3A_698 = tpu.memref_squeeze %dma_wait3A_697 : memref<1x128xi32, #tpu.memory_space<vmem>> -> memref<128xi32, #tpu.memory_space<vmem>>
    %dma_wait3A_699 = arith.constant 0 : i32
    %dma_wait3A_700 = tpu.memref_slice %arg8[%dma_wait3A_699] : memref<10240xf32, #tpu.memory_space<vmem_shared>> -> memref<10240xf32, #tpu.memory_space<vmem_shared>>
    tpu.wait_indirect_dma semaphore(%arg9 : memref<!tpu.dma_semaphore, #tpu.memory_space<semaphore_mem>>) src(%arg7 : memref<128xf32, #tpu.memory_space<vmem>>) dst(%dma_wait3A_700 : memref<10240xf32, #tpu.memory_space<vmem_shared>>)
    %dma_wait3A_701 = arith.constant 36 : i32
    %dma_wait3A_702 = arith.constant 0 : i32
    %dma_wait3A_703 = tpu.memref_slice %arg6[%dma_wait3A_701, %dma_wait3A_702] : memref<80x128xi32, #tpu.memory_space<vmem>> -> memref<1x128xi32, #tpu.memory_space<vmem>>
    %dma_wait3A_704 = tpu.memref_squeeze %dma_wait3A_703 : memref<1x128xi32, #tpu.memory_space<vmem>> -> memref<128xi32, #tpu.memory_space<vmem>>
    %dma_wait3A_705 = arith.constant 0 : i32
    %dma_wait3A_706 = tpu.memref_slice %arg8[%dma_wait3A_705] : memref<10240xf32, #tpu.memory_space<vmem_shared>> -> memref<10240xf32, #tpu.memory_space<vmem_shared>>
    tpu.wait_indirect_dma semaphore(%arg9 : memref<!tpu.dma_semaphore, #tpu.memory_space<semaphore_mem>>) src(%arg7 : memref<128xf32, #tpu.memory_space<vmem>>) dst(%dma_wait3A_706 : memref<10240xf32, #tpu.memory_space<vmem_shared>>)
    %dma_wait3A_707 = arith.constant 37 : i32
    %dma_wait3A_708 = arith.constant 0 : i32
    %dma_wait3A_709 = tpu.memref_slice %arg6[%dma_wait3A_707, %dma_wait3A_708] : memref<80x128xi32, #tpu.memory_space<vmem>> -> memref<1x128xi32, #tpu.memory_space<vmem>>
    %dma_wait3A_710 = tpu.memref_squeeze %dma_wait3A_709 : memref<1x128xi32, #tpu.memory_space<vmem>> -> memref<128xi32, #tpu.memory_space<vmem>>
    %dma_wait3A_711 = arith.constant 0 : i32
    %dma_wait3A_712 = tpu.memref_slice %arg8[%dma_wait3A_711] : memref<10240xf32, #tpu.memory_space<vmem_shared>> -> memref<10240xf32, #tpu.memory_space<vmem_shared>>
    tpu.wait_indirect_dma semaphore(%arg9 : memref<!tpu.dma_semaphore, #tpu.memory_space<semaphore_mem>>) src(%arg7 : memref<128xf32, #tpu.memory_space<vmem>>) dst(%dma_wait3A_712 : memref<10240xf32, #tpu.memory_space<vmem_shared>>)
    %dma_wait3A_713 = arith.constant 38 : i32
    %dma_wait3A_714 = arith.constant 0 : i32
    %dma_wait3A_715 = tpu.memref_slice %arg6[%dma_wait3A_713, %dma_wait3A_714] : memref<80x128xi32, #tpu.memory_space<vmem>> -> memref<1x128xi32, #tpu.memory_space<vmem>>
    %dma_wait3A_716 = tpu.memref_squeeze %dma_wait3A_715 : memref<1x128xi32, #tpu.memory_space<vmem>> -> memref<128xi32, #tpu.memory_space<vmem>>
    %dma_wait3A_717 = arith.constant 0 : i32
    %dma_wait3A_718 = tpu.memref_slice %arg8[%dma_wait3A_717] : memref<10240xf32, #tpu.memory_space<vmem_shared>> -> memref<10240xf32, #tpu.memory_space<vmem_shared>>
    tpu.wait_indirect_dma semaphore(%arg9 : memref<!tpu.dma_semaphore, #tpu.memory_space<semaphore_mem>>) src(%arg7 : memref<128xf32, #tpu.memory_space<vmem>>) dst(%dma_wait3A_718 : memref<10240xf32, #tpu.memory_space<vmem_shared>>)
    %dma_wait3A_719 = arith.constant 39 : i32
    %dma_wait3A_720 = arith.constant 0 : i32
    %dma_wait3A_721 = tpu.memref_slice %arg6[%dma_wait3A_719, %dma_wait3A_720] : memref<80x128xi32, #tpu.memory_space<vmem>> -> memref<1x128xi32, #tpu.memory_space<vmem>>
    %dma_wait3A_722 = tpu.memref_squeeze %dma_wait3A_721 : memref<1x128xi32, #tpu.memory_space<vmem>> -> memref<128xi32, #tpu.memory_space<vmem>>
    %dma_wait3A_723 = arith.constant 0 : i32
    %dma_wait3A_724 = tpu.memref_slice %arg8[%dma_wait3A_723] : memref<10240xf32, #tpu.memory_space<vmem_shared>> -> memref<10240xf32, #tpu.memory_space<vmem_shared>>
    tpu.wait_indirect_dma semaphore(%arg9 : memref<!tpu.dma_semaphore, #tpu.memory_space<semaphore_mem>>) src(%arg7 : memref<128xf32, #tpu.memory_space<vmem>>) dst(%dma_wait3A_724 : memref<10240xf32, #tpu.memory_space<vmem_shared>>)
    %dma_wait3A_725 = arith.constant 40 : i32
    %dma_wait3A_726 = arith.constant 0 : i32
    %dma_wait3A_727 = tpu.memref_slice %arg6[%dma_wait3A_725, %dma_wait3A_726] : memref<80x128xi32, #tpu.memory_space<vmem>> -> memref<1x128xi32, #tpu.memory_space<vmem>>
    %dma_wait3A_728 = tpu.memref_squeeze %dma_wait3A_727 : memref<1x128xi32, #tpu.memory_space<vmem>> -> memref<128xi32, #tpu.memory_space<vmem>>
    %dma_wait3A_729 = arith.constant 0 : i32
    %dma_wait3A_730 = tpu.memref_slice %arg8[%dma_wait3A_729] : memref<10240xf32, #tpu.memory_space<vmem_shared>> -> memref<10240xf32, #tpu.memory_space<vmem_shared>>
    tpu.wait_indirect_dma semaphore(%arg9 : memref<!tpu.dma_semaphore, #tpu.memory_space<semaphore_mem>>) src(%arg7 : memref<128xf32, #tpu.memory_space<vmem>>) dst(%dma_wait3A_730 : memref<10240xf32, #tpu.memory_space<vmem_shared>>)
    %dma_wait3A_731 = arith.constant 41 : i32
    %dma_wait3A_732 = arith.constant 0 : i32
    %dma_wait3A_733 = tpu.memref_slice %arg6[%dma_wait3A_731, %dma_wait3A_732] : memref<80x128xi32, #tpu.memory_space<vmem>> -> memref<1x128xi32, #tpu.memory_space<vmem>>
    %dma_wait3A_734 = tpu.memref_squeeze %dma_wait3A_733 : memref<1x128xi32, #tpu.memory_space<vmem>> -> memref<128xi32, #tpu.memory_space<vmem>>
    %dma_wait3A_735 = arith.constant 0 : i32
    %dma_wait3A_736 = tpu.memref_slice %arg8[%dma_wait3A_735] : memref<10240xf32, #tpu.memory_space<vmem_shared>> -> memref<10240xf32, #tpu.memory_space<vmem_shared>>
    tpu.wait_indirect_dma semaphore(%arg9 : memref<!tpu.dma_semaphore, #tpu.memory_space<semaphore_mem>>) src(%arg7 : memref<128xf32, #tpu.memory_space<vmem>>) dst(%dma_wait3A_736 : memref<10240xf32, #tpu.memory_space<vmem_shared>>)
    %dma_wait3A_737 = arith.constant 42 : i32
    %dma_wait3A_738 = arith.constant 0 : i32
    %dma_wait3A_739 = tpu.memref_slice %arg6[%dma_wait3A_737, %dma_wait3A_738] : memref<80x128xi32, #tpu.memory_space<vmem>> -> memref<1x128xi32, #tpu.memory_space<vmem>>
    %dma_wait3A_740 = tpu.memref_squeeze %dma_wait3A_739 : memref<1x128xi32, #tpu.memory_space<vmem>> -> memref<128xi32, #tpu.memory_space<vmem>>
    %dma_wait3A_741 = arith.constant 0 : i32
    %dma_wait3A_742 = tpu.memref_slice %arg8[%dma_wait3A_741] : memref<10240xf32, #tpu.memory_space<vmem_shared>> -> memref<10240xf32, #tpu.memory_space<vmem_shared>>
    tpu.wait_indirect_dma semaphore(%arg9 : memref<!tpu.dma_semaphore, #tpu.memory_space<semaphore_mem>>) src(%arg7 : memref<128xf32, #tpu.memory_space<vmem>>) dst(%dma_wait3A_742 : memref<10240xf32, #tpu.memory_space<vmem_shared>>)
    %dma_wait3A_743 = arith.constant 43 : i32
    %dma_wait3A_744 = arith.constant 0 : i32
    %dma_wait3A_745 = tpu.memref_slice %arg6[%dma_wait3A_743, %dma_wait3A_744] : memref<80x128xi32, #tpu.memory_space<vmem>> -> memref<1x128xi32, #tpu.memory_space<vmem>>
    %dma_wait3A_746 = tpu.memref_squeeze %dma_wait3A_745 : memref<1x128xi32, #tpu.memory_space<vmem>> -> memref<128xi32, #tpu.memory_space<vmem>>
    %dma_wait3A_747 = arith.constant 0 : i32
    %dma_wait3A_748 = tpu.memref_slice %arg8[%dma_wait3A_747] : memref<10240xf32, #tpu.memory_space<vmem_shared>> -> memref<10240xf32, #tpu.memory_space<vmem_shared>>
    tpu.wait_indirect_dma semaphore(%arg9 : memref<!tpu.dma_semaphore, #tpu.memory_space<semaphore_mem>>) src(%arg7 : memref<128xf32, #tpu.memory_space<vmem>>) dst(%dma_wait3A_748 : memref<10240xf32, #tpu.memory_space<vmem_shared>>)
    %dma_wait3A_749 = arith.constant 44 : i32
    %dma_wait3A_750 = arith.constant 0 : i32
    %dma_wait3A_751 = tpu.memref_slice %arg6[%dma_wait3A_749, %dma_wait3A_750] : memref<80x128xi32, #tpu.memory_space<vmem>> -> memref<1x128xi32, #tpu.memory_space<vmem>>
    %dma_wait3A_752 = tpu.memref_squeeze %dma_wait3A_751 : memref<1x128xi32, #tpu.memory_space<vmem>> -> memref<128xi32, #tpu.memory_space<vmem>>
    %dma_wait3A_753 = arith.constant 0 : i32
    %dma_wait3A_754 = tpu.memref_slice %arg8[%dma_wait3A_753] : memref<10240xf32, #tpu.memory_space<vmem_shared>> -> memref<10240xf32, #tpu.memory_space<vmem_shared>>
    tpu.wait_indirect_dma semaphore(%arg9 : memref<!tpu.dma_semaphore, #tpu.memory_space<semaphore_mem>>) src(%arg7 : memref<128xf32, #tpu.memory_space<vmem>>) dst(%dma_wait3A_754 : memref<10240xf32, #tpu.memory_space<vmem_shared>>)
    %dma_wait3A_755 = arith.constant 45 : i32
    %dma_wait3A_756 = arith.constant 0 : i32
    %dma_wait3A_757 = tpu.memref_slice %arg6[%dma_wait3A_755, %dma_wait3A_756] : memref<80x128xi32, #tpu.memory_space<vmem>> -> memref<1x128xi32, #tpu.memory_space<vmem>>
    %dma_wait3A_758 = tpu.memref_squeeze %dma_wait3A_757 : memref<1x128xi32, #tpu.memory_space<vmem>> -> memref<128xi32, #tpu.memory_space<vmem>>
    %dma_wait3A_759 = arith.constant 0 : i32
    %dma_wait3A_760 = tpu.memref_slice %arg8[%dma_wait3A_759] : memref<10240xf32, #tpu.memory_space<vmem_shared>> -> memref<10240xf32, #tpu.memory_space<vmem_shared>>
    tpu.wait_indirect_dma semaphore(%arg9 : memref<!tpu.dma_semaphore, #tpu.memory_space<semaphore_mem>>) src(%arg7 : memref<128xf32, #tpu.memory_space<vmem>>) dst(%dma_wait3A_760 : memref<10240xf32, #tpu.memory_space<vmem_shared>>)
    %dma_wait3A_761 = arith.constant 46 : i32
    %dma_wait3A_762 = arith.constant 0 : i32
    %dma_wait3A_763 = tpu.memref_slice %arg6[%dma_wait3A_761, %dma_wait3A_762] : memref<80x128xi32, #tpu.memory_space<vmem>> -> memref<1x128xi32, #tpu.memory_space<vmem>>
    %dma_wait3A_764 = tpu.memref_squeeze %dma_wait3A_763 : memref<1x128xi32, #tpu.memory_space<vmem>> -> memref<128xi32, #tpu.memory_space<vmem>>
    %dma_wait3A_765 = arith.constant 0 : i32
    %dma_wait3A_766 = tpu.memref_slice %arg8[%dma_wait3A_765] : memref<10240xf32, #tpu.memory_space<vmem_shared>> -> memref<10240xf32, #tpu.memory_space<vmem_shared>>
    tpu.wait_indirect_dma semaphore(%arg9 : memref<!tpu.dma_semaphore, #tpu.memory_space<semaphore_mem>>) src(%arg7 : memref<128xf32, #tpu.memory_space<vmem>>) dst(%dma_wait3A_766 : memref<10240xf32, #tpu.memory_space<vmem_shared>>)
    %dma_wait3A_767 = arith.constant 47 : i32
    %dma_wait3A_768 = arith.constant 0 : i32
    %dma_wait3A_769 = tpu.memref_slice %arg6[%dma_wait3A_767, %dma_wait3A_768] : memref<80x128xi32, #tpu.memory_space<vmem>> -> memref<1x128xi32, #tpu.memory_space<vmem>>
    %dma_wait3A_770 = tpu.memref_squeeze %dma_wait3A_769 : memref<1x128xi32, #tpu.memory_space<vmem>> -> memref<128xi32, #tpu.memory_space<vmem>>
    %dma_wait3A_771 = arith.constant 0 : i32
    %dma_wait3A_772 = tpu.memref_slice %arg8[%dma_wait3A_771] : memref<10240xf32, #tpu.memory_space<vmem_shared>> -> memref<10240xf32, #tpu.memory_space<vmem_shared>>
    tpu.wait_indirect_dma semaphore(%arg9 : memref<!tpu.dma_semaphore, #tpu.memory_space<semaphore_mem>>) src(%arg7 : memref<128xf32, #tpu.memory_space<vmem>>) dst(%dma_wait3A_772 : memref<10240xf32, #tpu.memory_space<vmem_shared>>)
    %dma_wait3A_773 = arith.constant 48 : i32
    %dma_wait3A_774 = arith.constant 0 : i32
    %dma_wait3A_775 = tpu.memref_slice %arg6[%dma_wait3A_773, %dma_wait3A_774] : memref<80x128xi32, #tpu.memory_space<vmem>> -> memref<1x128xi32, #tpu.memory_space<vmem>>
    %dma_wait3A_776 = tpu.memref_squeeze %dma_wait3A_775 : memref<1x128xi32, #tpu.memory_space<vmem>> -> memref<128xi32, #tpu.memory_space<vmem>>
    %dma_wait3A_777 = arith.constant 0 : i32
    %dma_wait3A_778 = tpu.memref_slice %arg8[%dma_wait3A_777] : memref<10240xf32, #tpu.memory_space<vmem_shared>> -> memref<10240xf32, #tpu.memory_space<vmem_shared>>
    tpu.wait_indirect_dma semaphore(%arg9 : memref<!tpu.dma_semaphore, #tpu.memory_space<semaphore_mem>>) src(%arg7 : memref<128xf32, #tpu.memory_space<vmem>>) dst(%dma_wait3A_778 : memref<10240xf32, #tpu.memory_space<vmem_shared>>)
    %dma_wait3A_779 = arith.constant 49 : i32
    %dma_wait3A_780 = arith.constant 0 : i32
    %dma_wait3A_781 = tpu.memref_slice %arg6[%dma_wait3A_779, %dma_wait3A_780] : memref<80x128xi32, #tpu.memory_space<vmem>> -> memref<1x128xi32, #tpu.memory_space<vmem>>
    %dma_wait3A_782 = tpu.memref_squeeze %dma_wait3A_781 : memref<1x128xi32, #tpu.memory_space<vmem>> -> memref<128xi32, #tpu.memory_space<vmem>>
    %dma_wait3A_783 = arith.constant 0 : i32
    %dma_wait3A_784 = tpu.memref_slice %arg8[%dma_wait3A_783] : memref<10240xf32, #tpu.memory_space<vmem_shared>> -> memref<10240xf32, #tpu.memory_space<vmem_shared>>
    tpu.wait_indirect_dma semaphore(%arg9 : memref<!tpu.dma_semaphore, #tpu.memory_space<semaphore_mem>>) src(%arg7 : memref<128xf32, #tpu.memory_space<vmem>>) dst(%dma_wait3A_784 : memref<10240xf32, #tpu.memory_space<vmem_shared>>)
    %dma_wait3A_785 = arith.constant 50 : i32
    %dma_wait3A_786 = arith.constant 0 : i32
    %dma_wait3A_787 = tpu.memref_slice %arg6[%dma_wait3A_785, %dma_wait3A_786] : memref<80x128xi32, #tpu.memory_space<vmem>> -> memref<1x128xi32, #tpu.memory_space<vmem>>
    %dma_wait3A_788 = tpu.memref_squeeze %dma_wait3A_787 : memref<1x128xi32, #tpu.memory_space<vmem>> -> memref<128xi32, #tpu.memory_space<vmem>>
    %dma_wait3A_789 = arith.constant 0 : i32
    %dma_wait3A_790 = tpu.memref_slice %arg8[%dma_wait3A_789] : memref<10240xf32, #tpu.memory_space<vmem_shared>> -> memref<10240xf32, #tpu.memory_space<vmem_shared>>
    tpu.wait_indirect_dma semaphore(%arg9 : memref<!tpu.dma_semaphore, #tpu.memory_space<semaphore_mem>>) src(%arg7 : memref<128xf32, #tpu.memory_space<vmem>>) dst(%dma_wait3A_790 : memref<10240xf32, #tpu.memory_space<vmem_shared>>)
    %dma_wait3A_791 = arith.constant 51 : i32
    %dma_wait3A_792 = arith.constant 0 : i32
    %dma_wait3A_793 = tpu.memref_slice %arg6[%dma_wait3A_791, %dma_wait3A_792] : memref<80x128xi32, #tpu.memory_space<vmem>> -> memref<1x128xi32, #tpu.memory_space<vmem>>
    %dma_wait3A_794 = tpu.memref_squeeze %dma_wait3A_793 : memref<1x128xi32, #tpu.memory_space<vmem>> -> memref<128xi32, #tpu.memory_space<vmem>>
    %dma_wait3A_795 = arith.constant 0 : i32
    %dma_wait3A_796 = tpu.memref_slice %arg8[%dma_wait3A_795] : memref<10240xf32, #tpu.memory_space<vmem_shared>> -> memref<10240xf32, #tpu.memory_space<vmem_shared>>
    tpu.wait_indirect_dma semaphore(%arg9 : memref<!tpu.dma_semaphore, #tpu.memory_space<semaphore_mem>>) src(%arg7 : memref<128xf32, #tpu.memory_space<vmem>>) dst(%dma_wait3A_796 : memref<10240xf32, #tpu.memory_space<vmem_shared>>)
    %dma_wait3A_797 = arith.constant 52 : i32
    %dma_wait3A_798 = arith.constant 0 : i32
    %dma_wait3A_799 = tpu.memref_slice %arg6[%dma_wait3A_797, %dma_wait3A_798] : memref<80x128xi32, #tpu.memory_space<vmem>> -> memref<1x128xi32, #tpu.memory_space<vmem>>
    %dma_wait3A_800 = tpu.memref_squeeze %dma_wait3A_799 : memref<1x128xi32, #tpu.memory_space<vmem>> -> memref<128xi32, #tpu.memory_space<vmem>>
    %dma_wait3A_801 = arith.constant 0 : i32
    %dma_wait3A_802 = tpu.memref_slice %arg8[%dma_wait3A_801] : memref<10240xf32, #tpu.memory_space<vmem_shared>> -> memref<10240xf32, #tpu.memory_space<vmem_shared>>
    tpu.wait_indirect_dma semaphore(%arg9 : memref<!tpu.dma_semaphore, #tpu.memory_space<semaphore_mem>>) src(%arg7 : memref<128xf32, #tpu.memory_space<vmem>>) dst(%dma_wait3A_802 : memref<10240xf32, #tpu.memory_space<vmem_shared>>)
    %dma_wait3A_803 = arith.constant 53 : i32
    %dma_wait3A_804 = arith.constant 0 : i32
    %dma_wait3A_805 = tpu.memref_slice %arg6[%dma_wait3A_803, %dma_wait3A_804] : memref<80x128xi32, #tpu.memory_space<vmem>> -> memref<1x128xi32, #tpu.memory_space<vmem>>
    %dma_wait3A_806 = tpu.memref_squeeze %dma_wait3A_805 : memref<1x128xi32, #tpu.memory_space<vmem>> -> memref<128xi32, #tpu.memory_space<vmem>>
    %dma_wait3A_807 = arith.constant 0 : i32
    %dma_wait3A_808 = tpu.memref_slice %arg8[%dma_wait3A_807] : memref<10240xf32, #tpu.memory_space<vmem_shared>> -> memref<10240xf32, #tpu.memory_space<vmem_shared>>
    tpu.wait_indirect_dma semaphore(%arg9 : memref<!tpu.dma_semaphore, #tpu.memory_space<semaphore_mem>>) src(%arg7 : memref<128xf32, #tpu.memory_space<vmem>>) dst(%dma_wait3A_808 : memref<10240xf32, #tpu.memory_space<vmem_shared>>)
    %dma_wait3A_809 = arith.constant 54 : i32
    %dma_wait3A_810 = arith.constant 0 : i32
    %dma_wait3A_811 = tpu.memref_slice %arg6[%dma_wait3A_809, %dma_wait3A_810] : memref<80x128xi32, #tpu.memory_space<vmem>> -> memref<1x128xi32, #tpu.memory_space<vmem>>
    %dma_wait3A_812 = tpu.memref_squeeze %dma_wait3A_811 : memref<1x128xi32, #tpu.memory_space<vmem>> -> memref<128xi32, #tpu.memory_space<vmem>>
    %dma_wait3A_813 = arith.constant 0 : i32
    %dma_wait3A_814 = tpu.memref_slice %arg8[%dma_wait3A_813] : memref<10240xf32, #tpu.memory_space<vmem_shared>> -> memref<10240xf32, #tpu.memory_space<vmem_shared>>
    tpu.wait_indirect_dma semaphore(%arg9 : memref<!tpu.dma_semaphore, #tpu.memory_space<semaphore_mem>>) src(%arg7 : memref<128xf32, #tpu.memory_space<vmem>>) dst(%dma_wait3A_814 : memref<10240xf32, #tpu.memory_space<vmem_shared>>)
    %dma_wait3A_815 = arith.constant 55 : i32
    %dma_wait3A_816 = arith.constant 0 : i32
    %dma_wait3A_817 = tpu.memref_slice %arg6[%dma_wait3A_815, %dma_wait3A_816] : memref<80x128xi32, #tpu.memory_space<vmem>> -> memref<1x128xi32, #tpu.memory_space<vmem>>
    %dma_wait3A_818 = tpu.memref_squeeze %dma_wait3A_817 : memref<1x128xi32, #tpu.memory_space<vmem>> -> memref<128xi32, #tpu.memory_space<vmem>>
    %dma_wait3A_819 = arith.constant 0 : i32
    %dma_wait3A_820 = tpu.memref_slice %arg8[%dma_wait3A_819] : memref<10240xf32, #tpu.memory_space<vmem_shared>> -> memref<10240xf32, #tpu.memory_space<vmem_shared>>
    tpu.wait_indirect_dma semaphore(%arg9 : memref<!tpu.dma_semaphore, #tpu.memory_space<semaphore_mem>>) src(%arg7 : memref<128xf32, #tpu.memory_space<vmem>>) dst(%dma_wait3A_820 : memref<10240xf32, #tpu.memory_space<vmem_shared>>)
    %dma_wait3A_821 = arith.constant 56 : i32
    %dma_wait3A_822 = arith.constant 0 : i32
    %dma_wait3A_823 = tpu.memref_slice %arg6[%dma_wait3A_821, %dma_wait3A_822] : memref<80x128xi32, #tpu.memory_space<vmem>> -> memref<1x128xi32, #tpu.memory_space<vmem>>
    %dma_wait3A_824 = tpu.memref_squeeze %dma_wait3A_823 : memref<1x128xi32, #tpu.memory_space<vmem>> -> memref<128xi32, #tpu.memory_space<vmem>>
    %dma_wait3A_825 = arith.constant 0 : i32
    %dma_wait3A_826 = tpu.memref_slice %arg8[%dma_wait3A_825] : memref<10240xf32, #tpu.memory_space<vmem_shared>> -> memref<10240xf32, #tpu.memory_space<vmem_shared>>
    tpu.wait_indirect_dma semaphore(%arg9 : memref<!tpu.dma_semaphore, #tpu.memory_space<semaphore_mem>>) src(%arg7 : memref<128xf32, #tpu.memory_space<vmem>>) dst(%dma_wait3A_826 : memref<10240xf32, #tpu.memory_space<vmem_shared>>)
    %dma_wait3A_827 = arith.constant 57 : i32
    %dma_wait3A_828 = arith.constant 0 : i32
    %dma_wait3A_829 = tpu.memref_slice %arg6[%dma_wait3A_827, %dma_wait3A_828] : memref<80x128xi32, #tpu.memory_space<vmem>> -> memref<1x128xi32, #tpu.memory_space<vmem>>
    %dma_wait3A_830 = tpu.memref_squeeze %dma_wait3A_829 : memref<1x128xi32, #tpu.memory_space<vmem>> -> memref<128xi32, #tpu.memory_space<vmem>>
    %dma_wait3A_831 = arith.constant 0 : i32
    %dma_wait3A_832 = tpu.memref_slice %arg8[%dma_wait3A_831] : memref<10240xf32, #tpu.memory_space<vmem_shared>> -> memref<10240xf32, #tpu.memory_space<vmem_shared>>
    tpu.wait_indirect_dma semaphore(%arg9 : memref<!tpu.dma_semaphore, #tpu.memory_space<semaphore_mem>>) src(%arg7 : memref<128xf32, #tpu.memory_space<vmem>>) dst(%dma_wait3A_832 : memref<10240xf32, #tpu.memory_space<vmem_shared>>)
    %dma_wait3A_833 = arith.constant 58 : i32
    %dma_wait3A_834 = arith.constant 0 : i32
    %dma_wait3A_835 = tpu.memref_slice %arg6[%dma_wait3A_833, %dma_wait3A_834] : memref<80x128xi32, #tpu.memory_space<vmem>> -> memref<1x128xi32, #tpu.memory_space<vmem>>
    %dma_wait3A_836 = tpu.memref_squeeze %dma_wait3A_835 : memref<1x128xi32, #tpu.memory_space<vmem>> -> memref<128xi32, #tpu.memory_space<vmem>>
    %dma_wait3A_837 = arith.constant 0 : i32
    %dma_wait3A_838 = tpu.memref_slice %arg8[%dma_wait3A_837] : memref<10240xf32, #tpu.memory_space<vmem_shared>> -> memref<10240xf32, #tpu.memory_space<vmem_shared>>
    tpu.wait_indirect_dma semaphore(%arg9 : memref<!tpu.dma_semaphore, #tpu.memory_space<semaphore_mem>>) src(%arg7 : memref<128xf32, #tpu.memory_space<vmem>>) dst(%dma_wait3A_838 : memref<10240xf32, #tpu.memory_space<vmem_shared>>)
    %dma_wait3A_839 = arith.constant 59 : i32
    %dma_wait3A_840 = arith.constant 0 : i32
    %dma_wait3A_841 = tpu.memref_slice %arg6[%dma_wait3A_839, %dma_wait3A_840] : memref<80x128xi32, #tpu.memory_space<vmem>> -> memref<1x128xi32, #tpu.memory_space<vmem>>
    %dma_wait3A_842 = tpu.memref_squeeze %dma_wait3A_841 : memref<1x128xi32, #tpu.memory_space<vmem>> -> memref<128xi32, #tpu.memory_space<vmem>>
    %dma_wait3A_843 = arith.constant 0 : i32
    %dma_wait3A_844 = tpu.memref_slice %arg8[%dma_wait3A_843] : memref<10240xf32, #tpu.memory_space<vmem_shared>> -> memref<10240xf32, #tpu.memory_space<vmem_shared>>
    tpu.wait_indirect_dma semaphore(%arg9 : memref<!tpu.dma_semaphore, #tpu.memory_space<semaphore_mem>>) src(%arg7 : memref<128xf32, #tpu.memory_space<vmem>>) dst(%dma_wait3A_844 : memref<10240xf32, #tpu.memory_space<vmem_shared>>)
    %dma_wait3A_845 = arith.constant 60 : i32
    %dma_wait3A_846 = arith.constant 0 : i32
    %dma_wait3A_847 = tpu.memref_slice %arg6[%dma_wait3A_845, %dma_wait3A_846] : memref<80x128xi32, #tpu.memory_space<vmem>> -> memref<1x128xi32, #tpu.memory_space<vmem>>
    %dma_wait3A_848 = tpu.memref_squeeze %dma_wait3A_847 : memref<1x128xi32, #tpu.memory_space<vmem>> -> memref<128xi32, #tpu.memory_space<vmem>>
    %dma_wait3A_849 = arith.constant 0 : i32
    %dma_wait3A_850 = tpu.memref_slice %arg8[%dma_wait3A_849] : memref<10240xf32, #tpu.memory_space<vmem_shared>> -> memref<10240xf32, #tpu.memory_space<vmem_shared>>
    tpu.wait_indirect_dma semaphore(%arg9 : memref<!tpu.dma_semaphore, #tpu.memory_space<semaphore_mem>>) src(%arg7 : memref<128xf32, #tpu.memory_space<vmem>>) dst(%dma_wait3A_850 : memref<10240xf32, #tpu.memory_space<vmem_shared>>)
    %dma_wait3A_851 = arith.constant 61 : i32
    %dma_wait3A_852 = arith.constant 0 : i32
    %dma_wait3A_853 = tpu.memref_slice %arg6[%dma_wait3A_851, %dma_wait3A_852] : memref<80x128xi32, #tpu.memory_space<vmem>> -> memref<1x128xi32, #tpu.memory_space<vmem>>
    %dma_wait3A_854 = tpu.memref_squeeze %dma_wait3A_853 : memref<1x128xi32, #tpu.memory_space<vmem>> -> memref<128xi32, #tpu.memory_space<vmem>>
    %dma_wait3A_855 = arith.constant 0 : i32
    %dma_wait3A_856 = tpu.memref_slice %arg8[%dma_wait3A_855] : memref<10240xf32, #tpu.memory_space<vmem_shared>> -> memref<10240xf32, #tpu.memory_space<vmem_shared>>
    tpu.wait_indirect_dma semaphore(%arg9 : memref<!tpu.dma_semaphore, #tpu.memory_space<semaphore_mem>>) src(%arg7 : memref<128xf32, #tpu.memory_space<vmem>>) dst(%dma_wait3A_856 : memref<10240xf32, #tpu.memory_space<vmem_shared>>)
    %dma_wait3A_857 = arith.constant 62 : i32
    %dma_wait3A_858 = arith.constant 0 : i32
    %dma_wait3A_859 = tpu.memref_slice %arg6[%dma_wait3A_857, %dma_wait3A_858] : memref<80x128xi32, #tpu.memory_space<vmem>> -> memref<1x128xi32, #tpu.memory_space<vmem>>
    %dma_wait3A_860 = tpu.memref_squeeze %dma_wait3A_859 : memref<1x128xi32, #tpu.memory_space<vmem>> -> memref<128xi32, #tpu.memory_space<vmem>>
    %dma_wait3A_861 = arith.constant 0 : i32
    %dma_wait3A_862 = tpu.memref_slice %arg8[%dma_wait3A_861] : memref<10240xf32, #tpu.memory_space<vmem_shared>> -> memref<10240xf32, #tpu.memory_space<vmem_shared>>
    tpu.wait_indirect_dma semaphore(%arg9 : memref<!tpu.dma_semaphore, #tpu.memory_space<semaphore_mem>>) src(%arg7 : memref<128xf32, #tpu.memory_space<vmem>>) dst(%dma_wait3A_862 : memref<10240xf32, #tpu.memory_space<vmem_shared>>)
    %dma_wait3A_863 = arith.constant 63 : i32
    %dma_wait3A_864 = arith.constant 0 : i32
    %dma_wait3A_865 = tpu.memref_slice %arg6[%dma_wait3A_863, %dma_wait3A_864] : memref<80x128xi32, #tpu.memory_space<vmem>> -> memref<1x128xi32, #tpu.memory_space<vmem>>
    %dma_wait3A_866 = tpu.memref_squeeze %dma_wait3A_865 : memref<1x128xi32, #tpu.memory_space<vmem>> -> memref<128xi32, #tpu.memory_space<vmem>>
    %dma_wait3A_867 = arith.constant 0 : i32
    %dma_wait3A_868 = tpu.memref_slice %arg8[%dma_wait3A_867] : memref<10240xf32, #tpu.memory_space<vmem_shared>> -> memref<10240xf32, #tpu.memory_space<vmem_shared>>
    tpu.wait_indirect_dma semaphore(%arg9 : memref<!tpu.dma_semaphore, #tpu.memory_space<semaphore_mem>>) src(%arg7 : memref<128xf32, #tpu.memory_space<vmem>>) dst(%dma_wait3A_868 : memref<10240xf32, #tpu.memory_space<vmem_shared>>)
    %dma_wait3A_869 = arith.constant 64 : i32
    %dma_wait3A_870 = arith.constant 0 : i32
    %dma_wait3A_871 = tpu.memref_slice %arg6[%dma_wait3A_869, %dma_wait3A_870] : memref<80x128xi32, #tpu.memory_space<vmem>> -> memref<1x128xi32, #tpu.memory_space<vmem>>
    %dma_wait3A_872 = tpu.memref_squeeze %dma_wait3A_871 : memref<1x128xi32, #tpu.memory_space<vmem>> -> memref<128xi32, #tpu.memory_space<vmem>>
    %dma_wait3A_873 = arith.constant 0 : i32
    %dma_wait3A_874 = tpu.memref_slice %arg8[%dma_wait3A_873] : memref<10240xf32, #tpu.memory_space<vmem_shared>> -> memref<10240xf32, #tpu.memory_space<vmem_shared>>
    tpu.wait_indirect_dma semaphore(%arg9 : memref<!tpu.dma_semaphore, #tpu.memory_space<semaphore_mem>>) src(%arg7 : memref<128xf32, #tpu.memory_space<vmem>>) dst(%dma_wait3A_874 : memref<10240xf32, #tpu.memory_space<vmem_shared>>)
    %dma_wait3A_875 = arith.constant 65 : i32
    %dma_wait3A_876 = arith.constant 0 : i32
    %dma_wait3A_877 = tpu.memref_slice %arg6[%dma_wait3A_875, %dma_wait3A_876] : memref<80x128xi32, #tpu.memory_space<vmem>> -> memref<1x128xi32, #tpu.memory_space<vmem>>
    %dma_wait3A_878 = tpu.memref_squeeze %dma_wait3A_877 : memref<1x128xi32, #tpu.memory_space<vmem>> -> memref<128xi32, #tpu.memory_space<vmem>>
    %dma_wait3A_879 = arith.constant 0 : i32
    %dma_wait3A_880 = tpu.memref_slice %arg8[%dma_wait3A_879] : memref<10240xf32, #tpu.memory_space<vmem_shared>> -> memref<10240xf32, #tpu.memory_space<vmem_shared>>
    tpu.wait_indirect_dma semaphore(%arg9 : memref<!tpu.dma_semaphore, #tpu.memory_space<semaphore_mem>>) src(%arg7 : memref<128xf32, #tpu.memory_space<vmem>>) dst(%dma_wait3A_880 : memref<10240xf32, #tpu.memory_space<vmem_shared>>)
    %dma_wait3A_881 = arith.constant 66 : i32
    %dma_wait3A_882 = arith.constant 0 : i32
    %dma_wait3A_883 = tpu.memref_slice %arg6[%dma_wait3A_881, %dma_wait3A_882] : memref<80x128xi32, #tpu.memory_space<vmem>> -> memref<1x128xi32, #tpu.memory_space<vmem>>
    %dma_wait3A_884 = tpu.memref_squeeze %dma_wait3A_883 : memref<1x128xi32, #tpu.memory_space<vmem>> -> memref<128xi32, #tpu.memory_space<vmem>>
    %dma_wait3A_885 = arith.constant 0 : i32
    %dma_wait3A_886 = tpu.memref_slice %arg8[%dma_wait3A_885] : memref<10240xf32, #tpu.memory_space<vmem_shared>> -> memref<10240xf32, #tpu.memory_space<vmem_shared>>
    tpu.wait_indirect_dma semaphore(%arg9 : memref<!tpu.dma_semaphore, #tpu.memory_space<semaphore_mem>>) src(%arg7 : memref<128xf32, #tpu.memory_space<vmem>>) dst(%dma_wait3A_886 : memref<10240xf32, #tpu.memory_space<vmem_shared>>)
    %dma_wait3A_887 = arith.constant 67 : i32
    %dma_wait3A_888 = arith.constant 0 : i32
    %dma_wait3A_889 = tpu.memref_slice %arg6[%dma_wait3A_887, %dma_wait3A_888] : memref<80x128xi32, #tpu.memory_space<vmem>> -> memref<1x128xi32, #tpu.memory_space<vmem>>
    %dma_wait3A_890 = tpu.memref_squeeze %dma_wait3A_889 : memref<1x128xi32, #tpu.memory_space<vmem>> -> memref<128xi32, #tpu.memory_space<vmem>>
    %dma_wait3A_891 = arith.constant 0 : i32
    %dma_wait3A_892 = tpu.memref_slice %arg8[%dma_wait3A_891] : memref<10240xf32, #tpu.memory_space<vmem_shared>> -> memref<10240xf32, #tpu.memory_space<vmem_shared>>
    tpu.wait_indirect_dma semaphore(%arg9 : memref<!tpu.dma_semaphore, #tpu.memory_space<semaphore_mem>>) src(%arg7 : memref<128xf32, #tpu.memory_space<vmem>>) dst(%dma_wait3A_892 : memref<10240xf32, #tpu.memory_space<vmem_shared>>)
    %dma_wait3A_893 = arith.constant 68 : i32
    %dma_wait3A_894 = arith.constant 0 : i32
    %dma_wait3A_895 = tpu.memref_slice %arg6[%dma_wait3A_893, %dma_wait3A_894] : memref<80x128xi32, #tpu.memory_space<vmem>> -> memref<1x128xi32, #tpu.memory_space<vmem>>
    %dma_wait3A_896 = tpu.memref_squeeze %dma_wait3A_895 : memref<1x128xi32, #tpu.memory_space<vmem>> -> memref<128xi32, #tpu.memory_space<vmem>>
    %dma_wait3A_897 = arith.constant 0 : i32
    %dma_wait3A_898 = tpu.memref_slice %arg8[%dma_wait3A_897] : memref<10240xf32, #tpu.memory_space<vmem_shared>> -> memref<10240xf32, #tpu.memory_space<vmem_shared>>
    tpu.wait_indirect_dma semaphore(%arg9 : memref<!tpu.dma_semaphore, #tpu.memory_space<semaphore_mem>>) src(%arg7 : memref<128xf32, #tpu.memory_space<vmem>>) dst(%dma_wait3A_898 : memref<10240xf32, #tpu.memory_space<vmem_shared>>)
    %dma_wait3A_899 = arith.constant 69 : i32
    %dma_wait3A_900 = arith.constant 0 : i32
    %dma_wait3A_901 = tpu.memref_slice %arg6[%dma_wait3A_899, %dma_wait3A_900] : memref<80x128xi32, #tpu.memory_space<vmem>> -> memref<1x128xi32, #tpu.memory_space<vmem>>
    %dma_wait3A_902 = tpu.memref_squeeze %dma_wait3A_901 : memref<1x128xi32, #tpu.memory_space<vmem>> -> memref<128xi32, #tpu.memory_space<vmem>>
    %dma_wait3A_903 = arith.constant 0 : i32
    %dma_wait3A_904 = tpu.memref_slice %arg8[%dma_wait3A_903] : memref<10240xf32, #tpu.memory_space<vmem_shared>> -> memref<10240xf32, #tpu.memory_space<vmem_shared>>
    tpu.wait_indirect_dma semaphore(%arg9 : memref<!tpu.dma_semaphore, #tpu.memory_space<semaphore_mem>>) src(%arg7 : memref<128xf32, #tpu.memory_space<vmem>>) dst(%dma_wait3A_904 : memref<10240xf32, #tpu.memory_space<vmem_shared>>)
    %dma_wait3A_905 = arith.constant 70 : i32
    %dma_wait3A_906 = arith.constant 0 : i32
    %dma_wait3A_907 = tpu.memref_slice %arg6[%dma_wait3A_905, %dma_wait3A_906] : memref<80x128xi32, #tpu.memory_space<vmem>> -> memref<1x128xi32, #tpu.memory_space<vmem>>
    %dma_wait3A_908 = tpu.memref_squeeze %dma_wait3A_907 : memref<1x128xi32, #tpu.memory_space<vmem>> -> memref<128xi32, #tpu.memory_space<vmem>>
    %dma_wait3A_909 = arith.constant 0 : i32
    %dma_wait3A_910 = tpu.memref_slice %arg8[%dma_wait3A_909] : memref<10240xf32, #tpu.memory_space<vmem_shared>> -> memref<10240xf32, #tpu.memory_space<vmem_shared>>
    tpu.wait_indirect_dma semaphore(%arg9 : memref<!tpu.dma_semaphore, #tpu.memory_space<semaphore_mem>>) src(%arg7 : memref<128xf32, #tpu.memory_space<vmem>>) dst(%dma_wait3A_910 : memref<10240xf32, #tpu.memory_space<vmem_shared>>)
    %dma_wait3A_911 = arith.constant 71 : i32
    %dma_wait3A_912 = arith.constant 0 : i32
    %dma_wait3A_913 = tpu.memref_slice %arg6[%dma_wait3A_911, %dma_wait3A_912] : memref<80x128xi32, #tpu.memory_space<vmem>> -> memref<1x128xi32, #tpu.memory_space<vmem>>
    %dma_wait3A_914 = tpu.memref_squeeze %dma_wait3A_913 : memref<1x128xi32, #tpu.memory_space<vmem>> -> memref<128xi32, #tpu.memory_space<vmem>>
    %dma_wait3A_915 = arith.constant 0 : i32
    %dma_wait3A_916 = tpu.memref_slice %arg8[%dma_wait3A_915] : memref<10240xf32, #tpu.memory_space<vmem_shared>> -> memref<10240xf32, #tpu.memory_space<vmem_shared>>
    tpu.wait_indirect_dma semaphore(%arg9 : memref<!tpu.dma_semaphore, #tpu.memory_space<semaphore_mem>>) src(%arg7 : memref<128xf32, #tpu.memory_space<vmem>>) dst(%dma_wait3A_916 : memref<10240xf32, #tpu.memory_space<vmem_shared>>)
    %dma_wait3A_917 = arith.constant 72 : i32
    %dma_wait3A_918 = arith.constant 0 : i32
    %dma_wait3A_919 = tpu.memref_slice %arg6[%dma_wait3A_917, %dma_wait3A_918] : memref<80x128xi32, #tpu.memory_space<vmem>> -> memref<1x128xi32, #tpu.memory_space<vmem>>
    %dma_wait3A_920 = tpu.memref_squeeze %dma_wait3A_919 : memref<1x128xi32, #tpu.memory_space<vmem>> -> memref<128xi32, #tpu.memory_space<vmem>>
    %dma_wait3A_921 = arith.constant 0 : i32
    %dma_wait3A_922 = tpu.memref_slice %arg8[%dma_wait3A_921] : memref<10240xf32, #tpu.memory_space<vmem_shared>> -> memref<10240xf32, #tpu.memory_space<vmem_shared>>
    tpu.wait_indirect_dma semaphore(%arg9 : memref<!tpu.dma_semaphore, #tpu.memory_space<semaphore_mem>>) src(%arg7 : memref<128xf32, #tpu.memory_space<vmem>>) dst(%dma_wait3A_922 : memref<10240xf32, #tpu.memory_space<vmem_shared>>)
    %dma_wait3A_923 = arith.constant 73 : i32
    %dma_wait3A_924 = arith.constant 0 : i32
    %dma_wait3A_925 = tpu.memref_slice %arg6[%dma_wait3A_923, %dma_wait3A_924] : memref<80x128xi32, #tpu.memory_space<vmem>> -> memref<1x128xi32, #tpu.memory_space<vmem>>
    %dma_wait3A_926 = tpu.memref_squeeze %dma_wait3A_925 : memref<1x128xi32, #tpu.memory_space<vmem>> -> memref<128xi32, #tpu.memory_space<vmem>>
    %dma_wait3A_927 = arith.constant 0 : i32
    %dma_wait3A_928 = tpu.memref_slice %arg8[%dma_wait3A_927] : memref<10240xf32, #tpu.memory_space<vmem_shared>> -> memref<10240xf32, #tpu.memory_space<vmem_shared>>
    tpu.wait_indirect_dma semaphore(%arg9 : memref<!tpu.dma_semaphore, #tpu.memory_space<semaphore_mem>>) src(%arg7 : memref<128xf32, #tpu.memory_space<vmem>>) dst(%dma_wait3A_928 : memref<10240xf32, #tpu.memory_space<vmem_shared>>)
    %dma_wait3A_929 = arith.constant 74 : i32
    %dma_wait3A_930 = arith.constant 0 : i32
    %dma_wait3A_931 = tpu.memref_slice %arg6[%dma_wait3A_929, %dma_wait3A_930] : memref<80x128xi32, #tpu.memory_space<vmem>> -> memref<1x128xi32, #tpu.memory_space<vmem>>
    %dma_wait3A_932 = tpu.memref_squeeze %dma_wait3A_931 : memref<1x128xi32, #tpu.memory_space<vmem>> -> memref<128xi32, #tpu.memory_space<vmem>>
    %dma_wait3A_933 = arith.constant 0 : i32
    %dma_wait3A_934 = tpu.memref_slice %arg8[%dma_wait3A_933] : memref<10240xf32, #tpu.memory_space<vmem_shared>> -> memref<10240xf32, #tpu.memory_space<vmem_shared>>
    tpu.wait_indirect_dma semaphore(%arg9 : memref<!tpu.dma_semaphore, #tpu.memory_space<semaphore_mem>>) src(%arg7 : memref<128xf32, #tpu.memory_space<vmem>>) dst(%dma_wait3A_934 : memref<10240xf32, #tpu.memory_space<vmem_shared>>)
    %dma_wait3A_935 = arith.constant 75 : i32
    %dma_wait3A_936 = arith.constant 0 : i32
    %dma_wait3A_937 = tpu.memref_slice %arg6[%dma_wait3A_935, %dma_wait3A_936] : memref<80x128xi32, #tpu.memory_space<vmem>> -> memref<1x128xi32, #tpu.memory_space<vmem>>
    %dma_wait3A_938 = tpu.memref_squeeze %dma_wait3A_937 : memref<1x128xi32, #tpu.memory_space<vmem>> -> memref<128xi32, #tpu.memory_space<vmem>>
    %dma_wait3A_939 = arith.constant 0 : i32
    %dma_wait3A_940 = tpu.memref_slice %arg8[%dma_wait3A_939] : memref<10240xf32, #tpu.memory_space<vmem_shared>> -> memref<10240xf32, #tpu.memory_space<vmem_shared>>
    tpu.wait_indirect_dma semaphore(%arg9 : memref<!tpu.dma_semaphore, #tpu.memory_space<semaphore_mem>>) src(%arg7 : memref<128xf32, #tpu.memory_space<vmem>>) dst(%dma_wait3A_940 : memref<10240xf32, #tpu.memory_space<vmem_shared>>)
    %dma_wait3A_941 = arith.constant 76 : i32
    %dma_wait3A_942 = arith.constant 0 : i32
    %dma_wait3A_943 = tpu.memref_slice %arg6[%dma_wait3A_941, %dma_wait3A_942] : memref<80x128xi32, #tpu.memory_space<vmem>> -> memref<1x128xi32, #tpu.memory_space<vmem>>
    %dma_wait3A_944 = tpu.memref_squeeze %dma_wait3A_943 : memref<1x128xi32, #tpu.memory_space<vmem>> -> memref<128xi32, #tpu.memory_space<vmem>>
    %dma_wait3A_945 = arith.constant 0 : i32
    %dma_wait3A_946 = tpu.memref_slice %arg8[%dma_wait3A_945] : memref<10240xf32, #tpu.memory_space<vmem_shared>> -> memref<10240xf32, #tpu.memory_space<vmem_shared>>
    tpu.wait_indirect_dma semaphore(%arg9 : memref<!tpu.dma_semaphore, #tpu.memory_space<semaphore_mem>>) src(%arg7 : memref<128xf32, #tpu.memory_space<vmem>>) dst(%dma_wait3A_946 : memref<10240xf32, #tpu.memory_space<vmem_shared>>)
    %dma_wait3A_947 = arith.constant 77 : i32
    %dma_wait3A_948 = arith.constant 0 : i32
    %dma_wait3A_949 = tpu.memref_slice %arg6[%dma_wait3A_947, %dma_wait3A_948] : memref<80x128xi32, #tpu.memory_space<vmem>> -> memref<1x128xi32, #tpu.memory_space<vmem>>
    %dma_wait3A_950 = tpu.memref_squeeze %dma_wait3A_949 : memref<1x128xi32, #tpu.memory_space<vmem>> -> memref<128xi32, #tpu.memory_space<vmem>>
    %dma_wait3A_951 = arith.constant 0 : i32
    %dma_wait3A_952 = tpu.memref_slice %arg8[%dma_wait3A_951] : memref<10240xf32, #tpu.memory_space<vmem_shared>> -> memref<10240xf32, #tpu.memory_space<vmem_shared>>
    tpu.wait_indirect_dma semaphore(%arg9 : memref<!tpu.dma_semaphore, #tpu.memory_space<semaphore_mem>>) src(%arg7 : memref<128xf32, #tpu.memory_space<vmem>>) dst(%dma_wait3A_952 : memref<10240xf32, #tpu.memory_space<vmem_shared>>)
    %dma_wait3A_953 = arith.constant 78 : i32
    %dma_wait3A_954 = arith.constant 0 : i32
    %dma_wait3A_955 = tpu.memref_slice %arg6[%dma_wait3A_953, %dma_wait3A_954] : memref<80x128xi32, #tpu.memory_space<vmem>> -> memref<1x128xi32, #tpu.memory_space<vmem>>
    %dma_wait3A_956 = tpu.memref_squeeze %dma_wait3A_955 : memref<1x128xi32, #tpu.memory_space<vmem>> -> memref<128xi32, #tpu.memory_space<vmem>>
    %dma_wait3A_957 = arith.constant 0 : i32
    %dma_wait3A_958 = tpu.memref_slice %arg8[%dma_wait3A_957] : memref<10240xf32, #tpu.memory_space<vmem_shared>> -> memref<10240xf32, #tpu.memory_space<vmem_shared>>
    tpu.wait_indirect_dma semaphore(%arg9 : memref<!tpu.dma_semaphore, #tpu.memory_space<semaphore_mem>>) src(%arg7 : memref<128xf32, #tpu.memory_space<vmem>>) dst(%dma_wait3A_958 : memref<10240xf32, #tpu.memory_space<vmem_shared>>)
    %dma_wait3A_959 = arith.constant 79 : i32
    %dma_wait3A_960 = arith.constant 0 : i32
    %dma_wait3A_961 = tpu.memref_slice %arg6[%dma_wait3A_959, %dma_wait3A_960] : memref<80x128xi32, #tpu.memory_space<vmem>> -> memref<1x128xi32, #tpu.memory_space<vmem>>
    %dma_wait3A_962 = tpu.memref_squeeze %dma_wait3A_961 : memref<1x128xi32, #tpu.memory_space<vmem>> -> memref<128xi32, #tpu.memory_space<vmem>>
    %dma_wait3A_963 = arith.constant 0 : i32
    %dma_wait3A_964 = tpu.memref_slice %arg8[%dma_wait3A_963] : memref<10240xf32, #tpu.memory_space<vmem_shared>> -> memref<10240xf32, #tpu.memory_space<vmem_shared>>
    tpu.wait_indirect_dma semaphore(%arg9 : memref<!tpu.dma_semaphore, #tpu.memory_space<semaphore_mem>>) src(%arg7 : memref<128xf32, #tpu.memory_space<vmem>>) dst(%dma_wait3A_964 : memref<10240xf32, #tpu.memory_space<vmem_shared>>)
    %barrier3A_965 = arith.constant 0 : index
    tpu.barrier barrier_id(%barrier3A_965)
    %mul3A_966 = arith.constant 640 : i32
    %mul3A_967 = arith.muli %arg1, %mul3A_966 : i32
    %mul3A_968 = arith.constant 640 : i32
    %mul3A_969 = arith.muli %arg1, %mul3A_968 : i32
    "tpu.region"() ({
      %run_scoped3A = tpu.sem_alloc : memref<!tpu.dma_semaphore, #tpu.memory_space<semaphore_mem>>
      %dma_start3A_970 = arith.constant 0 : i32
      %dma_start3A_971 = tpu.memref_slice %arg5[%arg0, %dma_start3A_970] : memref<2x10240xf32, #tpu.memory_space<hbm>> -> memref<1x10240xf32, #tpu.memory_space<hbm>>
      %dma_start3A_972 = tpu.memref_squeeze %dma_start3A_971 : memref<1x10240xf32, #tpu.memory_space<hbm>> -> memref<10240xf32, #tpu.memory_space<hbm>>
      %dma_start3A_973 = tpu.memref_slice %dma_start3A_972[%mul3A_969] : memref<10240xf32, #tpu.memory_space<hbm>> -> memref<640xf32, #tpu.memory_space<hbm>>
      %dma_start3A_974 = tpu.memref_slice %arg8[%mul3A_967] : memref<10240xf32, #tpu.memory_space<vmem_shared>> -> memref<640xf32, #tpu.memory_space<vmem_shared>>
      tpu.enqueue_dma source(%dma_start3A_974 : memref<640xf32, #tpu.memory_space<vmem_shared>>) target(%dma_start3A_973 : memref<640xf32, #tpu.memory_space<hbm>>) target_semaphore(%run_scoped3A : memref<!tpu.dma_semaphore, #tpu.memory_space<semaphore_mem>>)
      %dma_wait3A_975 = arith.constant 0 : i32
      %dma_wait3A_976 = tpu.memref_slice %arg5[%arg0, %dma_wait3A_975] : memref<2x10240xf32, #tpu.memory_space<hbm>> -> memref<1x10240xf32, #tpu.memory_space<hbm>>
      %dma_wait3A_977 = tpu.memref_squeeze %dma_wait3A_976 : memref<1x10240xf32, #tpu.memory_space<hbm>> -> memref<10240xf32, #tpu.memory_space<hbm>>
      %dma_wait3A_978 = tpu.memref_slice %dma_wait3A_977[%mul3A_969] : memref<10240xf32, #tpu.memory_space<hbm>> -> memref<640xf32, #tpu.memory_space<hbm>>
      %dma_wait3A_979 = tpu.memref_slice %arg8[%mul3A_967] : memref<10240xf32, #tpu.memory_space<vmem_shared>> -> memref<640xf32, #tpu.memory_space<vmem_shared>>
      tpu.wait_dma2 semaphore(%run_scoped3A : memref<!tpu.dma_semaphore, #tpu.memory_space<semaphore_mem>>) src(%dma_wait3A_979 : memref<640xf32, #tpu.memory_space<vmem_shared>>) dst(%dma_wait3A_978 : memref<640xf32, #tpu.memory_space<hbm>>)
      tpu.yield
    }) : () -> ()
    return
  }
}

#map = affine_map<(d0, d1) -> (0, 0)>
#map1 = affine_map<(d0, d1) -> (0, 0, 0)>
module attributes {stable_mosaic.version = 14 : i64} {
  func.func @k(%arg0: i32, %arg1: i32, %arg2: memref<10240x128xf32, #tpu.memory_space<hbm>>, %arg3: memref<2560x128xi32, #tpu.memory_space<hbm>>, %arg4: memref<2560x128xi32, #tpu.memory_space<hbm>>, %arg5: memref<2x10240x128xf32, #tpu.memory_space<hbm>>, %arg6: memref<2x16x128xi32, #tpu.memory_space<vmem>>, %arg7: memref<2x16x128xi32, #tpu.memory_space<vmem>>, %arg8: memref<128x128xf32, #tpu.memory_space<vmem>>, %arg9: memref<128x128xf32, #tpu.memory_space<vmem>>, %arg10: memref<10240x128xf32, #tpu.memory_space<vmem_shared>>, %arg11: memref<!tpu.dma_semaphore, #tpu.memory_space<semaphore_mem>>, %arg12: memref<!tpu.dma_semaphore, #tpu.memory_space<semaphore_mem>>, %arg13: memref<!tpu.dma_semaphore, #tpu.memory_space<semaphore_mem>>, %arg14: memref<!tpu.dma_semaphore, #tpu.memory_space<semaphore_mem>>, %arg15: memref<!tpu.dma_semaphore, #tpu.memory_space<semaphore_mem>>) attributes {dimension_semantics = [#tpu.dimension_semantics<core_parallel>, #tpu.dimension_semantics<subcore_parallel>], iteration_bounds = array<i64: 2, 16>, scalar_prefetch = 0 : i64, scratch_operands = 10 : i64, tpu.core_type = #tpu.core_type<sc_vector_subcore>, window_params = [{transform_indices = #map}, {transform_indices = #map}, {transform_indices = #map}, {transform_indices = #map1}]} {
    %mul3A = arith.constant 16 : i32
    %mul3A_0 = arith.muli %arg0, %mul3A : i32
    %add3A = arith.addi %mul3A_0, %arg1 : i32
    %mul3A_1 = arith.constant 80 : i32
    %mul3A_2 = arith.muli %add3A, %mul3A_1 : i32
    %broadcast_in_dim3A = arith.constant 0.000000e+00 : f32
    %broadcast_in_dim3A_3 = vector.broadcast %broadcast_in_dim3A : f32 to vector<16xf32>
    %scan3A = arith.constant 0 : i32
    %scan3A_4 = arith.constant 128 : i32
    %scan3A_5 = arith.addi %scan3A, %scan3A_4 : i32
    %scan3A_6 = arith.constant 1 : i32
    scf.for %scan3A_172 = %scan3A to %scan3A_5 step %scan3A_6  : i32 {
      %mul3A_173 = arith.constant 1 : i32
      %mul3A_174 = arith.muli %scan3A_172, %mul3A_173 : i32
      %add3A_175 = arith.constant 0 : i32
      %add3A_176 = arith.addi %add3A_175, %mul3A_174 : i32
      %swap3A = arith.index_cast %add3A_176 : i32 to index
      %swap3A_177 = arith.constant 0 : index
      %swap3A_178 = tpu.vector_load %arg8[%swap3A, %swap3A_177] {strides = array<i32>} : memref<128x128xf32, #tpu.memory_space<vmem>>, vector<1x16xf32>,
      %swap3A_179 = vector.shape_cast %swap3A_178 : vector<1x16xf32> to vector<16xf32>
      %swap3A_180 = vector.shape_cast %broadcast_in_dim3A_3 : vector<16xf32> to vector<1x16xf32>
      tpu.vector_store %arg8[%swap3A, %swap3A_177], %swap3A_180 {strides = array<i32>} : memref<128x128xf32, #tpu.memory_space<vmem>>, vector<1x16xf32>,
      %swap3A_181 = arith.index_cast %add3A_176 : i32 to index
      %swap3A_182 = arith.constant 16 : index
      %swap3A_183 = tpu.vector_load %arg8[%swap3A_181, %swap3A_182] {strides = array<i32>} : memref<128x128xf32, #tpu.memory_space<vmem>>, vector<1x16xf32>,
      %swap3A_184 = vector.shape_cast %swap3A_183 : vector<1x16xf32> to vector<16xf32>
      %swap3A_185 = vector.shape_cast %broadcast_in_dim3A_3 : vector<16xf32> to vector<1x16xf32>
      tpu.vector_store %arg8[%swap3A_181, %swap3A_182], %swap3A_185 {strides = array<i32>} : memref<128x128xf32, #tpu.memory_space<vmem>>, vector<1x16xf32>,
      %swap3A_186 = arith.index_cast %add3A_176 : i32 to index
      %swap3A_187 = arith.constant 32 : index
      %swap3A_188 = tpu.vector_load %arg8[%swap3A_186, %swap3A_187] {strides = array<i32>} : memref<128x128xf32, #tpu.memory_space<vmem>>, vector<1x16xf32>,
      %swap3A_189 = vector.shape_cast %swap3A_188 : vector<1x16xf32> to vector<16xf32>
      %swap3A_190 = vector.shape_cast %broadcast_in_dim3A_3 : vector<16xf32> to vector<1x16xf32>
      tpu.vector_store %arg8[%swap3A_186, %swap3A_187], %swap3A_190 {strides = array<i32>} : memref<128x128xf32, #tpu.memory_space<vmem>>, vector<1x16xf32>,
      %swap3A_191 = arith.index_cast %add3A_176 : i32 to index
      %swap3A_192 = arith.constant 48 : index
      %swap3A_193 = tpu.vector_load %arg8[%swap3A_191, %swap3A_192] {strides = array<i32>} : memref<128x128xf32, #tpu.memory_space<vmem>>, vector<1x16xf32>,
      %swap3A_194 = vector.shape_cast %swap3A_193 : vector<1x16xf32> to vector<16xf32>
      %swap3A_195 = vector.shape_cast %broadcast_in_dim3A_3 : vector<16xf32> to vector<1x16xf32>
      tpu.vector_store %arg8[%swap3A_191, %swap3A_192], %swap3A_195 {strides = array<i32>} : memref<128x128xf32, #tpu.memory_space<vmem>>, vector<1x16xf32>,
      %swap3A_196 = arith.index_cast %add3A_176 : i32 to index
      %swap3A_197 = arith.constant 64 : index
      %swap3A_198 = tpu.vector_load %arg8[%swap3A_196, %swap3A_197] {strides = array<i32>} : memref<128x128xf32, #tpu.memory_space<vmem>>, vector<1x16xf32>,
      %swap3A_199 = vector.shape_cast %swap3A_198 : vector<1x16xf32> to vector<16xf32>
      %swap3A_200 = vector.shape_cast %broadcast_in_dim3A_3 : vector<16xf32> to vector<1x16xf32>
      tpu.vector_store %arg8[%swap3A_196, %swap3A_197], %swap3A_200 {strides = array<i32>} : memref<128x128xf32, #tpu.memory_space<vmem>>, vector<1x16xf32>,
      %swap3A_201 = arith.index_cast %add3A_176 : i32 to index
      %swap3A_202 = arith.constant 80 : index
      %swap3A_203 = tpu.vector_load %arg8[%swap3A_201, %swap3A_202] {strides = array<i32>} : memref<128x128xf32, #tpu.memory_space<vmem>>, vector<1x16xf32>,
      %swap3A_204 = vector.shape_cast %swap3A_203 : vector<1x16xf32> to vector<16xf32>
      %swap3A_205 = vector.shape_cast %broadcast_in_dim3A_3 : vector<16xf32> to vector<1x16xf32>
      tpu.vector_store %arg8[%swap3A_201, %swap3A_202], %swap3A_205 {strides = array<i32>} : memref<128x128xf32, #tpu.memory_space<vmem>>, vector<1x16xf32>,
      %swap3A_206 = arith.index_cast %add3A_176 : i32 to index
      %swap3A_207 = arith.constant 96 : index
      %swap3A_208 = tpu.vector_load %arg8[%swap3A_206, %swap3A_207] {strides = array<i32>} : memref<128x128xf32, #tpu.memory_space<vmem>>, vector<1x16xf32>,
      %swap3A_209 = vector.shape_cast %swap3A_208 : vector<1x16xf32> to vector<16xf32>
      %swap3A_210 = vector.shape_cast %broadcast_in_dim3A_3 : vector<16xf32> to vector<1x16xf32>
      tpu.vector_store %arg8[%swap3A_206, %swap3A_207], %swap3A_210 {strides = array<i32>} : memref<128x128xf32, #tpu.memory_space<vmem>>, vector<1x16xf32>,
      %swap3A_211 = arith.index_cast %add3A_176 : i32 to index
      %swap3A_212 = arith.constant 112 : index
      %swap3A_213 = tpu.vector_load %arg8[%swap3A_211, %swap3A_212] {strides = array<i32>} : memref<128x128xf32, #tpu.memory_space<vmem>>, vector<1x16xf32>,
      %swap3A_214 = vector.shape_cast %swap3A_213 : vector<1x16xf32> to vector<16xf32>
      %swap3A_215 = vector.shape_cast %broadcast_in_dim3A_3 : vector<16xf32> to vector<1x16xf32>
      tpu.vector_store %arg8[%swap3A_211, %swap3A_212], %swap3A_215 {strides = array<i32>} : memref<128x128xf32, #tpu.memory_space<vmem>>, vector<1x16xf32>,
    }
    %scan3A_7 = arith.constant 128 : i32
    %mul3A_8 = arith.constant 640 : i32
    %mul3A_9 = arith.muli %arg1, %mul3A_8 : i32
    %add3A_10 = arith.constant 0 : i32
    %add3A_11 = arith.addi %mul3A_9, %add3A_10 : i32
    %dma_start3A = arith.constant 0 : i32
    %dma_start3A_12 = tpu.memref_slice %arg10[%add3A_11, %dma_start3A] : memref<10240x128xf32, #tpu.memory_space<vmem_shared>> -> memref<128x128xf32, #tpu.memory_space<vmem_shared>>
    %dma_start3A_13 = arith.constant 0 : i32
    %dma_start3A_14 = tpu.memref_slice %arg10[%add3A_11, %dma_start3A_13] : memref<10240x128xf32, #tpu.memory_space<vmem_shared>> -> memref<128x128xf32, #tpu.memory_space<vmem_shared>>
    tpu.enqueue_dma source(%arg8 : memref<128x128xf32, #tpu.memory_space<vmem>>) target(%dma_start3A_14 : memref<128x128xf32, #tpu.memory_space<vmem_shared>>) target_semaphore(%arg15 : memref<!tpu.dma_semaphore, #tpu.memory_space<semaphore_mem>>)
    %mul3A_15 = arith.constant 640 : i32
    %mul3A_16 = arith.muli %arg1, %mul3A_15 : i32
    %add3A_17 = arith.constant 128 : i32
    %add3A_18 = arith.addi %mul3A_16, %add3A_17 : i32
    %dma_start3A_19 = arith.constant 0 : i32
    %dma_start3A_20 = tpu.memref_slice %arg10[%add3A_18, %dma_start3A_19] : memref<10240x128xf32, #tpu.memory_space<vmem_shared>> -> memref<128x128xf32, #tpu.memory_space<vmem_shared>>
    %dma_start3A_21 = arith.constant 0 : i32
    %dma_start3A_22 = tpu.memref_slice %arg10[%add3A_18, %dma_start3A_21] : memref<10240x128xf32, #tpu.memory_space<vmem_shared>> -> memref<128x128xf32, #tpu.memory_space<vmem_shared>>
    tpu.enqueue_dma source(%arg8 : memref<128x128xf32, #tpu.memory_space<vmem>>) target(%dma_start3A_22 : memref<128x128xf32, #tpu.memory_space<vmem_shared>>) target_semaphore(%arg15 : memref<!tpu.dma_semaphore, #tpu.memory_space<semaphore_mem>>)
    %mul3A_23 = arith.constant 640 : i32
    %mul3A_24 = arith.muli %arg1, %mul3A_23 : i32
    %add3A_25 = arith.constant 256 : i32
    %add3A_26 = arith.addi %mul3A_24, %add3A_25 : i32
    %dma_start3A_27 = arith.constant 0 : i32
    %dma_start3A_28 = tpu.memref_slice %arg10[%add3A_26, %dma_start3A_27] : memref<10240x128xf32, #tpu.memory_space<vmem_shared>> -> memref<128x128xf32, #tpu.memory_space<vmem_shared>>
    %dma_start3A_29 = arith.constant 0 : i32
    %dma_start3A_30 = tpu.memref_slice %arg10[%add3A_26, %dma_start3A_29] : memref<10240x128xf32, #tpu.memory_space<vmem_shared>> -> memref<128x128xf32, #tpu.memory_space<vmem_shared>>
    tpu.enqueue_dma source(%arg8 : memref<128x128xf32, #tpu.memory_space<vmem>>) target(%dma_start3A_30 : memref<128x128xf32, #tpu.memory_space<vmem_shared>>) target_semaphore(%arg15 : memref<!tpu.dma_semaphore, #tpu.memory_space<semaphore_mem>>)
    %mul3A_31 = arith.constant 640 : i32
    %mul3A_32 = arith.muli %arg1, %mul3A_31 : i32
    %add3A_33 = arith.constant 384 : i32
    %add3A_34 = arith.addi %mul3A_32, %add3A_33 : i32
    %dma_start3A_35 = arith.constant 0 : i32
    %dma_start3A_36 = tpu.memref_slice %arg10[%add3A_34, %dma_start3A_35] : memref<10240x128xf32, #tpu.memory_space<vmem_shared>> -> memref<128x128xf32, #tpu.memory_space<vmem_shared>>
    %dma_start3A_37 = arith.constant 0 : i32
    %dma_start3A_38 = tpu.memref_slice %arg10[%add3A_34, %dma_start3A_37] : memref<10240x128xf32, #tpu.memory_space<vmem_shared>> -> memref<128x128xf32, #tpu.memory_space<vmem_shared>>
    tpu.enqueue_dma source(%arg8 : memref<128x128xf32, #tpu.memory_space<vmem>>) target(%dma_start3A_38 : memref<128x128xf32, #tpu.memory_space<vmem_shared>>) target_semaphore(%arg15 : memref<!tpu.dma_semaphore, #tpu.memory_space<semaphore_mem>>)
    %mul3A_39 = arith.constant 640 : i32
    %mul3A_40 = arith.muli %arg1, %mul3A_39 : i32
    %add3A_41 = arith.constant 512 : i32
    %add3A_42 = arith.addi %mul3A_40, %add3A_41 : i32
    %dma_start3A_43 = arith.constant 0 : i32
    %dma_start3A_44 = tpu.memref_slice %arg10[%add3A_42, %dma_start3A_43] : memref<10240x128xf32, #tpu.memory_space<vmem_shared>> -> memref<128x128xf32, #tpu.memory_space<vmem_shared>>
    %dma_start3A_45 = arith.constant 0 : i32
    %dma_start3A_46 = tpu.memref_slice %arg10[%add3A_42, %dma_start3A_45] : memref<10240x128xf32, #tpu.memory_space<vmem_shared>> -> memref<128x128xf32, #tpu.memory_space<vmem_shared>>
    tpu.enqueue_dma source(%arg8 : memref<128x128xf32, #tpu.memory_space<vmem>>) target(%dma_start3A_46 : memref<128x128xf32, #tpu.memory_space<vmem_shared>>) target_semaphore(%arg15 : memref<!tpu.dma_semaphore, #tpu.memory_space<semaphore_mem>>)
    %dma_start3A_47 = arith.constant 0 : i32
    %dma_start3A_48 = arith.constant 0 : i32
    %dma_start3A_49 = arith.constant 0 : i32
    %dma_start3A_50 = tpu.memref_slice %arg6[%dma_start3A_47, %dma_start3A_48, %dma_start3A_49] : memref<2x16x128xi32, #tpu.memory_space<vmem>> -> memref<1x16x128xi32, #tpu.memory_space<vmem>>
    %dma_start3A_51 = tpu.memref_squeeze %dma_start3A_50 : memref<1x16x128xi32, #tpu.memory_space<vmem>> -> memref<16x128xi32, #tpu.memory_space<vmem>>
    %dma_start3A_52 = arith.constant 0 : i32
    %dma_start3A_53 = tpu.memref_slice %arg3[%mul3A_2, %dma_start3A_52] : memref<2560x128xi32, #tpu.memory_space<hbm>> -> memref<16x128xi32, #tpu.memory_space<hbm>>
    %dma_start3A_54 = arith.constant 0 : i32
    %dma_start3A_55 = arith.constant 0 : i32
    %dma_start3A_56 = tpu.memref_slice %arg6[%dma_start3A_47, %dma_start3A_54, %dma_start3A_55] : memref<2x16x128xi32, #tpu.memory_space<vmem>> -> memref<1x16x128xi32, #tpu.memory_space<vmem>>
    %dma_start3A_57 = tpu.memref_squeeze %dma_start3A_56 : memref<1x16x128xi32, #tpu.memory_space<vmem>> -> memref<16x128xi32, #tpu.memory_space<vmem>>
    %dma_start3A_58 = arith.constant 0 : i32
    %dma_start3A_59 = tpu.memref_slice %arg3[%mul3A_2, %dma_start3A_58] : memref<2560x128xi32, #tpu.memory_space<hbm>> -> memref<16x128xi32, #tpu.memory_space<hbm>>
    tpu.enqueue_dma source(%dma_start3A_59 : memref<16x128xi32, #tpu.memory_space<hbm>>) target(%dma_start3A_57 : memref<16x128xi32, #tpu.memory_space<vmem>>) target_semaphore(%arg13 : memref<!tpu.dma_semaphore, #tpu.memory_space<semaphore_mem>>)
    %dma_start3A_60 = arith.constant 0 : i32
    %dma_start3A_61 = arith.constant 0 : i32
    %dma_start3A_62 = arith.constant 0 : i32
    %dma_start3A_63 = tpu.memref_slice %arg7[%dma_start3A_60, %dma_start3A_61, %dma_start3A_62] : memref<2x16x128xi32, #tpu.memory_space<vmem>> -> memref<1x16x128xi32, #tpu.memory_space<vmem>>
    %dma_start3A_64 = tpu.memref_squeeze %dma_start3A_63 : memref<1x16x128xi32, #tpu.memory_space<vmem>> -> memref<16x128xi32, #tpu.memory_space<vmem>>
    %dma_start3A_65 = arith.constant 0 : i32
    %dma_start3A_66 = tpu.memref_slice %arg4[%mul3A_2, %dma_start3A_65] : memref<2560x128xi32, #tpu.memory_space<hbm>> -> memref<16x128xi32, #tpu.memory_space<hbm>>
    %dma_start3A_67 = arith.constant 0 : i32
    %dma_start3A_68 = arith.constant 0 : i32
    %dma_start3A_69 = tpu.memref_slice %arg7[%dma_start3A_60, %dma_start3A_67, %dma_start3A_68] : memref<2x16x128xi32, #tpu.memory_space<vmem>> -> memref<1x16x128xi32, #tpu.memory_space<vmem>>
    %dma_start3A_70 = tpu.memref_squeeze %dma_start3A_69 : memref<1x16x128xi32, #tpu.memory_space<vmem>> -> memref<16x128xi32, #tpu.memory_space<vmem>>
    %dma_start3A_71 = arith.constant 0 : i32
    %dma_start3A_72 = tpu.memref_slice %arg4[%mul3A_2, %dma_start3A_71] : memref<2560x128xi32, #tpu.memory_space<hbm>> -> memref<16x128xi32, #tpu.memory_space<hbm>>
    tpu.enqueue_dma source(%dma_start3A_72 : memref<16x128xi32, #tpu.memory_space<hbm>>) target(%dma_start3A_70 : memref<16x128xi32, #tpu.memory_space<vmem>>) target_semaphore(%arg13 : memref<!tpu.dma_semaphore, #tpu.memory_space<semaphore_mem>>)
    %dma_wait3A = arith.constant 0 : i32
    %dma_wait3A_73 = arith.constant 0 : i32
    %dma_wait3A_74 = arith.constant 0 : i32
    %dma_wait3A_75 = tpu.memref_slice %arg6[%dma_wait3A, %dma_wait3A_73, %dma_wait3A_74] : memref<2x16x128xi32, #tpu.memory_space<vmem>> -> memref<1x16x128xi32, #tpu.memory_space<vmem>>
    %dma_wait3A_76 = tpu.memref_squeeze %dma_wait3A_75 : memref<1x16x128xi32, #tpu.memory_space<vmem>> -> memref<16x128xi32, #tpu.memory_space<vmem>>
    %dma_wait3A_77 = arith.constant 0 : i32
    %dma_wait3A_78 = tpu.memref_slice %arg3[%mul3A_2, %dma_wait3A_77] : memref<2560x128xi32, #tpu.memory_space<hbm>> -> memref<16x128xi32, #tpu.memory_space<hbm>>
    %dma_wait3A_79 = arith.constant 0 : i32
    %dma_wait3A_80 = arith.constant 0 : i32
    %dma_wait3A_81 = tpu.memref_slice %arg6[%dma_wait3A, %dma_wait3A_79, %dma_wait3A_80] : memref<2x16x128xi32, #tpu.memory_space<vmem>> -> memref<1x16x128xi32, #tpu.memory_space<vmem>>
    %dma_wait3A_82 = tpu.memref_squeeze %dma_wait3A_81 : memref<1x16x128xi32, #tpu.memory_space<vmem>> -> memref<16x128xi32, #tpu.memory_space<vmem>>
    %dma_wait3A_83 = arith.constant 0 : i32
    %dma_wait3A_84 = tpu.memref_slice %arg3[%mul3A_2, %dma_wait3A_83] : memref<2560x128xi32, #tpu.memory_space<hbm>> -> memref<16x128xi32, #tpu.memory_space<hbm>>
    tpu.wait_dma2 semaphore(%arg13 : memref<!tpu.dma_semaphore, #tpu.memory_space<semaphore_mem>>) src(%dma_wait3A_84 : memref<16x128xi32, #tpu.memory_space<hbm>>) dst(%dma_wait3A_82 : memref<16x128xi32, #tpu.memory_space<vmem>>)
    %dma_wait3A_85 = arith.constant 0 : i32
    %dma_wait3A_86 = arith.constant 0 : i32
    %dma_wait3A_87 = arith.constant 0 : i32
    %dma_wait3A_88 = tpu.memref_slice %arg7[%dma_wait3A_85, %dma_wait3A_86, %dma_wait3A_87] : memref<2x16x128xi32, #tpu.memory_space<vmem>> -> memref<1x16x128xi32, #tpu.memory_space<vmem>>
    %dma_wait3A_89 = tpu.memref_squeeze %dma_wait3A_88 : memref<1x16x128xi32, #tpu.memory_space<vmem>> -> memref<16x128xi32, #tpu.memory_space<vmem>>
    %dma_wait3A_90 = arith.constant 0 : i32
    %dma_wait3A_91 = tpu.memref_slice %arg4[%mul3A_2, %dma_wait3A_90] : memref<2560x128xi32, #tpu.memory_space<hbm>> -> memref<16x128xi32, #tpu.memory_space<hbm>>
    %dma_wait3A_92 = arith.constant 0 : i32
    %dma_wait3A_93 = arith.constant 0 : i32
    %dma_wait3A_94 = tpu.memref_slice %arg7[%dma_wait3A_85, %dma_wait3A_92, %dma_wait3A_93] : memref<2x16x128xi32, #tpu.memory_space<vmem>> -> memref<1x16x128xi32, #tpu.memory_space<vmem>>
    %dma_wait3A_95 = tpu.memref_squeeze %dma_wait3A_94 : memref<1x16x128xi32, #tpu.memory_space<vmem>> -> memref<16x128xi32, #tpu.memory_space<vmem>>
    %dma_wait3A_96 = arith.constant 0 : i32
    %dma_wait3A_97 = tpu.memref_slice %arg4[%mul3A_2, %dma_wait3A_96] : memref<2560x128xi32, #tpu.memory_space<hbm>> -> memref<16x128xi32, #tpu.memory_space<hbm>>
    tpu.wait_dma2 semaphore(%arg13 : memref<!tpu.dma_semaphore, #tpu.memory_space<semaphore_mem>>) src(%dma_wait3A_97 : memref<16x128xi32, #tpu.memory_space<hbm>>) dst(%dma_wait3A_95 : memref<16x128xi32, #tpu.memory_space<vmem>>)
    %dma_start3A_98 = arith.constant 0 : i32
    %dma_start3A_99 = arith.constant 1 : i32
    %dma_start3A_100 = arith.constant 0 : i32
    %dma_start3A_101 = arith.constant 0 : i32
    %dma_start3A_102 = tpu.memref_slice %arg6[%dma_start3A_98, %dma_start3A_100, %dma_start3A_101] : memref<2x16x128xi32, #tpu.memory_space<vmem>> -> memref<1x16x128xi32, #tpu.memory_space<vmem>>
    %dma_start3A_103 = tpu.memref_squeeze %dma_start3A_102 : memref<1x16x128xi32, #tpu.memory_space<vmem>> -> memref<16x128xi32, #tpu.memory_space<vmem>>
    %dma_start3A_104 = arith.constant 0 : i32
    %dma_start3A_105 = tpu.memref_slice %dma_start3A_103[%dma_start3A_99, %dma_start3A_104] : memref<16x128xi32, #tpu.memory_space<vmem>> -> memref<1x128xi32, #tpu.memory_space<vmem>>
    %dma_start3A_106 = tpu.memref_squeeze %dma_start3A_105 : memref<1x128xi32, #tpu.memory_space<vmem>> -> memref<128xi32, #tpu.memory_space<vmem>>
    %dma_start3A_107 = arith.constant 0 : i32
    %dma_start3A_108 = arith.constant 0 : i32
    %dma_start3A_109 = tpu.memref_slice %arg2[%dma_start3A_107, %dma_start3A_108] : memref<10240x128xf32, #tpu.memory_space<hbm>> -> memref<10240x128xf32, #tpu.memory_space<hbm>>
    tpu.enqueue_indirect_dma source(%dma_start3A_109 : memref<10240x128xf32, #tpu.memory_space<hbm>>) target(%arg9 : memref<128x128xf32, #tpu.memory_space<vmem>>) offsets(%dma_start3A_106 : memref<128xi32, #tpu.memory_space<vmem>>) semaphore(%arg12 : memref<!tpu.dma_semaphore, #tpu.memory_space<semaphore_mem>>)
    %mul3A_110 = arith.constant 640 : i32
    %mul3A_111 = arith.muli %arg1, %mul3A_110 : i32
    %add3A_112 = arith.constant 0 : i32
    %add3A_113 = arith.addi %mul3A_111, %add3A_112 : i32
    %dma_wait3A_114 = arith.constant 0 : i32
    %dma_wait3A_115 = tpu.memref_slice %arg10[%add3A_113, %dma_wait3A_114] : memref<10240x128xf32, #tpu.memory_space<vmem_shared>> -> memref<128x128xf32, #tpu.memory_space<vmem_shared>>
    %dma_wait3A_116 = arith.constant 0 : i32
    %dma_wait3A_117 = tpu.memref_slice %arg10[%add3A_113, %dma_wait3A_116] : memref<10240x128xf32, #tpu.memory_space<vmem_shared>> -> memref<128x128xf32, #tpu.memory_space<vmem_shared>>
    tpu.wait_dma2 semaphore(%arg15 : memref<!tpu.dma_semaphore, #tpu.memory_space<semaphore_mem>>) src(%arg8 : memref<128x128xf32, #tpu.memory_space<vmem>>) dst(%dma_wait3A_117 : memref<128x128xf32, #tpu.memory_space<vmem_shared>>)
    %mul3A_118 = arith.constant 640 : i32
    %mul3A_119 = arith.muli %arg1, %mul3A_118 : i32
    %add3A_120 = arith.constant 128 : i32
    %add3A_121 = arith.addi %mul3A_119, %add3A_120 : i32
    %dma_wait3A_122 = arith.constant 0 : i32
    %dma_wait3A_123 = tpu.memref_slice %arg10[%add3A_121, %dma_wait3A_122] : memref<10240x128xf32, #tpu.memory_space<vmem_shared>> -> memref<128x128xf32, #tpu.memory_space<vmem_shared>>
    %dma_wait3A_124 = arith.constant 0 : i32
    %dma_wait3A_125 = tpu.memref_slice %arg10[%add3A_121, %dma_wait3A_124] : memref<10240x128xf32, #tpu.memory_space<vmem_shared>> -> memref<128x128xf32, #tpu.memory_space<vmem_shared>>
    tpu.wait_dma2 semaphore(%arg15 : memref<!tpu.dma_semaphore, #tpu.memory_space<semaphore_mem>>) src(%arg8 : memref<128x128xf32, #tpu.memory_space<vmem>>) dst(%dma_wait3A_125 : memref<128x128xf32, #tpu.memory_space<vmem_shared>>)
    %mul3A_126 = arith.constant 640 : i32
    %mul3A_127 = arith.muli %arg1, %mul3A_126 : i32
    %add3A_128 = arith.constant 256 : i32
    %add3A_129 = arith.addi %mul3A_127, %add3A_128 : i32
    %dma_wait3A_130 = arith.constant 0 : i32
    %dma_wait3A_131 = tpu.memref_slice %arg10[%add3A_129, %dma_wait3A_130] : memref<10240x128xf32, #tpu.memory_space<vmem_shared>> -> memref<128x128xf32, #tpu.memory_space<vmem_shared>>
    %dma_wait3A_132 = arith.constant 0 : i32
    %dma_wait3A_133 = tpu.memref_slice %arg10[%add3A_129, %dma_wait3A_132] : memref<10240x128xf32, #tpu.memory_space<vmem_shared>> -> memref<128x128xf32, #tpu.memory_space<vmem_shared>>
    tpu.wait_dma2 semaphore(%arg15 : memref<!tpu.dma_semaphore, #tpu.memory_space<semaphore_mem>>) src(%arg8 : memref<128x128xf32, #tpu.memory_space<vmem>>) dst(%dma_wait3A_133 : memref<128x128xf32, #tpu.memory_space<vmem_shared>>)
    %mul3A_134 = arith.constant 640 : i32
    %mul3A_135 = arith.muli %arg1, %mul3A_134 : i32
    %add3A_136 = arith.constant 384 : i32
    %add3A_137 = arith.addi %mul3A_135, %add3A_136 : i32
    %dma_wait3A_138 = arith.constant 0 : i32
    %dma_wait3A_139 = tpu.memref_slice %arg10[%add3A_137, %dma_wait3A_138] : memref<10240x128xf32, #tpu.memory_space<vmem_shared>> -> memref<128x128xf32, #tpu.memory_space<vmem_shared>>
    %dma_wait3A_140 = arith.constant 0 : i32
    %dma_wait3A_141 = tpu.memref_slice %arg10[%add3A_137, %dma_wait3A_140] : memref<10240x128xf32, #tpu.memory_space<vmem_shared>> -> memref<128x128xf32, #tpu.memory_space<vmem_shared>>
    tpu.wait_dma2 semaphore(%arg15 : memref<!tpu.dma_semaphore, #tpu.memory_space<semaphore_mem>>) src(%arg8 : memref<128x128xf32, #tpu.memory_space<vmem>>) dst(%dma_wait3A_141 : memref<128x128xf32, #tpu.memory_space<vmem_shared>>)
    %mul3A_142 = arith.constant 640 : i32
    %mul3A_143 = arith.muli %arg1, %mul3A_142 : i32
    %add3A_144 = arith.constant 512 : i32
    %add3A_145 = arith.addi %mul3A_143, %add3A_144 : i32
    %dma_wait3A_146 = arith.constant 0 : i32
    %dma_wait3A_147 = tpu.memref_slice %arg10[%add3A_145, %dma_wait3A_146] : memref<10240x128xf32, #tpu.memory_space<vmem_shared>> -> memref<128x128xf32, #tpu.memory_space<vmem_shared>>
    %dma_wait3A_148 = arith.constant 0 : i32
    %dma_wait3A_149 = tpu.memref_slice %arg10[%add3A_145, %dma_wait3A_148] : memref<10240x128xf32, #tpu.memory_space<vmem_shared>> -> memref<128x128xf32, #tpu.memory_space<vmem_shared>>
    tpu.wait_dma2 semaphore(%arg15 : memref<!tpu.dma_semaphore, #tpu.memory_space<semaphore_mem>>) src(%arg8 : memref<128x128xf32, #tpu.memory_space<vmem>>) dst(%dma_wait3A_149 : memref<128x128xf32, #tpu.memory_space<vmem_shared>>)
    %dma_start3A_150 = arith.constant 0 : i32
    %dma_start3A_151 = arith.constant 0 : i32
    %dma_start3A_152 = arith.constant 0 : i32
    %dma_start3A_153 = arith.constant 0 : i32
    %dma_start3A_154 = tpu.memref_slice %arg6[%dma_start3A_150, %dma_start3A_152, %dma_start3A_153] : memref<2x16x128xi32, #tpu.memory_space<vmem>> -> memref<1x16x128xi32, #tpu.memory_space<vmem>>
    %dma_start3A_155 = tpu.memref_squeeze %dma_start3A_154 : memref<1x16x128xi32, #tpu.memory_space<vmem>> -> memref<16x128xi32, #tpu.memory_space<vmem>>
    %dma_start3A_156 = arith.constant 0 : i32
    %dma_start3A_157 = tpu.memref_slice %dma_start3A_155[%dma_start3A_151, %dma_start3A_156] : memref<16x128xi32, #tpu.memory_space<vmem>> -> memref<1x128xi32, #tpu.memory_space<vmem>>
    %dma_start3A_158 = tpu.memref_squeeze %dma_start3A_157 : memref<1x128xi32, #tpu.memory_space<vmem>> -> memref<128xi32, #tpu.memory_space<vmem>>
    %dma_start3A_159 = arith.constant 0 : i32
    %dma_start3A_160 = arith.constant 0 : i32
    %dma_start3A_161 = tpu.memref_slice %arg2[%dma_start3A_159, %dma_start3A_160] : memref<10240x128xf32, #tpu.memory_space<hbm>> -> memref<10240x128xf32, #tpu.memory_space<hbm>>
    tpu.enqueue_indirect_dma source(%dma_start3A_161 : memref<10240x128xf32, #tpu.memory_space<hbm>>) target(%arg8 : memref<128x128xf32, #tpu.memory_space<vmem>>) offsets(%dma_start3A_158 : memref<128xi32, #tpu.memory_space<vmem>>) semaphore(%arg11 : memref<!tpu.dma_semaphore, #tpu.memory_space<semaphore_mem>>)
    %barrier3A = arith.constant 0 : index
    tpu.barrier barrier_id(%barrier3A)
    %scan3A_162 = arith.constant 0 : i32
    %scan3A_163 = arith.constant 5 : i32
    %scan3A_164 = arith.addi %scan3A_162, %scan3A_163 : i32
    %scan3A_165 = arith.constant 1 : i32
    scf.for %scan3A_172 = %scan3A_162 to %scan3A_164 step %scan3A_165  : i32 {
      %mul3A_173 = arith.constant 1 : i32
      %mul3A_174 = arith.muli %scan3A_172, %mul3A_173 : i32
      %add3A_175 = arith.constant 0 : i32
      %add3A_176 = arith.addi %add3A_175, %mul3A_174 : i32
      %jit3A = arith.constant 2 : i32
      %eq3A = arith.constant 0 : i32
      %eq3A_177 = arith.cmpi eq, %jit3A, %eq3A : i32
      %jit3A_178 = arith.constant 1 : i32
      %select_n3A = arith.select %eq3A_177, %jit3A_178, %jit3A : i32
      %rem3A = arith.remsi %add3A_176, %select_n3A : i32
      %ne3A = arith.constant 0 : i32
      %ne3A_179 = arith.cmpi ne, %rem3A, %ne3A : i32
      %lt3A = arith.constant 0 : i32
      %lt3A_180 = arith.cmpi slt, %rem3A, %lt3A : i32
      %lt3A_181 = arith.constant 0 : i32
      %lt3A_182 = arith.cmpi slt, %select_n3A, %lt3A_181 : i32
      %ne3A_183 = arith.xori %lt3A_180, %lt3A_182 : i1
      %and3A = arith.andi %ne3A_183, %ne3A_179 : i1
      %add3A_184 = arith.addi %rem3A, %select_n3A : i32
      %select_n3A_185 = arith.select %and3A, %add3A_184, %rem3A : i32
      %add3A_186 = arith.constant 1 : i32
      %add3A_187 = arith.addi %add3A_176, %add3A_186 : i32
      %mul3A_188 = arith.constant 16 : i32
      %mul3A_189 = arith.muli %add3A_187, %mul3A_188 : i32
      %add3A_190 = arith.addi %mul3A_2, %mul3A_189 : i32
      %lt3A_191 = arith.constant 4 : i32
      %lt3A_192 = arith.cmpi slt, %add3A_176, %lt3A_191 : i32
      %convert_element_type3A = arith.extui %lt3A_192 : i1 to i32
      %cond3A = arith.constant 0 : i32
      %cond3A_193 = arith.cmpi ne, %convert_element_type3A, %cond3A : i32
      scf.if %cond3A_193 {
        %sub3A = arith.constant 1 : i32
        %sub3A_204 = arith.subi %sub3A, %select_n3A_185 : i32
        %dma_start3A_205 = arith.constant 0 : i32
        %dma_start3A_206 = arith.constant 0 : i32
        %dma_start3A_207 = tpu.memref_slice %arg6[%sub3A_204, %dma_start3A_205, %dma_start3A_206] : memref<2x16x128xi32, #tpu.memory_space<vmem>> -> memref<1x16x128xi32, #tpu.memory_space<vmem>>
        %dma_start3A_208 = tpu.memref_squeeze %dma_start3A_207 : memref<1x16x128xi32, #tpu.memory_space<vmem>> -> memref<16x128xi32, #tpu.memory_space<vmem>>
        %dma_start3A_209 = arith.constant 0 : i32
        %dma_start3A_210 = tpu.memref_slice %arg3[%add3A_190, %dma_start3A_209] : memref<2560x128xi32, #tpu.memory_space<hbm>> -> memref<16x128xi32, #tpu.memory_space<hbm>>
        %dma_start3A_211 = arith.constant 0 : i32
        %dma_start3A_212 = arith.constant 0 : i32
        %dma_start3A_213 = tpu.memref_slice %arg6[%sub3A_204, %dma_start3A_211, %dma_start3A_212] : memref<2x16x128xi32, #tpu.memory_space<vmem>> -> memref<1x16x128xi32, #tpu.memory_space<vmem>>
        %dma_start3A_214 = tpu.memref_squeeze %dma_start3A_213 : memref<1x16x128xi32, #tpu.memory_space<vmem>> -> memref<16x128xi32, #tpu.memory_space<vmem>>
        %dma_start3A_215 = arith.constant 0 : i32
        %dma_start3A_216 = tpu.memref_slice %arg3[%add3A_190, %dma_start3A_215] : memref<2560x128xi32, #tpu.memory_space<hbm>> -> memref<16x128xi32, #tpu.memory_space<hbm>>
        tpu.enqueue_dma source(%dma_start3A_216 : memref<16x128xi32, #tpu.memory_space<hbm>>) target(%dma_start3A_214 : memref<16x128xi32, #tpu.memory_space<vmem>>) target_semaphore(%arg14 : memref<!tpu.dma_semaphore, #tpu.memory_space<semaphore_mem>>)
        %sub3A_217 = arith.constant 1 : i32
        %sub3A_218 = arith.subi %sub3A_217, %select_n3A_185 : i32
        %dma_start3A_219 = arith.constant 0 : i32
        %dma_start3A_220 = arith.constant 0 : i32
        %dma_start3A_221 = tpu.memref_slice %arg7[%sub3A_218, %dma_start3A_219, %dma_start3A_220] : memref<2x16x128xi32, #tpu.memory_space<vmem>> -> memref<1x16x128xi32, #tpu.memory_space<vmem>>
        %dma_start3A_222 = tpu.memref_squeeze %dma_start3A_221 : memref<1x16x128xi32, #tpu.memory_space<vmem>> -> memref<16x128xi32, #tpu.memory_space<vmem>>
        %dma_start3A_223 = arith.constant 0 : i32
        %dma_start3A_224 = tpu.memref_slice %arg4[%add3A_190, %dma_start3A_223] : memref<2560x128xi32, #tpu.memory_space<hbm>> -> memref<16x128xi32, #tpu.memory_space<hbm>>
        %dma_start3A_225 = arith.constant 0 : i32
        %dma_start3A_226 = arith.constant 0 : i32
        %dma_start3A_227 = tpu.memref_slice %arg7[%sub3A_218, %dma_start3A_225, %dma_start3A_226] : memref<2x16x128xi32, #tpu.memory_space<vmem>> -> memref<1x16x128xi32, #tpu.memory_space<vmem>>
        %dma_start3A_228 = tpu.memref_squeeze %dma_start3A_227 : memref<1x16x128xi32, #tpu.memory_space<vmem>> -> memref<16x128xi32, #tpu.memory_space<vmem>>
        %dma_start3A_229 = arith.constant 0 : i32
        %dma_start3A_230 = tpu.memref_slice %arg4[%add3A_190, %dma_start3A_229] : memref<2560x128xi32, #tpu.memory_space<hbm>> -> memref<16x128xi32, #tpu.memory_space<hbm>>
        tpu.enqueue_dma source(%dma_start3A_230 : memref<16x128xi32, #tpu.memory_space<hbm>>) target(%dma_start3A_228 : memref<16x128xi32, #tpu.memory_space<vmem>>) target_semaphore(%arg14 : memref<!tpu.dma_semaphore, #tpu.memory_space<semaphore_mem>>)
      } else {
      }
      %scan3A_194 = arith.constant 0 : i32
      %scan3A_195 = arith.constant 8 : i32
      %scan3A_196 = arith.addi %scan3A_194, %scan3A_195 : i32
      %scan3A_197 = arith.constant 1 : i32
      scf.for %scan3A_204 = %scan3A_194 to %scan3A_196 step %scan3A_197  : i32 {
        %mul3A_205 = arith.constant 1 : i32
        %mul3A_206 = arith.muli %scan3A_204, %mul3A_205 : i32
        %add3A_207 = arith.constant 0 : i32
        %add3A_208 = arith.addi %add3A_207, %mul3A_206 : i32
        %mul3A_209 = arith.constant 2 : i32
        %mul3A_210 = arith.muli %mul3A_209, %add3A_208 : i32
        %dma_wait3A_211 = arith.constant 0 : i32
        %dma_wait3A_212 = arith.constant 0 : i32
        %dma_wait3A_213 = tpu.memref_slice %arg6[%select_n3A_185, %dma_wait3A_211, %dma_wait3A_212] : memref<2x16x128xi32, #tpu.memory_space<vmem>> -> memref<1x16x128xi32, #tpu.memory_space<vmem>>
        %dma_wait3A_214 = tpu.memref_squeeze %dma_wait3A_213 : memref<1x16x128xi32, #tpu.memory_space<vmem>> -> memref<16x128xi32, #tpu.memory_space<vmem>>
        %dma_wait3A_215 = arith.constant 0 : i32
        %dma_wait3A_216 = tpu.memref_slice %dma_wait3A_214[%mul3A_210, %dma_wait3A_215] : memref<16x128xi32, #tpu.memory_space<vmem>> -> memref<1x128xi32, #tpu.memory_space<vmem>>
        %dma_wait3A_217 = tpu.memref_squeeze %dma_wait3A_216 : memref<1x128xi32, #tpu.memory_space<vmem>> -> memref<128xi32, #tpu.memory_space<vmem>>
        %dma_wait3A_218 = arith.constant 0 : i32
        %dma_wait3A_219 = arith.constant 0 : i32
        %dma_wait3A_220 = tpu.memref_slice %arg2[%dma_wait3A_218, %dma_wait3A_219] : memref<10240x128xf32, #tpu.memory_space<hbm>> -> memref<10240x128xf32, #tpu.memory_space<hbm>>
        tpu.wait_indirect_dma semaphore(%arg11 : memref<!tpu.dma_semaphore, #tpu.memory_space<semaphore_mem>>) src(%dma_wait3A_220 : memref<10240x128xf32, #tpu.memory_space<hbm>>) dst(%arg8 : memref<128x128xf32, #tpu.memory_space<vmem>>)
        "tpu.region"() ({
          %run_scoped3A = tpu.sem_alloc : memref<!tpu.dma_semaphore, #tpu.memory_space<semaphore_mem>>
          %dma_start3A_245 = arith.constant 0 : i32
          %dma_start3A_246 = arith.constant 0 : i32
          %dma_start3A_247 = tpu.memref_slice %arg7[%select_n3A_185, %dma_start3A_245, %dma_start3A_246] : memref<2x16x128xi32, #tpu.memory_space<vmem>> -> memref<1x16x128xi32, #tpu.memory_space<vmem>>
          %dma_start3A_248 = tpu.memref_squeeze %dma_start3A_247 : memref<1x16x128xi32, #tpu.memory_space<vmem>> -> memref<16x128xi32, #tpu.memory_space<vmem>>
          %dma_start3A_249 = arith.constant 0 : i32
          %dma_start3A_250 = tpu.memref_slice %dma_start3A_248[%mul3A_210, %dma_start3A_249] : memref<16x128xi32, #tpu.memory_space<vmem>> -> memref<1x128xi32, #tpu.memory_space<vmem>>
          %dma_start3A_251 = tpu.memref_squeeze %dma_start3A_250 : memref<1x128xi32, #tpu.memory_space<vmem>> -> memref<128xi32, #tpu.memory_space<vmem>>
          %dma_start3A_252 = arith.constant 0 : i32
          %dma_start3A_253 = arith.constant 0 : i32
          %dma_start3A_254 = tpu.memref_slice %arg10[%dma_start3A_252, %dma_start3A_253] : memref<10240x128xf32, #tpu.memory_space<vmem_shared>> -> memref<10240x128xf32, #tpu.memory_space<vmem_shared>>
          tpu.enqueue_indirect_dma source(%arg8 : memref<128x128xf32, #tpu.memory_space<vmem>>) target(%dma_start3A_254 : memref<10240x128xf32, #tpu.memory_space<vmem_shared>>) offsets(%dma_start3A_251 : memref<128xi32, #tpu.memory_space<vmem>>) semaphore(%run_scoped3A : memref<!tpu.dma_semaphore, #tpu.memory_space<semaphore_mem>>) {add = true}
          %dma_wait3A_255 = arith.constant 0 : i32
          %dma_wait3A_256 = arith.constant 0 : i32
          %dma_wait3A_257 = tpu.memref_slice %arg7[%select_n3A_185, %dma_wait3A_255, %dma_wait3A_256] : memref<2x16x128xi32, #tpu.memory_space<vmem>> -> memref<1x16x128xi32, #tpu.memory_space<vmem>>
          %dma_wait3A_258 = tpu.memref_squeeze %dma_wait3A_257 : memref<1x16x128xi32, #tpu.memory_space<vmem>> -> memref<16x128xi32, #tpu.memory_space<vmem>>
          %dma_wait3A_259 = arith.constant 0 : i32
          %dma_wait3A_260 = tpu.memref_slice %dma_wait3A_258[%mul3A_210, %dma_wait3A_259] : memref<16x128xi32, #tpu.memory_space<vmem>> -> memref<1x128xi32, #tpu.memory_space<vmem>>
          %dma_wait3A_261 = tpu.memref_squeeze %dma_wait3A_260 : memref<1x128xi32, #tpu.memory_space<vmem>> -> memref<128xi32, #tpu.memory_space<vmem>>
          %dma_wait3A_262 = arith.constant 0 : i32
          %dma_wait3A_263 = arith.constant 0 : i32
          %dma_wait3A_264 = tpu.memref_slice %arg10[%dma_wait3A_262, %dma_wait3A_263] : memref<10240x128xf32, #tpu.memory_space<vmem_shared>> -> memref<10240x128xf32, #tpu.memory_space<vmem_shared>>
          tpu.wait_indirect_dma semaphore(%run_scoped3A : memref<!tpu.dma_semaphore, #tpu.memory_space<semaphore_mem>>) src(%arg8 : memref<128x128xf32, #tpu.memory_space<vmem>>) dst(%dma_wait3A_264 : memref<10240x128xf32, #tpu.memory_space<vmem_shared>>)
          tpu.yield
        }) : () -> ()
        %lt3A_221 = arith.constant 7 : i32
        %lt3A_222 = arith.cmpi slt, %add3A_208, %lt3A_221 : i32
        %convert_element_type3A_223 = arith.extui %lt3A_222 : i1 to i32
        %cond3A_224 = arith.constant 0 : i32
        %cond3A_225 = arith.cmpi ne, %convert_element_type3A_223, %cond3A_224 : i32
        scf.if %cond3A_225 {
          %add3A_245 = arith.constant 2 : i32
          %add3A_246 = arith.addi %mul3A_210, %add3A_245 : i32
          %dma_start3A_247 = arith.constant 0 : i32
          %dma_start3A_248 = arith.constant 0 : i32
          %dma_start3A_249 = tpu.memref_slice %arg6[%select_n3A_185, %dma_start3A_247, %dma_start3A_248] : memref<2x16x128xi32, #tpu.memory_space<vmem>> -> memref<1x16x128xi32, #tpu.memory_space<vmem>>
          %dma_start3A_250 = tpu.memref_squeeze %dma_start3A_249 : memref<1x16x128xi32, #tpu.memory_space<vmem>> -> memref<16x128xi32, #tpu.memory_space<vmem>>
          %dma_start3A_251 = arith.constant 0 : i32
          %dma_start3A_252 = tpu.memref_slice %dma_start3A_250[%add3A_246, %dma_start3A_251] : memref<16x128xi32, #tpu.memory_space<vmem>> -> memref<1x128xi32, #tpu.memory_space<vmem>>
          %dma_start3A_253 = tpu.memref_squeeze %dma_start3A_252 : memref<1x128xi32, #tpu.memory_space<vmem>> -> memref<128xi32, #tpu.memory_space<vmem>>
          %dma_start3A_254 = arith.constant 0 : i32
          %dma_start3A_255 = arith.constant 0 : i32
          %dma_start3A_256 = tpu.memref_slice %arg2[%dma_start3A_254, %dma_start3A_255] : memref<10240x128xf32, #tpu.memory_space<hbm>> -> memref<10240x128xf32, #tpu.memory_space<hbm>>
          tpu.enqueue_indirect_dma source(%dma_start3A_256 : memref<10240x128xf32, #tpu.memory_space<hbm>>) target(%arg8 : memref<128x128xf32, #tpu.memory_space<vmem>>) offsets(%dma_start3A_253 : memref<128xi32, #tpu.memory_space<vmem>>) semaphore(%arg11 : memref<!tpu.dma_semaphore, #tpu.memory_space<semaphore_mem>>)
        } else {
        }
        %add3A_226 = arith.constant 1 : i32
        %add3A_227 = arith.addi %mul3A_210, %add3A_226 : i32
        %dma_wait3A_228 = arith.constant 0 : i32
        %dma_wait3A_229 = arith.constant 0 : i32
        %dma_wait3A_230 = tpu.memref_slice %arg6[%select_n3A_185, %dma_wait3A_228, %dma_wait3A_229] : memref<2x16x128xi32, #tpu.memory_space<vmem>> -> memref<1x16x128xi32, #tpu.memory_space<vmem>>
        %dma_wait3A_231 = tpu.memref_squeeze %dma_wait3A_230 : memref<1x16x128xi32, #tpu.memory_space<vmem>> -> memref<16x128xi32, #tpu.memory_space<vmem>>
        %dma_wait3A_232 = arith.constant 0 : i32
        %dma_wait3A_233 = tpu.memref_slice %dma_wait3A_231[%add3A_227, %dma_wait3A_232] : memref<16x128xi32, #tpu.memory_space<vmem>> -> memref<1x128xi32, #tpu.memory_space<vmem>>
        %dma_wait3A_234 = tpu.memref_squeeze %dma_wait3A_233 : memref<1x128xi32, #tpu.memory_space<vmem>> -> memref<128xi32, #tpu.memory_space<vmem>>
        %dma_wait3A_235 = arith.constant 0 : i32
        %dma_wait3A_236 = arith.constant 0 : i32
        %dma_wait3A_237 = tpu.memref_slice %arg2[%dma_wait3A_235, %dma_wait3A_236] : memref<10240x128xf32, #tpu.memory_space<hbm>> -> memref<10240x128xf32, #tpu.memory_space<hbm>>
        tpu.wait_indirect_dma semaphore(%arg12 : memref<!tpu.dma_semaphore, #tpu.memory_space<semaphore_mem>>) src(%dma_wait3A_237 : memref<10240x128xf32, #tpu.memory_space<hbm>>) dst(%arg9 : memref<128x128xf32, #tpu.memory_space<vmem>>)
        %add3A_238 = arith.constant 1 : i32
        %add3A_239 = arith.addi %mul3A_210, %add3A_238 : i32
        "tpu.region"() ({
          %run_scoped3A = tpu.sem_alloc : memref<!tpu.dma_semaphore, #tpu.memory_space<semaphore_mem>>
          %dma_start3A_245 = arith.constant 0 : i32
          %dma_start3A_246 = arith.constant 0 : i32
          %dma_start3A_247 = tpu.memref_slice %arg7[%select_n3A_185, %dma_start3A_245, %dma_start3A_246] : memref<2x16x128xi32, #tpu.memory_space<vmem>> -> memref<1x16x128xi32, #tpu.memory_space<vmem>>
          %dma_start3A_248 = tpu.memref_squeeze %dma_start3A_247 : memref<1x16x128xi32, #tpu.memory_space<vmem>> -> memref<16x128xi32, #tpu.memory_space<vmem>>
          %dma_start3A_249 = arith.constant 0 : i32
          %dma_start3A_250 = tpu.memref_slice %dma_start3A_248[%add3A_239, %dma_start3A_249] : memref<16x128xi32, #tpu.memory_space<vmem>> -> memref<1x128xi32, #tpu.memory_space<vmem>>
          %dma_start3A_251 = tpu.memref_squeeze %dma_start3A_250 : memref<1x128xi32, #tpu.memory_space<vmem>> -> memref<128xi32, #tpu.memory_space<vmem>>
          %dma_start3A_252 = arith.constant 0 : i32
          %dma_start3A_253 = arith.constant 0 : i32
          %dma_start3A_254 = tpu.memref_slice %arg10[%dma_start3A_252, %dma_start3A_253] : memref<10240x128xf32, #tpu.memory_space<vmem_shared>> -> memref<10240x128xf32, #tpu.memory_space<vmem_shared>>
          tpu.enqueue_indirect_dma source(%arg9 : memref<128x128xf32, #tpu.memory_space<vmem>>) target(%dma_start3A_254 : memref<10240x128xf32, #tpu.memory_space<vmem_shared>>) offsets(%dma_start3A_251 : memref<128xi32, #tpu.memory_space<vmem>>) semaphore(%run_scoped3A : memref<!tpu.dma_semaphore, #tpu.memory_space<semaphore_mem>>) {add = true}
          %dma_wait3A_255 = arith.constant 0 : i32
          %dma_wait3A_256 = arith.constant 0 : i32
          %dma_wait3A_257 = tpu.memref_slice %arg7[%select_n3A_185, %dma_wait3A_255, %dma_wait3A_256] : memref<2x16x128xi32, #tpu.memory_space<vmem>> -> memref<1x16x128xi32, #tpu.memory_space<vmem>>
          %dma_wait3A_258 = tpu.memref_squeeze %dma_wait3A_257 : memref<1x16x128xi32, #tpu.memory_space<vmem>> -> memref<16x128xi32, #tpu.memory_space<vmem>>
          %dma_wait3A_259 = arith.constant 0 : i32
          %dma_wait3A_260 = tpu.memref_slice %dma_wait3A_258[%add3A_239, %dma_wait3A_259] : memref<16x128xi32, #tpu.memory_space<vmem>> -> memref<1x128xi32, #tpu.memory_space<vmem>>
          %dma_wait3A_261 = tpu.memref_squeeze %dma_wait3A_260 : memref<1x128xi32, #tpu.memory_space<vmem>> -> memref<128xi32, #tpu.memory_space<vmem>>
          %dma_wait3A_262 = arith.constant 0 : i32
          %dma_wait3A_263 = arith.constant 0 : i32
          %dma_wait3A_264 = tpu.memref_slice %arg10[%dma_wait3A_262, %dma_wait3A_263] : memref<10240x128xf32, #tpu.memory_space<vmem_shared>> -> memref<10240x128xf32, #tpu.memory_space<vmem_shared>>
          tpu.wait_indirect_dma semaphore(%run_scoped3A : memref<!tpu.dma_semaphore, #tpu.memory_space<semaphore_mem>>) src(%arg9 : memref<128x128xf32, #tpu.memory_space<vmem>>) dst(%dma_wait3A_264 : memref<10240x128xf32, #tpu.memory_space<vmem_shared>>)
          tpu.yield
        }) : () -> ()
        %lt3A_240 = arith.constant 7 : i32
        %lt3A_241 = arith.cmpi slt, %add3A_208, %lt3A_240 : i32
        %convert_element_type3A_242 = arith.extui %lt3A_241 : i1 to i32
        %cond3A_243 = arith.constant 0 : i32
        %cond3A_244 = arith.cmpi ne, %convert_element_type3A_242, %cond3A_243 : i32
        scf.if %cond3A_244 {
          %add3A_245 = arith.constant 3 : i32
          %add3A_246 = arith.addi %mul3A_210, %add3A_245 : i32
          %dma_start3A_247 = arith.constant 0 : i32
          %dma_start3A_248 = arith.constant 0 : i32
          %dma_start3A_249 = tpu.memref_slice %arg6[%select_n3A_185, %dma_start3A_247, %dma_start3A_248] : memref<2x16x128xi32, #tpu.memory_space<vmem>> -> memref<1x16x128xi32, #tpu.memory_space<vmem>>
          %dma_start3A_250 = tpu.memref_squeeze %dma_start3A_249 : memref<1x16x128xi32, #tpu.memory_space<vmem>> -> memref<16x128xi32, #tpu.memory_space<vmem>>
          %dma_start3A_251 = arith.constant 0 : i32
          %dma_start3A_252 = tpu.memref_slice %dma_start3A_250[%add3A_246, %dma_start3A_251] : memref<16x128xi32, #tpu.memory_space<vmem>> -> memref<1x128xi32, #tpu.memory_space<vmem>>
          %dma_start3A_253 = tpu.memref_squeeze %dma_start3A_252 : memref<1x128xi32, #tpu.memory_space<vmem>> -> memref<128xi32, #tpu.memory_space<vmem>>
          %dma_start3A_254 = arith.constant 0 : i32
          %dma_start3A_255 = arith.constant 0 : i32
          %dma_start3A_256 = tpu.memref_slice %arg2[%dma_start3A_254, %dma_start3A_255] : memref<10240x128xf32, #tpu.memory_space<hbm>> -> memref<10240x128xf32, #tpu.memory_space<hbm>>
          tpu.enqueue_indirect_dma source(%dma_start3A_256 : memref<10240x128xf32, #tpu.memory_space<hbm>>) target(%arg9 : memref<128x128xf32, #tpu.memory_space<vmem>>) offsets(%dma_start3A_253 : memref<128xi32, #tpu.memory_space<vmem>>) semaphore(%arg12 : memref<!tpu.dma_semaphore, #tpu.memory_space<semaphore_mem>>)
        } else {
        }
      }
      %scan3A_198 = arith.constant 8 : i32
      %lt3A_199 = arith.constant 4 : i32
      %lt3A_200 = arith.cmpi slt, %add3A_176, %lt3A_199 : i32
      %convert_element_type3A_201 = arith.extui %lt3A_200 : i1 to i32
      %cond3A_202 = arith.constant 0 : i32
      %cond3A_203 = arith.cmpi ne, %convert_element_type3A_201, %cond3A_202 : i32
      scf.if %cond3A_203 {
        %sub3A = arith.constant 1 : i32
        %sub3A_204 = arith.subi %sub3A, %select_n3A_185 : i32
        %dma_wait3A_205 = arith.constant 0 : i32
        %dma_wait3A_206 = arith.constant 0 : i32
        %dma_wait3A_207 = tpu.memref_slice %arg6[%sub3A_204, %dma_wait3A_205, %dma_wait3A_206] : memref<2x16x128xi32, #tpu.memory_space<vmem>> -> memref<1x16x128xi32, #tpu.memory_space<vmem>>
        %dma_wait3A_208 = tpu.memref_squeeze %dma_wait3A_207 : memref<1x16x128xi32, #tpu.memory_space<vmem>> -> memref<16x128xi32, #tpu.memory_space<vmem>>
        %dma_wait3A_209 = arith.constant 0 : i32
        %dma_wait3A_210 = tpu.memref_slice %arg3[%add3A_190, %dma_wait3A_209] : memref<2560x128xi32, #tpu.memory_space<hbm>> -> memref<16x128xi32, #tpu.memory_space<hbm>>
        %dma_wait3A_211 = arith.constant 0 : i32
        %dma_wait3A_212 = arith.constant 0 : i32
        %dma_wait3A_213 = tpu.memref_slice %arg6[%sub3A_204, %dma_wait3A_211, %dma_wait3A_212] : memref<2x16x128xi32, #tpu.memory_space<vmem>> -> memref<1x16x128xi32, #tpu.memory_space<vmem>>
        %dma_wait3A_214 = tpu.memref_squeeze %dma_wait3A_213 : memref<1x16x128xi32, #tpu.memory_space<vmem>> -> memref<16x128xi32, #tpu.memory_space<vmem>>
        %dma_wait3A_215 = arith.constant 0 : i32
        %dma_wait3A_216 = tpu.memref_slice %arg3[%add3A_190, %dma_wait3A_215] : memref<2560x128xi32, #tpu.memory_space<hbm>> -> memref<16x128xi32, #tpu.memory_space<hbm>>
        tpu.wait_dma2 semaphore(%arg14 : memref<!tpu.dma_semaphore, #tpu.memory_space<semaphore_mem>>) src(%dma_wait3A_216 : memref<16x128xi32, #tpu.memory_space<hbm>>) dst(%dma_wait3A_214 : memref<16x128xi32, #tpu.memory_space<vmem>>)
        %sub3A_217 = arith.constant 1 : i32
        %sub3A_218 = arith.subi %sub3A_217, %select_n3A_185 : i32
        %dma_wait3A_219 = arith.constant 0 : i32
        %dma_wait3A_220 = arith.constant 0 : i32
        %dma_wait3A_221 = tpu.memref_slice %arg7[%sub3A_218, %dma_wait3A_219, %dma_wait3A_220] : memref<2x16x128xi32, #tpu.memory_space<vmem>> -> memref<1x16x128xi32, #tpu.memory_space<vmem>>
        %dma_wait3A_222 = tpu.memref_squeeze %dma_wait3A_221 : memref<1x16x128xi32, #tpu.memory_space<vmem>> -> memref<16x128xi32, #tpu.memory_space<vmem>>
        %dma_wait3A_223 = arith.constant 0 : i32
        %dma_wait3A_224 = tpu.memref_slice %arg4[%add3A_190, %dma_wait3A_223] : memref<2560x128xi32, #tpu.memory_space<hbm>> -> memref<16x128xi32, #tpu.memory_space<hbm>>
        %dma_wait3A_225 = arith.constant 0 : i32
        %dma_wait3A_226 = arith.constant 0 : i32
        %dma_wait3A_227 = tpu.memref_slice %arg7[%sub3A_218, %dma_wait3A_225, %dma_wait3A_226] : memref<2x16x128xi32, #tpu.memory_space<vmem>> -> memref<1x16x128xi32, #tpu.memory_space<vmem>>
        %dma_wait3A_228 = tpu.memref_squeeze %dma_wait3A_227 : memref<1x16x128xi32, #tpu.memory_space<vmem>> -> memref<16x128xi32, #tpu.memory_space<vmem>>
        %dma_wait3A_229 = arith.constant 0 : i32
        %dma_wait3A_230 = tpu.memref_slice %arg4[%add3A_190, %dma_wait3A_229] : memref<2560x128xi32, #tpu.memory_space<hbm>> -> memref<16x128xi32, #tpu.memory_space<hbm>>
        tpu.wait_dma2 semaphore(%arg14 : memref<!tpu.dma_semaphore, #tpu.memory_space<semaphore_mem>>) src(%dma_wait3A_230 : memref<16x128xi32, #tpu.memory_space<hbm>>) dst(%dma_wait3A_228 : memref<16x128xi32, #tpu.memory_space<vmem>>)
        %sub3A_231 = arith.constant 1 : i32
        %sub3A_232 = arith.subi %sub3A_231, %select_n3A_185 : i32
        %dma_start3A_233 = arith.constant 0 : i32
        %dma_start3A_234 = arith.constant 0 : i32
        %dma_start3A_235 = arith.constant 0 : i32
        %dma_start3A_236 = tpu.memref_slice %arg6[%sub3A_232, %dma_start3A_234, %dma_start3A_235] : memref<2x16x128xi32, #tpu.memory_space<vmem>> -> memref<1x16x128xi32, #tpu.memory_space<vmem>>
        %dma_start3A_237 = tpu.memref_squeeze %dma_start3A_236 : memref<1x16x128xi32, #tpu.memory_space<vmem>> -> memref<16x128xi32, #tpu.memory_space<vmem>>
        %dma_start3A_238 = arith.constant 0 : i32
        %dma_start3A_239 = tpu.memref_slice %dma_start3A_237[%dma_start3A_233, %dma_start3A_238] : memref<16x128xi32, #tpu.memory_space<vmem>> -> memref<1x128xi32, #tpu.memory_space<vmem>>
        %dma_start3A_240 = tpu.memref_squeeze %dma_start3A_239 : memref<1x128xi32, #tpu.memory_space<vmem>> -> memref<128xi32, #tpu.memory_space<vmem>>
        %dma_start3A_241 = arith.constant 0 : i32
        %dma_start3A_242 = arith.constant 0 : i32
        %dma_start3A_243 = tpu.memref_slice %arg2[%dma_start3A_241, %dma_start3A_242] : memref<10240x128xf32, #tpu.memory_space<hbm>> -> memref<10240x128xf32, #tpu.memory_space<hbm>>
        tpu.enqueue_indirect_dma source(%dma_start3A_243 : memref<10240x128xf32, #tpu.memory_space<hbm>>) target(%arg8 : memref<128x128xf32, #tpu.memory_space<vmem>>) offsets(%dma_start3A_240 : memref<128xi32, #tpu.memory_space<vmem>>) semaphore(%arg11 : memref<!tpu.dma_semaphore, #tpu.memory_space<semaphore_mem>>)
        %sub3A_244 = arith.constant 1 : i32
        %sub3A_245 = arith.subi %sub3A_244, %select_n3A_185 : i32
        %dma_start3A_246 = arith.constant 1 : i32
        %dma_start3A_247 = arith.constant 0 : i32
        %dma_start3A_248 = arith.constant 0 : i32
        %dma_start3A_249 = tpu.memref_slice %arg6[%sub3A_245, %dma_start3A_247, %dma_start3A_248] : memref<2x16x128xi32, #tpu.memory_space<vmem>> -> memref<1x16x128xi32, #tpu.memory_space<vmem>>
        %dma_start3A_250 = tpu.memref_squeeze %dma_start3A_249 : memref<1x16x128xi32, #tpu.memory_space<vmem>> -> memref<16x128xi32, #tpu.memory_space<vmem>>
        %dma_start3A_251 = arith.constant 0 : i32
        %dma_start3A_252 = tpu.memref_slice %dma_start3A_250[%dma_start3A_246, %dma_start3A_251] : memref<16x128xi32, #tpu.memory_space<vmem>> -> memref<1x128xi32, #tpu.memory_space<vmem>>
        %dma_start3A_253 = tpu.memref_squeeze %dma_start3A_252 : memref<1x128xi32, #tpu.memory_space<vmem>> -> memref<128xi32, #tpu.memory_space<vmem>>
        %dma_start3A_254 = arith.constant 0 : i32
        %dma_start3A_255 = arith.constant 0 : i32
        %dma_start3A_256 = tpu.memref_slice %arg2[%dma_start3A_254, %dma_start3A_255] : memref<10240x128xf32, #tpu.memory_space<hbm>> -> memref<10240x128xf32, #tpu.memory_space<hbm>>
        tpu.enqueue_indirect_dma source(%dma_start3A_256 : memref<10240x128xf32, #tpu.memory_space<hbm>>) target(%arg9 : memref<128x128xf32, #tpu.memory_space<vmem>>) offsets(%dma_start3A_253 : memref<128xi32, #tpu.memory_space<vmem>>) semaphore(%arg12 : memref<!tpu.dma_semaphore, #tpu.memory_space<semaphore_mem>>)
      } else {
      }
    }
    %scan3A_166 = arith.constant 5 : i32
    %barrier3A_167 = arith.constant 0 : index
    tpu.barrier barrier_id(%barrier3A_167)
    %mul3A_168 = arith.constant 640 : i32
    %mul3A_169 = arith.muli %arg1, %mul3A_168 : i32
    %mul3A_170 = arith.constant 640 : i32
    %mul3A_171 = arith.muli %arg1, %mul3A_170 : i32
    "tpu.region"() ({
      %run_scoped3A = tpu.sem_alloc : memref<!tpu.dma_semaphore, #tpu.memory_space<semaphore_mem>>
      %dma_start3A_172 = arith.constant 0 : i32
      %dma_start3A_173 = arith.constant 0 : i32
      %dma_start3A_174 = tpu.memref_slice %arg5[%arg0, %dma_start3A_172, %dma_start3A_173] : memref<2x10240x128xf32, #tpu.memory_space<hbm>> -> memref<1x10240x128xf32, #tpu.memory_space<hbm>>
      %dma_start3A_175 = tpu.memref_squeeze %dma_start3A_174 : memref<1x10240x128xf32, #tpu.memory_space<hbm>> -> memref<10240x128xf32, #tpu.memory_space<hbm>>
      %dma_start3A_176 = arith.constant 0 : i32
      %dma_start3A_177 = tpu.memref_slice %dma_start3A_175[%mul3A_171, %dma_start3A_176] : memref<10240x128xf32, #tpu.memory_space<hbm>> -> memref<640x128xf32, #tpu.memory_space<hbm>>
      %dma_start3A_178 = arith.constant 0 : i32
      %dma_start3A_179 = tpu.memref_slice %arg10[%mul3A_169, %dma_start3A_178] : memref<10240x128xf32, #tpu.memory_space<vmem_shared>> -> memref<640x128xf32, #tpu.memory_space<vmem_shared>>
      tpu.enqueue_dma source(%dma_start3A_179 : memref<640x128xf32, #tpu.memory_space<vmem_shared>>) target(%dma_start3A_177 : memref<640x128xf32, #tpu.memory_space<hbm>>) target_semaphore(%run_scoped3A : memref<!tpu.dma_semaphore, #tpu.memory_space<semaphore_mem>>)
      %dma_wait3A_180 = arith.constant 0 : i32
      %dma_wait3A_181 = arith.constant 0 : i32
      %dma_wait3A_182 = tpu.memref_slice %arg5[%arg0, %dma_wait3A_180, %dma_wait3A_181] : memref<2x10240x128xf32, #tpu.memory_space<hbm>> -> memref<1x10240x128xf32, #tpu.memory_space<hbm>>
      %dma_wait3A_183 = tpu.memref_squeeze %dma_wait3A_182 : memref<1x10240x128xf32, #tpu.memory_space<hbm>> -> memref<10240x128xf32, #tpu.memory_space<hbm>>
      %dma_wait3A_184 = arith.constant 0 : i32
      %dma_wait3A_185 = tpu.memref_slice %dma_wait3A_183[%mul3A_171, %dma_wait3A_184] : memref<10240x128xf32, #tpu.memory_space<hbm>> -> memref<640x128xf32, #tpu.memory_space<hbm>>
      %dma_wait3A_186 = arith.constant 0 : i32
      %dma_wait3A_187 = tpu.memref_slice %arg10[%mul3A_169, %dma_wait3A_186] : memref<10240x128xf32, #tpu.memory_space<vmem_shared>> -> memref<640x128xf32, #tpu.memory_space<vmem_shared>>
      tpu.wait_dma2 semaphore(%run_scoped3A : memref<!tpu.dma_semaphore, #tpu.memory_space<semaphore_mem>>) src(%dma_wait3A_187 : memref<640x128xf32, #tpu.memory_space<vmem_shared>>) dst(%dma_wait3A_185 : memref<640x128xf32, #tpu.memory_space<hbm>>)
      tpu.yield
    }) : () -> ()
    return
  }
}

#map = affine_map<(d0, d1) -> (0, 0)>
#map1 = affine_map<(d0, d1) -> (0, 0, 0)>
module attributes {stable_mosaic.version = 14 : i64} {
  func.func @k(%arg0: i32, %arg1: i32, %arg2: memref<10240x128xf32, #tpu.memory_space<hbm>>, %arg3: memref<2560x128xi32, #tpu.memory_space<hbm>>, %arg4: memref<2560x128xi32, #tpu.memory_space<hbm>>, %arg5: memref<2x10240x128xf32, #tpu.memory_space<hbm>>, %arg6: memref<2x16x128xi32, #tpu.memory_space<vmem>>, %arg7: memref<2x16x128xi32, #tpu.memory_space<vmem>>, %arg8: memref<128x128xf32, #tpu.memory_space<vmem>>, %arg9: memref<128x128xf32, #tpu.memory_space<vmem>>, %arg10: memref<10240x128xf32, #tpu.memory_space<vmem_shared>>, %arg11: memref<!tpu.dma_semaphore, #tpu.memory_space<semaphore_mem>>, %arg12: memref<!tpu.dma_semaphore, #tpu.memory_space<semaphore_mem>>, %arg13: memref<!tpu.dma_semaphore, #tpu.memory_space<semaphore_mem>>, %arg14: memref<!tpu.dma_semaphore, #tpu.memory_space<semaphore_mem>>, %arg15: memref<!tpu.dma_semaphore, #tpu.memory_space<semaphore_mem>>) attributes {dimension_semantics = [#tpu.dimension_semantics<core_parallel>, #tpu.dimension_semantics<subcore_parallel>], iteration_bounds = array<i64: 2, 16>, scalar_prefetch = 0 : i64, scratch_operands = 10 : i64, tpu.core_type = #tpu.core_type<sc_vector_subcore>, window_params = [{transform_indices = #map}, {transform_indices = #map}, {transform_indices = #map}, {transform_indices = #map1}]} {
    %mul3A = arith.constant 16 : i32
    %mul3A_0 = arith.muli %arg0, %mul3A : i32
    %add3A = arith.addi %mul3A_0, %arg1 : i32
    %mul3A_1 = arith.constant 80 : i32
    %mul3A_2 = arith.muli %add3A, %mul3A_1 : i32
    %broadcast_in_dim3A = arith.constant 0.000000e+00 : f32
    %broadcast_in_dim3A_3 = vector.broadcast %broadcast_in_dim3A : f32 to vector<16xf32>
    %scan3A = arith.constant 0 : i32
    %scan3A_4 = arith.constant 128 : i32
    %scan3A_5 = arith.addi %scan3A, %scan3A_4 : i32
    %scan3A_6 = arith.constant 1 : i32
    scf.for %scan3A_172 = %scan3A to %scan3A_5 step %scan3A_6  : i32 {
      %mul3A_173 = arith.constant 1 : i32
      %mul3A_174 = arith.muli %scan3A_172, %mul3A_173 : i32
      %add3A_175 = arith.constant 0 : i32
      %add3A_176 = arith.addi %add3A_175, %mul3A_174 : i32
      %swap3A = arith.index_cast %add3A_176 : i32 to index
      %swap3A_177 = arith.constant 0 : index
      %swap3A_178 = tpu.vector_load %arg8[%swap3A, %swap3A_177] {strides = array<i32>} : memref<128x128xf32, #tpu.memory_space<vmem>>, vector<1x16xf32>,
      %swap3A_179 = vector.shape_cast %swap3A_178 : vector<1x16xf32> to vector<16xf32>
      %swap3A_180 = vector.shape_cast %broadcast_in_dim3A_3 : vector<16xf32> to vector<1x16xf32>
      tpu.vector_store %arg8[%swap3A, %swap3A_177], %swap3A_180 {strides = array<i32>} : memref<128x128xf32, #tpu.memory_space<vmem>>, vector<1x16xf32>,
      %swap3A_181 = arith.index_cast %add3A_176 : i32 to index
      %swap3A_182 = arith.constant 16 : index
      %swap3A_183 = tpu.vector_load %arg8[%swap3A_181, %swap3A_182] {strides = array<i32>} : memref<128x128xf32, #tpu.memory_space<vmem>>, vector<1x16xf32>,
      %swap3A_184 = vector.shape_cast %swap3A_183 : vector<1x16xf32> to vector<16xf32>
      %swap3A_185 = vector.shape_cast %broadcast_in_dim3A_3 : vector<16xf32> to vector<1x16xf32>
      tpu.vector_store %arg8[%swap3A_181, %swap3A_182], %swap3A_185 {strides = array<i32>} : memref<128x128xf32, #tpu.memory_space<vmem>>, vector<1x16xf32>,
      %swap3A_186 = arith.index_cast %add3A_176 : i32 to index
      %swap3A_187 = arith.constant 32 : index
      %swap3A_188 = tpu.vector_load %arg8[%swap3A_186, %swap3A_187] {strides = array<i32>} : memref<128x128xf32, #tpu.memory_space<vmem>>, vector<1x16xf32>,
      %swap3A_189 = vector.shape_cast %swap3A_188 : vector<1x16xf32> to vector<16xf32>
      %swap3A_190 = vector.shape_cast %broadcast_in_dim3A_3 : vector<16xf32> to vector<1x16xf32>
      tpu.vector_store %arg8[%swap3A_186, %swap3A_187], %swap3A_190 {strides = array<i32>} : memref<128x128xf32, #tpu.memory_space<vmem>>, vector<1x16xf32>,
      %swap3A_191 = arith.index_cast %add3A_176 : i32 to index
      %swap3A_192 = arith.constant 48 : index
      %swap3A_193 = tpu.vector_load %arg8[%swap3A_191, %swap3A_192] {strides = array<i32>} : memref<128x128xf32, #tpu.memory_space<vmem>>, vector<1x16xf32>,
      %swap3A_194 = vector.shape_cast %swap3A_193 : vector<1x16xf32> to vector<16xf32>
      %swap3A_195 = vector.shape_cast %broadcast_in_dim3A_3 : vector<16xf32> to vector<1x16xf32>
      tpu.vector_store %arg8[%swap3A_191, %swap3A_192], %swap3A_195 {strides = array<i32>} : memref<128x128xf32, #tpu.memory_space<vmem>>, vector<1x16xf32>,
      %swap3A_196 = arith.index_cast %add3A_176 : i32 to index
      %swap3A_197 = arith.constant 64 : index
      %swap3A_198 = tpu.vector_load %arg8[%swap3A_196, %swap3A_197] {strides = array<i32>} : memref<128x128xf32, #tpu.memory_space<vmem>>, vector<1x16xf32>,
      %swap3A_199 = vector.shape_cast %swap3A_198 : vector<1x16xf32> to vector<16xf32>
      %swap3A_200 = vector.shape_cast %broadcast_in_dim3A_3 : vector<16xf32> to vector<1x16xf32>
      tpu.vector_store %arg8[%swap3A_196, %swap3A_197], %swap3A_200 {strides = array<i32>} : memref<128x128xf32, #tpu.memory_space<vmem>>, vector<1x16xf32>,
      %swap3A_201 = arith.index_cast %add3A_176 : i32 to index
      %swap3A_202 = arith.constant 80 : index
      %swap3A_203 = tpu.vector_load %arg8[%swap3A_201, %swap3A_202] {strides = array<i32>} : memref<128x128xf32, #tpu.memory_space<vmem>>, vector<1x16xf32>,
      %swap3A_204 = vector.shape_cast %swap3A_203 : vector<1x16xf32> to vector<16xf32>
      %swap3A_205 = vector.shape_cast %broadcast_in_dim3A_3 : vector<16xf32> to vector<1x16xf32>
      tpu.vector_store %arg8[%swap3A_201, %swap3A_202], %swap3A_205 {strides = array<i32>} : memref<128x128xf32, #tpu.memory_space<vmem>>, vector<1x16xf32>,
      %swap3A_206 = arith.index_cast %add3A_176 : i32 to index
      %swap3A_207 = arith.constant 96 : index
      %swap3A_208 = tpu.vector_load %arg8[%swap3A_206, %swap3A_207] {strides = array<i32>} : memref<128x128xf32, #tpu.memory_space<vmem>>, vector<1x16xf32>,
      %swap3A_209 = vector.shape_cast %swap3A_208 : vector<1x16xf32> to vector<16xf32>
      %swap3A_210 = vector.shape_cast %broadcast_in_dim3A_3 : vector<16xf32> to vector<1x16xf32>
      tpu.vector_store %arg8[%swap3A_206, %swap3A_207], %swap3A_210 {strides = array<i32>} : memref<128x128xf32, #tpu.memory_space<vmem>>, vector<1x16xf32>,
      %swap3A_211 = arith.index_cast %add3A_176 : i32 to index
      %swap3A_212 = arith.constant 112 : index
      %swap3A_213 = tpu.vector_load %arg8[%swap3A_211, %swap3A_212] {strides = array<i32>} : memref<128x128xf32, #tpu.memory_space<vmem>>, vector<1x16xf32>,
      %swap3A_214 = vector.shape_cast %swap3A_213 : vector<1x16xf32> to vector<16xf32>
      %swap3A_215 = vector.shape_cast %broadcast_in_dim3A_3 : vector<16xf32> to vector<1x16xf32>
      tpu.vector_store %arg8[%swap3A_211, %swap3A_212], %swap3A_215 {strides = array<i32>} : memref<128x128xf32, #tpu.memory_space<vmem>>, vector<1x16xf32>,
    }
    %scan3A_7 = arith.constant 128 : i32
    %mul3A_8 = arith.constant 640 : i32
    %mul3A_9 = arith.muli %arg1, %mul3A_8 : i32
    %add3A_10 = arith.constant 0 : i32
    %add3A_11 = arith.addi %mul3A_9, %add3A_10 : i32
    %dma_start3A = arith.constant 0 : i32
    %dma_start3A_12 = tpu.memref_slice %arg10[%add3A_11, %dma_start3A] : memref<10240x128xf32, #tpu.memory_space<vmem_shared>> -> memref<128x128xf32, #tpu.memory_space<vmem_shared>>
    %dma_start3A_13 = arith.constant 0 : i32
    %dma_start3A_14 = tpu.memref_slice %arg10[%add3A_11, %dma_start3A_13] : memref<10240x128xf32, #tpu.memory_space<vmem_shared>> -> memref<128x128xf32, #tpu.memory_space<vmem_shared>>
    tpu.enqueue_dma source(%arg8 : memref<128x128xf32, #tpu.memory_space<vmem>>) target(%dma_start3A_14 : memref<128x128xf32, #tpu.memory_space<vmem_shared>>) target_semaphore(%arg15 : memref<!tpu.dma_semaphore, #tpu.memory_space<semaphore_mem>>)
    %mul3A_15 = arith.constant 640 : i32
    %mul3A_16 = arith.muli %arg1, %mul3A_15 : i32
    %add3A_17 = arith.constant 128 : i32
    %add3A_18 = arith.addi %mul3A_16, %add3A_17 : i32
    %dma_start3A_19 = arith.constant 0 : i32
    %dma_start3A_20 = tpu.memref_slice %arg10[%add3A_18, %dma_start3A_19] : memref<10240x128xf32, #tpu.memory_space<vmem_shared>> -> memref<128x128xf32, #tpu.memory_space<vmem_shared>>
    %dma_start3A_21 = arith.constant 0 : i32
    %dma_start3A_22 = tpu.memref_slice %arg10[%add3A_18, %dma_start3A_21] : memref<10240x128xf32, #tpu.memory_space<vmem_shared>> -> memref<128x128xf32, #tpu.memory_space<vmem_shared>>
    tpu.enqueue_dma source(%arg8 : memref<128x128xf32, #tpu.memory_space<vmem>>) target(%dma_start3A_22 : memref<128x128xf32, #tpu.memory_space<vmem_shared>>) target_semaphore(%arg15 : memref<!tpu.dma_semaphore, #tpu.memory_space<semaphore_mem>>)
    %mul3A_23 = arith.constant 640 : i32
    %mul3A_24 = arith.muli %arg1, %mul3A_23 : i32
    %add3A_25 = arith.constant 256 : i32
    %add3A_26 = arith.addi %mul3A_24, %add3A_25 : i32
    %dma_start3A_27 = arith.constant 0 : i32
    %dma_start3A_28 = tpu.memref_slice %arg10[%add3A_26, %dma_start3A_27] : memref<10240x128xf32, #tpu.memory_space<vmem_shared>> -> memref<128x128xf32, #tpu.memory_space<vmem_shared>>
    %dma_start3A_29 = arith.constant 0 : i32
    %dma_start3A_30 = tpu.memref_slice %arg10[%add3A_26, %dma_start3A_29] : memref<10240x128xf32, #tpu.memory_space<vmem_shared>> -> memref<128x128xf32, #tpu.memory_space<vmem_shared>>
    tpu.enqueue_dma source(%arg8 : memref<128x128xf32, #tpu.memory_space<vmem>>) target(%dma_start3A_30 : memref<128x128xf32, #tpu.memory_space<vmem_shared>>) target_semaphore(%arg15 : memref<!tpu.dma_semaphore, #tpu.memory_space<semaphore_mem>>)
    %mul3A_31 = arith.constant 640 : i32
    %mul3A_32 = arith.muli %arg1, %mul3A_31 : i32
    %add3A_33 = arith.constant 384 : i32
    %add3A_34 = arith.addi %mul3A_32, %add3A_33 : i32
    %dma_start3A_35 = arith.constant 0 : i32
    %dma_start3A_36 = tpu.memref_slice %arg10[%add3A_34, %dma_start3A_35] : memref<10240x128xf32, #tpu.memory_space<vmem_shared>> -> memref<128x128xf32, #tpu.memory_space<vmem_shared>>
    %dma_start3A_37 = arith.constant 0 : i32
    %dma_start3A_38 = tpu.memref_slice %arg10[%add3A_34, %dma_start3A_37] : memref<10240x128xf32, #tpu.memory_space<vmem_shared>> -> memref<128x128xf32, #tpu.memory_space<vmem_shared>>
    tpu.enqueue_dma source(%arg8 : memref<128x128xf32, #tpu.memory_space<vmem>>) target(%dma_start3A_38 : memref<128x128xf32, #tpu.memory_space<vmem_shared>>) target_semaphore(%arg15 : memref<!tpu.dma_semaphore, #tpu.memory_space<semaphore_mem>>)
    %mul3A_39 = arith.constant 640 : i32
    %mul3A_40 = arith.muli %arg1, %mul3A_39 : i32
    %add3A_41 = arith.constant 512 : i32
    %add3A_42 = arith.addi %mul3A_40, %add3A_41 : i32
    %dma_start3A_43 = arith.constant 0 : i32
    %dma_start3A_44 = tpu.memref_slice %arg10[%add3A_42, %dma_start3A_43] : memref<10240x128xf32, #tpu.memory_space<vmem_shared>> -> memref<128x128xf32, #tpu.memory_space<vmem_shared>>
    %dma_start3A_45 = arith.constant 0 : i32
    %dma_start3A_46 = tpu.memref_slice %arg10[%add3A_42, %dma_start3A_45] : memref<10240x128xf32, #tpu.memory_space<vmem_shared>> -> memref<128x128xf32, #tpu.memory_space<vmem_shared>>
    tpu.enqueue_dma source(%arg8 : memref<128x128xf32, #tpu.memory_space<vmem>>) target(%dma_start3A_46 : memref<128x128xf32, #tpu.memory_space<vmem_shared>>) target_semaphore(%arg15 : memref<!tpu.dma_semaphore, #tpu.memory_space<semaphore_mem>>)
    %dma_start3A_47 = arith.constant 0 : i32
    %dma_start3A_48 = arith.constant 0 : i32
    %dma_start3A_49 = arith.constant 0 : i32
    %dma_start3A_50 = tpu.memref_slice %arg6[%dma_start3A_47, %dma_start3A_48, %dma_start3A_49] : memref<2x16x128xi32, #tpu.memory_space<vmem>> -> memref<1x16x128xi32, #tpu.memory_space<vmem>>
    %dma_start3A_51 = tpu.memref_squeeze %dma_start3A_50 : memref<1x16x128xi32, #tpu.memory_space<vmem>> -> memref<16x128xi32, #tpu.memory_space<vmem>>
    %dma_start3A_52 = arith.constant 0 : i32
    %dma_start3A_53 = tpu.memref_slice %arg3[%mul3A_2, %dma_start3A_52] : memref<2560x128xi32, #tpu.memory_space<hbm>> -> memref<16x128xi32, #tpu.memory_space<hbm>>
    %dma_start3A_54 = arith.constant 0 : i32
    %dma_start3A_55 = arith.constant 0 : i32
    %dma_start3A_56 = tpu.memref_slice %arg6[%dma_start3A_47, %dma_start3A_54, %dma_start3A_55] : memref<2x16x128xi32, #tpu.memory_space<vmem>> -> memref<1x16x128xi32, #tpu.memory_space<vmem>>
    %dma_start3A_57 = tpu.memref_squeeze %dma_start3A_56 : memref<1x16x128xi32, #tpu.memory_space<vmem>> -> memref<16x128xi32, #tpu.memory_space<vmem>>
    %dma_start3A_58 = arith.constant 0 : i32
    %dma_start3A_59 = tpu.memref_slice %arg3[%mul3A_2, %dma_start3A_58] : memref<2560x128xi32, #tpu.memory_space<hbm>> -> memref<16x128xi32, #tpu.memory_space<hbm>>
    tpu.enqueue_dma source(%dma_start3A_59 : memref<16x128xi32, #tpu.memory_space<hbm>>) target(%dma_start3A_57 : memref<16x128xi32, #tpu.memory_space<vmem>>) target_semaphore(%arg13 : memref<!tpu.dma_semaphore, #tpu.memory_space<semaphore_mem>>)
    %dma_start3A_60 = arith.constant 0 : i32
    %dma_start3A_61 = arith.constant 0 : i32
    %dma_start3A_62 = arith.constant 0 : i32
    %dma_start3A_63 = tpu.memref_slice %arg7[%dma_start3A_60, %dma_start3A_61, %dma_start3A_62] : memref<2x16x128xi32, #tpu.memory_space<vmem>> -> memref<1x16x128xi32, #tpu.memory_space<vmem>>
    %dma_start3A_64 = tpu.memref_squeeze %dma_start3A_63 : memref<1x16x128xi32, #tpu.memory_space<vmem>> -> memref<16x128xi32, #tpu.memory_space<vmem>>
    %dma_start3A_65 = arith.constant 0 : i32
    %dma_start3A_66 = tpu.memref_slice %arg4[%mul3A_2, %dma_start3A_65] : memref<2560x128xi32, #tpu.memory_space<hbm>> -> memref<16x128xi32, #tpu.memory_space<hbm>>
    %dma_start3A_67 = arith.constant 0 : i32
    %dma_start3A_68 = arith.constant 0 : i32
    %dma_start3A_69 = tpu.memref_slice %arg7[%dma_start3A_60, %dma_start3A_67, %dma_start3A_68] : memref<2x16x128xi32, #tpu.memory_space<vmem>> -> memref<1x16x128xi32, #tpu.memory_space<vmem>>
    %dma_start3A_70 = tpu.memref_squeeze %dma_start3A_69 : memref<1x16x128xi32, #tpu.memory_space<vmem>> -> memref<16x128xi32, #tpu.memory_space<vmem>>
    %dma_start3A_71 = arith.constant 0 : i32
    %dma_start3A_72 = tpu.memref_slice %arg4[%mul3A_2, %dma_start3A_71] : memref<2560x128xi32, #tpu.memory_space<hbm>> -> memref<16x128xi32, #tpu.memory_space<hbm>>
    tpu.enqueue_dma source(%dma_start3A_72 : memref<16x128xi32, #tpu.memory_space<hbm>>) target(%dma_start3A_70 : memref<16x128xi32, #tpu.memory_space<vmem>>) target_semaphore(%arg13 : memref<!tpu.dma_semaphore, #tpu.memory_space<semaphore_mem>>)
    %dma_wait3A = arith.constant 0 : i32
    %dma_wait3A_73 = arith.constant 0 : i32
    %dma_wait3A_74 = arith.constant 0 : i32
    %dma_wait3A_75 = tpu.memref_slice %arg6[%dma_wait3A, %dma_wait3A_73, %dma_wait3A_74] : memref<2x16x128xi32, #tpu.memory_space<vmem>> -> memref<1x16x128xi32, #tpu.memory_space<vmem>>
    %dma_wait3A_76 = tpu.memref_squeeze %dma_wait3A_75 : memref<1x16x128xi32, #tpu.memory_space<vmem>> -> memref<16x128xi32, #tpu.memory_space<vmem>>
    %dma_wait3A_77 = arith.constant 0 : i32
    %dma_wait3A_78 = tpu.memref_slice %arg3[%mul3A_2, %dma_wait3A_77] : memref<2560x128xi32, #tpu.memory_space<hbm>> -> memref<16x128xi32, #tpu.memory_space<hbm>>
    %dma_wait3A_79 = arith.constant 0 : i32
    %dma_wait3A_80 = arith.constant 0 : i32
    %dma_wait3A_81 = tpu.memref_slice %arg6[%dma_wait3A, %dma_wait3A_79, %dma_wait3A_80] : memref<2x16x128xi32, #tpu.memory_space<vmem>> -> memref<1x16x128xi32, #tpu.memory_space<vmem>>
    %dma_wait3A_82 = tpu.memref_squeeze %dma_wait3A_81 : memref<1x16x128xi32, #tpu.memory_space<vmem>> -> memref<16x128xi32, #tpu.memory_space<vmem>>
    %dma_wait3A_83 = arith.constant 0 : i32
    %dma_wait3A_84 = tpu.memref_slice %arg3[%mul3A_2, %dma_wait3A_83] : memref<2560x128xi32, #tpu.memory_space<hbm>> -> memref<16x128xi32, #tpu.memory_space<hbm>>
    tpu.wait_dma2 semaphore(%arg13 : memref<!tpu.dma_semaphore, #tpu.memory_space<semaphore_mem>>) src(%dma_wait3A_84 : memref<16x128xi32, #tpu.memory_space<hbm>>) dst(%dma_wait3A_82 : memref<16x128xi32, #tpu.memory_space<vmem>>)
    %dma_wait3A_85 = arith.constant 0 : i32
    %dma_wait3A_86 = arith.constant 0 : i32
    %dma_wait3A_87 = arith.constant 0 : i32
    %dma_wait3A_88 = tpu.memref_slice %arg7[%dma_wait3A_85, %dma_wait3A_86, %dma_wait3A_87] : memref<2x16x128xi32, #tpu.memory_space<vmem>> -> memref<1x16x128xi32, #tpu.memory_space<vmem>>
    %dma_wait3A_89 = tpu.memref_squeeze %dma_wait3A_88 : memref<1x16x128xi32, #tpu.memory_space<vmem>> -> memref<16x128xi32, #tpu.memory_space<vmem>>
    %dma_wait3A_90 = arith.constant 0 : i32
    %dma_wait3A_91 = tpu.memref_slice %arg4[%mul3A_2, %dma_wait3A_90] : memref<2560x128xi32, #tpu.memory_space<hbm>> -> memref<16x128xi32, #tpu.memory_space<hbm>>
    %dma_wait3A_92 = arith.constant 0 : i32
    %dma_wait3A_93 = arith.constant 0 : i32
    %dma_wait3A_94 = tpu.memref_slice %arg7[%dma_wait3A_85, %dma_wait3A_92, %dma_wait3A_93] : memref<2x16x128xi32, #tpu.memory_space<vmem>> -> memref<1x16x128xi32, #tpu.memory_space<vmem>>
    %dma_wait3A_95 = tpu.memref_squeeze %dma_wait3A_94 : memref<1x16x128xi32, #tpu.memory_space<vmem>> -> memref<16x128xi32, #tpu.memory_space<vmem>>
    %dma_wait3A_96 = arith.constant 0 : i32
    %dma_wait3A_97 = tpu.memref_slice %arg4[%mul3A_2, %dma_wait3A_96] : memref<2560x128xi32, #tpu.memory_space<hbm>> -> memref<16x128xi32, #tpu.memory_space<hbm>>
    tpu.wait_dma2 semaphore(%arg13 : memref<!tpu.dma_semaphore, #tpu.memory_space<semaphore_mem>>) src(%dma_wait3A_97 : memref<16x128xi32, #tpu.memory_space<hbm>>) dst(%dma_wait3A_95 : memref<16x128xi32, #tpu.memory_space<vmem>>)
    %dma_start3A_98 = arith.constant 0 : i32
    %dma_start3A_99 = arith.constant 1 : i32
    %dma_start3A_100 = arith.constant 0 : i32
    %dma_start3A_101 = arith.constant 0 : i32
    %dma_start3A_102 = tpu.memref_slice %arg6[%dma_start3A_98, %dma_start3A_100, %dma_start3A_101] : memref<2x16x128xi32, #tpu.memory_space<vmem>> -> memref<1x16x128xi32, #tpu.memory_space<vmem>>
    %dma_start3A_103 = tpu.memref_squeeze %dma_start3A_102 : memref<1x16x128xi32, #tpu.memory_space<vmem>> -> memref<16x128xi32, #tpu.memory_space<vmem>>
    %dma_start3A_104 = arith.constant 0 : i32
    %dma_start3A_105 = tpu.memref_slice %dma_start3A_103[%dma_start3A_99, %dma_start3A_104] : memref<16x128xi32, #tpu.memory_space<vmem>> -> memref<1x128xi32, #tpu.memory_space<vmem>>
    %dma_start3A_106 = tpu.memref_squeeze %dma_start3A_105 : memref<1x128xi32, #tpu.memory_space<vmem>> -> memref<128xi32, #tpu.memory_space<vmem>>
    %dma_start3A_107 = arith.constant 0 : i32
    %dma_start3A_108 = arith.constant 0 : i32
    %dma_start3A_109 = tpu.memref_slice %arg2[%dma_start3A_107, %dma_start3A_108] : memref<10240x128xf32, #tpu.memory_space<hbm>> -> memref<10240x128xf32, #tpu.memory_space<hbm>>
    tpu.enqueue_indirect_dma source(%dma_start3A_109 : memref<10240x128xf32, #tpu.memory_space<hbm>>) target(%arg9 : memref<128x128xf32, #tpu.memory_space<vmem>>) offsets(%dma_start3A_106 : memref<128xi32, #tpu.memory_space<vmem>>) semaphore(%arg12 : memref<!tpu.dma_semaphore, #tpu.memory_space<semaphore_mem>>)
    %mul3A_110 = arith.constant 640 : i32
    %mul3A_111 = arith.muli %arg1, %mul3A_110 : i32
    %add3A_112 = arith.constant 0 : i32
    %add3A_113 = arith.addi %mul3A_111, %add3A_112 : i32
    %dma_wait3A_114 = arith.constant 0 : i32
    %dma_wait3A_115 = tpu.memref_slice %arg10[%add3A_113, %dma_wait3A_114] : memref<10240x128xf32, #tpu.memory_space<vmem_shared>> -> memref<128x128xf32, #tpu.memory_space<vmem_shared>>
    %dma_wait3A_116 = arith.constant 0 : i32
    %dma_wait3A_117 = tpu.memref_slice %arg10[%add3A_113, %dma_wait3A_116] : memref<10240x128xf32, #tpu.memory_space<vmem_shared>> -> memref<128x128xf32, #tpu.memory_space<vmem_shared>>
    tpu.wait_dma2 semaphore(%arg15 : memref<!tpu.dma_semaphore, #tpu.memory_space<semaphore_mem>>) src(%arg8 : memref<128x128xf32, #tpu.memory_space<vmem>>) dst(%dma_wait3A_117 : memref<128x128xf32, #tpu.memory_space<vmem_shared>>)
    %mul3A_118 = arith.constant 640 : i32
    %mul3A_119 = arith.muli %arg1, %mul3A_118 : i32
    %add3A_120 = arith.constant 128 : i32
    %add3A_121 = arith.addi %mul3A_119, %add3A_120 : i32
    %dma_wait3A_122 = arith.constant 0 : i32
    %dma_wait3A_123 = tpu.memref_slice %arg10[%add3A_121, %dma_wait3A_122] : memref<10240x128xf32, #tpu.memory_space<vmem_shared>> -> memref<128x128xf32, #tpu.memory_space<vmem_shared>>
    %dma_wait3A_124 = arith.constant 0 : i32
    %dma_wait3A_125 = tpu.memref_slice %arg10[%add3A_121, %dma_wait3A_124] : memref<10240x128xf32, #tpu.memory_space<vmem_shared>> -> memref<128x128xf32, #tpu.memory_space<vmem_shared>>
    tpu.wait_dma2 semaphore(%arg15 : memref<!tpu.dma_semaphore, #tpu.memory_space<semaphore_mem>>) src(%arg8 : memref<128x128xf32, #tpu.memory_space<vmem>>) dst(%dma_wait3A_125 : memref<128x128xf32, #tpu.memory_space<vmem_shared>>)
    %mul3A_126 = arith.constant 640 : i32
    %mul3A_127 = arith.muli %arg1, %mul3A_126 : i32
    %add3A_128 = arith.constant 256 : i32
    %add3A_129 = arith.addi %mul3A_127, %add3A_128 : i32
    %dma_wait3A_130 = arith.constant 0 : i32
    %dma_wait3A_131 = tpu.memref_slice %arg10[%add3A_129, %dma_wait3A_130] : memref<10240x128xf32, #tpu.memory_space<vmem_shared>> -> memref<128x128xf32, #tpu.memory_space<vmem_shared>>
    %dma_wait3A_132 = arith.constant 0 : i32
    %dma_wait3A_133 = tpu.memref_slice %arg10[%add3A_129, %dma_wait3A_132] : memref<10240x128xf32, #tpu.memory_space<vmem_shared>> -> memref<128x128xf32, #tpu.memory_space<vmem_shared>>
    tpu.wait_dma2 semaphore(%arg15 : memref<!tpu.dma_semaphore, #tpu.memory_space<semaphore_mem>>) src(%arg8 : memref<128x128xf32, #tpu.memory_space<vmem>>) dst(%dma_wait3A_133 : memref<128x128xf32, #tpu.memory_space<vmem_shared>>)
    %mul3A_134 = arith.constant 640 : i32
    %mul3A_135 = arith.muli %arg1, %mul3A_134 : i32
    %add3A_136 = arith.constant 384 : i32
    %add3A_137 = arith.addi %mul3A_135, %add3A_136 : i32
    %dma_wait3A_138 = arith.constant 0 : i32
    %dma_wait3A_139 = tpu.memref_slice %arg10[%add3A_137, %dma_wait3A_138] : memref<10240x128xf32, #tpu.memory_space<vmem_shared>> -> memref<128x128xf32, #tpu.memory_space<vmem_shared>>
    %dma_wait3A_140 = arith.constant 0 : i32
    %dma_wait3A_141 = tpu.memref_slice %arg10[%add3A_137, %dma_wait3A_140] : memref<10240x128xf32, #tpu.memory_space<vmem_shared>> -> memref<128x128xf32, #tpu.memory_space<vmem_shared>>
    tpu.wait_dma2 semaphore(%arg15 : memref<!tpu.dma_semaphore, #tpu.memory_space<semaphore_mem>>) src(%arg8 : memref<128x128xf32, #tpu.memory_space<vmem>>) dst(%dma_wait3A_141 : memref<128x128xf32, #tpu.memory_space<vmem_shared>>)
    %mul3A_142 = arith.constant 640 : i32
    %mul3A_143 = arith.muli %arg1, %mul3A_142 : i32
    %add3A_144 = arith.constant 512 : i32
    %add3A_145 = arith.addi %mul3A_143, %add3A_144 : i32
    %dma_wait3A_146 = arith.constant 0 : i32
    %dma_wait3A_147 = tpu.memref_slice %arg10[%add3A_145, %dma_wait3A_146] : memref<10240x128xf32, #tpu.memory_space<vmem_shared>> -> memref<128x128xf32, #tpu.memory_space<vmem_shared>>
    %dma_wait3A_148 = arith.constant 0 : i32
    %dma_wait3A_149 = tpu.memref_slice %arg10[%add3A_145, %dma_wait3A_148] : memref<10240x128xf32, #tpu.memory_space<vmem_shared>> -> memref<128x128xf32, #tpu.memory_space<vmem_shared>>
    tpu.wait_dma2 semaphore(%arg15 : memref<!tpu.dma_semaphore, #tpu.memory_space<semaphore_mem>>) src(%arg8 : memref<128x128xf32, #tpu.memory_space<vmem>>) dst(%dma_wait3A_149 : memref<128x128xf32, #tpu.memory_space<vmem_shared>>)
    %dma_start3A_150 = arith.constant 0 : i32
    %dma_start3A_151 = arith.constant 0 : i32
    %dma_start3A_152 = arith.constant 0 : i32
    %dma_start3A_153 = arith.constant 0 : i32
    %dma_start3A_154 = tpu.memref_slice %arg6[%dma_start3A_150, %dma_start3A_152, %dma_start3A_153] : memref<2x16x128xi32, #tpu.memory_space<vmem>> -> memref<1x16x128xi32, #tpu.memory_space<vmem>>
    %dma_start3A_155 = tpu.memref_squeeze %dma_start3A_154 : memref<1x16x128xi32, #tpu.memory_space<vmem>> -> memref<16x128xi32, #tpu.memory_space<vmem>>
    %dma_start3A_156 = arith.constant 0 : i32
    %dma_start3A_157 = tpu.memref_slice %dma_start3A_155[%dma_start3A_151, %dma_start3A_156] : memref<16x128xi32, #tpu.memory_space<vmem>> -> memref<1x128xi32, #tpu.memory_space<vmem>>
    %dma_start3A_158 = tpu.memref_squeeze %dma_start3A_157 : memref<1x128xi32, #tpu.memory_space<vmem>> -> memref<128xi32, #tpu.memory_space<vmem>>
    %dma_start3A_159 = arith.constant 0 : i32
    %dma_start3A_160 = arith.constant 0 : i32
    %dma_start3A_161 = tpu.memref_slice %arg2[%dma_start3A_159, %dma_start3A_160] : memref<10240x128xf32, #tpu.memory_space<hbm>> -> memref<10240x128xf32, #tpu.memory_space<hbm>>
    tpu.enqueue_indirect_dma source(%dma_start3A_161 : memref<10240x128xf32, #tpu.memory_space<hbm>>) target(%arg8 : memref<128x128xf32, #tpu.memory_space<vmem>>) offsets(%dma_start3A_158 : memref<128xi32, #tpu.memory_space<vmem>>) semaphore(%arg11 : memref<!tpu.dma_semaphore, #tpu.memory_space<semaphore_mem>>)
    %barrier3A = arith.constant 0 : index
    tpu.barrier barrier_id(%barrier3A)
    %scan3A_162 = arith.constant 0 : i32
    %scan3A_163 = arith.constant 5 : i32
    %scan3A_164 = arith.addi %scan3A_162, %scan3A_163 : i32
    %scan3A_165 = arith.constant 1 : i32
    scf.for %scan3A_172 = %scan3A_162 to %scan3A_164 step %scan3A_165  : i32 {
      %mul3A_173 = arith.constant 1 : i32
      %mul3A_174 = arith.muli %scan3A_172, %mul3A_173 : i32
      %add3A_175 = arith.constant 0 : i32
      %add3A_176 = arith.addi %add3A_175, %mul3A_174 : i32
      %jit3A = arith.constant 2 : i32
      %eq3A = arith.constant 0 : i32
      %eq3A_177 = arith.cmpi eq, %jit3A, %eq3A : i32
      %jit3A_178 = arith.constant 1 : i32
      %select_n3A = arith.select %eq3A_177, %jit3A_178, %jit3A : i32
      %rem3A = arith.remsi %add3A_176, %select_n3A : i32
      %ne3A = arith.constant 0 : i32
      %ne3A_179 = arith.cmpi ne, %rem3A, %ne3A : i32
      %lt3A = arith.constant 0 : i32
      %lt3A_180 = arith.cmpi slt, %rem3A, %lt3A : i32
      %lt3A_181 = arith.constant 0 : i32
      %lt3A_182 = arith.cmpi slt, %select_n3A, %lt3A_181 : i32
      %ne3A_183 = arith.xori %lt3A_180, %lt3A_182 : i1
      %and3A = arith.andi %ne3A_183, %ne3A_179 : i1
      %add3A_184 = arith.addi %rem3A, %select_n3A : i32
      %select_n3A_185 = arith.select %and3A, %add3A_184, %rem3A : i32
      %add3A_186 = arith.constant 1 : i32
      %add3A_187 = arith.addi %add3A_176, %add3A_186 : i32
      %mul3A_188 = arith.constant 16 : i32
      %mul3A_189 = arith.muli %add3A_187, %mul3A_188 : i32
      %add3A_190 = arith.addi %mul3A_2, %mul3A_189 : i32
      %lt3A_191 = arith.constant 4 : i32
      %lt3A_192 = arith.cmpi slt, %add3A_176, %lt3A_191 : i32
      %convert_element_type3A = arith.extui %lt3A_192 : i1 to i32
      %cond3A = arith.constant 0 : i32
      %cond3A_193 = arith.cmpi ne, %convert_element_type3A, %cond3A : i32
      scf.if %cond3A_193 {
        %sub3A = arith.constant 1 : i32
        %sub3A_204 = arith.subi %sub3A, %select_n3A_185 : i32
        %dma_start3A_205 = arith.constant 0 : i32
        %dma_start3A_206 = arith.constant 0 : i32
        %dma_start3A_207 = tpu.memref_slice %arg6[%sub3A_204, %dma_start3A_205, %dma_start3A_206] : memref<2x16x128xi32, #tpu.memory_space<vmem>> -> memref<1x16x128xi32, #tpu.memory_space<vmem>>
        %dma_start3A_208 = tpu.memref_squeeze %dma_start3A_207 : memref<1x16x128xi32, #tpu.memory_space<vmem>> -> memref<16x128xi32, #tpu.memory_space<vmem>>
        %dma_start3A_209 = arith.constant 0 : i32
        %dma_start3A_210 = tpu.memref_slice %arg3[%add3A_190, %dma_start3A_209] : memref<2560x128xi32, #tpu.memory_space<hbm>> -> memref<16x128xi32, #tpu.memory_space<hbm>>
        %dma_start3A_211 = arith.constant 0 : i32
        %dma_start3A_212 = arith.constant 0 : i32
        %dma_start3A_213 = tpu.memref_slice %arg6[%sub3A_204, %dma_start3A_211, %dma_start3A_212] : memref<2x16x128xi32, #tpu.memory_space<vmem>> -> memref<1x16x128xi32, #tpu.memory_space<vmem>>
        %dma_start3A_214 = tpu.memref_squeeze %dma_start3A_213 : memref<1x16x128xi32, #tpu.memory_space<vmem>> -> memref<16x128xi32, #tpu.memory_space<vmem>>
        %dma_start3A_215 = arith.constant 0 : i32
        %dma_start3A_216 = tpu.memref_slice %arg3[%add3A_190, %dma_start3A_215] : memref<2560x128xi32, #tpu.memory_space<hbm>> -> memref<16x128xi32, #tpu.memory_space<hbm>>
        tpu.enqueue_dma source(%dma_start3A_216 : memref<16x128xi32, #tpu.memory_space<hbm>>) target(%dma_start3A_214 : memref<16x128xi32, #tpu.memory_space<vmem>>) target_semaphore(%arg14 : memref<!tpu.dma_semaphore, #tpu.memory_space<semaphore_mem>>)
        %sub3A_217 = arith.constant 1 : i32
        %sub3A_218 = arith.subi %sub3A_217, %select_n3A_185 : i32
        %dma_start3A_219 = arith.constant 0 : i32
        %dma_start3A_220 = arith.constant 0 : i32
        %dma_start3A_221 = tpu.memref_slice %arg7[%sub3A_218, %dma_start3A_219, %dma_start3A_220] : memref<2x16x128xi32, #tpu.memory_space<vmem>> -> memref<1x16x128xi32, #tpu.memory_space<vmem>>
        %dma_start3A_222 = tpu.memref_squeeze %dma_start3A_221 : memref<1x16x128xi32, #tpu.memory_space<vmem>> -> memref<16x128xi32, #tpu.memory_space<vmem>>
        %dma_start3A_223 = arith.constant 0 : i32
        %dma_start3A_224 = tpu.memref_slice %arg4[%add3A_190, %dma_start3A_223] : memref<2560x128xi32, #tpu.memory_space<hbm>> -> memref<16x128xi32, #tpu.memory_space<hbm>>
        %dma_start3A_225 = arith.constant 0 : i32
        %dma_start3A_226 = arith.constant 0 : i32
        %dma_start3A_227 = tpu.memref_slice %arg7[%sub3A_218, %dma_start3A_225, %dma_start3A_226] : memref<2x16x128xi32, #tpu.memory_space<vmem>> -> memref<1x16x128xi32, #tpu.memory_space<vmem>>
        %dma_start3A_228 = tpu.memref_squeeze %dma_start3A_227 : memref<1x16x128xi32, #tpu.memory_space<vmem>> -> memref<16x128xi32, #tpu.memory_space<vmem>>
        %dma_start3A_229 = arith.constant 0 : i32
        %dma_start3A_230 = tpu.memref_slice %arg4[%add3A_190, %dma_start3A_229] : memref<2560x128xi32, #tpu.memory_space<hbm>> -> memref<16x128xi32, #tpu.memory_space<hbm>>
        tpu.enqueue_dma source(%dma_start3A_230 : memref<16x128xi32, #tpu.memory_space<hbm>>) target(%dma_start3A_228 : memref<16x128xi32, #tpu.memory_space<vmem>>) target_semaphore(%arg14 : memref<!tpu.dma_semaphore, #tpu.memory_space<semaphore_mem>>)
      } else {
      }
      %scan3A_194 = arith.constant 0 : i32
      %scan3A_195 = arith.constant 8 : i32
      %scan3A_196 = arith.addi %scan3A_194, %scan3A_195 : i32
      %scan3A_197 = arith.constant 1 : i32
      scf.for %scan3A_204 = %scan3A_194 to %scan3A_196 step %scan3A_197  : i32 {
        %mul3A_205 = arith.constant 1 : i32
        %mul3A_206 = arith.muli %scan3A_204, %mul3A_205 : i32
        %add3A_207 = arith.constant 0 : i32
        %add3A_208 = arith.addi %add3A_207, %mul3A_206 : i32
        %mul3A_209 = arith.constant 2 : i32
        %mul3A_210 = arith.muli %mul3A_209, %add3A_208 : i32
        %dma_wait3A_211 = arith.constant 0 : i32
        %dma_wait3A_212 = arith.constant 0 : i32
        %dma_wait3A_213 = tpu.memref_slice %arg6[%select_n3A_185, %dma_wait3A_211, %dma_wait3A_212] : memref<2x16x128xi32, #tpu.memory_space<vmem>> -> memref<1x16x128xi32, #tpu.memory_space<vmem>>
        %dma_wait3A_214 = tpu.memref_squeeze %dma_wait3A_213 : memref<1x16x128xi32, #tpu.memory_space<vmem>> -> memref<16x128xi32, #tpu.memory_space<vmem>>
        %dma_wait3A_215 = arith.constant 0 : i32
        %dma_wait3A_216 = tpu.memref_slice %dma_wait3A_214[%mul3A_210, %dma_wait3A_215] : memref<16x128xi32, #tpu.memory_space<vmem>> -> memref<1x128xi32, #tpu.memory_space<vmem>>
        %dma_wait3A_217 = tpu.memref_squeeze %dma_wait3A_216 : memref<1x128xi32, #tpu.memory_space<vmem>> -> memref<128xi32, #tpu.memory_space<vmem>>
        %dma_wait3A_218 = arith.constant 0 : i32
        %dma_wait3A_219 = arith.constant 0 : i32
        %dma_wait3A_220 = tpu.memref_slice %arg2[%dma_wait3A_218, %dma_wait3A_219] : memref<10240x128xf32, #tpu.memory_space<hbm>> -> memref<10240x128xf32, #tpu.memory_space<hbm>>
        tpu.wait_indirect_dma semaphore(%arg11 : memref<!tpu.dma_semaphore, #tpu.memory_space<semaphore_mem>>) src(%dma_wait3A_220 : memref<10240x128xf32, #tpu.memory_space<hbm>>) dst(%arg8 : memref<128x128xf32, #tpu.memory_space<vmem>>)
        "tpu.region"() ({
          %run_scoped3A = tpu.sem_alloc : memref<!tpu.dma_semaphore, #tpu.memory_space<semaphore_mem>>
          %dma_start3A_245 = arith.constant 0 : i32
          %dma_start3A_246 = arith.constant 0 : i32
          %dma_start3A_247 = tpu.memref_slice %arg7[%select_n3A_185, %dma_start3A_245, %dma_start3A_246] : memref<2x16x128xi32, #tpu.memory_space<vmem>> -> memref<1x16x128xi32, #tpu.memory_space<vmem>>
          %dma_start3A_248 = tpu.memref_squeeze %dma_start3A_247 : memref<1x16x128xi32, #tpu.memory_space<vmem>> -> memref<16x128xi32, #tpu.memory_space<vmem>>
          %dma_start3A_249 = arith.constant 0 : i32
          %dma_start3A_250 = tpu.memref_slice %dma_start3A_248[%mul3A_210, %dma_start3A_249] : memref<16x128xi32, #tpu.memory_space<vmem>> -> memref<1x128xi32, #tpu.memory_space<vmem>>
          %dma_start3A_251 = tpu.memref_squeeze %dma_start3A_250 : memref<1x128xi32, #tpu.memory_space<vmem>> -> memref<128xi32, #tpu.memory_space<vmem>>
          %dma_start3A_252 = arith.constant 0 : i32
          %dma_start3A_253 = arith.constant 0 : i32
          %dma_start3A_254 = tpu.memref_slice %arg10[%dma_start3A_252, %dma_start3A_253] : memref<10240x128xf32, #tpu.memory_space<vmem_shared>> -> memref<10240x128xf32, #tpu.memory_space<vmem_shared>>
          tpu.enqueue_indirect_dma source(%arg8 : memref<128x128xf32, #tpu.memory_space<vmem>>) target(%dma_start3A_254 : memref<10240x128xf32, #tpu.memory_space<vmem_shared>>) offsets(%dma_start3A_251 : memref<128xi32, #tpu.memory_space<vmem>>) semaphore(%run_scoped3A : memref<!tpu.dma_semaphore, #tpu.memory_space<semaphore_mem>>) {add = true}
          %dma_wait3A_255 = arith.constant 0 : i32
          %dma_wait3A_256 = arith.constant 0 : i32
          %dma_wait3A_257 = tpu.memref_slice %arg7[%select_n3A_185, %dma_wait3A_255, %dma_wait3A_256] : memref<2x16x128xi32, #tpu.memory_space<vmem>> -> memref<1x16x128xi32, #tpu.memory_space<vmem>>
          %dma_wait3A_258 = tpu.memref_squeeze %dma_wait3A_257 : memref<1x16x128xi32, #tpu.memory_space<vmem>> -> memref<16x128xi32, #tpu.memory_space<vmem>>
          %dma_wait3A_259 = arith.constant 0 : i32
          %dma_wait3A_260 = tpu.memref_slice %dma_wait3A_258[%mul3A_210, %dma_wait3A_259] : memref<16x128xi32, #tpu.memory_space<vmem>> -> memref<1x128xi32, #tpu.memory_space<vmem>>
          %dma_wait3A_261 = tpu.memref_squeeze %dma_wait3A_260 : memref<1x128xi32, #tpu.memory_space<vmem>> -> memref<128xi32, #tpu.memory_space<vmem>>
          %dma_wait3A_262 = arith.constant 0 : i32
          %dma_wait3A_263 = arith.constant 0 : i32
          %dma_wait3A_264 = tpu.memref_slice %arg10[%dma_wait3A_262, %dma_wait3A_263] : memref<10240x128xf32, #tpu.memory_space<vmem_shared>> -> memref<10240x128xf32, #tpu.memory_space<vmem_shared>>
          tpu.wait_indirect_dma semaphore(%run_scoped3A : memref<!tpu.dma_semaphore, #tpu.memory_space<semaphore_mem>>) src(%arg8 : memref<128x128xf32, #tpu.memory_space<vmem>>) dst(%dma_wait3A_264 : memref<10240x128xf32, #tpu.memory_space<vmem_shared>>)
          tpu.yield
        }) : () -> ()
        %lt3A_221 = arith.constant 7 : i32
        %lt3A_222 = arith.cmpi slt, %add3A_208, %lt3A_221 : i32
        %convert_element_type3A_223 = arith.extui %lt3A_222 : i1 to i32
        %cond3A_224 = arith.constant 0 : i32
        %cond3A_225 = arith.cmpi ne, %convert_element_type3A_223, %cond3A_224 : i32
        scf.if %cond3A_225 {
          %add3A_245 = arith.constant 2 : i32
          %add3A_246 = arith.addi %mul3A_210, %add3A_245 : i32
          %dma_start3A_247 = arith.constant 0 : i32
          %dma_start3A_248 = arith.constant 0 : i32
          %dma_start3A_249 = tpu.memref_slice %arg6[%select_n3A_185, %dma_start3A_247, %dma_start3A_248] : memref<2x16x128xi32, #tpu.memory_space<vmem>> -> memref<1x16x128xi32, #tpu.memory_space<vmem>>
          %dma_start3A_250 = tpu.memref_squeeze %dma_start3A_249 : memref<1x16x128xi32, #tpu.memory_space<vmem>> -> memref<16x128xi32, #tpu.memory_space<vmem>>
          %dma_start3A_251 = arith.constant 0 : i32
          %dma_start3A_252 = tpu.memref_slice %dma_start3A_250[%add3A_246, %dma_start3A_251] : memref<16x128xi32, #tpu.memory_space<vmem>> -> memref<1x128xi32, #tpu.memory_space<vmem>>
          %dma_start3A_253 = tpu.memref_squeeze %dma_start3A_252 : memref<1x128xi32, #tpu.memory_space<vmem>> -> memref<128xi32, #tpu.memory_space<vmem>>
          %dma_start3A_254 = arith.constant 0 : i32
          %dma_start3A_255 = arith.constant 0 : i32
          %dma_start3A_256 = tpu.memref_slice %arg2[%dma_start3A_254, %dma_start3A_255] : memref<10240x128xf32, #tpu.memory_space<hbm>> -> memref<10240x128xf32, #tpu.memory_space<hbm>>
          tpu.enqueue_indirect_dma source(%dma_start3A_256 : memref<10240x128xf32, #tpu.memory_space<hbm>>) target(%arg8 : memref<128x128xf32, #tpu.memory_space<vmem>>) offsets(%dma_start3A_253 : memref<128xi32, #tpu.memory_space<vmem>>) semaphore(%arg11 : memref<!tpu.dma_semaphore, #tpu.memory_space<semaphore_mem>>)
        } else {
        }
        %add3A_226 = arith.constant 1 : i32
        %add3A_227 = arith.addi %mul3A_210, %add3A_226 : i32
        %dma_wait3A_228 = arith.constant 0 : i32
        %dma_wait3A_229 = arith.constant 0 : i32
        %dma_wait3A_230 = tpu.memref_slice %arg6[%select_n3A_185, %dma_wait3A_228, %dma_wait3A_229] : memref<2x16x128xi32, #tpu.memory_space<vmem>> -> memref<1x16x128xi32, #tpu.memory_space<vmem>>
        %dma_wait3A_231 = tpu.memref_squeeze %dma_wait3A_230 : memref<1x16x128xi32, #tpu.memory_space<vmem>> -> memref<16x128xi32, #tpu.memory_space<vmem>>
        %dma_wait3A_232 = arith.constant 0 : i32
        %dma_wait3A_233 = tpu.memref_slice %dma_wait3A_231[%add3A_227, %dma_wait3A_232] : memref<16x128xi32, #tpu.memory_space<vmem>> -> memref<1x128xi32, #tpu.memory_space<vmem>>
        %dma_wait3A_234 = tpu.memref_squeeze %dma_wait3A_233 : memref<1x128xi32, #tpu.memory_space<vmem>> -> memref<128xi32, #tpu.memory_space<vmem>>
        %dma_wait3A_235 = arith.constant 0 : i32
        %dma_wait3A_236 = arith.constant 0 : i32
        %dma_wait3A_237 = tpu.memref_slice %arg2[%dma_wait3A_235, %dma_wait3A_236] : memref<10240x128xf32, #tpu.memory_space<hbm>> -> memref<10240x128xf32, #tpu.memory_space<hbm>>
        tpu.wait_indirect_dma semaphore(%arg12 : memref<!tpu.dma_semaphore, #tpu.memory_space<semaphore_mem>>) src(%dma_wait3A_237 : memref<10240x128xf32, #tpu.memory_space<hbm>>) dst(%arg9 : memref<128x128xf32, #tpu.memory_space<vmem>>)
        %add3A_238 = arith.constant 1 : i32
        %add3A_239 = arith.addi %mul3A_210, %add3A_238 : i32
        "tpu.region"() ({
          %run_scoped3A = tpu.sem_alloc : memref<!tpu.dma_semaphore, #tpu.memory_space<semaphore_mem>>
          %dma_start3A_245 = arith.constant 0 : i32
          %dma_start3A_246 = arith.constant 0 : i32
          %dma_start3A_247 = tpu.memref_slice %arg7[%select_n3A_185, %dma_start3A_245, %dma_start3A_246] : memref<2x16x128xi32, #tpu.memory_space<vmem>> -> memref<1x16x128xi32, #tpu.memory_space<vmem>>
          %dma_start3A_248 = tpu.memref_squeeze %dma_start3A_247 : memref<1x16x128xi32, #tpu.memory_space<vmem>> -> memref<16x128xi32, #tpu.memory_space<vmem>>
          %dma_start3A_249 = arith.constant 0 : i32
          %dma_start3A_250 = tpu.memref_slice %dma_start3A_248[%add3A_239, %dma_start3A_249] : memref<16x128xi32, #tpu.memory_space<vmem>> -> memref<1x128xi32, #tpu.memory_space<vmem>>
          %dma_start3A_251 = tpu.memref_squeeze %dma_start3A_250 : memref<1x128xi32, #tpu.memory_space<vmem>> -> memref<128xi32, #tpu.memory_space<vmem>>
          %dma_start3A_252 = arith.constant 0 : i32
          %dma_start3A_253 = arith.constant 0 : i32
          %dma_start3A_254 = tpu.memref_slice %arg10[%dma_start3A_252, %dma_start3A_253] : memref<10240x128xf32, #tpu.memory_space<vmem_shared>> -> memref<10240x128xf32, #tpu.memory_space<vmem_shared>>
          tpu.enqueue_indirect_dma source(%arg9 : memref<128x128xf32, #tpu.memory_space<vmem>>) target(%dma_start3A_254 : memref<10240x128xf32, #tpu.memory_space<vmem_shared>>) offsets(%dma_start3A_251 : memref<128xi32, #tpu.memory_space<vmem>>) semaphore(%run_scoped3A : memref<!tpu.dma_semaphore, #tpu.memory_space<semaphore_mem>>) {add = true}
          %dma_wait3A_255 = arith.constant 0 : i32
          %dma_wait3A_256 = arith.constant 0 : i32
          %dma_wait3A_257 = tpu.memref_slice %arg7[%select_n3A_185, %dma_wait3A_255, %dma_wait3A_256] : memref<2x16x128xi32, #tpu.memory_space<vmem>> -> memref<1x16x128xi32, #tpu.memory_space<vmem>>
          %dma_wait3A_258 = tpu.memref_squeeze %dma_wait3A_257 : memref<1x16x128xi32, #tpu.memory_space<vmem>> -> memref<16x128xi32, #tpu.memory_space<vmem>>
          %dma_wait3A_259 = arith.constant 0 : i32
          %dma_wait3A_260 = tpu.memref_slice %dma_wait3A_258[%add3A_239, %dma_wait3A_259] : memref<16x128xi32, #tpu.memory_space<vmem>> -> memref<1x128xi32, #tpu.memory_space<vmem>>
          %dma_wait3A_261 = tpu.memref_squeeze %dma_wait3A_260 : memref<1x128xi32, #tpu.memory_space<vmem>> -> memref<128xi32, #tpu.memory_space<vmem>>
          %dma_wait3A_262 = arith.constant 0 : i32
          %dma_wait3A_263 = arith.constant 0 : i32
          %dma_wait3A_264 = tpu.memref_slice %arg10[%dma_wait3A_262, %dma_wait3A_263] : memref<10240x128xf32, #tpu.memory_space<vmem_shared>> -> memref<10240x128xf32, #tpu.memory_space<vmem_shared>>
          tpu.wait_indirect_dma semaphore(%run_scoped3A : memref<!tpu.dma_semaphore, #tpu.memory_space<semaphore_mem>>) src(%arg9 : memref<128x128xf32, #tpu.memory_space<vmem>>) dst(%dma_wait3A_264 : memref<10240x128xf32, #tpu.memory_space<vmem_shared>>)
          tpu.yield
        }) : () -> ()
        %lt3A_240 = arith.constant 7 : i32
        %lt3A_241 = arith.cmpi slt, %add3A_208, %lt3A_240 : i32
        %convert_element_type3A_242 = arith.extui %lt3A_241 : i1 to i32
        %cond3A_243 = arith.constant 0 : i32
        %cond3A_244 = arith.cmpi ne, %convert_element_type3A_242, %cond3A_243 : i32
        scf.if %cond3A_244 {
          %add3A_245 = arith.constant 3 : i32
          %add3A_246 = arith.addi %mul3A_210, %add3A_245 : i32
          %dma_start3A_247 = arith.constant 0 : i32
          %dma_start3A_248 = arith.constant 0 : i32
          %dma_start3A_249 = tpu.memref_slice %arg6[%select_n3A_185, %dma_start3A_247, %dma_start3A_248] : memref<2x16x128xi32, #tpu.memory_space<vmem>> -> memref<1x16x128xi32, #tpu.memory_space<vmem>>
          %dma_start3A_250 = tpu.memref_squeeze %dma_start3A_249 : memref<1x16x128xi32, #tpu.memory_space<vmem>> -> memref<16x128xi32, #tpu.memory_space<vmem>>
          %dma_start3A_251 = arith.constant 0 : i32
          %dma_start3A_252 = tpu.memref_slice %dma_start3A_250[%add3A_246, %dma_start3A_251] : memref<16x128xi32, #tpu.memory_space<vmem>> -> memref<1x128xi32, #tpu.memory_space<vmem>>
          %dma_start3A_253 = tpu.memref_squeeze %dma_start3A_252 : memref<1x128xi32, #tpu.memory_space<vmem>> -> memref<128xi32, #tpu.memory_space<vmem>>
          %dma_start3A_254 = arith.constant 0 : i32
          %dma_start3A_255 = arith.constant 0 : i32
          %dma_start3A_256 = tpu.memref_slice %arg2[%dma_start3A_254, %dma_start3A_255] : memref<10240x128xf32, #tpu.memory_space<hbm>> -> memref<10240x128xf32, #tpu.memory_space<hbm>>
          tpu.enqueue_indirect_dma source(%dma_start3A_256 : memref<10240x128xf32, #tpu.memory_space<hbm>>) target(%arg9 : memref<128x128xf32, #tpu.memory_space<vmem>>) offsets(%dma_start3A_253 : memref<128xi32, #tpu.memory_space<vmem>>) semaphore(%arg12 : memref<!tpu.dma_semaphore, #tpu.memory_space<semaphore_mem>>)
        } else {
        }
      }
      %scan3A_198 = arith.constant 8 : i32
      %lt3A_199 = arith.constant 4 : i32
      %lt3A_200 = arith.cmpi slt, %add3A_176, %lt3A_199 : i32
      %convert_element_type3A_201 = arith.extui %lt3A_200 : i1 to i32
      %cond3A_202 = arith.constant 0 : i32
      %cond3A_203 = arith.cmpi ne, %convert_element_type3A_201, %cond3A_202 : i32
      scf.if %cond3A_203 {
        %sub3A = arith.constant 1 : i32
        %sub3A_204 = arith.subi %sub3A, %select_n3A_185 : i32
        %dma_wait3A_205 = arith.constant 0 : i32
        %dma_wait3A_206 = arith.constant 0 : i32
        %dma_wait3A_207 = tpu.memref_slice %arg6[%sub3A_204, %dma_wait3A_205, %dma_wait3A_206] : memref<2x16x128xi32, #tpu.memory_space<vmem>> -> memref<1x16x128xi32, #tpu.memory_space<vmem>>
        %dma_wait3A_208 = tpu.memref_squeeze %dma_wait3A_207 : memref<1x16x128xi32, #tpu.memory_space<vmem>> -> memref<16x128xi32, #tpu.memory_space<vmem>>
        %dma_wait3A_209 = arith.constant 0 : i32
        %dma_wait3A_210 = tpu.memref_slice %arg3[%add3A_190, %dma_wait3A_209] : memref<2560x128xi32, #tpu.memory_space<hbm>> -> memref<16x128xi32, #tpu.memory_space<hbm>>
        %dma_wait3A_211 = arith.constant 0 : i32
        %dma_wait3A_212 = arith.constant 0 : i32
        %dma_wait3A_213 = tpu.memref_slice %arg6[%sub3A_204, %dma_wait3A_211, %dma_wait3A_212] : memref<2x16x128xi32, #tpu.memory_space<vmem>> -> memref<1x16x128xi32, #tpu.memory_space<vmem>>
        %dma_wait3A_214 = tpu.memref_squeeze %dma_wait3A_213 : memref<1x16x128xi32, #tpu.memory_space<vmem>> -> memref<16x128xi32, #tpu.memory_space<vmem>>
        %dma_wait3A_215 = arith.constant 0 : i32
        %dma_wait3A_216 = tpu.memref_slice %arg3[%add3A_190, %dma_wait3A_215] : memref<2560x128xi32, #tpu.memory_space<hbm>> -> memref<16x128xi32, #tpu.memory_space<hbm>>
        tpu.wait_dma2 semaphore(%arg14 : memref<!tpu.dma_semaphore, #tpu.memory_space<semaphore_mem>>) src(%dma_wait3A_216 : memref<16x128xi32, #tpu.memory_space<hbm>>) dst(%dma_wait3A_214 : memref<16x128xi32, #tpu.memory_space<vmem>>)
        %sub3A_217 = arith.constant 1 : i32
        %sub3A_218 = arith.subi %sub3A_217, %select_n3A_185 : i32
        %dma_wait3A_219 = arith.constant 0 : i32
        %dma_wait3A_220 = arith.constant 0 : i32
        %dma_wait3A_221 = tpu.memref_slice %arg7[%sub3A_218, %dma_wait3A_219, %dma_wait3A_220] : memref<2x16x128xi32, #tpu.memory_space<vmem>> -> memref<1x16x128xi32, #tpu.memory_space<vmem>>
        %dma_wait3A_222 = tpu.memref_squeeze %dma_wait3A_221 : memref<1x16x128xi32, #tpu.memory_space<vmem>> -> memref<16x128xi32, #tpu.memory_space<vmem>>
        %dma_wait3A_223 = arith.constant 0 : i32
        %dma_wait3A_224 = tpu.memref_slice %arg4[%add3A_190, %dma_wait3A_223] : memref<2560x128xi32, #tpu.memory_space<hbm>> -> memref<16x128xi32, #tpu.memory_space<hbm>>
        %dma_wait3A_225 = arith.constant 0 : i32
        %dma_wait3A_226 = arith.constant 0 : i32
        %dma_wait3A_227 = tpu.memref_slice %arg7[%sub3A_218, %dma_wait3A_225, %dma_wait3A_226] : memref<2x16x128xi32, #tpu.memory_space<vmem>> -> memref<1x16x128xi32, #tpu.memory_space<vmem>>
        %dma_wait3A_228 = tpu.memref_squeeze %dma_wait3A_227 : memref<1x16x128xi32, #tpu.memory_space<vmem>> -> memref<16x128xi32, #tpu.memory_space<vmem>>
        %dma_wait3A_229 = arith.constant 0 : i32
        %dma_wait3A_230 = tpu.memref_slice %arg4[%add3A_190, %dma_wait3A_229] : memref<2560x128xi32, #tpu.memory_space<hbm>> -> memref<16x128xi32, #tpu.memory_space<hbm>>
        tpu.wait_dma2 semaphore(%arg14 : memref<!tpu.dma_semaphore, #tpu.memory_space<semaphore_mem>>) src(%dma_wait3A_230 : memref<16x128xi32, #tpu.memory_space<hbm>>) dst(%dma_wait3A_228 : memref<16x128xi32, #tpu.memory_space<vmem>>)
        %sub3A_231 = arith.constant 1 : i32
        %sub3A_232 = arith.subi %sub3A_231, %select_n3A_185 : i32
        %dma_start3A_233 = arith.constant 0 : i32
        %dma_start3A_234 = arith.constant 0 : i32
        %dma_start3A_235 = arith.constant 0 : i32
        %dma_start3A_236 = tpu.memref_slice %arg6[%sub3A_232, %dma_start3A_234, %dma_start3A_235] : memref<2x16x128xi32, #tpu.memory_space<vmem>> -> memref<1x16x128xi32, #tpu.memory_space<vmem>>
        %dma_start3A_237 = tpu.memref_squeeze %dma_start3A_236 : memref<1x16x128xi32, #tpu.memory_space<vmem>> -> memref<16x128xi32, #tpu.memory_space<vmem>>
        %dma_start3A_238 = arith.constant 0 : i32
        %dma_start3A_239 = tpu.memref_slice %dma_start3A_237[%dma_start3A_233, %dma_start3A_238] : memref<16x128xi32, #tpu.memory_space<vmem>> -> memref<1x128xi32, #tpu.memory_space<vmem>>
        %dma_start3A_240 = tpu.memref_squeeze %dma_start3A_239 : memref<1x128xi32, #tpu.memory_space<vmem>> -> memref<128xi32, #tpu.memory_space<vmem>>
        %dma_start3A_241 = arith.constant 0 : i32
        %dma_start3A_242 = arith.constant 0 : i32
        %dma_start3A_243 = tpu.memref_slice %arg2[%dma_start3A_241, %dma_start3A_242] : memref<10240x128xf32, #tpu.memory_space<hbm>> -> memref<10240x128xf32, #tpu.memory_space<hbm>>
        tpu.enqueue_indirect_dma source(%dma_start3A_243 : memref<10240x128xf32, #tpu.memory_space<hbm>>) target(%arg8 : memref<128x128xf32, #tpu.memory_space<vmem>>) offsets(%dma_start3A_240 : memref<128xi32, #tpu.memory_space<vmem>>) semaphore(%arg11 : memref<!tpu.dma_semaphore, #tpu.memory_space<semaphore_mem>>)
        %sub3A_244 = arith.constant 1 : i32
        %sub3A_245 = arith.subi %sub3A_244, %select_n3A_185 : i32
        %dma_start3A_246 = arith.constant 1 : i32
        %dma_start3A_247 = arith.constant 0 : i32
        %dma_start3A_248 = arith.constant 0 : i32
        %dma_start3A_249 = tpu.memref_slice %arg6[%sub3A_245, %dma_start3A_247, %dma_start3A_248] : memref<2x16x128xi32, #tpu.memory_space<vmem>> -> memref<1x16x128xi32, #tpu.memory_space<vmem>>
        %dma_start3A_250 = tpu.memref_squeeze %dma_start3A_249 : memref<1x16x128xi32, #tpu.memory_space<vmem>> -> memref<16x128xi32, #tpu.memory_space<vmem>>
        %dma_start3A_251 = arith.constant 0 : i32
        %dma_start3A_252 = tpu.memref_slice %dma_start3A_250[%dma_start3A_246, %dma_start3A_251] : memref<16x128xi32, #tpu.memory_space<vmem>> -> memref<1x128xi32, #tpu.memory_space<vmem>>
        %dma_start3A_253 = tpu.memref_squeeze %dma_start3A_252 : memref<1x128xi32, #tpu.memory_space<vmem>> -> memref<128xi32, #tpu.memory_space<vmem>>
        %dma_start3A_254 = arith.constant 0 : i32
        %dma_start3A_255 = arith.constant 0 : i32
        %dma_start3A_256 = tpu.memref_slice %arg2[%dma_start3A_254, %dma_start3A_255] : memref<10240x128xf32, #tpu.memory_space<hbm>> -> memref<10240x128xf32, #tpu.memory_space<hbm>>
        tpu.enqueue_indirect_dma source(%dma_start3A_256 : memref<10240x128xf32, #tpu.memory_space<hbm>>) target(%arg9 : memref<128x128xf32, #tpu.memory_space<vmem>>) offsets(%dma_start3A_253 : memref<128xi32, #tpu.memory_space<vmem>>) semaphore(%arg12 : memref<!tpu.dma_semaphore, #tpu.memory_space<semaphore_mem>>)
      } else {
      }
    }
    %scan3A_166 = arith.constant 5 : i32
    %barrier3A_167 = arith.constant 0 : index
    tpu.barrier barrier_id(%barrier3A_167)
    %mul3A_168 = arith.constant 640 : i32
    %mul3A_169 = arith.muli %arg1, %mul3A_168 : i32
    %mul3A_170 = arith.constant 640 : i32
    %mul3A_171 = arith.muli %arg1, %mul3A_170 : i32
    "tpu.region"() ({
      %run_scoped3A = tpu.sem_alloc : memref<!tpu.dma_semaphore, #tpu.memory_space<semaphore_mem>>
      %dma_start3A_172 = arith.constant 0 : i32
      %dma_start3A_173 = arith.constant 0 : i32
      %dma_start3A_174 = tpu.memref_slice %arg5[%arg0, %dma_start3A_172, %dma_start3A_173] : memref<2x10240x128xf32, #tpu.memory_space<hbm>> -> memref<1x10240x128xf32, #tpu.memory_space<hbm>>
      %dma_start3A_175 = tpu.memref_squeeze %dma_start3A_174 : memref<1x10240x128xf32, #tpu.memory_space<hbm>> -> memref<10240x128xf32, #tpu.memory_space<hbm>>
      %dma_start3A_176 = arith.constant 0 : i32
      %dma_start3A_177 = tpu.memref_slice %dma_start3A_175[%mul3A_171, %dma_start3A_176] : memref<10240x128xf32, #tpu.memory_space<hbm>> -> memref<640x128xf32, #tpu.memory_space<hbm>>
      %dma_start3A_178 = arith.constant 0 : i32
      %dma_start3A_179 = tpu.memref_slice %arg10[%mul3A_169, %dma_start3A_178] : memref<10240x128xf32, #tpu.memory_space<vmem_shared>> -> memref<640x128xf32, #tpu.memory_space<vmem_shared>>
      tpu.enqueue_dma source(%dma_start3A_179 : memref<640x128xf32, #tpu.memory_space<vmem_shared>>) target(%dma_start3A_177 : memref<640x128xf32, #tpu.memory_space<hbm>>) target_semaphore(%run_scoped3A : memref<!tpu.dma_semaphore, #tpu.memory_space<semaphore_mem>>)
      %dma_wait3A_180 = arith.constant 0 : i32
      %dma_wait3A_181 = arith.constant 0 : i32
      %dma_wait3A_182 = tpu.memref_slice %arg5[%arg0, %dma_wait3A_180, %dma_wait3A_181] : memref<2x10240x128xf32, #tpu.memory_space<hbm>> -> memref<1x10240x128xf32, #tpu.memory_space<hbm>>
      %dma_wait3A_183 = tpu.memref_squeeze %dma_wait3A_182 : memref<1x10240x128xf32, #tpu.memory_space<hbm>> -> memref<10240x128xf32, #tpu.memory_space<hbm>>
      %dma_wait3A_184 = arith.constant 0 : i32
      %dma_wait3A_185 = tpu.memref_slice %dma_wait3A_183[%mul3A_171, %dma_wait3A_184] : memref<10240x128xf32, #tpu.memory_space<hbm>> -> memref<640x128xf32, #tpu.memory_space<hbm>>
      %dma_wait3A_186 = arith.constant 0 : i32
      %dma_wait3A_187 = tpu.memref_slice %arg10[%mul3A_169, %dma_wait3A_186] : memref<10240x128xf32, #tpu.memory_space<vmem_shared>> -> memref<640x128xf32, #tpu.memory_space<vmem_shared>>
      tpu.wait_dma2 semaphore(%run_scoped3A : memref<!tpu.dma_semaphore, #tpu.memory_space<semaphore_mem>>) src(%dma_wait3A_187 : memref<640x128xf32, #tpu.memory_space<vmem_shared>>) dst(%dma_wait3A_185 : memref<640x128xf32, #tpu.memory_space<hbm>>)
      tpu.yield
    }) : () -> ()
    return
  }
}

module attributes {stable_mosaic.version = 14 : i64} {
  func.func @body(%arg0: memref<10000x128xf32, #tpu.memory_space<vmem>>, %arg1: memref<128x128xf32, #tpu.memory_space<vmem>>, %arg2: memref<2x10240x1xf32, #tpu.memory_space<vmem>>, %arg3: memref<10240x128xf32, #tpu.memory_space<vmem>>) attributes {dimension_semantics = [], scalar_prefetch = 0 : i64, scratch_operands = 0 : i64, tpu.core_type = #tpu.core_type<tc>} {
    %get3A = arith.constant 0 : index
    %get3A_0 = arith.constant 0 : index
    %get3A_1 = arith.constant 0 : index
    %get3A_2 = vector.load %arg2[%get3A, %get3A_0, %get3A_1] : memref<2x10240x1xf32, #tpu.memory_space<vmem>>, vector<1x10240x1xf32>
    %get3A_3 = vector.shape_cast %get3A_2 : vector<1x10240x1xf32> to vector<10240x1xf32>
    %add3A = arith.constant 1.000000e+00 : f32
    %add3A_4 = vector.broadcast %add3A : f32 to vector<10240x1xf32>
    %add3A_5 = arith.addf %add3A_4, %get3A_3 : vector<10240x1xf32>
    %get3A_6 = arith.constant 1 : index
    %get3A_7 = arith.constant 0 : index
    %get3A_8 = arith.constant 0 : index
    %get3A_9 = vector.load %arg2[%get3A_6, %get3A_7, %get3A_8] : memref<2x10240x1xf32, #tpu.memory_space<vmem>>, vector<1x10240x1xf32>
    %get3A_10 = vector.shape_cast %get3A_9 : vector<1x10240x1xf32> to vector<10240x1xf32>
    %add3A_11 = arith.addf %add3A_5, %get3A_10 : vector<10240x1xf32>
    %rsqrt3A = math.rsqrt %add3A_11 : vector<10240x1xf32>
    %get3A_12 = arith.constant 0 : index
    %get3A_13 = arith.constant 0 : index
    %get3A_14 = vector.load %arg0[%get3A_12, %get3A_13] : memref<10000x128xf32, #tpu.memory_space<vmem>>, vector<10000x128xf32>
    %slice3A = vector.extract_strided_slice %rsqrt3A {offsets = [0, 0], sizes = [10000, 1], strides = [1, 1]} : vector<10240x1xf32> to vector<10000x1xf32>
    %mul3A = vector.broadcast %slice3A : vector<10000x1xf32> to vector<10000x128xf32>
    %mul3A_15 = arith.mulf %get3A_14, %mul3A : vector<10000x128xf32>
    %get3A_16 = arith.constant 0 : index
    %get3A_17 = arith.constant 0 : index
    %get3A_18 = vector.load %arg1[%get3A_16, %get3A_17] : memref<128x128xf32, #tpu.memory_space<vmem>>, vector<128x128xf32>
    %dot_general3A = arith.constant dense<0.000000e+00> : vector<10000x128xf32>
    %dot_general3A_19 = tpu.matmul %mul3A_15, %get3A_18, %dot_general3A {dimension_numbers = #tpu.dot_dimension_numbers<[1], [0], [0], [1], [0, 0, 1, 1], [], []>, transpose_lhs_hint = false} : vector<10000x128xf32>, vector<128x128xf32>, vector<10000x128xf32> -> vector<10000x128xf32>
    %broadcast_in_dim3A = arith.constant 0.000000e+00 : f32
    %broadcast_in_dim3A_20 = vector.broadcast %broadcast_in_dim3A : f32 to vector<240x128xf32>
    %concatenate3A = tpu.concatenate %dot_general3A_19, %broadcast_in_dim3A_20 in 0 : vector<10000x128xf32>, vector<240x128xf32> -> vector<10240x128xf32>
    %swap3A = arith.constant 0 : index
    %swap3A_21 = arith.constant 0 : index
    %swap3A_22 = vector.load %arg3[%swap3A, %swap3A_21] : memref<10240x128xf32, #tpu.memory_space<vmem>>, vector<10240x128xf32>
    tpu.vector_store %arg3[%swap3A, %swap3A_21], %concatenate3A {strides = array<i32>} : memref<10240x128xf32, #tpu.memory_space<vmem>>, vector<10240x128xf32>,
    return
  }
}

module attributes {stable_mosaic.version = 14 : i64} {
  func.func @body(%arg0: memref<2x10240x128xf32, #tpu.memory_space<vmem>>, %arg1: memref<10240x128xf32, #tpu.memory_space<vmem>>, %arg2: memref<2x10240x1xf32, #tpu.memory_space<vmem>>, %arg3: memref<1x128xf32, #tpu.memory_space<vmem>>, %arg4: memref<128x128xf32, #tpu.memory_space<vmem>>, %arg5: memref<10240x128xf32, #tpu.memory_space<vmem>>) attributes {dimension_semantics = [], scalar_prefetch = 0 : i64, scratch_operands = 0 : i64, tpu.core_type = #tpu.core_type<tc>} {
    %get3A = arith.constant 0 : index
    %get3A_0 = arith.constant 0 : index
    %get3A_1 = arith.constant 0 : index
    %get3A_2 = vector.load %arg2[%get3A, %get3A_0, %get3A_1] : memref<2x10240x1xf32, #tpu.memory_space<vmem>>, vector<1x10240x1xf32>
    %get3A_3 = vector.shape_cast %get3A_2 : vector<1x10240x1xf32> to vector<10240x1xf32>
    %add3A = arith.constant 1.000000e+00 : f32
    %add3A_4 = vector.broadcast %add3A : f32 to vector<10240x1xf32>
    %add3A_5 = arith.addf %add3A_4, %get3A_3 : vector<10240x1xf32>
    %get3A_6 = arith.constant 1 : index
    %get3A_7 = arith.constant 0 : index
    %get3A_8 = arith.constant 0 : index
    %get3A_9 = vector.load %arg2[%get3A_6, %get3A_7, %get3A_8] : memref<2x10240x1xf32, #tpu.memory_space<vmem>>, vector<1x10240x1xf32>
    %get3A_10 = vector.shape_cast %get3A_9 : vector<1x10240x1xf32> to vector<10240x1xf32>
    %add3A_11 = arith.addf %add3A_5, %get3A_10 : vector<10240x1xf32>
    %rsqrt3A = math.rsqrt %add3A_11 : vector<10240x1xf32>
    %get3A_12 = arith.constant 0 : index
    %get3A_13 = arith.constant 0 : index
    %get3A_14 = arith.constant 0 : index
    %get3A_15 = vector.load %arg0[%get3A_12, %get3A_13, %get3A_14] : memref<2x10240x128xf32, #tpu.memory_space<vmem>>, vector<1x10000x128xf32>
    %get3A_16 = vector.shape_cast %get3A_15 : vector<1x10000x128xf32> to vector<10000x128xf32>
    %get3A_17 = arith.constant 1 : index
    %get3A_18 = arith.constant 0 : index
    %get3A_19 = arith.constant 0 : index
    %get3A_20 = vector.load %arg0[%get3A_17, %get3A_18, %get3A_19] : memref<2x10240x128xf32, #tpu.memory_space<vmem>>, vector<1x10000x128xf32>
    %get3A_21 = vector.shape_cast %get3A_20 : vector<1x10000x128xf32> to vector<10000x128xf32>
    %add3A_22 = arith.addf %get3A_16, %get3A_21 : vector<10000x128xf32>
    %get3A_23 = arith.constant 0 : index
    %get3A_24 = arith.constant 0 : index
    %get3A_25 = vector.load %arg1[%get3A_23, %get3A_24] : memref<10240x128xf32, #tpu.memory_space<vmem>>, vector<10000x128xf32>
    %add3A_26 = arith.addf %add3A_22, %get3A_25 : vector<10000x128xf32>
    %slice3A = vector.extract_strided_slice %rsqrt3A {offsets = [0, 0], sizes = [10000, 1], strides = [1, 1]} : vector<10240x1xf32> to vector<10000x1xf32>
    %mul3A = vector.broadcast %slice3A : vector<10000x1xf32> to vector<10000x128xf32>
    %mul3A_27 = arith.mulf %add3A_26, %mul3A : vector<10000x128xf32>
    %get3A_28 = arith.constant 0 : index
    %get3A_29 = arith.constant 0 : index
    %get3A_30 = vector.load %arg3[%get3A_28, %get3A_29] : memref<1x128xf32, #tpu.memory_space<vmem>>, vector<1x128xf32>
    %add3A_31 = vector.broadcast %get3A_30 : vector<1x128xf32> to vector<10000x128xf32>
    %add3A_32 = arith.addf %mul3A_27, %add3A_31 : vector<10000x128xf32>
    %max3A = arith.constant 0.000000e+00 : f32
    %max3A_33 = vector.broadcast %max3A : f32 to vector<10000x128xf32>
    %max3A_34 = arith.maximumf %add3A_32, %max3A_33 : vector<10000x128xf32>
    %get3A_35 = arith.constant 0 : index
    %get3A_36 = arith.constant 0 : index
    %get3A_37 = vector.load %arg4[%get3A_35, %get3A_36] : memref<128x128xf32, #tpu.memory_space<vmem>>, vector<128x128xf32>
    %dot_general3A = arith.constant dense<0.000000e+00> : vector<10000x128xf32>
    %dot_general3A_38 = tpu.matmul %max3A_34, %get3A_37, %dot_general3A {dimension_numbers = #tpu.dot_dimension_numbers<[1], [0], [0], [1], [0, 0, 1, 1], [], []>, transpose_lhs_hint = false} : vector<10000x128xf32>, vector<128x128xf32>, vector<10000x128xf32> -> vector<10000x128xf32>
    %slice3A_39 = vector.extract_strided_slice %rsqrt3A {offsets = [0, 0], sizes = [10000, 1], strides = [1, 1]} : vector<10240x1xf32> to vector<10000x1xf32>
    %mul3A_40 = vector.broadcast %slice3A_39 : vector<10000x1xf32> to vector<10000x128xf32>
    %mul3A_41 = arith.mulf %dot_general3A_38, %mul3A_40 : vector<10000x128xf32>
    %broadcast_in_dim3A = arith.constant 0.000000e+00 : f32
    %broadcast_in_dim3A_42 = vector.broadcast %broadcast_in_dim3A : f32 to vector<240x128xf32>
    %concatenate3A = tpu.concatenate %mul3A_41, %broadcast_in_dim3A_42 in 0 : vector<10000x128xf32>, vector<240x128xf32> -> vector<10240x128xf32>
    %swap3A = arith.constant 0 : index
    %swap3A_43 = arith.constant 0 : index
    %swap3A_44 = vector.load %arg5[%swap3A, %swap3A_43] : memref<10240x128xf32, #tpu.memory_space<vmem>>, vector<10240x128xf32>
    tpu.vector_store %arg5[%swap3A, %swap3A_43], %concatenate3A {strides = array<i32>} : memref<10240x128xf32, #tpu.memory_space<vmem>>, vector<10240x128xf32>,
    return
  }
}

module attributes {stable_mosaic.version = 14 : i64} {
  func.func @body(%arg0: memref<2x10240x128xf32, #tpu.memory_space<vmem>>, %arg1: memref<10240x128xf32, #tpu.memory_space<vmem>>, %arg2: memref<2x10240x1xf32, #tpu.memory_space<vmem>>, %arg3: memref<1x128xf32, #tpu.memory_space<vmem>>, %arg4: memref<1x10000xi32, #tpu.memory_space<vmem>>, %arg5: memref<128x64xf32, #tpu.memory_space<vmem>>, %arg6: memref<1x64xf32, #tpu.memory_space<vmem>>, %arg7: memref<64x64xf32, #tpu.memory_space<vmem>>) attributes {dimension_semantics = [], scalar_prefetch = 0 : i64, scratch_operands = 0 : i64, tpu.core_type = #tpu.core_type<tc>} {
    %get3A = arith.constant 0 : index
    %get3A_0 = arith.constant 0 : index
    %get3A_1 = arith.constant 0 : index
    %get3A_2 = vector.load %arg2[%get3A, %get3A_0, %get3A_1] : memref<2x10240x1xf32, #tpu.memory_space<vmem>>, vector<1x10240x1xf32>
    %get3A_3 = vector.shape_cast %get3A_2 : vector<1x10240x1xf32> to vector<10240x1xf32>
    %add3A = arith.constant 1.000000e+00 : f32
    %add3A_4 = vector.broadcast %add3A : f32 to vector<10240x1xf32>
    %add3A_5 = arith.addf %add3A_4, %get3A_3 : vector<10240x1xf32>
    %get3A_6 = arith.constant 1 : index
    %get3A_7 = arith.constant 0 : index
    %get3A_8 = arith.constant 0 : index
    %get3A_9 = vector.load %arg2[%get3A_6, %get3A_7, %get3A_8] : memref<2x10240x1xf32, #tpu.memory_space<vmem>>, vector<1x10240x1xf32>
    %get3A_10 = vector.shape_cast %get3A_9 : vector<1x10240x1xf32> to vector<10240x1xf32>
    %add3A_11 = arith.addf %add3A_5, %get3A_10 : vector<10240x1xf32>
    %rsqrt3A = math.rsqrt %add3A_11 : vector<10240x1xf32>
    %get3A_12 = arith.constant 0 : index
    %get3A_13 = arith.constant 0 : index
    %get3A_14 = arith.constant 0 : index
    %get3A_15 = vector.load %arg0[%get3A_12, %get3A_13, %get3A_14] : memref<2x10240x128xf32, #tpu.memory_space<vmem>>, vector<1x10000x128xf32>
    %get3A_16 = vector.shape_cast %get3A_15 : vector<1x10000x128xf32> to vector<10000x128xf32>
    %get3A_17 = arith.constant 1 : index
    %get3A_18 = arith.constant 0 : index
    %get3A_19 = arith.constant 0 : index
    %get3A_20 = vector.load %arg0[%get3A_17, %get3A_18, %get3A_19] : memref<2x10240x128xf32, #tpu.memory_space<vmem>>, vector<1x10000x128xf32>
    %get3A_21 = vector.shape_cast %get3A_20 : vector<1x10000x128xf32> to vector<10000x128xf32>
    %add3A_22 = arith.addf %get3A_16, %get3A_21 : vector<10000x128xf32>
    %get3A_23 = arith.constant 0 : index
    %get3A_24 = arith.constant 0 : index
    %get3A_25 = vector.load %arg1[%get3A_23, %get3A_24] : memref<10240x128xf32, #tpu.memory_space<vmem>>, vector<10000x128xf32>
    %add3A_26 = arith.addf %add3A_22, %get3A_25 : vector<10000x128xf32>
    %slice3A = vector.extract_strided_slice %rsqrt3A {offsets = [0, 0], sizes = [10000, 1], strides = [1, 1]} : vector<10240x1xf32> to vector<10000x1xf32>
    %mul3A = vector.broadcast %slice3A : vector<10000x1xf32> to vector<10000x128xf32>
    %mul3A_27 = arith.mulf %add3A_26, %mul3A : vector<10000x128xf32>
    %get3A_28 = arith.constant 0 : index
    %get3A_29 = arith.constant 0 : index
    %get3A_30 = vector.load %arg3[%get3A_28, %get3A_29] : memref<1x128xf32, #tpu.memory_space<vmem>>, vector<1x128xf32>
    %add3A_31 = vector.broadcast %get3A_30 : vector<1x128xf32> to vector<10000x128xf32>
    %add3A_32 = arith.addf %mul3A_27, %add3A_31 : vector<10000x128xf32>
    %max3A = arith.constant 0.000000e+00 : f32
    %max3A_33 = vector.broadcast %max3A : f32 to vector<10000x128xf32>
    %max3A_34 = arith.maximumf %add3A_32, %max3A_33 : vector<10000x128xf32>
    %iota3A = tpu.iota {dimensions = array<i32: 0>} : vector<64x1xi32>
    %get3A_35 = arith.constant 0 : index
    %get3A_36 = arith.constant 0 : index
    %get3A_37 = vector.load %arg4[%get3A_35, %get3A_36] : memref<1x10000xi32, #tpu.memory_space<vmem>>, vector<1x10000xi32>
    %eq3A = vector.broadcast %get3A_37 : vector<1x10000xi32> to vector<64x10000xi32>
    %eq3A_38 = vector.broadcast %iota3A : vector<64x1xi32> to vector<64x10000xi32>
    %eq3A_39 = arith.cmpi eq, %eq3A, %eq3A_38 : vector<64x10000xi32>
    %convert_element_type3A = arith.extui %eq3A_39 : vector<64x10000xi1> to vector<64x10000xi32>
    %convert_element_type3A_40 = arith.sitofp %convert_element_type3A : vector<64x10000xi32> to vector<64x10000xf32>
    %reduce_sum3A = arith.constant dense<0.000000e+00> : vector<64xf32>
    %reduce_sum3A_41 = vector.multi_reduction <add>, %convert_element_type3A_40, %reduce_sum3A [1] : vector<64x10000xf32> to vector<64xf32>
    %broadcast_in_dim3A = vector.shape_cast %reduce_sum3A_41 : vector<64xf32> to vector<64x1xf32>
    %dot_general3A = arith.constant dense<0.000000e+00> : vector<64x128xf32>
    %dot_general3A_42 = tpu.matmul %convert_element_type3A_40, %max3A_34, %dot_general3A {dimension_numbers = #tpu.dot_dimension_numbers<[1], [0], [0], [1], [0, 0, 1, 1], [], []>, transpose_lhs_hint = false} : vector<64x10000xf32>, vector<10000x128xf32>, vector<64x128xf32> -> vector<64x128xf32>
    %max3A_43 = arith.constant 1.000000e+00 : f32
    %max3A_44 = vector.broadcast %max3A_43 : f32 to vector<64x1xf32>
    %max3A_45 = arith.maximumf %broadcast_in_dim3A, %max3A_44 : vector<64x1xf32>
    %div3A = vector.broadcast %max3A_45 : vector<64x1xf32> to vector<64x128xf32>
    %div3A_46 = arith.divf %dot_general3A_42, %div3A : vector<64x128xf32>
    %get3A_47 = arith.constant 0 : index
    %get3A_48 = arith.constant 0 : index
    %get3A_49 = vector.load %arg5[%get3A_47, %get3A_48] : memref<128x64xf32, #tpu.memory_space<vmem>>, vector<128x64xf32>
    %dot_general3A_50 = arith.constant dense<0.000000e+00> : vector<64x64xf32>
    %dot_general3A_51 = tpu.matmul %div3A_46, %get3A_49, %dot_general3A_50 {dimension_numbers = #tpu.dot_dimension_numbers<[1], [0], [0], [1], [0, 0, 1, 1], [], []>, transpose_lhs_hint = false} : vector<64x128xf32>, vector<128x64xf32>, vector<64x64xf32> -> vector<64x64xf32>
    %get3A_52 = arith.constant 0 : index
    %get3A_53 = arith.constant 0 : index
    %get3A_54 = vector.load %arg6[%get3A_52, %get3A_53] : memref<1x64xf32, #tpu.memory_space<vmem>>, vector<1x64xf32>
    %add3A_55 = vector.broadcast %get3A_54 : vector<1x64xf32> to vector<64x64xf32>
    %add3A_56 = arith.addf %dot_general3A_51, %add3A_55 : vector<64x64xf32>
    %swap3A = arith.constant 0 : index
    %swap3A_57 = arith.constant 0 : index
    %swap3A_58 = vector.load %arg7[%swap3A, %swap3A_57] : memref<64x64xf32, #tpu.memory_space<vmem>>, vector<64x64xf32>
    tpu.vector_store %arg7[%swap3A, %swap3A_57], %add3A_56 {strides = array<i32>} : memref<64x64xf32, #tpu.memory_space<vmem>>, vector<64x64xf32>,
    return
  }
}

</mosaic_0001>

<sc_bundles>
// kernel: kernel.11.cloned.1.call-start
scs
__scs_entry_jumppad:
0x0: {  	(pc) =	sbr.rel $0x88, $3  }
0x1: {  	(tag) =	ssettag $0x0;
	lr =	simm.s32 $0x1  }
0x2: {  	[smem:$0x3F98] =	sst lr;
	_ =	strace $0xD0000000  }
0x3: {  	_ = 	snop  }
0x4: {  	_ = 	snop  }
0x5: {  	_ = 	snop  }
0x6: {  	_ = 	snop  }
0x7: {  	_ = 	snop  }
__scs_overlays_trampoline_lowered:
0x8: {  	[smem:$0x3FA7] =	sst s0  }
0x9: {  	[smem:$0x3FA8] =	sst s1  }
0xa: {  	[smem:$0x3FA9] =	sst s2  }
0xb: {  	[smem:$0x3FAA] =	sst s3  }
0xc: {  	[smem:$0x3FAB] =	sst s4  }
0xd: {  	[smem:$0x3FAC] =	sst s5  }
0xe: {  	[smem:$0x3FAD] =	sst s6  }
0xf: {  	[smem:$0x3FAE] =	sst s7  }
0x10: {  	[smem:$0x3FAF] =	sst s8  }
0x11: {  	[smem:$0x3FB0] =	sst s9;
	s0 =	simm.s32 @!p0 $0x0  }
0x12: {  	s1 =	sld [smem:$0x3F96];
	s0 =	simm.s32 @p0 $0x1  }
0x13: {  	[smem:$0x3FB1] =	sst s0;
	s0 =	simm.s32 @!p1 $0x0  }
0x14: {  	s2 =	sld [smem:$0x3F95];
	s0 =	simm.s32 @p1 $0x1  }
0x15: {  	[smem:$0x3FB2] =	sst s0;
	s0 =	simm.s32 @!p2 $0x0  }
0x16: {  	s3 =	sld [smem:$0x3FDB];
	s0 =	simm.s32 @p2 $0x1  }
0x17: {  	s4 =	simm.s32 $0x1BF5;
	[smem:$0x3FB4] =	sst s0  }
0x18: {  	s0 =	sld [smem:$0x3F97];
	_ =	swait.ge [sflag:s4], $0x0  }
0x19: {  	s7 =	sld [smem:$0x3F98]  }
0x1a: {  	s8 =	sadd.s32 $0xFFFFE003, lr  }
0x1b: {  	s9 =	sadd.s32 $0xFFFFFEF7, lr;
	s5 =	simm.s32 $0xFFFFFFFF;
	p2 =	slt.u32 s8, $0xFFFFF086  }
0x1c: {  	p1 =	slt.u32 s9, $0xF7A;
	s5 =	simm.s32 @!p2 $0x0  }
0x1d: {  	s5 =	simm.s32 @p1 $0x1;
	p0 =	seq.s32 s7, s2  }
0x1e: {  	s7 =	smul.u32 @!p0 $0xF7A, s2;
	p2 =	seq.s32 @!p0 s5, $0x0  }
0x1f: {  	s9 =	smul.u32 $0xF7A, s1;
	s8 =	simm.s32 @!p0 $0x1BF5;
	p2 =	por !p2, p0  }
0x20: {  	[sflag:s8] =	ssyncset.s32 @!p0 $0xFFFFF086;
	s6 =	sadd.s32 @!p0 s3, s7;
	s7 =	simm.s32 @!p0 $0x108  }
0x21: {  	s3 =	sadd.s32 s3, s9;
	s6 =	sadd.s32 @!p0 $0x88, s6;
	s7 =	simm.s32 @p2 $0x1082  }
0x22: {  	[simem:s7], [sflag:s8] =	dma.local @!p0 [hbm:s6], $0xF7A  }
0x23: {  	s9 =	sor.u32 $0xD0000000, s2;
	s6 =	simm.s32 $0x108;
	_ =	swait.ge @!p0 [sflag:s8], $0x0  }
0x24: {  	s3 =	sadd.s32 $0x88, s3;
	s6 =	simm.s32 @!p1 $0x1082;
	[sflag:s4] =	ssyncset.s32 $0xFFFFF086  }
0x25: {  	[simem:s6], [sflag:s4] =	dma.local [hbm:s3], $0xF7A  }
0x26: {  	[smem:$0x3F98] =	sst s1;
	(tag) =	ssettag s2;
	_ =	strace s9  }
0x27: {  	s1 =	sld [smem:$0x3FA8]  }
0x28: {  	s2 =	sld [smem:$0x3FA9]  }
0x29: {  	s4 =	sld [smem:$0x3FAB]  }
0x2a: {  	p0 =	seq.s32 s5, $0x0;
	s5 =	sld [smem:$0x3FAC]  }
0x2b: {  	s6 =	sld [smem:$0x3FAD]  }
0x2c: {  	s7 =	sld [smem:$0x3FAE]  }
0x2d: {  	s3 =	simm.s32 $0x108;
	s8 =	sld [smem:$0x3FAF]  }
0x2e: {  	s3 =	simm.s32 @!p0 $0x1082;
	s9 =	sld [smem:$0x3FB0]  }
0x2f: {  	lr =	sadd.s32 s0, s3;
	s0 =	sld [smem:$0x3FA7]  }
0x30: {  	s3 =	sld [smem:$0x3FAA]  }
0x31: {  	[smem:$0x3FB3] =	sst s10  }
0x32: {  	s10 =	sld [smem:$0x3FB1];
	_ =	sdelay $0x3  }
0x33: {  	p0 =	seq.s32 s10, $0x1;
	s10 =	sld [smem:$0x3FB3];
	_ =	sdelay $0x3  }
0x34: {  	[smem:$0x3FB3] =	sst s10  }
0x35: {  	s10 =	sld [smem:$0x3FB2];
	_ =	sdelay $0x3  }
0x36: {  	p1 =	seq.s32 s10, $0x1;
	s10 =	sld [smem:$0x3FB3];
	_ =	sdelay $0x3  }
0x37: {  	[smem:$0x3FB3] =	sst s10  }
0x38: {  	s10 =	sld [smem:$0x3FB4]  }
0x39: {  	_ = 	snop;
	(pc) =	sbr.ind lr, $3  }
0x3a: {  	_ = 	snop  }
0x3b: {  	_ = 	snop  }
0x3c: {  	p2 =	seq.s32 s10, $0x1;
	s10 =	sld [smem:$0x3FB3]  }
0x3d: {  	_ =	shalt  }
0x3e: {  	_ =	shalt  }
0x3f: {  	_ =	shalt  }
0x40: {  	_ =	shalt  }
0x41: {  	_ =	shalt  }
0x42: {  	_ =	shalt  }
0x43: {  	_ =	shalt  }
0x44: {  	_ =	shalt  }
0x45: {  	_ =	shalt  }
0x46: {  	_ =	shalt  }
0x47: {  	_ =	shalt  }
0x48: {  	_ =	shalt  }
0x49: {  	_ =	shalt  }
0x4a: {  	_ =	shalt  }
0x4b: {  	_ =	shalt  }
0x4c: {  	_ =	shalt  }
0x4d: {  	_ =	shalt  }
0x4e: {  	_ =	shalt  }
0x4f: {  	_ =	shalt  }
0x50: {  	_ =	shalt  }
0x51: {  	_ =	shalt  }
0x52: {  	_ =	shalt  }
0x53: {  	_ =	shalt  }
0x54: {  	_ =	shalt  }
0x55: {  	_ =	shalt  }
0x56: {  	_ =	shalt  }
0x57: {  	_ =	shalt  }
0x58: {  	_ =	shalt  }
0x59: {  	_ =	shalt  }
0x5a: {  	_ =	shalt  }
0x5b: {  	_ =	shalt  }
0x5c: {  	_ =	shalt  }
0x5d: {  	_ =	shalt  }
0x5e: {  	_ =	shalt  }
0x5f: {  	_ =	shalt  }
0x60: {  	_ =	shalt  }
0x61: {  	_ =	shalt  }
0x62: {  	_ =	shalt  }
0x63: {  	_ =	shalt  }
0x64: {  	_ =	shalt  }
0x65: {  	_ =	shalt  }
0x66: {  	_ =	shalt  }
0x67: {  	_ =	shalt  }
0x68: {  	_ =	shalt  }
0x69: {  	_ =	shalt  }
0x6a: {  	_ =	shalt  }
0x6b: {  	_ =	shalt  }
0x6c: {  	_ =	shalt  }
0x6d: {  	_ =	shalt  }
0x6e: {  	_ =	shalt  }
0x6f: {  	_ =	shalt  }
0x70: {  	_ =	shalt  }
0x71: {  	_ =	shalt  }
0x72: {  	_ =	shalt  }
0x73: {  	_ =	shalt  }
0x74: {  	_ =	shalt  }
0x75: {  	_ =	shalt  }
0x76: {  	_ =	shalt  }
0x77: {  	_ =	shalt  }
0x78: {  	_ =	shalt  }
0x79: {  	_ =	shalt  }
0x7a: {  	_ =	shalt  }
0x7b: {  	_ =	shalt  }
0x7c: {  	_ =	shalt  }
0x7d: {  	_ =	shalt  }
0x7e: {  	_ =	shalt  }
0x7f: {  	_ =	shalt  }
0x80: {  	_ =	shalt  }
0x81: {  	_ =	shalt  }
0x82: {  	_ =	shalt  }
0x83: {  	_ =	shalt  }
0x84: {  	_ =	shalt  }
0x85: {  	_ =	shalt  }
0x86: {  	_ =	shalt  }
0x87: {  	_ =	shalt  }
.Lfunc_end0:
.L_simem_size_0:
called_computation.1_lowered:
.L_overlay_start_0:
0x88: {  	s2 =	sld [smem:$0x3FD9]  }
0x89: {  	s3 =	sld [smem:$0x3FFE];
	_ =	sdelay $0x1  }
0x8a: {  	s1 =	srdreg.scid  }
0x8b: {  	s0 =	sand.u32 $0x1, s1  }
0x8c: {  	s16 =	sshll.u32 s0, $0xA;
	s2 =	sadd.s32 s3, s2  }
0x8d: {  	s2 =	sadd.s32 s2, s16  }
0x8e: {  	[smem:$0x3FBF] =	sst s2  }
0x8f: {  	_ = 	snop  }
0x90: {  	(tm) =	ssettm $0x1  }
0x91: {  	s17 =	sld [smem:$0x3FFB];
	_ =	sdelay $0x3  }
0x92: {  	_ =	strace s17  }
0x93: {  	s2 =	sld [smem:$0x3FFC];
	_ =	sdelay $0x3  }
0x94: {  	_ =	strace s2  }
0x95: {  	s2 =	sld [smem:$0x3FFD];
	_ =	sdelay $0x3  }
0x96: {  	_ =	strace s2  }
0x97: {  	_ =	strace $0x8FFFFFFF  }
0x98: {  	s18 =	sld [smem:$0x3FDB];
	_ =	sdelay $0x1  }
0x99: {  	s19 =	simm.s32 $_scs_section_size  }
0x9a: {  	s4 =	simm.s32 $_size__tile_overlayer_lowered;
	s5 =	simm.s32 $_tile_overlayer_lowered  }
0x9b: {  	s22 =	simm.s32 $0x1BFF;
	s21 =	sshll.u32 s5, $0x1;
	s2 =	sadd.s32 s19, s18  }
0x9c: {  	s6 =	simm.s32 $0x0;
	s20 =	sshll.u32 s4, $0x1;
	s4 =	sadd.s32 s21, s2  }
0x9d: {  	[timem:s6], [sflag:s22] =	dma.local [hbm:s4], s20  }
0x9e: {  	_ =	swait.ge [sflag:s22], s20  }
0x9f: {  	s3 =	ssub.s32 $0x0, s20;
	[sflag:s22] =	ssyncset.done $0x0  }
0xa0: {  	[sflag:s22] =	ssyncadd.s32 s3;
	_ =	sdelay $0x1  }
0xa1: {  	s23 =	simm.s32 $0x1B8B  }
0xa2: {  	_ =	swait.ge [sflag:s23], $0x1  }
0xa3: {  	[sflag:s23] =	ssyncset.done $0x0  }
0xa4: {  	s25 =	simm.s32 $0x1B8E;
	s24 =	sld [smem:$0x3FFE];
	[sflag:s23] =	ssyncadd.s32 $0xFFFFFFFF  }
0xa5: {  	s26 =	simm.s32 $execute0_lowered;
	[smem:$0x3FD2] =	sst s25  }
0xa6: {  	s4 =	sshll.u32 s26, $0x1;
	_ =	strace $0x80000049;
	[dreg:$0x1] =	wrdreg $0xFFFFFFFF  }
0xa7: {  	s28 =	simm.s32 $_size_execute0_lowered;
	s2 =	sadd.s32 s2, s4;
	[dreg:$0x0] =	wrdreg $0x0  }
0xa8: {  	s4 =	sshll.u32 s28, $0x1;
	[dreg:$0x2] =	wrdreg s2  }
0xa9: {  	[dreg:$0x3] =	wrdreg s4  }
0xaa: {  	[dreg:$0x4] =	wrdreg $0xC0  }
0xab: {  	_ =	task [dreg:s6], $0x5FFFF  }
0xac: {  	[dreg:$0x1] =	wrdreg $0xFFFFFFFF  }
0xad: {  	[dreg:$0x0] =	wrdreg $0x60  }
0xae: {  	[dreg:$0x2] =	wrdreg s24  }
0xaf: {  	[dreg:$0x3] =	wrdreg $0xA0000  }
0xb0: {  	[dreg:$0x4] =	wrdreg $0x9  }
0xb1: {  	_ =	task.clear_ibuf [dreg:s6], $0x5FFFF;
	_ =	strace $0x90000049  }
0xb2: {  	s29 =	simm.s32 $0x9;
	_ =	strace $0x8000004B  }
0xb3: {  	_ =	swait.ge [sflag:s29], $0x1  }
0xb4: {  	[sflag:s29] =	ssyncadd.s32 $0xFFFFFFFF  }
0xb5: {  	_ =	strace $0x9000004B  }
0xb6: {  	_ =	sfence  }
0xb7: {  	s30 =	sld [smem:$0x0];
	_ =	sdelay $0x2  }
0xb8: {  	s31 =	sshll.u32 s1, $0xD;
	s1 =	sshrl.u32 s1, $0x2  }
0xb9: {  	s3 =	sand.u32 $0x4000, s31;
	s1 =	sadd.s32 s1, s30  }
0xba: {  	s0 =	sor.u32 s3, s0;
	s1 =	sshll.u32 s1, $0x11  }
0xbb: {  	s0 =	sor.u32 s1, s0  }
0xbc: {  	s0 =	sadd.s32 $0x8F2B, s0  }
0xbd: {  	[sflag:s0] =	ssyncadd.remote.s32 $0x1  }
0xbe: {  	_ =	sfence.sel $0xFFFF  }
0xbf: {  	[dreg:$0x0] =	wrdreg $0xFFFFFFFF;
	(pc) =	sbr.abs _section_cstart, $3  }
0xc0: {  	[dreg:$0x1] =	wrdreg $0xFFFFFFFF  }
0xc1: {  	_ =	task.clear_ibuf [dreg:s6], $0x2FFFF;
	_ =	strace $0x9FFFFFFF  }
0xc2: {  	(tm) =	ssettm $0x7FFFFFFF  }
0xc3: {  	_ =	shalt  }
tec
execute0_lowered:
.L_overlay_start_1:
0x0: {  	(tag) =	ssettag $0x1  }
0x1: {  	s7 =	rddreg [dreg:$0x0]  }
0x2: {  	s1 =	rddreg [dreg:$0x1];
	s2 =	simm.s32 $0x0;
	s3 =	srdreg.scid  }
0x3: {  	s17 =	simm.s32 $0x1000;
	s18 =	simm.s32 $0x3;
	s19 =	simm.s32 $0x80  }
0x4: {  	s20 =	simm.s32 $0x6000;
	s21 =	simm.s32 $0x5;
	s22 =	simm.s32 $0x1  }
0x5: {  	s23 =	simm.s32 $0x6;
	[smem:$0x7FF] =	sst s2;
	s8 =	sand.u32 $0x1, s3  }
0x6: {  	s4 =	sadd.s32 $0x67000, s7;
	s3 =	stileid.u32;
	s5 =	sadd.s32 $0x3000, s7  }
0x7: {  	s6 =	sadd.s32 $0xD000, s7;
	_ =	strace $0x8000004A;
	s14 =	smul.u32 $0x28000, s8  }
0x8: {  	s9 =	smul.u32 $0x50000, s3;
	s30 =	ssub.s32 $0x2, s8;
	s8 =	sshll.u32 s8, $0x4  }
0x9: {  	s24 =	smul.u32 $0x2800, s3;
	s10 =	sshrl.u32 s30, $0x1;
	s8 =	sor.u32 s3, s8  }
0xa: {  	s15 =	sadd.s32 s14, s7;
	s9 =	sshrl.u32 s9, $0x2;
	s16 =	ssub.s32 s30, s10  }
0xb: {  	s13 =	smul.u32 $0x500, s8;
	s31 =	sadd.s32 s24, s14;
	s7 =	sadd.s32 s9, s1  }
0xc: {  	s25 =	sadd.s32 $0x8F000, s15;
	s14 =	smax.u32 s16, $0x1;
	s15 =	sadd.s32 $0x800, s31  }
0xd: {  	s16 =	simm.s32 $0x2000;
	s8 =	sadd.s32 $0x4000, s7;
	s9 =	sadd.s32 $0x8000, s7  }
0xe: {  	s10 =	sadd.s32 $0xC000, s7;
	s11 =	sadd.s32 $0x10000, s7;
	s12 =	sadd.s32 s5, s13  }
0xf: {  	v0 =	vimm.f32 $0.0e+00;
	s13 =	sadd.s32 s6, s13;
	s24 =	sadd.s32 s24, s25;
	s25 =	simm.s32 $0x2  }
.LBB2_1:
0x10: {  	s26 =	simm.s32 $0x0;
	s28 =	simm.s32 $0x200  }
.LBB2_2:
0x11: {  	p0 =	sne.s32 s28, $0xFE00;
	[tilespmem:s26+$0x2070] =	vst v0  }
0x12: {  	[tilespmem:s26+$0x2000] =	vst v0  }
0x13: {  	[tilespmem:s26+$0x2010] =	vst v0  }
.Ltmp0:
0x14: {  	[tilespmem:s26+$0x2020] =	vst v0;
	(pc) =	sbr.rel @p0 .LBB2_2-.Ltmp0, $4  }
0x15: {  	[tilespmem:s26+$0x2030] =	vst v0  }
0x16: {  	[tilespmem:s26+$0x2040] =	vst v0  }
0x17: {  	[tilespmem:s26+$0x2050] =	vst v0  }
0x18: {  	[tilespmem:s26+$0x2060] =	vst v0;
	s26 =	sshra.s32 s28, $0x2;
	s28 =	sadd.s32 $0x200, s28  }
0x19: {  	[tilespmem:s26+$0x2070] =	vst v0  }
0x1a: {  	[tilespmem:s26+$0x2000] =	vst v0  }
0x1b: {  	[tilespmem:s26+$0x2010] =	vst v0  }
0x1c: {  	[tilespmem:s26+$0x2020] =	vst v0  }
0x1d: {  	[tilespmem:s26+$0x2030] =	vst v0  }
0x1e: {  	[tilespmem:s26+$0x2040] =	vst v0  }
0x1f: {  	[tilespmem:s26+$0x2050] =	vst v0  }
0x20: {  	[tilespmem:s26+$0x2060] =	vst v0  }
0x21: {  	[spmem:s7] =	stream.linear.scatter [tilespmem:s16], [sflag:$0x5], $0x4000, $0x38;
	[tilespmem:$0x1E000] =	vst v63  }
0x22: {  	_ = 	snop  }
0x23: {  	[spmem:s8] =	stream.linear.scatter [tilespmem:s16], [sflag:$0x5], $0x4000, $0x38;
	[tilespmem:$0x1E000] =	vst v63  }
0x24: {  	_ = 	snop  }
0x25: {  	[spmem:s9] =	stream.linear.scatter [tilespmem:s16], [sflag:$0x5], $0x4000, $0x38;
	[tilespmem:$0x1E000] =	vst v63  }
0x26: {  	_ = 	snop  }
0x27: {  	[spmem:s10] =	stream.linear.scatter [tilespmem:s16], [sflag:$0x5], $0x4000, $0x38;
	[tilespmem:$0x1E000] =	vst v63  }
0x28: {  	_ = 	snop  }
0x29: {  	[spmem:s11] =	stream.linear.scatter [tilespmem:s16], [sflag:$0x5], $0x4000, $0x38;
	[tilespmem:$0x1E000] =	vst v63  }
0x2a: {  	s26 =	simm.s32 $0x0  }
0x2b: {  	[tilespmem:s26], [sflag:$0x3] =	stream.linear.gather [hbm4b:s12+s26], $0x800, $0x38;
	[tilespmem:$0x1E000] =	vst v63  }
0x2c: {  	_ = 	snop  }
0x2d: {  	[tilespmem:s17], [sflag:$0x3] =	stream.linear.gather [hbm4b:s13+s26], $0x800, $0x38;
	[tilespmem:$0x1E000] =	vst v63  }
0x2e: {  	_ =	swait.ge [sflag:s18], $0x800  }
0x2f: {  	[sflag:s18] =	ssyncset.done $0x0  }
0x30: {  	[sflag:s18] =	ssyncadd.s32 $0xFFFFF800  }
0x31: {  	_ =	swait.ge [sflag:s18], $0x800  }
0x32: {  	[sflag:s18] =	ssyncset.done $0x0  }
0x33: {  	[sflag:s18] =	ssyncadd.s32 $0xFFFFF800  }
0x34: {  	[tilespmem:s20], [sflag:$0x2] =	stream.indirect.gather [hbm4b:s4+s19], $0x80, s19, s19, $0xb8;
	[tilespmem:$0x1E000] =	vst v63  }
0x35: {  	_ =	swait.ge [sflag:s21], $0x4000  }
0x36: {  	[sflag:s21] =	ssyncset.done $0x0  }
0x37: {  	[sflag:s21] =	ssyncadd.s32 $0xFFFFC000  }
0x38: {  	_ =	swait.ge [sflag:s21], $0x4000  }
0x39: {  	[sflag:s21] =	ssyncset.done $0x0  }
0x3a: {  	[sflag:s21] =	ssyncadd.s32 $0xFFFFC000  }
0x3b: {  	_ =	swait.ge [sflag:s21], $0x4000  }
0x3c: {  	[sflag:s21] =	ssyncset.done $0x0  }
0x3d: {  	[sflag:s21] =	ssyncadd.s32 $0xFFFFC000  }
0x3e: {  	_ =	swait.ge [sflag:s21], $0x4000  }
0x3f: {  	[sflag:s21] =	ssyncset.done $0x0  }
0x40: {  	[sflag:s21] =	ssyncadd.s32 $0xFFFFC000  }
0x41: {  	_ =	swait.ge [sflag:s21], $0x4000  }
0x42: {  	[sflag:s21] =	ssyncset.done $0x0  }
0x43: {  	[sflag:s21] =	ssyncadd.s32 $0xFFFFC000  }
0x44: {  	[tilespmem:s16], [sflag:$0x1] =	stream.indirect.gather [hbm4b:s4+s19], $0x80, s26, s19, $0xb8;
	[tilespmem:$0x1E000] =	vst v63  }
0x45: {  	[bflag:$0x0] =	sbarrier.arrive $0xFFFF  }
.LBB2_4:
0x46: {  	p0 =	seq.s32 s26, $0x2000  }
0x47: {  	s29 =	sadd.s32 @!p0 s26, s15  }
0x48: {  	s28 =	sand.u32 @!p0 $0x800, s26;
	s29 =	sshrl.u32 @!p0 s29, $0x3  }
0x49: {  	s0 =	simm.s32 @!p0 $0x0;
	s30 =	sxor.u32 @!p0 $0x800, s28;
	s31 =	sadd.s32 @!p0 s5, s29  }
0x4a: {  	[tilespmem:s30], [sflag:$0x4] =	stream.linear.gather @!p0 [hbm4b:s31+s0], $0x800, $0x38;
	[tilespmem:$0x1E000] =	vst v63  }
0x4b: {  	s29 =	sadd.s32 @!p0 s6, s29;
	s30 =	sor.u32 @!p0 $0x1000, s30  }
0x4c: {  	[tilespmem:s30], [sflag:$0x4] =	stream.linear.gather @!p0 [hbm4b:s29+s0], $0x800, $0x38;
	[tilespmem:$0x1E000] =	vst v63  }
0x4d: {  	_ =	swait.ge [sflag:s22], $0x4000  }
0x4e: {  	s28 =	simm.s32 @p0 $0x0;
	[sflag:s22] =	ssyncset.done $0x0  }
0x4f: {  	s29 =	sor.u32 $0x1000, s28;
	[sflag:s22] =	ssyncadd.s32 $0xFFFFC000  }
0x50: {  	[spmem:s1] =	stream.indirect.scatter.add.f32 [tilespmem:s16], [sflag:$0x6], $0x80, s29, s19, $0xb8;
	[tilespmem:$0x1E000] =	vst v63  }
0x51: {  	_ =	swait.ge [sflag:s23], $0x4000  }
0x52: {  	[sflag:s23] =	ssyncset.done $0x0  }
0x53: {  	s30 =	sadd.s32 $0x100, s28;
	[sflag:s23] =	ssyncadd.s32 $0xFFFFC000  }
0x54: {  	[tilespmem:s16], [sflag:$0x1] =	stream.indirect.gather [hbm4b:s4+s19], $0x80, s30, s19, $0xb8;
	[tilespmem:$0x1E000] =	vst v63  }
0x55: {  	_ =	swait.ge [sflag:s25], $0x4000  }
0x56: {  	[sflag:s25] =	ssyncset.done $0x0  }
0x57: {  	s31 =	sadd.s32 $0x1080, s28;
	[sflag:s25] =	ssyncadd.s32 $0xFFFFC000  }
0x58: {  	[spmem:s1] =	stream.indirect.scatter.add.f32 [tilespmem:s20], [sflag:$0x6], $0x80, s31, s19, $0xb8;
	[tilespmem:$0x1E000] =	vst v63  }
0x59: {  	_ =	swait.ge [sflag:s23], $0x4000  }
0x5a: {  	[sflag:s23] =	ssyncset.done $0x0  }
0x5b: {  	s29 =	sadd.s32 $0x180, s28;
	[sflag:s23] =	ssyncadd.s32 $0xFFFFC000  }
0x5c: {  	[tilespmem:s20], [sflag:$0x2] =	stream.indirect.gather [hbm4b:s4+s19], $0x80, s29, s19, $0xb8;
	[tilespmem:$0x1E000] =	vst v63  }
0x5d: {  	_ =	swait.ge [sflag:s22], $0x4000  }
0x5e: {  	[sflag:s22] =	ssyncset.done $0x0  }
0x5f: {  	s30 =	sadd.s32 $0x1100, s28;
	[sflag:s22] =	ssyncadd.s32 $0xFFFFC000  }
0x60: {  	[spmem:s1] =	stream.indirect.scatter.add.f32 [tilespmem:s16], [sflag:$0x6], $0x80, s30, s19, $0xb8;
	[tilespmem:$0x1E000] =	vst v63  }
0x61: {  	_ =	swait.ge [sflag:s23], $0x4000  }
0x62: {  	[sflag:s23] =	ssyncset.done $0x0  }
0x63: {  	s31 =	sadd.s32 $0x200, s28;
	[sflag:s23] =	ssyncadd.s32 $0xFFFFC000  }
0x64: {  	[tilespmem:s16], [sflag:$0x1] =	stream.indirect.gather [hbm4b:s4+s19], $0x80, s31, s19, $0xb8;
	[tilespmem:$0x1E000] =	vst v63  }
0x65: {  	_ =	swait.ge [sflag:s25], $0x4000  }
0x66: {  	[sflag:s25] =	ssyncset.done $0x0  }
0x67: {  	s29 =	sadd.s32 $0x1180, s28;
	[sflag:s25] =	ssyncadd.s32 $0xFFFFC000  }
0x68: {  	[spmem:s1] =	stream.indirect.scatter.add.f32 [tilespmem:s20], [sflag:$0x6], $0x80, s29, s19, $0xb8;
	[tilespmem:$0x1E000] =	vst v63  }
0x69: {  	_ =	swait.ge [sflag:s23], $0x4000  }
0x6a: {  	[sflag:s23] =	ssyncset.done $0x0  }
0x6b: {  	s30 =	sadd.s32 $0x280, s28;
	[sflag:s23] =	ssyncadd.s32 $0xFFFFC000  }
0x6c: {  	[tilespmem:s20], [sflag:$0x2] =	stream.indirect.gather [hbm4b:s4+s19], $0x80, s30, s19, $0xb8;
	[tilespmem:$0x1E000] =	vst v63  }
0x6d: {  	_ =	swait.ge [sflag:s22], $0x4000  }
0x6e: {  	[sflag:s22] =	ssyncset.done $0x0  }
0x6f: {  	s31 =	sadd.s32 $0x1200, s28;
	[sflag:s22] =	ssyncadd.s32 $0xFFFFC000  }
0x70: {  	[spmem:s1] =	stream.indirect.scatter.add.f32 [tilespmem:s16], [sflag:$0x6], $0x80, s31, s19, $0xb8;
	[tilespmem:$0x1E000] =	vst v63  }
0x71: {  	_ =	swait.ge [sflag:s23], $0x4000  }
0x72: {  	[sflag:s23] =	ssyncset.done $0x0  }
0x73: {  	s29 =	sadd.s32 $0x300, s28;
	[sflag:s23] =	ssyncadd.s32 $0xFFFFC000  }
0x74: {  	[tilespmem:s16], [sflag:$0x1] =	stream.indirect.gather [hbm4b:s4+s19], $0x80, s29, s19, $0xb8;
	[tilespmem:$0x1E000] =	vst v63  }
0x75: {  	_ =	swait.ge [sflag:s25], $0x4000  }
0x76: {  	[sflag:s25] =	ssyncset.done $0x0  }
0x77: {  	s30 =	sadd.s32 $0x1280, s28;
	[sflag:s25] =	ssyncadd.s32 $0xFFFFC000  }
0x78: {  	[spmem:s1] =	stream.indirect.scatter.add.f32 [tilespmem:s20], [sflag:$0x6], $0x80, s30, s19, $0xb8;
	[tilespmem:$0x1E000] =	vst v63  }
0x79: {  	_ =	swait.ge [sflag:s23], $0x4000  }
0x7a: {  	[sflag:s23] =	ssyncset.done $0x0  }
0x7b: {  	s31 =	sadd.s32 $0x380, s28;
	[sflag:s23] =	ssyncadd.s32 $0xFFFFC000  }
0x7c: {  	[tilespmem:s20], [sflag:$0x2] =	stream.indirect.gather [hbm4b:s4+s19], $0x80, s31, s19, $0xb8;
	[tilespmem:$0x1E000] =	vst v63  }
0x7d: {  	_ =	swait.ge [sflag:s22], $0x4000  }
0x7e: {  	[sflag:s22] =	ssyncset.done $0x0  }
0x7f: {  	s29 =	sadd.s32 $0x1300, s28;
	[sflag:s22] =	ssyncadd.s32 $0xFFFFC000  }
0x80: {  	[spmem:s1] =	stream.indirect.scatter.add.f32 [tilespmem:s16], [sflag:$0x6], $0x80, s29, s19, $0xb8;
	[tilespmem:$0x1E000] =	vst v63  }
0x81: {  	_ =	swait.ge [sflag:s23], $0x4000  }
0x82: {  	[sflag:s23] =	ssyncset.done $0x0  }
0x83: {  	s30 =	sadd.s32 $0x400, s28;
	[sflag:s23] =	ssyncadd.s32 $0xFFFFC000  }
0x84: {  	[tilespmem:s16], [sflag:$0x1] =	stream.indirect.gather [hbm4b:s4+s19], $0x80, s30, s19, $0xb8;
	[tilespmem:$0x1E000] =	vst v63  }
0x85: {  	_ =	swait.ge [sflag:s25], $0x4000  }
0x86: {  	[sflag:s25] =	ssyncset.done $0x0  }
0x87: {  	s31 =	sadd.s32 $0x1380, s28;
	[sflag:s25] =	ssyncadd.s32 $0xFFFFC000  }
0x88: {  	[spmem:s1] =	stream.indirect.scatter.add.f32 [tilespmem:s20], [sflag:$0x6], $0x80, s31, s19, $0xb8;
	[tilespmem:$0x1E000] =	vst v63  }
0x89: {  	_ =	swait.ge [sflag:s23], $0x4000  }
0x8a: {  	[sflag:s23] =	ssyncset.done $0x0  }
0x8b: {  	s29 =	sadd.s32 $0x480, s28;
	[sflag:s23] =	ssyncadd.s32 $0xFFFFC000  }
0x8c: {  	[tilespmem:s20], [sflag:$0x2] =	stream.indirect.gather [hbm4b:s4+s19], $0x80, s29, s19, $0xb8;
	[tilespmem:$0x1E000] =	vst v63  }
0x8d: {  	_ =	swait.ge [sflag:s22], $0x4000  }
0x8e: {  	[sflag:s22] =	ssyncset.done $0x0  }
0x8f: {  	s30 =	sadd.s32 $0x1400, s28;
	[sflag:s22] =	ssyncadd.s32 $0xFFFFC000  }
0x90: {  	[spmem:s1] =	stream.indirect.scatter.add.f32 [tilespmem:s16], [sflag:$0x6], $0x80, s30, s19, $0xb8;
	[tilespmem:$0x1E000] =	vst v63  }
0x91: {  	_ =	swait.ge [sflag:s23], $0x4000  }
0x92: {  	[sflag:s23] =	ssyncset.done $0x0  }
0x93: {  	s31 =	sadd.s32 $0x500, s28;
	[sflag:s23] =	ssyncadd.s32 $0xFFFFC000  }
0x94: {  	[tilespmem:s16], [sflag:$0x1] =	stream.indirect.gather [hbm4b:s4+s19], $0x80, s31, s19, $0xb8;
	[tilespmem:$0x1E000] =	vst v63  }
0x95: {  	_ =	swait.ge [sflag:s25], $0x4000  }
0x96: {  	[sflag:s25] =	ssyncset.done $0x0  }
0x97: {  	s29 =	sadd.s32 $0x1480, s28;
	[sflag:s25] =	ssyncadd.s32 $0xFFFFC000  }
0x98: {  	[spmem:s1] =	stream.indirect.scatter.add.f32 [tilespmem:s20], [sflag:$0x6], $0x80, s29, s19, $0xb8;
	[tilespmem:$0x1E000] =	vst v63  }
0x99: {  	_ =	swait.ge [sflag:s23], $0x4000  }
0x9a: {  	[sflag:s23] =	ssyncset.done $0x0  }
0x9b: {  	s30 =	sadd.s32 $0x580, s28;
	[sflag:s23] =	ssyncadd.s32 $0xFFFFC000  }
0x9c: {  	[tilespmem:s20], [sflag:$0x2] =	stream.indirect.gather [hbm4b:s4+s19], $0x80, s30, s19, $0xb8;
	[tilespmem:$0x1E000] =	vst v63  }
0x9d: {  	_ =	swait.ge [sflag:s22], $0x4000  }
0x9e: {  	[sflag:s22] =	ssyncset.done $0x0  }
0x9f: {  	s31 =	sadd.s32 $0x1500, s28;
	[sflag:s22] =	ssyncadd.s32 $0xFFFFC000  }
0xa0: {  	[spmem:s1] =	stream.indirect.scatter.add.f32 [tilespmem:s16], [sflag:$0x6], $0x80, s31, s19, $0xb8;
	[tilespmem:$0x1E000] =	vst v63  }
0xa1: {  	_ =	swait.ge [sflag:s23], $0x4000  }
0xa2: {  	[sflag:s23] =	ssyncset.done $0x0  }
0xa3: {  	s29 =	sadd.s32 $0x600, s28;
	[sflag:s23] =	ssyncadd.s32 $0xFFFFC000  }
0xa4: {  	[tilespmem:s16], [sflag:$0x1] =	stream.indirect.gather [hbm4b:s4+s19], $0x80, s29, s19, $0xb8;
	[tilespmem:$0x1E000] =	vst v63  }
0xa5: {  	_ =	swait.ge [sflag:s25], $0x4000  }
0xa6: {  	[sflag:s25] =	ssyncset.done $0x0  }
0xa7: {  	s30 =	sadd.s32 $0x1580, s28;
	[sflag:s25] =	ssyncadd.s32 $0xFFFFC000  }
0xa8: {  	[spmem:s1] =	stream.indirect.scatter.add.f32 [tilespmem:s20], [sflag:$0x6], $0x80, s30, s19, $0xb8;
	[tilespmem:$0x1E000] =	vst v63  }
0xa9: {  	_ =	swait.ge [sflag:s23], $0x4000  }
0xaa: {  	[sflag:s23] =	ssyncset.done $0x0  }
0xab: {  	s31 =	sadd.s32 $0x680, s28;
	[sflag:s23] =	ssyncadd.s32 $0xFFFFC000  }
0xac: {  	[tilespmem:s20], [sflag:$0x2] =	stream.indirect.gather [hbm4b:s4+s19], $0x80, s31, s19, $0xb8;
	[tilespmem:$0x1E000] =	vst v63  }
0xad: {  	_ =	swait.ge [sflag:s22], $0x4000  }
0xae: {  	[sflag:s22] =	ssyncset.done $0x0  }
0xaf: {  	s29 =	sadd.s32 $0x1600, s28;
	[sflag:s22] =	ssyncadd.s32 $0xFFFFC000  }
0xb0: {  	[spmem:s1] =	stream.indirect.scatter.add.f32 [tilespmem:s16], [sflag:$0x6], $0x80, s29, s19, $0xb8;
	[tilespmem:$0x1E000] =	vst v63  }
0xb1: {  	_ =	swait.ge [sflag:s23], $0x4000  }
0xb2: {  	[sflag:s23] =	ssyncset.done $0x0  }
0xb3: {  	s30 =	sadd.s32 $0x700, s28;
	[sflag:s23] =	ssyncadd.s32 $0xFFFFC000  }
0xb4: {  	[tilespmem:s16], [sflag:$0x1] =	stream.indirect.gather [hbm4b:s4+s19], $0x80, s30, s19, $0xb8;
	[tilespmem:$0x1E000] =	vst v63  }
0xb5: {  	_ =	swait.ge [sflag:s25], $0x4000  }
0xb6: {  	[sflag:s25] =	ssyncset.done $0x0  }
0xb7: {  	s31 =	sadd.s32 $0x1680, s28;
	[sflag:s25] =	ssyncadd.s32 $0xFFFFC000  }
0xb8: {  	[spmem:s1] =	stream.indirect.scatter.add.f32 [tilespmem:s20], [sflag:$0x6], $0x80, s31, s19, $0xb8;
	[tilespmem:$0x1E000] =	vst v63  }
0xb9: {  	_ =	swait.ge [sflag:s23], $0x4000  }
0xba: {  	[sflag:s23] =	ssyncset.done $0x0  }
0xbb: {  	s29 =	sadd.s32 $0x780, s28;
	[sflag:s23] =	ssyncadd.s32 $0xFFFFC000  }
0xbc: {  	[tilespmem:s20], [sflag:$0x2] =	stream.indirect.gather [hbm4b:s4+s19], $0x80, s29, s19, $0xb8;
	[tilespmem:$0x1E000] =	vst v63  }
0xbd: {  	_ =	swait.ge [sflag:s22], $0x4000  }
0xbe: {  	[sflag:s22] =	ssyncset.done $0x0  }
0xbf: {  	s30 =	sadd.s32 $0x1700, s28;
	[sflag:s22] =	ssyncadd.s32 $0xFFFFC000  }
0xc0: {  	[spmem:s1] =	stream.indirect.scatter.add.f32 [tilespmem:s16], [sflag:$0x6], $0x80, s30, s19, $0xb8;
	[tilespmem:$0x1E000] =	vst v63  }
0xc1: {  	_ =	swait.ge [sflag:s23], $0x4000  }
0xc2: {  	[sflag:s23] =	ssyncset.done $0x0  }
0xc3: {  	[sflag:s23] =	ssyncadd.s32 $0xFFFFC000  }
0xc4: {  	_ =	swait.ge [sflag:s25], $0x4000  }
0xc5: {  	[sflag:s25] =	ssyncset.done $0x0  }
0xc6: {  	s31 =	sadd.s32 $0x1780, s28;
	[sflag:s25] =	ssyncadd.s32 $0xFFFFC000  }
0xc7: {  	[spmem:s1] =	stream.indirect.scatter.add.f32 [tilespmem:s20], [sflag:$0x6], $0x80, s31, s19, $0xb8;
	[tilespmem:$0x1E000] =	vst v63  }
0xc8: {  	_ =	swait.ge [sflag:s23], $0x4000  }
0xc9: {  	[sflag:s23] =	ssyncset.done $0x0  }
0xca: {  	s0 =	simm.s32 @!p0 $0x4;
	[sflag:s23] =	ssyncadd.s32 $0xFFFFC000  }
0xcb: {  	_ =	swait.ge @!p0 [sflag:s0], $0x800  }
0xcc: {  	[sflag:s0] =	ssyncset.done @!p0 $0x0  }
0xcd: {  	[sflag:s0] =	ssyncadd.s32 @!p0 $0xFFFFF800  }
0xce: {  	_ =	swait.ge @!p0 [sflag:s0], $0x800  }
0xcf: {  	s26 =	sadd.s32 @!p0 $0x800, s26;
	s28 =	sxor.u32 @!p0 $0x800, s28;
	[sflag:s0] =	ssyncset.done @!p0 $0x0  }
0xd0: {  	s29 =	simm.s32 @!p0 $0x2000;
	[sflag:s0] =	ssyncadd.s32 @!p0 $0xFFFFF800;
	s0 =	simm.s32 @!p0 $0x80  }
0xd1: {  	[tilespmem:s29], [sflag:$0x1] =	stream.indirect.gather @!p0 [hbm4b:s4+s0], $0x80, s28, s0, $0xb8;
	[tilespmem:$0x1E000] =	vst v63  }
0xd2: {  	p1 =	sne.s32 @!p0 s26, $0x2800;
	s28 =	sadd.s32 @!p0 $0x80, s28;
	s29 =	simm.s32 @!p0 $0x6000  }
0xd3: {  	[tilespmem:s29], [sflag:$0x2] =	stream.indirect.gather @!p0 [hbm4b:s4+s0], $0x80, s28, s0, $0xb8;
	[tilespmem:$0x1E000] =	vst v63  }
0xd4: {  	p0 =	por p0, !p1  }
.Ltmp1:
0xd5: {  	_ = 	snop;
	(pc) =	sbr.rel @!p0 .LBB2_4-.Ltmp1, $1  }
0xd6: {  	_ =	sdelay $0x3  }
0xd7: {  	s2 =	sadd.s32 $0x1, s2  }
0xd8: {  	s0 =	sshll.u32 s3, $0x6;
	[bflag:$0x0] =	sbarrier.arrive $0xFFFF;
	p0 =	sne.s32 s2, s14  }
.Ltmp2:
0xd9: {  	s26 =	sshrl.u32 s7, $0x3;
	s0 =	sor.u32 $0x1C06, s0;
	(pc) =	sbr.rel @p0 .LBB2_1-.Ltmp2, $4  }
0xda: {  	[hbm:s24], [sflag:s0] =	dma.local [spmem:s26], $0x2800  }
0xdb: {  	_ =	swait.ge [sflag:s23], $0x2800  }
0xdc: {  	[sflag:s23] =	ssyncset.done $0x0  }
0xdd: {  	[sflag:s23] =	ssyncadd.s32 $0xFFFFD800  }
0xde: {  	_ =	sfence.sel $0x180000  }
0xdf: {  	[bflag:$0x0] =	sbarrier.arrive $0xFFFF  }
0xe0: {  	_ =	strace $0x9000004A  }
0xe1: {  	[bflag:$0x2] =	sbarrier.arrive $0xFFFF  }
0xe2: {  	p0 =	sne.s32 s3, $0x0;
	s0 =	rddreg [dreg:$0x2]  }
0xe3: {  	s0 =	sadd.s32 @!p0 $0x100000, s0  }
0xe4: {  	[sflag:s0] =	ssyncadd.tile.s32 @!p0 $0x1;
	_ =	shalt  }
.Lfunc_end2:
_tile_overlayer_lowered:
.L_overlay_start_2:
0xe5: {  	(tag) =	ssettag $0x2  }
0xe6: {  	s0 =	rddreg [dreg:$0x0];
	s2 =	stileid.u32  }
0xe7: {  	s1 =	rddreg [dreg:$0x1];
	p0 =	sne.s32 s2, $0x0  }
0xe8: {  	s3 =	rddreg [dreg:$0x2];
	[bflag:$0x3] =	sbarrier.arrive $0xFFFF;
	s2 =	simm.s32 @!p0 $0x1C06  }
0xe9: {  	[timem:s3], [sflag:s2] =	dma.local @!p0 [hbm:s0], s1  }
0xea: {  	s0 =	simm.s32 @!p0 $0x6  }
0xeb: {  	_ =	swait.ge @!p0 [sflag:s0], s1  }
0xec: {  	s1 =	ssub.s32 @!p0 $0x0, s1;
	[sflag:s0] =	ssyncset.done @!p0 $0x0  }
0xed: {  	[sflag:s0] =	ssyncadd.s32 @!p0 s1  }
0xee: {  	[bflag:$0x3] =	sbarrier.arrive $0xFFFF  }
0xef: {  	_ =	shalt  }

// kernel: kernel.14.cloned.1.call-start
scs
__scs_entry_jumppad:
0x0: {  	(pc) =	sbr.rel $0x88, $3  }
0x1: {  	(tag) =	ssettag $0x0;
	lr =	simm.s32 $0x1  }
0x2: {  	[smem:$0x3F98] =	sst lr;
	_ =	strace $0xD0000000  }
0x3: {  	_ = 	snop  }
0x4: {  	_ = 	snop  }
0x5: {  	_ = 	snop  }
0x6: {  	_ = 	snop  }
0x7: {  	_ = 	snop  }
__scs_overlays_trampoline_lowered:
0x8: {  	[smem:$0x3FA7] =	sst s0  }
0x9: {  	[smem:$0x3FA8] =	sst s1  }
0xa: {  	[smem:$0x3FA9] =	sst s2  }
0xb: {  	[smem:$0x3FAA] =	sst s3  }
0xc: {  	[smem:$0x3FAB] =	sst s4  }
0xd: {  	[smem:$0x3FAC] =	sst s5  }
0xe: {  	[smem:$0x3FAD] =	sst s6  }
0xf: {  	[smem:$0x3FAE] =	sst s7  }
0x10: {  	[smem:$0x3FAF] =	sst s8  }
0x11: {  	[smem:$0x3FB0] =	sst s9;
	s0 =	simm.s32 @!p0 $0x0  }
0x12: {  	s1 =	sld [smem:$0x3F96];
	s0 =	simm.s32 @p0 $0x1  }
0x13: {  	[smem:$0x3FB1] =	sst s0;
	s0 =	simm.s32 @!p1 $0x0  }
0x14: {  	s2 =	sld [smem:$0x3F95];
	s0 =	simm.s32 @p1 $0x1  }
0x15: {  	[smem:$0x3FB2] =	sst s0;
	s0 =	simm.s32 @!p2 $0x0  }
0x16: {  	s3 =	sld [smem:$0x3FDB];
	s0 =	simm.s32 @p2 $0x1  }
0x17: {  	s4 =	simm.s32 $0x1BF5;
	[smem:$0x3FB4] =	sst s0  }
0x18: {  	s0 =	sld [smem:$0x3F97];
	_ =	swait.ge [sflag:s4], $0x0  }
0x19: {  	s7 =	sld [smem:$0x3F98]  }
0x1a: {  	s8 =	sadd.s32 $0xFFFFE003, lr  }
0x1b: {  	s9 =	sadd.s32 $0xFFFFFEF7, lr;
	s5 =	simm.s32 $0xFFFFFFFF;
	p2 =	slt.u32 s8, $0xFFFFF086  }
0x1c: {  	p1 =	slt.u32 s9, $0xF7A;
	s5 =	simm.s32 @!p2 $0x0  }
0x1d: {  	s5 =	simm.s32 @p1 $0x1;
	p0 =	seq.s32 s7, s2  }
0x1e: {  	s7 =	smul.u32 @!p0 $0xF7A, s2;
	p2 =	seq.s32 @!p0 s5, $0x0  }
0x1f: {  	s9 =	smul.u32 $0xF7A, s1;
	s8 =	simm.s32 @!p0 $0x1BF5;
	p2 =	por !p2, p0  }
0x20: {  	[sflag:s8] =	ssyncset.s32 @!p0 $0xFFFFF086;
	s6 =	sadd.s32 @!p0 s3, s7;
	s7 =	simm.s32 @!p0 $0x108  }
0x21: {  	s3 =	sadd.s32 s3, s9;
	s6 =	sadd.s32 @!p0 $0x88, s6;
	s7 =	simm.s32 @p2 $0x1082  }
0x22: {  	[simem:s7], [sflag:s8] =	dma.local @!p0 [hbm:s6], $0xF7A  }
0x23: {  	s9 =	sor.u32 $0xD0000000, s2;
	s6 =	simm.s32 $0x108;
	_ =	swait.ge @!p0 [sflag:s8], $0x0  }
0x24: {  	s3 =	sadd.s32 $0x88, s3;
	s6 =	simm.s32 @!p1 $0x1082;
	[sflag:s4] =	ssyncset.s32 $0xFFFFF086  }
0x25: {  	[simem:s6], [sflag:s4] =	dma.local [hbm:s3], $0xF7A  }
0x26: {  	[smem:$0x3F98] =	sst s1;
	(tag) =	ssettag s2;
	_ =	strace s9  }
0x27: {  	s1 =	sld [smem:$0x3FA8]  }
0x28: {  	s2 =	sld [smem:$0x3FA9]  }
0x29: {  	s4 =	sld [smem:$0x3FAB]  }
0x2a: {  	p0 =	seq.s32 s5, $0x0;
	s5 =	sld [smem:$0x3FAC]  }
0x2b: {  	s6 =	sld [smem:$0x3FAD]  }
0x2c: {  	s7 =	sld [smem:$0x3FAE]  }
0x2d: {  	s3 =	simm.s32 $0x108;
	s8 =	sld [smem:$0x3FAF]  }
0x2e: {  	s3 =	simm.s32 @!p0 $0x1082;
	s9 =	sld [smem:$0x3FB0]  }
0x2f: {  	lr =	sadd.s32 s0, s3;
	s0 =	sld [smem:$0x3FA7]  }
0x30: {  	s3 =	sld [smem:$0x3FAA]  }
0x31: {  	[smem:$0x3FB3] =	sst s10  }
0x32: {  	s10 =	sld [smem:$0x3FB1];
	_ =	sdelay $0x3  }
0x33: {  	p0 =	seq.s32 s10, $0x1;
	s10 =	sld [smem:$0x3FB3];
	_ =	sdelay $0x3  }
0x34: {  	[smem:$0x3FB3] =	sst s10  }
0x35: {  	s10 =	sld [smem:$0x3FB2];
	_ =	sdelay $0x3  }
0x36: {  	p1 =	seq.s32 s10, $0x1;
	s10 =	sld [smem:$0x3FB3];
	_ =	sdelay $0x3  }
0x37: {  	[smem:$0x3FB3] =	sst s10  }
0x38: {  	s10 =	sld [smem:$0x3FB4]  }
0x39: {  	_ = 	snop;
	(pc) =	sbr.ind lr, $3  }
0x3a: {  	_ = 	snop  }
0x3b: {  	_ = 	snop  }
0x3c: {  	p2 =	seq.s32 s10, $0x1;
	s10 =	sld [smem:$0x3FB3]  }
0x3d: {  	_ =	shalt  }
0x3e: {  	_ =	shalt  }
0x3f: {  	_ =	shalt  }
0x40: {  	_ =	shalt  }
0x41: {  	_ =	shalt  }
0x42: {  	_ =	shalt  }
0x43: {  	_ =	shalt  }
0x44: {  	_ =	shalt  }
0x45: {  	_ =	shalt  }
0x46: {  	_ =	shalt  }
0x47: {  	_ =	shalt  }
0x48: {  	_ =	shalt  }
0x49: {  	_ =	shalt  }
0x4a: {  	_ =	shalt  }
0x4b: {  	_ =	shalt  }
0x4c: {  	_ =	shalt  }
0x4d: {  	_ =	shalt  }
0x4e: {  	_ =	shalt  }
0x4f: {  	_ =	shalt  }
0x50: {  	_ =	shalt  }
0x51: {  	_ =	shalt  }
0x52: {  	_ =	shalt  }
0x53: {  	_ =	shalt  }
0x54: {  	_ =	shalt  }
0x55: {  	_ =	shalt  }
0x56: {  	_ =	shalt  }
0x57: {  	_ =	shalt  }
0x58: {  	_ =	shalt  }
0x59: {  	_ =	shalt  }
0x5a: {  	_ =	shalt  }
0x5b: {  	_ =	shalt  }
0x5c: {  	_ =	shalt  }
0x5d: {  	_ =	shalt  }
0x5e: {  	_ =	shalt  }
0x5f: {  	_ =	shalt  }
0x60: {  	_ =	shalt  }
0x61: {  	_ =	shalt  }
0x62: {  	_ =	shalt  }
0x63: {  	_ =	shalt  }
0x64: {  	_ =	shalt  }
0x65: {  	_ =	shalt  }
0x66: {  	_ =	shalt  }
0x67: {  	_ =	shalt  }
0x68: {  	_ =	shalt  }
0x69: {  	_ =	shalt  }
0x6a: {  	_ =	shalt  }
0x6b: {  	_ =	shalt  }
0x6c: {  	_ =	shalt  }
0x6d: {  	_ =	shalt  }
0x6e: {  	_ =	shalt  }
0x6f: {  	_ =	shalt  }
0x70: {  	_ =	shalt  }
0x71: {  	_ =	shalt  }
0x72: {  	_ =	shalt  }
0x73: {  	_ =	shalt  }
0x74: {  	_ =	shalt  }
0x75: {  	_ =	shalt  }
0x76: {  	_ =	shalt  }
0x77: {  	_ =	shalt  }
0x78: {  	_ =	shalt  }
0x79: {  	_ =	shalt  }
0x7a: {  	_ =	shalt  }
0x7b: {  	_ =	shalt  }
0x7c: {  	_ =	shalt  }
0x7d: {  	_ =	shalt  }
0x7e: {  	_ =	shalt  }
0x7f: {  	_ =	shalt  }
0x80: {  	_ =	shalt  }
0x81: {  	_ =	shalt  }
0x82: {  	_ =	shalt  }
0x83: {  	_ =	shalt  }
0x84: {  	_ =	shalt  }
0x85: {  	_ =	shalt  }
0x86: {  	_ =	shalt  }
0x87: {  	_ =	shalt  }
.Lfunc_end0:
.L_simem_size_0:
called_computation.2_lowered:
.L_overlay_start_0:
0x88: {  	s2 =	sld [smem:$0x3FD9]  }
0x89: {  	s3 =	sld [smem:$0x3FFE];
	_ =	sdelay $0x1  }
0x8a: {  	s1 =	srdreg.scid  }
0x8b: {  	s0 =	sand.u32 $0x1, s1  }
0x8c: {  	s16 =	sshll.u32 s0, $0xA;
	s2 =	sadd.s32 s3, s2  }
0x8d: {  	s2 =	sadd.s32 s2, s16  }
0x8e: {  	[smem:$0x3FBF] =	sst s2  }
0x8f: {  	_ = 	snop  }
0x90: {  	(tm) =	ssettm $0x1  }
0x91: {  	s17 =	sld [smem:$0x3FFB];
	_ =	sdelay $0x3  }
0x92: {  	_ =	strace s17  }
0x93: {  	s2 =	sld [smem:$0x3FFC];
	_ =	sdelay $0x3  }
0x94: {  	_ =	strace s2  }
0x95: {  	s2 =	sld [smem:$0x3FFD];
	_ =	sdelay $0x3  }
0x96: {  	_ =	strace s2  }
0x97: {  	_ =	strace $0x8FFFFFFF  }
0x98: {  	s18 =	sld [smem:$0x3FDB];
	_ =	sdelay $0x1  }
0x99: {  	s19 =	simm.s32 $_scs_section_size  }
0x9a: {  	s4 =	simm.s32 $_size__tile_overlayer_lowered;
	s5 =	simm.s32 $_tile_overlayer_lowered  }
0x9b: {  	s22 =	simm.s32 $0x1BFF;
	s21 =	sshll.u32 s5, $0x1;
	s2 =	sadd.s32 s19, s18  }
0x9c: {  	s6 =	simm.s32 $0x0;
	s20 =	sshll.u32 s4, $0x1;
	s4 =	sadd.s32 s21, s2  }
0x9d: {  	[timem:s6], [sflag:s22] =	dma.local [hbm:s4], s20  }
0x9e: {  	_ =	swait.ge [sflag:s22], s20  }
0x9f: {  	s3 =	ssub.s32 $0x0, s20;
	[sflag:s22] =	ssyncset.done $0x0  }
0xa0: {  	[sflag:s22] =	ssyncadd.s32 s3;
	_ =	sdelay $0x1  }
0xa1: {  	s23 =	simm.s32 $0x1B8B  }
0xa2: {  	_ =	swait.ge [sflag:s23], $0x1  }
0xa3: {  	[sflag:s23] =	ssyncset.done $0x0  }
0xa4: {  	s25 =	simm.s32 $0x1B8E;
	s24 =	sld [smem:$0x3FFE];
	[sflag:s23] =	ssyncadd.s32 $0xFFFFFFFF  }
0xa5: {  	s26 =	simm.s32 $execute0_lowered;
	[smem:$0x3FD2] =	sst s25  }
0xa6: {  	s4 =	sshll.u32 s26, $0x1;
	_ =	strace $0x8000004C;
	[dreg:$0x1] =	wrdreg $0xFFFFFFFF  }
0xa7: {  	s28 =	simm.s32 $_size_execute0_lowered;
	s2 =	sadd.s32 s2, s4;
	[dreg:$0x0] =	wrdreg $0x0  }
0xa8: {  	s4 =	sshll.u32 s28, $0x1;
	[dreg:$0x2] =	wrdreg s2  }
0xa9: {  	[dreg:$0x3] =	wrdreg s4  }
0xaa: {  	[dreg:$0x4] =	wrdreg $0xC0  }
0xab: {  	_ =	task [dreg:s6], $0x5FFFF  }
0xac: {  	[dreg:$0x1] =	wrdreg $0xFFFFFFFF  }
0xad: {  	[dreg:$0x0] =	wrdreg $0x60  }
0xae: {  	[dreg:$0x2] =	wrdreg s24  }
0xaf: {  	[dreg:$0x3] =	wrdreg $0xA0000  }
0xb0: {  	[dreg:$0x4] =	wrdreg $0x9  }
0xb1: {  	_ =	task.clear_ibuf [dreg:s6], $0x5FFFF;
	_ =	strace $0x9000004C  }
0xb2: {  	s29 =	simm.s32 $0x9;
	_ =	strace $0x8000004E  }
0xb3: {  	_ =	swait.ge [sflag:s29], $0x1  }
0xb4: {  	[sflag:s29] =	ssyncadd.s32 $0xFFFFFFFF  }
0xb5: {  	_ =	strace $0x9000004E  }
0xb6: {  	_ =	sfence  }
0xb7: {  	s30 =	sld [smem:$0x0];
	_ =	sdelay $0x2  }
0xb8: {  	s31 =	sshll.u32 s1, $0xD;
	s1 =	sshrl.u32 s1, $0x2  }
0xb9: {  	s3 =	sand.u32 $0x4000, s31;
	s1 =	sadd.s32 s1, s30  }
0xba: {  	s0 =	sor.u32 s3, s0;
	s1 =	sshll.u32 s1, $0x11  }
0xbb: {  	s0 =	sor.u32 s1, s0  }
0xbc: {  	s0 =	sadd.s32 $0x8F2B, s0  }
0xbd: {  	[sflag:s0] =	ssyncadd.remote.s32 $0x1  }
0xbe: {  	_ =	sfence.sel $0xFFFF  }
0xbf: {  	[dreg:$0x0] =	wrdreg $0xFFFFFFFF;
	(pc) =	sbr.abs _section_cstart, $3  }
0xc0: {  	[dreg:$0x1] =	wrdreg $0xFFFFFFFF  }
0xc1: {  	_ =	task.clear_ibuf [dreg:s6], $0x2FFFF;
	_ =	strace $0x9FFFFFFF  }
0xc2: {  	(tm) =	ssettm $0x7FFFFFFF  }
0xc3: {  	_ =	shalt  }
tec
execute0_lowered:
.L_overlay_start_1:
0x0: {  	(tag) =	ssettag $0x1  }
0x1: {  	s7 =	rddreg [dreg:$0x0]  }
0x2: {  	s1 =	rddreg [dreg:$0x1];
	s2 =	simm.s32 $0x0;
	s3 =	srdreg.scid  }
0x3: {  	s17 =	simm.s32 $0x1000;
	s18 =	simm.s32 $0x3;
	s19 =	simm.s32 $0x80  }
0x4: {  	s20 =	simm.s32 $0x6000;
	s21 =	simm.s32 $0x5;
	s22 =	simm.s32 $0x1  }
0x5: {  	s23 =	simm.s32 $0x6;
	[smem:$0x7FF] =	sst s2;
	s8 =	sand.u32 $0x1, s3  }
0x6: {  	s4 =	sadd.s32 $0x67000, s7;
	s3 =	stileid.u32;
	s5 =	sadd.s32 $0x3000, s7  }
0x7: {  	s6 =	sadd.s32 $0xD000, s7;
	_ =	strace $0x8000004D;
	s14 =	smul.u32 $0x28000, s8  }
0x8: {  	s9 =	smul.u32 $0x50000, s3;
	s30 =	ssub.s32 $0x2, s8;
	s8 =	sshll.u32 s8, $0x4  }
0x9: {  	s24 =	smul.u32 $0x2800, s3;
	s10 =	sshrl.u32 s30, $0x1;
	s8 =	sor.u32 s3, s8  }
0xa: {  	s15 =	sadd.s32 s14, s7;
	s9 =	sshrl.u32 s9, $0x2;
	s16 =	ssub.s32 s30, s10  }
0xb: {  	s13 =	smul.u32 $0x500, s8;
	s31 =	sadd.s32 s24, s14;
	s7 =	sadd.s32 s9, s1  }
0xc: {  	s25 =	sadd.s32 $0x8F000, s15;
	s14 =	smax.u32 s16, $0x1;
	s15 =	sadd.s32 $0x800, s31  }
0xd: {  	s16 =	simm.s32 $0x2000;
	s8 =	sadd.s32 $0x4000, s7;
	s9 =	sadd.s32 $0x8000, s7  }
0xe: {  	s10 =	sadd.s32 $0xC000, s7;
	s11 =	sadd.s32 $0x10000, s7;
	s12 =	sadd.s32 s5, s13  }
0xf: {  	v0 =	vimm.f32 $0.0e+00;
	s13 =	sadd.s32 s6, s13;
	s24 =	sadd.s32 s24, s25;
	s25 =	simm.s32 $0x2  }
.LBB2_1:
0x10: {  	s26 =	simm.s32 $0x0;
	s28 =	simm.s32 $0x200  }
.LBB2_2:
0x11: {  	p0 =	sne.s32 s28, $0xFE00;
	[tilespmem:s26+$0x2070] =	vst v0  }
0x12: {  	[tilespmem:s26+$0x2000] =	vst v0  }
0x13: {  	[tilespmem:s26+$0x2010] =	vst v0  }
.Ltmp0:
0x14: {  	[tilespmem:s26+$0x2020] =	vst v0;
	(pc) =	sbr.rel @p0 .LBB2_2-.Ltmp0, $4  }
0x15: {  	[tilespmem:s26+$0x2030] =	vst v0  }
0x16: {  	[tilespmem:s26+$0x2040] =	vst v0  }
0x17: {  	[tilespmem:s26+$0x2050] =	vst v0  }
0x18: {  	[tilespmem:s26+$0x2060] =	vst v0;
	s26 =	sshra.s32 s28, $0x2;
	s28 =	sadd.s32 $0x200, s28  }
0x19: {  	[tilespmem:s26+$0x2070] =	vst v0  }
0x1a: {  	[tilespmem:s26+$0x2000] =	vst v0  }
0x1b: {  	[tilespmem:s26+$0x2010] =	vst v0  }
0x1c: {  	[tilespmem:s26+$0x2020] =	vst v0  }
0x1d: {  	[tilespmem:s26+$0x2030] =	vst v0  }
0x1e: {  	[tilespmem:s26+$0x2040] =	vst v0  }
0x1f: {  	[tilespmem:s26+$0x2050] =	vst v0  }
0x20: {  	[tilespmem:s26+$0x2060] =	vst v0  }
0x21: {  	[spmem:s7] =	stream.linear.scatter [tilespmem:s16], [sflag:$0x5], $0x4000, $0x38;
	[tilespmem:$0x1E000] =	vst v63  }
0x22: {  	_ = 	snop  }
0x23: {  	[spmem:s8] =	stream.linear.scatter [tilespmem:s16], [sflag:$0x5], $0x4000, $0x38;
	[tilespmem:$0x1E000] =	vst v63  }
0x24: {  	_ = 	snop  }
0x25: {  	[spmem:s9] =	stream.linear.scatter [tilespmem:s16], [sflag:$0x5], $0x4000, $0x38;
	[tilespmem:$0x1E000] =	vst v63  }
0x26: {  	_ = 	snop  }
0x27: {  	[spmem:s10] =	stream.linear.scatter [tilespmem:s16], [sflag:$0x5], $0x4000, $0x38;
	[tilespmem:$0x1E000] =	vst v63  }
0x28: {  	_ = 	snop  }
0x29: {  	[spmem:s11] =	stream.linear.scatter [tilespmem:s16], [sflag:$0x5], $0x4000, $0x38;
	[tilespmem:$0x1E000] =	vst v63  }
0x2a: {  	s26 =	simm.s32 $0x0  }
0x2b: {  	[tilespmem:s26], [sflag:$0x3] =	stream.linear.gather [hbm4b:s12+s26], $0x800, $0x38;
	[tilespmem:$0x1E000] =	vst v63  }
0x2c: {  	_ = 	snop  }
0x2d: {  	[tilespmem:s17], [sflag:$0x3] =	stream.linear.gather [hbm4b:s13+s26], $0x800, $0x38;
	[tilespmem:$0x1E000] =	vst v63  }
0x2e: {  	_ =	swait.ge [sflag:s18], $0x800  }
0x2f: {  	[sflag:s18] =	ssyncset.done $0x0  }
0x30: {  	[sflag:s18] =	ssyncadd.s32 $0xFFFFF800  }
0x31: {  	_ =	swait.ge [sflag:s18], $0x800  }
0x32: {  	[sflag:s18] =	ssyncset.done $0x0  }
0x33: {  	[sflag:s18] =	ssyncadd.s32 $0xFFFFF800  }
0x34: {  	[tilespmem:s20], [sflag:$0x2] =	stream.indirect.gather [hbm4b:s4+s19], $0x80, s19, s19, $0xb8;
	[tilespmem:$0x1E000] =	vst v63  }
0x35: {  	_ =	swait.ge [sflag:s21], $0x4000  }
0x36: {  	[sflag:s21] =	ssyncset.done $0x0  }
0x37: {  	[sflag:s21] =	ssyncadd.s32 $0xFFFFC000  }
0x38: {  	_ =	swait.ge [sflag:s21], $0x4000  }
0x39: {  	[sflag:s21] =	ssyncset.done $0x0  }
0x3a: {  	[sflag:s21] =	ssyncadd.s32 $0xFFFFC000  }
0x3b: {  	_ =	swait.ge [sflag:s21], $0x4000  }
0x3c: {  	[sflag:s21] =	ssyncset.done $0x0  }
0x3d: {  	[sflag:s21] =	ssyncadd.s32 $0xFFFFC000  }
0x3e: {  	_ =	swait.ge [sflag:s21], $0x4000  }
0x3f: {  	[sflag:s21] =	ssyncset.done $0x0  }
0x40: {  	[sflag:s21] =	ssyncadd.s32 $0xFFFFC000  }
0x41: {  	_ =	swait.ge [sflag:s21], $0x4000  }
0x42: {  	[sflag:s21] =	ssyncset.done $0x0  }
0x43: {  	[sflag:s21] =	ssyncadd.s32 $0xFFFFC000  }
0x44: {  	[tilespmem:s16], [sflag:$0x1] =	stream.indirect.gather [hbm4b:s4+s19], $0x80, s26, s19, $0xb8;
	[tilespmem:$0x1E000] =	vst v63  }
0x45: {  	[bflag:$0x0] =	sbarrier.arrive $0xFFFF  }
.LBB2_4:
0x46: {  	p0 =	seq.s32 s26, $0x2000  }
0x47: {  	s29 =	sadd.s32 @!p0 s26, s15  }
0x48: {  	s28 =	sand.u32 @!p0 $0x800, s26;
	s29 =	sshrl.u32 @!p0 s29, $0x3  }
0x49: {  	s0 =	simm.s32 @!p0 $0x0;
	s30 =	sxor.u32 @!p0 $0x800, s28;
	s31 =	sadd.s32 @!p0 s5, s29  }
0x4a: {  	[tilespmem:s30], [sflag:$0x4] =	stream.linear.gather @!p0 [hbm4b:s31+s0], $0x800, $0x38;
	[tilespmem:$0x1E000] =	vst v63  }
0x4b: {  	s29 =	sadd.s32 @!p0 s6, s29;
	s30 =	sor.u32 @!p0 $0x1000, s30  }
0x4c: {  	[tilespmem:s30], [sflag:$0x4] =	stream.linear.gather @!p0 [hbm4b:s29+s0], $0x800, $0x38;
	[tilespmem:$0x1E000] =	vst v63  }
0x4d: {  	_ =	swait.ge [sflag:s22], $0x4000  }
0x4e: {  	s28 =	simm.s32 @p0 $0x0;
	[sflag:s22] =	ssyncset.done $0x0  }
0x4f: {  	s29 =	sor.u32 $0x1000, s28;
	[sflag:s22] =	ssyncadd.s32 $0xFFFFC000  }
0x50: {  	[spmem:s1] =	stream.indirect.scatter.add.f32 [tilespmem:s16], [sflag:$0x6], $0x80, s29, s19, $0xb8;
	[tilespmem:$0x1E000] =	vst v63  }
0x51: {  	_ =	swait.ge [sflag:s23], $0x4000  }
0x52: {  	[sflag:s23] =	ssyncset.done $0x0  }
0x53: {  	s30 =	sadd.s32 $0x100, s28;
	[sflag:s23] =	ssyncadd.s32 $0xFFFFC000  }
0x54: {  	[tilespmem:s16], [sflag:$0x1] =	stream.indirect.gather [hbm4b:s4+s19], $0x80, s30, s19, $0xb8;
	[tilespmem:$0x1E000] =	vst v63  }
0x55: {  	_ =	swait.ge [sflag:s25], $0x4000  }
0x56: {  	[sflag:s25] =	ssyncset.done $0x0  }
0x57: {  	s31 =	sadd.s32 $0x1080, s28;
	[sflag:s25] =	ssyncadd.s32 $0xFFFFC000  }
0x58: {  	[spmem:s1] =	stream.indirect.scatter.add.f32 [tilespmem:s20], [sflag:$0x6], $0x80, s31, s19, $0xb8;
	[tilespmem:$0x1E000] =	vst v63  }
0x59: {  	_ =	swait.ge [sflag:s23], $0x4000  }
0x5a: {  	[sflag:s23] =	ssyncset.done $0x0  }
0x5b: {  	s29 =	sadd.s32 $0x180, s28;
	[sflag:s23] =	ssyncadd.s32 $0xFFFFC000  }
0x5c: {  	[tilespmem:s20], [sflag:$0x2] =	stream.indirect.gather [hbm4b:s4+s19], $0x80, s29, s19, $0xb8;
	[tilespmem:$0x1E000] =	vst v63  }
0x5d: {  	_ =	swait.ge [sflag:s22], $0x4000  }
0x5e: {  	[sflag:s22] =	ssyncset.done $0x0  }
0x5f: {  	s30 =	sadd.s32 $0x1100, s28;
	[sflag:s22] =	ssyncadd.s32 $0xFFFFC000  }
0x60: {  	[spmem:s1] =	stream.indirect.scatter.add.f32 [tilespmem:s16], [sflag:$0x6], $0x80, s30, s19, $0xb8;
	[tilespmem:$0x1E000] =	vst v63  }
0x61: {  	_ =	swait.ge [sflag:s23], $0x4000  }
0x62: {  	[sflag:s23] =	ssyncset.done $0x0  }
0x63: {  	s31 =	sadd.s32 $0x200, s28;
	[sflag:s23] =	ssyncadd.s32 $0xFFFFC000  }
0x64: {  	[tilespmem:s16], [sflag:$0x1] =	stream.indirect.gather [hbm4b:s4+s19], $0x80, s31, s19, $0xb8;
	[tilespmem:$0x1E000] =	vst v63  }
0x65: {  	_ =	swait.ge [sflag:s25], $0x4000  }
0x66: {  	[sflag:s25] =	ssyncset.done $0x0  }
0x67: {  	s29 =	sadd.s32 $0x1180, s28;
	[sflag:s25] =	ssyncadd.s32 $0xFFFFC000  }
0x68: {  	[spmem:s1] =	stream.indirect.scatter.add.f32 [tilespmem:s20], [sflag:$0x6], $0x80, s29, s19, $0xb8;
	[tilespmem:$0x1E000] =	vst v63  }
0x69: {  	_ =	swait.ge [sflag:s23], $0x4000  }
0x6a: {  	[sflag:s23] =	ssyncset.done $0x0  }
0x6b: {  	s30 =	sadd.s32 $0x280, s28;
	[sflag:s23] =	ssyncadd.s32 $0xFFFFC000  }
0x6c: {  	[tilespmem:s20], [sflag:$0x2] =	stream.indirect.gather [hbm4b:s4+s19], $0x80, s30, s19, $0xb8;
	[tilespmem:$0x1E000] =	vst v63  }
0x6d: {  	_ =	swait.ge [sflag:s22], $0x4000  }
0x6e: {  	[sflag:s22] =	ssyncset.done $0x0  }
0x6f: {  	s31 =	sadd.s32 $0x1200, s28;
	[sflag:s22] =	ssyncadd.s32 $0xFFFFC000  }
0x70: {  	[spmem:s1] =	stream.indirect.scatter.add.f32 [tilespmem:s16], [sflag:$0x6], $0x80, s31, s19, $0xb8;
	[tilespmem:$0x1E000] =	vst v63  }
0x71: {  	_ =	swait.ge [sflag:s23], $0x4000  }
0x72: {  	[sflag:s23] =	ssyncset.done $0x0  }
0x73: {  	s29 =	sadd.s32 $0x300, s28;
	[sflag:s23] =	ssyncadd.s32 $0xFFFFC000  }
0x74: {  	[tilespmem:s16], [sflag:$0x1] =	stream.indirect.gather [hbm4b:s4+s19], $0x80, s29, s19, $0xb8;
	[tilespmem:$0x1E000] =	vst v63  }
0x75: {  	_ =	swait.ge [sflag:s25], $0x4000  }
0x76: {  	[sflag:s25] =	ssyncset.done $0x0  }
0x77: {  	s30 =	sadd.s32 $0x1280, s28;
	[sflag:s25] =	ssyncadd.s32 $0xFFFFC000  }
0x78: {  	[spmem:s1] =	stream.indirect.scatter.add.f32 [tilespmem:s20], [sflag:$0x6], $0x80, s30, s19, $0xb8;
	[tilespmem:$0x1E000] =	vst v63  }
0x79: {  	_ =	swait.ge [sflag:s23], $0x4000  }
0x7a: {  	[sflag:s23] =	ssyncset.done $0x0  }
0x7b: {  	s31 =	sadd.s32 $0x380, s28;
	[sflag:s23] =	ssyncadd.s32 $0xFFFFC000  }
0x7c: {  	[tilespmem:s20], [sflag:$0x2] =	stream.indirect.gather [hbm4b:s4+s19], $0x80, s31, s19, $0xb8;
	[tilespmem:$0x1E000] =	vst v63  }
0x7d: {  	_ =	swait.ge [sflag:s22], $0x4000  }
0x7e: {  	[sflag:s22] =	ssyncset.done $0x0  }
0x7f: {  	s29 =	sadd.s32 $0x1300, s28;
	[sflag:s22] =	ssyncadd.s32 $0xFFFFC000  }
0x80: {  	[spmem:s1] =	stream.indirect.scatter.add.f32 [tilespmem:s16], [sflag:$0x6], $0x80, s29, s19, $0xb8;
	[tilespmem:$0x1E000] =	vst v63  }
0x81: {  	_ =	swait.ge [sflag:s23], $0x4000  }
0x82: {  	[sflag:s23] =	ssyncset.done $0x0  }
0x83: {  	s30 =	sadd.s32 $0x400, s28;
	[sflag:s23] =	ssyncadd.s32 $0xFFFFC000  }
0x84: {  	[tilespmem:s16], [sflag:$0x1] =	stream.indirect.gather [hbm4b:s4+s19], $0x80, s30, s19, $0xb8;
	[tilespmem:$0x1E000] =	vst v63  }
0x85: {  	_ =	swait.ge [sflag:s25], $0x4000  }
0x86: {  	[sflag:s25] =	ssyncset.done $0x0  }
0x87: {  	s31 =	sadd.s32 $0x1380, s28;
	[sflag:s25] =	ssyncadd.s32 $0xFFFFC000  }
0x88: {  	[spmem:s1] =	stream.indirect.scatter.add.f32 [tilespmem:s20], [sflag:$0x6], $0x80, s31, s19, $0xb8;
	[tilespmem:$0x1E000] =	vst v63  }
0x89: {  	_ =	swait.ge [sflag:s23], $0x4000  }
0x8a: {  	[sflag:s23] =	ssyncset.done $0x0  }
0x8b: {  	s29 =	sadd.s32 $0x480, s28;
	[sflag:s23] =	ssyncadd.s32 $0xFFFFC000  }
0x8c: {  	[tilespmem:s20], [sflag:$0x2] =	stream.indirect.gather [hbm4b:s4+s19], $0x80, s29, s19, $0xb8;
	[tilespmem:$0x1E000] =	vst v63  }
0x8d: {  	_ =	swait.ge [sflag:s22], $0x4000  }
0x8e: {  	[sflag:s22] =	ssyncset.done $0x0  }
0x8f: {  	s30 =	sadd.s32 $0x1400, s28;
	[sflag:s22] =	ssyncadd.s32 $0xFFFFC000  }
0x90: {  	[spmem:s1] =	stream.indirect.scatter.add.f32 [tilespmem:s16], [sflag:$0x6], $0x80, s30, s19, $0xb8;
	[tilespmem:$0x1E000] =	vst v63  }
0x91: {  	_ =	swait.ge [sflag:s23], $0x4000  }
0x92: {  	[sflag:s23] =	ssyncset.done $0x0  }
0x93: {  	s31 =	sadd.s32 $0x500, s28;
	[sflag:s23] =	ssyncadd.s32 $0xFFFFC000  }
0x94: {  	[tilespmem:s16], [sflag:$0x1] =	stream.indirect.gather [hbm4b:s4+s19], $0x80, s31, s19, $0xb8;
	[tilespmem:$0x1E000] =	vst v63  }
0x95: {  	_ =	swait.ge [sflag:s25], $0x4000  }
0x96: {  	[sflag:s25] =	ssyncset.done $0x0  }
0x97: {  	s29 =	sadd.s32 $0x1480, s28;
	[sflag:s25] =	ssyncadd.s32 $0xFFFFC000  }
0x98: {  	[spmem:s1] =	stream.indirect.scatter.add.f32 [tilespmem:s20], [sflag:$0x6], $0x80, s29, s19, $0xb8;
	[tilespmem:$0x1E000] =	vst v63  }
0x99: {  	_ =	swait.ge [sflag:s23], $0x4000  }
0x9a: {  	[sflag:s23] =	ssyncset.done $0x0  }
0x9b: {  	s30 =	sadd.s32 $0x580, s28;
	[sflag:s23] =	ssyncadd.s32 $0xFFFFC000  }
0x9c: {  	[tilespmem:s20], [sflag:$0x2] =	stream.indirect.gather [hbm4b:s4+s19], $0x80, s30, s19, $0xb8;
	[tilespmem:$0x1E000] =	vst v63  }
0x9d: {  	_ =	swait.ge [sflag:s22], $0x4000  }
0x9e: {  	[sflag:s22] =	ssyncset.done $0x0  }
0x9f: {  	s31 =	sadd.s32 $0x1500, s28;
	[sflag:s22] =	ssyncadd.s32 $0xFFFFC000  }
0xa0: {  	[spmem:s1] =	stream.indirect.scatter.add.f32 [tilespmem:s16], [sflag:$0x6], $0x80, s31, s19, $0xb8;
	[tilespmem:$0x1E000] =	vst v63  }
0xa1: {  	_ =	swait.ge [sflag:s23], $0x4000  }
0xa2: {  	[sflag:s23] =	ssyncset.done $0x0  }
0xa3: {  	s29 =	sadd.s32 $0x600, s28;
	[sflag:s23] =	ssyncadd.s32 $0xFFFFC000  }
0xa4: {  	[tilespmem:s16], [sflag:$0x1] =	stream.indirect.gather [hbm4b:s4+s19], $0x80, s29, s19, $0xb8;
	[tilespmem:$0x1E000] =	vst v63  }
0xa5: {  	_ =	swait.ge [sflag:s25], $0x4000  }
0xa6: {  	[sflag:s25] =	ssyncset.done $0x0  }
0xa7: {  	s30 =	sadd.s32 $0x1580, s28;
	[sflag:s25] =	ssyncadd.s32 $0xFFFFC000  }
0xa8: {  	[spmem:s1] =	stream.indirect.scatter.add.f32 [tilespmem:s20], [sflag:$0x6], $0x80, s30, s19, $0xb8;
	[tilespmem:$0x1E000] =	vst v63  }
0xa9: {  	_ =	swait.ge [sflag:s23], $0x4000  }
0xaa: {  	[sflag:s23] =	ssyncset.done $0x0  }
0xab: {  	s31 =	sadd.s32 $0x680, s28;
	[sflag:s23] =	ssyncadd.s32 $0xFFFFC000  }
0xac: {  	[tilespmem:s20], [sflag:$0x2] =	stream.indirect.gather [hbm4b:s4+s19], $0x80, s31, s19, $0xb8;
	[tilespmem:$0x1E000] =	vst v63  }
0xad: {  	_ =	swait.ge [sflag:s22], $0x4000  }
0xae: {  	[sflag:s22] =	ssyncset.done $0x0  }
0xaf: {  	s29 =	sadd.s32 $0x1600, s28;
	[sflag:s22] =	ssyncadd.s32 $0xFFFFC000  }
0xb0: {  	[spmem:s1] =	stream.indirect.scatter.add.f32 [tilespmem:s16], [sflag:$0x6], $0x80, s29, s19, $0xb8;
	[tilespmem:$0x1E000] =	vst v63  }
0xb1: {  	_ =	swait.ge [sflag:s23], $0x4000  }
0xb2: {  	[sflag:s23] =	ssyncset.done $0x0  }
0xb3: {  	s30 =	sadd.s32 $0x700, s28;
	[sflag:s23] =	ssyncadd.s32 $0xFFFFC000  }
0xb4: {  	[tilespmem:s16], [sflag:$0x1] =	stream.indirect.gather [hbm4b:s4+s19], $0x80, s30, s19, $0xb8;
	[tilespmem:$0x1E000] =	vst v63  }
0xb5: {  	_ =	swait.ge [sflag:s25], $0x4000  }
0xb6: {  	[sflag:s25] =	ssyncset.done $0x0  }
0xb7: {  	s31 =	sadd.s32 $0x1680, s28;
	[sflag:s25] =	ssyncadd.s32 $0xFFFFC000  }
0xb8: {  	[spmem:s1] =	stream.indirect.scatter.add.f32 [tilespmem:s20], [sflag:$0x6], $0x80, s31, s19, $0xb8;
	[tilespmem:$0x1E000] =	vst v63  }
0xb9: {  	_ =	swait.ge [sflag:s23], $0x4000  }
0xba: {  	[sflag:s23] =	ssyncset.done $0x0  }
0xbb: {  	s29 =	sadd.s32 $0x780, s28;
	[sflag:s23] =	ssyncadd.s32 $0xFFFFC000  }
0xbc: {  	[tilespmem:s20], [sflag:$0x2] =	stream.indirect.gather [hbm4b:s4+s19], $0x80, s29, s19, $0xb8;
	[tilespmem:$0x1E000] =	vst v63  }
0xbd: {  	_ =	swait.ge [sflag:s22], $0x4000  }
0xbe: {  	[sflag:s22] =	ssyncset.done $0x0  }
0xbf: {  	s30 =	sadd.s32 $0x1700, s28;
	[sflag:s22] =	ssyncadd.s32 $0xFFFFC000  }
0xc0: {  	[spmem:s1] =	stream.indirect.scatter.add.f32 [tilespmem:s16], [sflag:$0x6], $0x80, s30, s19, $0xb8;
	[tilespmem:$0x1E000] =	vst v63  }
0xc1: {  	_ =	swait.ge [sflag:s23], $0x4000  }
0xc2: {  	[sflag:s23] =	ssyncset.done $0x0  }
0xc3: {  	[sflag:s23] =	ssyncadd.s32 $0xFFFFC000  }
0xc4: {  	_ =	swait.ge [sflag:s25], $0x4000  }
0xc5: {  	[sflag:s25] =	ssyncset.done $0x0  }
0xc6: {  	s31 =	sadd.s32 $0x1780, s28;
	[sflag:s25] =	ssyncadd.s32 $0xFFFFC000  }
0xc7: {  	[spmem:s1] =	stream.indirect.scatter.add.f32 [tilespmem:s20], [sflag:$0x6], $0x80, s31, s19, $0xb8;
	[tilespmem:$0x1E000] =	vst v63  }
0xc8: {  	_ =	swait.ge [sflag:s23], $0x4000  }
0xc9: {  	[sflag:s23] =	ssyncset.done $0x0  }
0xca: {  	s0 =	simm.s32 @!p0 $0x4;
	[sflag:s23] =	ssyncadd.s32 $0xFFFFC000  }
0xcb: {  	_ =	swait.ge @!p0 [sflag:s0], $0x800  }
0xcc: {  	[sflag:s0] =	ssyncset.done @!p0 $0x0  }
0xcd: {  	[sflag:s0] =	ssyncadd.s32 @!p0 $0xFFFFF800  }
0xce: {  	_ =	swait.ge @!p0 [sflag:s0], $0x800  }
0xcf: {  	s26 =	sadd.s32 @!p0 $0x800, s26;
	s28 =	sxor.u32 @!p0 $0x800, s28;
	[sflag:s0] =	ssyncset.done @!p0 $0x0  }
0xd0: {  	s29 =	simm.s32 @!p0 $0x2000;
	[sflag:s0] =	ssyncadd.s32 @!p0 $0xFFFFF800;
	s0 =	simm.s32 @!p0 $0x80  }
0xd1: {  	[tilespmem:s29], [sflag:$0x1] =	stream.indirect.gather @!p0 [hbm4b:s4+s0], $0x80, s28, s0, $0xb8;
	[tilespmem:$0x1E000] =	vst v63  }
0xd2: {  	p1 =	sne.s32 @!p0 s26, $0x2800;
	s28 =	sadd.s32 @!p0 $0x80, s28;
	s29 =	simm.s32 @!p0 $0x6000  }
0xd3: {  	[tilespmem:s29], [sflag:$0x2] =	stream.indirect.gather @!p0 [hbm4b:s4+s0], $0x80, s28, s0, $0xb8;
	[tilespmem:$0x1E000] =	vst v63  }
0xd4: {  	p0 =	por p0, !p1  }
.Ltmp1:
0xd5: {  	_ = 	snop;
	(pc) =	sbr.rel @!p0 .LBB2_4-.Ltmp1, $1  }
0xd6: {  	_ =	sdelay $0x3  }
0xd7: {  	s2 =	sadd.s32 $0x1, s2  }
0xd8: {  	s0 =	sshll.u32 s3, $0x6;
	[bflag:$0x0] =	sbarrier.arrive $0xFFFF;
	p0 =	sne.s32 s2, s14  }
.Ltmp2:
0xd9: {  	s26 =	sshrl.u32 s7, $0x3;
	s0 =	sor.u32 $0x1C06, s0;
	(pc) =	sbr.rel @p0 .LBB2_1-.Ltmp2, $4  }
0xda: {  	[hbm:s24], [sflag:s0] =	dma.local [spmem:s26], $0x2800  }
0xdb: {  	_ =	swait.ge [sflag:s23], $0x2800  }
0xdc: {  	[sflag:s23] =	ssyncset.done $0x0  }
0xdd: {  	[sflag:s23] =	ssyncadd.s32 $0xFFFFD800  }
0xde: {  	_ =	sfence.sel $0x180000  }
0xdf: {  	[bflag:$0x0] =	sbarrier.arrive $0xFFFF  }
0xe0: {  	_ =	strace $0x9000004D  }
0xe1: {  	[bflag:$0x2] =	sbarrier.arrive $0xFFFF  }
0xe2: {  	p0 =	sne.s32 s3, $0x0;
	s0 =	rddreg [dreg:$0x2]  }
0xe3: {  	s0 =	sadd.s32 @!p0 $0x100000, s0  }
0xe4: {  	[sflag:s0] =	ssyncadd.tile.s32 @!p0 $0x1;
	_ =	shalt  }
.Lfunc_end2:
_tile_overlayer_lowered:
.L_overlay_start_2:
0xe5: {  	(tag) =	ssettag $0x2  }
0xe6: {  	s0 =	rddreg [dreg:$0x0];
	s2 =	stileid.u32  }
0xe7: {  	s1 =	rddreg [dreg:$0x1];
	p0 =	sne.s32 s2, $0x0  }
0xe8: {  	s3 =	rddreg [dreg:$0x2];
	[bflag:$0x3] =	sbarrier.arrive $0xFFFF;
	s2 =	simm.s32 @!p0 $0x1C06  }
0xe9: {  	[timem:s3], [sflag:s2] =	dma.local @!p0 [hbm:s0], s1  }
0xea: {  	s0 =	simm.s32 @!p0 $0x6  }
0xeb: {  	_ =	swait.ge @!p0 [sflag:s0], s1  }
0xec: {  	s1 =	ssub.s32 @!p0 $0x0, s1;
	[sflag:s0] =	ssyncset.done @!p0 $0x0  }
0xed: {  	[sflag:s0] =	ssyncadd.s32 @!p0 s1  }
0xee: {  	[bflag:$0x3] =	sbarrier.arrive $0xFFFF  }
0xef: {  	_ =	shalt  }

// kernel: kernel.8.cloned.1.call-start
scs
__scs_entry_jumppad:
0x0: {  	(pc) =	sbr.rel $0x88, $3  }
0x1: {  	(tag) =	ssettag $0x0;
	lr =	simm.s32 $0x1  }
0x2: {  	[smem:$0x3F98] =	sst lr;
	_ =	strace $0xD0000000  }
0x3: {  	_ = 	snop  }
0x4: {  	_ = 	snop  }
0x5: {  	_ = 	snop  }
0x6: {  	_ = 	snop  }
0x7: {  	_ = 	snop  }
__scs_overlays_trampoline_lowered:
0x8: {  	[smem:$0x3FA7] =	sst s0  }
0x9: {  	[smem:$0x3FA8] =	sst s1  }
0xa: {  	[smem:$0x3FA9] =	sst s2  }
0xb: {  	[smem:$0x3FAA] =	sst s3  }
0xc: {  	[smem:$0x3FAB] =	sst s4  }
0xd: {  	[smem:$0x3FAC] =	sst s5  }
0xe: {  	[smem:$0x3FAD] =	sst s6  }
0xf: {  	[smem:$0x3FAE] =	sst s7  }
0x10: {  	[smem:$0x3FAF] =	sst s8  }
0x11: {  	[smem:$0x3FB0] =	sst s9;
	s0 =	simm.s32 @!p0 $0x0  }
0x12: {  	s1 =	sld [smem:$0x3F96];
	s0 =	simm.s32 @p0 $0x1  }
0x13: {  	[smem:$0x3FB1] =	sst s0;
	s0 =	simm.s32 @!p1 $0x0  }
0x14: {  	s2 =	sld [smem:$0x3F95];
	s0 =	simm.s32 @p1 $0x1  }
0x15: {  	[smem:$0x3FB2] =	sst s0;
	s0 =	simm.s32 @!p2 $0x0  }
0x16: {  	s3 =	sld [smem:$0x3FDB];
	s0 =	simm.s32 @p2 $0x1  }
0x17: {  	s4 =	simm.s32 $0x1BF5;
	[smem:$0x3FB4] =	sst s0  }
0x18: {  	s0 =	sld [smem:$0x3F97];
	_ =	swait.ge [sflag:s4], $0x0  }
0x19: {  	s7 =	sld [smem:$0x3F98]  }
0x1a: {  	s8 =	sadd.s32 $0xFFFFE003, lr  }
0x1b: {  	s9 =	sadd.s32 $0xFFFFFEF7, lr;
	s5 =	simm.s32 $0xFFFFFFFF;
	p2 =	slt.u32 s8, $0xFFFFF086  }
0x1c: {  	p1 =	slt.u32 s9, $0xF7A;
	s5 =	simm.s32 @!p2 $0x0  }
0x1d: {  	s5 =	simm.s32 @p1 $0x1;
	p0 =	seq.s32 s7, s2  }
0x1e: {  	s7 =	smul.u32 @!p0 $0xF7A, s2;
	p2 =	seq.s32 @!p0 s5, $0x0  }
0x1f: {  	s9 =	smul.u32 $0xF7A, s1;
	s8 =	simm.s32 @!p0 $0x1BF5;
	p2 =	por !p2, p0  }
0x20: {  	[sflag:s8] =	ssyncset.s32 @!p0 $0xFFFFF086;
	s6 =	sadd.s32 @!p0 s3, s7;
	s7 =	simm.s32 @!p0 $0x108  }
0x21: {  	s3 =	sadd.s32 s3, s9;
	s6 =	sadd.s32 @!p0 $0x88, s6;
	s7 =	simm.s32 @p2 $0x1082  }
0x22: {  	[simem:s7], [sflag:s8] =	dma.local @!p0 [hbm:s6], $0xF7A  }
0x23: {  	s9 =	sor.u32 $0xD0000000, s2;
	s6 =	simm.s32 $0x108;
	_ =	swait.ge @!p0 [sflag:s8], $0x0  }
0x24: {  	s3 =	sadd.s32 $0x88, s3;
	s6 =	simm.s32 @!p1 $0x1082;
	[sflag:s4] =	ssyncset.s32 $0xFFFFF086  }
0x25: {  	[simem:s6], [sflag:s4] =	dma.local [hbm:s3], $0xF7A  }
0x26: {  	[smem:$0x3F98] =	sst s1;
	(tag) =	ssettag s2;
	_ =	strace s9  }
0x27: {  	s1 =	sld [smem:$0x3FA8]  }
0x28: {  	s2 =	sld [smem:$0x3FA9]  }
0x29: {  	s4 =	sld [smem:$0x3FAB]  }
0x2a: {  	p0 =	seq.s32 s5, $0x0;
	s5 =	sld [smem:$0x3FAC]  }
0x2b: {  	s6 =	sld [smem:$0x3FAD]  }
0x2c: {  	s7 =	sld [smem:$0x3FAE]  }
0x2d: {  	s3 =	simm.s32 $0x108;
	s8 =	sld [smem:$0x3FAF]  }
0x2e: {  	s3 =	simm.s32 @!p0 $0x1082;
	s9 =	sld [smem:$0x3FB0]  }
0x2f: {  	lr =	sadd.s32 s0, s3;
	s0 =	sld [smem:$0x3FA7]  }
0x30: {  	s3 =	sld [smem:$0x3FAA]  }
0x31: {  	[smem:$0x3FB3] =	sst s10  }
0x32: {  	s10 =	sld [smem:$0x3FB1];
	_ =	sdelay $0x3  }
0x33: {  	p0 =	seq.s32 s10, $0x1;
	s10 =	sld [smem:$0x3FB3];
	_ =	sdelay $0x3  }
0x34: {  	[smem:$0x3FB3] =	sst s10  }
0x35: {  	s10 =	sld [smem:$0x3FB2];
	_ =	sdelay $0x3  }
0x36: {  	p1 =	seq.s32 s10, $0x1;
	s10 =	sld [smem:$0x3FB3];
	_ =	sdelay $0x3  }
0x37: {  	[smem:$0x3FB3] =	sst s10  }
0x38: {  	s10 =	sld [smem:$0x3FB4]  }
0x39: {  	_ = 	snop;
	(pc) =	sbr.ind lr, $3  }
0x3a: {  	_ = 	snop  }
0x3b: {  	_ = 	snop  }
0x3c: {  	p2 =	seq.s32 s10, $0x1;
	s10 =	sld [smem:$0x3FB3]  }
0x3d: {  	_ =	shalt  }
0x3e: {  	_ =	shalt  }
0x3f: {  	_ =	shalt  }
0x40: {  	_ =	shalt  }
0x41: {  	_ =	shalt  }
0x42: {  	_ =	shalt  }
0x43: {  	_ =	shalt  }
0x44: {  	_ =	shalt  }
0x45: {  	_ =	shalt  }
0x46: {  	_ =	shalt  }
0x47: {  	_ =	shalt  }
0x48: {  	_ =	shalt  }
0x49: {  	_ =	shalt  }
0x4a: {  	_ =	shalt  }
0x4b: {  	_ =	shalt  }
0x4c: {  	_ =	shalt  }
0x4d: {  	_ =	shalt  }
0x4e: {  	_ =	shalt  }
0x4f: {  	_ =	shalt  }
0x50: {  	_ =	shalt  }
0x51: {  	_ =	shalt  }
0x52: {  	_ =	shalt  }
0x53: {  	_ =	shalt  }
0x54: {  	_ =	shalt  }
0x55: {  	_ =	shalt  }
0x56: {  	_ =	shalt  }
0x57: {  	_ =	shalt  }
0x58: {  	_ =	shalt  }
0x59: {  	_ =	shalt  }
0x5a: {  	_ =	shalt  }
0x5b: {  	_ =	shalt  }
0x5c: {  	_ =	shalt  }
0x5d: {  	_ =	shalt  }
0x5e: {  	_ =	shalt  }
0x5f: {  	_ =	shalt  }
0x60: {  	_ =	shalt  }
0x61: {  	_ =	shalt  }
0x62: {  	_ =	shalt  }
0x63: {  	_ =	shalt  }
0x64: {  	_ =	shalt  }
0x65: {  	_ =	shalt  }
0x66: {  	_ =	shalt  }
0x67: {  	_ =	shalt  }
0x68: {  	_ =	shalt  }
0x69: {  	_ =	shalt  }
0x6a: {  	_ =	shalt  }
0x6b: {  	_ =	shalt  }
0x6c: {  	_ =	shalt  }
0x6d: {  	_ =	shalt  }
0x6e: {  	_ =	shalt  }
0x6f: {  	_ =	shalt  }
0x70: {  	_ =	shalt  }
0x71: {  	_ =	shalt  }
0x72: {  	_ =	shalt  }
0x73: {  	_ =	shalt  }
0x74: {  	_ =	shalt  }
0x75: {  	_ =	shalt  }
0x76: {  	_ =	shalt  }
0x77: {  	_ =	shalt  }
0x78: {  	_ =	shalt  }
0x79: {  	_ =	shalt  }
0x7a: {  	_ =	shalt  }
0x7b: {  	_ =	shalt  }
0x7c: {  	_ =	shalt  }
0x7d: {  	_ =	shalt  }
0x7e: {  	_ =	shalt  }
0x7f: {  	_ =	shalt  }
0x80: {  	_ =	shalt  }
0x81: {  	_ =	shalt  }
0x82: {  	_ =	shalt  }
0x83: {  	_ =	shalt  }
0x84: {  	_ =	shalt  }
0x85: {  	_ =	shalt  }
0x86: {  	_ =	shalt  }
0x87: {  	_ =	shalt  }
.Lfunc_end0:
.L_simem_size_0:
called_computation_lowered:
.L_overlay_start_0:
0x88: {  	s2 =	sld [smem:$0x3FD9]  }
0x89: {  	s3 =	sld [smem:$0x3FFE];
	_ =	sdelay $0x1  }
0x8a: {  	s1 =	srdreg.scid  }
0x8b: {  	s0 =	sand.u32 $0x1, s1  }
0x8c: {  	s17 =	sshll.u32 s0, $0xA;
	s2 =	sadd.s32 s3, s2  }
0x8d: {  	s2 =	sadd.s32 s2, s17  }
0x8e: {  	[smem:$0x3FBF] =	sst s2  }
0x8f: {  	_ = 	snop  }
0x90: {  	s2 =	sld [smem:$0x3FD0];
	(tm) =	ssettm $0x1  }
0x91: {  	s18 =	sld [smem:$0x3FFB];
	_ =	sdelay $0x3  }
0x92: {  	_ =	strace s18  }
0x93: {  	s3 =	sld [smem:$0x3FFC];
	_ =	sdelay $0x3  }
0x94: {  	_ =	strace s3  }
0x95: {  	s3 =	sld [smem:$0x3FFD];
	_ =	sdelay $0x3  }
0x96: {  	_ =	strace s3  }
0x97: {  	_ =	strace $0x8FFFFFFF  }
0x98: {  	s19 =	sld [smem:$0x3FDB];
	_ =	sdelay $0x1  }
0x99: {  	s4 =	simm.s32 $_scs_section_size  }
0x9a: {  	s5 =	simm.s32 $_size__tile_overlayer_lowered;
	s6 =	simm.s32 $_tile_overlayer_lowered  }
0x9b: {  	s22 =	simm.s32 $0x1BFF;
	s21 =	sshll.u32 s6, $0x1;
	s3 =	sadd.s32 s4, s19  }
0x9c: {  	s7 =	simm.s32 $0x0;
	s20 =	sshll.u32 s5, $0x1;
	s5 =	sadd.s32 s21, s3  }
0x9d: {  	[timem:s7], [sflag:s22] =	dma.local [hbm:s5], s20  }
0x9e: {  	_ =	swait.ge [sflag:s22], s20  }
0x9f: {  	s4 =	ssub.s32 $0x0, s20;
	[sflag:s22] =	ssyncset.done $0x0  }
0xa0: {  	[sflag:s22] =	ssyncadd.s32 s4;
	_ =	sdelay $0x1  }
0xa1: {  	s23 =	simm.s32 $0x1B8B  }
0xa2: {  	_ =	swait.ge [sflag:s23], $0x1  }
0xa3: {  	[sflag:s23] =	ssyncset.done $0x0  }
0xa4: {  	s25 =	simm.s32 $0x1B8E;
	s24 =	sld [smem:$0x3FFE];
	[sflag:s23] =	ssyncadd.s32 $0xFFFFFFFF  }
0xa5: {  	s26 =	simm.s32 $execute0_lowered;
	[smem:$0x3FD2] =	sst s25  }
0xa6: {  	s5 =	sshll.u32 s26, $0x1;
	_ =	strace $0x80000046;
	[dreg:$0x1] =	wrdreg $0xFFFFFFFF  }
0xa7: {  	s28 =	simm.s32 $_size_execute0_lowered;
	s3 =	sadd.s32 s3, s5;
	[dreg:$0x0] =	wrdreg $0x0  }
0xa8: {  	s5 =	sshll.u32 s28, $0x1;
	[dreg:$0x2] =	wrdreg s3  }
0xa9: {  	[dreg:$0x3] =	wrdreg s5  }
0xaa: {  	[dreg:$0x4] =	wrdreg $0xC0  }
0xab: {  	_ =	task [dreg:s7], $0x5FFFF  }
0xac: {  	[dreg:$0x1] =	wrdreg $0xFFFFFFFF  }
0xad: {  	[dreg:$0x0] =	wrdreg $0x60  }
0xae: {  	[dreg:$0x2] =	wrdreg s24  }
0xaf: {  	[dreg:$0x3] =	wrdreg s2  }
0xb0: {  	[dreg:$0x4] =	wrdreg $0x28800  }
0xb1: {  	[dreg:$0x5] =	wrdreg $0x9  }
0xb2: {  	_ =	task.clear_ibuf [dreg:s7], $0x6FFFF;
	_ =	strace $0x90000046  }
0xb3: {  	s29 =	simm.s32 $0x9;
	_ =	strace $0x80000048  }
0xb4: {  	_ =	swait.ge [sflag:s29], $0x1  }
0xb5: {  	[sflag:s29] =	ssyncadd.s32 $0xFFFFFFFF  }
0xb6: {  	_ =	strace $0x90000048  }
0xb7: {  	_ =	sfence  }
0xb8: {  	s30 =	sld [smem:$0x0];
	_ =	sdelay $0x2  }
0xb9: {  	s31 =	sshll.u32 s1, $0xD;
	s1 =	sshrl.u32 s1, $0x2  }
0xba: {  	s3 =	sand.u32 $0x4000, s31;
	s1 =	sadd.s32 s1, s30  }
0xbb: {  	s0 =	sor.u32 s3, s0;
	s1 =	sshll.u32 s1, $0x11  }
0xbc: {  	s0 =	sor.u32 s1, s0  }
0xbd: {  	s0 =	sadd.s32 $0x8F2B, s0  }
0xbe: {  	[sflag:s0] =	ssyncadd.remote.s32 $0x1  }
0xbf: {  	_ =	sfence.sel $0xFFFF  }
0xc0: {  	[dreg:$0x0] =	wrdreg $0xFFFFFFFF;
	(pc) =	sbr.abs _section_cstart, $3  }
0xc1: {  	[dreg:$0x1] =	wrdreg $0xFFFFFFFF  }
0xc2: {  	_ =	task.clear_ibuf [dreg:s7], $0x2FFFF;
	_ =	strace $0x9FFFFFFF  }
0xc3: {  	(tm) =	ssettm $0x7FFFFFFF  }
tec
execute0_lowered:
.L_overlay_start_1:
0x0: {  	(tag) =	ssettag $0x1  }
0x1: {  	s2 =	rddreg [dreg:$0x0]  }
0x2: {  	s0 =	rddreg [dreg:$0x1]  }
0x3: {  	s9 =	rddreg [dreg:$0x2]  }
0x4: {  	s11 =	simm.s32 $0x0;
	[dreg:$0x4] =	wrdreg s0  }
0x5: {  	s12 =	simm.s32 $0x100;
	[smem:$0x7FF] =	sst s11  }
0x6: {  	s13 =	simm.s32 $0x180;
	_ =	strace $0x80000047;
	[dreg:$0x7] =	wrdreg s12  }
0x7: {  	s14 =	simm.s32 $0x200;
	[dreg:$0x8] =	wrdreg s13  }
0x8: {  	s15 =	simm.s32 $0x280;
	[dreg:$0x9] =	wrdreg s14  }
0x9: {  	s16 =	simm.s32 $0x300;
	[dreg:$0xa] =	wrdreg s15  }
0xa: {  	s17 =	simm.s32 $0x380;
	[dreg:$0xb] =	wrdreg s16  }
0xb: {  	s18 =	simm.s32 $0x400;
	[dreg:$0xc] =	wrdreg s17  }
0xc: {  	s19 =	simm.s32 $0x480;
	[dreg:$0xd] =	wrdreg s18  }
0xd: {  	s20 =	simm.s32 $0x500;
	[dreg:$0xe] =	wrdreg s19  }
0xe: {  	s21 =	simm.s32 $0x580;
	[dreg:$0xf] =	wrdreg s20  }
0xf: {  	s22 =	simm.s32 $0x600;
	[dreg:$0x10] =	wrdreg s21  }
0x10: {  	s23 =	simm.s32 $0x680;
	[dreg:$0x11] =	wrdreg s22  }
0x11: {  	s24 =	simm.s32 $0x700;
	[dreg:$0x12] =	wrdreg s23  }
0x12: {  	s25 =	simm.s32 $0x780;
	[dreg:$0x13] =	wrdreg s24  }
0x13: {  	s26 =	simm.s32 $0x800;
	[dreg:$0x14] =	wrdreg s25  }
0x14: {  	s7 =	simm.s32 $0x900;
	[dreg:$0x15] =	wrdreg s26  }
0x15: {  	s8 =	simm.s32 $0x980;
	[dreg:$0x17] =	wrdreg s7  }
0x16: {  	[dreg:$0x18] =	wrdreg s8;
	s12 =	simm.s32 $0xA80  }
0x17: {  	s13 =	simm.s32 $0xB00;
	[dreg:$0x1a] =	wrdreg s12  }
0x18: {  	s14 =	simm.s32 $0xB80;
	[dreg:$0x1b] =	wrdreg s13  }
0x19: {  	s15 =	simm.s32 $0xC00;
	[dreg:$0x1c] =	wrdreg s14  }
0x1a: {  	s16 =	simm.s32 $0xC80;
	[dreg:$0x1d] =	wrdreg s15  }
0x1b: {  	s17 =	simm.s32 $0xD00;
	[dreg:$0x1e] =	wrdreg s16  }
0x1c: {  	s18 =	simm.s32 $0xD80;
	[dreg:$0x1f] =	wrdreg s17  }
0x1d: {  	s19 =	simm.s32 $0xE00;
	[smem:$0x7DB] =	sst s18  }
0x1e: {  	s20 =	simm.s32 $0xE80;
	[smem:$0x7DC] =	sst s19  }
0x1f: {  	s21 =	simm.s32 $0xF00;
	[smem:$0x7DD] =	sst s20  }
0x20: {  	s22 =	simm.s32 $0xF80;
	[smem:$0x7DE] =	sst s21  }
0x21: {  	s1 =	srdreg.scid;
	s23 =	simm.s32 $0x1000;
	[smem:$0x7DF] =	sst s22  }
0x22: {  	s6 =	stileid.u32;
	s24 =	simm.s32 $0x1080;
	[smem:$0x7E0] =	sst s23  }
0x23: {  	s28 =	simm.s32 $0x2600;
	s25 =	simm.s32 $0x1100;
	[smem:$0x7E1] =	sst s24  }
0x24: {  	p0 =	por $0x0, $0x0;
	s26 =	simm.s32 $0x1180;
	[smem:$0x7E2] =	sst s25  }
0x25: {  	s29 =	simm.s32 $0x2680;
	s7 =	simm.s32 $0x1280;
	[smem:$0x7E3] =	sst s26  }
0x26: {  	s30 =	simm.s32 $0x2700;
	s8 =	simm.s32 $0x1300;
	[smem:$0x7E5] =	sst s7  }
0x27: {  	s31 =	simm.s32 $0x2780;
	[smem:$0x7E6] =	sst s8;
	s12 =	simm.s32 $0x1400  }
0x28: {  	s3 =	sand.u32 $0x1, s1;
	s13 =	simm.s32 $0x1480;
	[smem:$0x7E8] =	sst s12  }
0x29: {  	s1 =	smul.u32 $0x280, s6;
	s14 =	simm.s32 $0x1500;
	[smem:$0x7E9] =	sst s13  }
0x2a: {  	s4 =	sshll.u32 s3, $0x4;
	s15 =	simm.s32 $0x1580;
	[smem:$0x7EA] =	sst s14  }
0x2b: {  	s10 =	sor.u32 s6, s4;
	s16 =	simm.s32 $0x1600;
	[smem:$0x7EB] =	sst s15  }
0x2c: {  	s5 =	sshrl.u32 s1, $0x3;
	s17 =	simm.s32 $0x1680;
	[smem:$0x7EC] =	sst s16  }
0x2d: {  	s18 =	simm.s32 $0x1700;
	s19 =	simm.s32 $0x1780;
	[smem:$0x7ED] =	sst s17  }
0x2e: {  	s4 =	sadd.s32 s4, s2;
	s20 =	simm.s32 $0x1800;
	[smem:$0x7EE] =	sst s18  }
0x2f: {  	s21 =	ssub.s32 $0x2, s3;
	s22 =	simm.s32 $0x1880;
	[smem:$0x7EF] =	sst s19  }
0x30: {  	s23 =	simm.s32 $0x1900;
	s24 =	simm.s32 $0x1980;
	[smem:$0x7F0] =	sst s20  }
0x31: {  	s1 =	sadd.s32 s1, s9;
	s25 =	simm.s32 $0x1A00;
	[smem:$0x7F1] =	sst s22  }
0x32: {  	s26 =	sshll.u32 s6, $0x6;
	s6 =	smul.u32 $0xA0, s6;
	[smem:$0x7F2] =	sst s23  }
0x33: {  	s7 =	simm.s32 $0x1B00;
	s0 =	smul.u32 $0x500, s10;
	[smem:$0x7F3] =	sst s24  }
0x34: {  	s5 =	sadd.s32 s5, s2;
	s10 =	simm.s32 $0xA00;
	[smem:$0x7F4] =	sst s25  }
0x35: {  	s3 =	sshrl.u32 s21, $0x1;
	s8 =	sadd.s32 $0x17600, s4;
	[smem:$0x7F6] =	sst s7  }
0x36: {  	s20 =	simm.s32 $0x1B80;
	s22 =	simm.s32 $0x1C80;
	s23 =	simm.s32 $0x1D00  }
0x37: {  	s4 =	simm.s32 $0x2;
	s24 =	simm.s32 $0x1D80;
	s25 =	simm.s32 $0x1E00  }
0x38: {  	s12 =	simm.s32 $0x80;
	s13 =	simm.s32 $0x1F00;
	[dreg:$0x19] =	wrdreg s10  }
0x39: {  	s14 =	simm.s32 $0x1F80;
	s15 =	simm.s32 $0x2000;
	[smem:$0x7F7] =	sst s20  }
0x3a: {  	s16 =	simm.s32 $0x2080;
	s17 =	simm.s32 $0x2100;
	[smem:$0x7F9] =	sst s22  }
0x3b: {  	s18 =	simm.s32 $0x2180;
	s19 =	simm.s32 $0x2200;
	[smem:$0x7FA] =	sst s23  }
0x3c: {  	s5 =	sadd.s32 $0x17000, s5;
	s10 =	simm.s32 $0x1380;
	[smem:$0x7FB] =	sst s24  }
0x3d: {  	s3 =	ssub.s32 s21, s3;
	s21 =	simm.s32 $0x1C00;
	[smem:$0x7FC] =	sst s25  }
0x3e: {  	s20 =	simm.s32 $0x2280;
	s22 =	simm.s32 $0x2380;
	s23 =	simm.s32 $0x2400  }
0x3f: {  	s24 =	simm.s32 $0x2480;
	s25 =	simm.s32 $0x2500;
	[dreg:$0x5] =	wrdreg s5  }
0x40: {  	s0 =	sadd.s32 s0, s2;
	s5 =	simm.s32 $0x880;
	[smem:$0x7E7] =	sst s10  }
0x41: {  	s2 =	sor.u32 $0x1C02, s26;
	s7 =	smax.u32 s3, $0x1;
	[smem:$0x7F8] =	sst s21  }
0x42: {  	s3 =	sshrl.u32 s1, $0x3;
	s26 =	simm.s32 $0x1E80;
	[dreg:$0x16] =	wrdreg s5  }
0x43: {  	s0 =	sadd.s32 $0xD000, s0;
	[smem:$0x7FD] =	sst s26;
	p1 =	sne.s32 s7, $0x1  }
.Ltmp0:
0x44: {  	s5 =	simm.s32 $0x1200;
	[dreg:$0x6] =	wrdreg s0;
	(pc) =	sbr.rel @!p1 .LBB2_3-.Ltmp0, $4  }
0x45: {  	s10 =	simm.s32 $0x2800;
	s21 =	simm.s32 $0x2300;
	[smem:$0x7E4] =	sst s5  }
0x46: {  	s26 =	simm.s32 $0x2580;
	s5 =	simm.s32 $0x1A80;
	s0 =	rddreg [dreg:$0x5]  }
0x47: {  	s1 =	sadd.s32 $0xFFFFFFFF, s7;
	s7 =	simm.s32 $0x20;
	[smem:$0x7F5] =	sst s5  }
0x48: {  	s5 =	sadd.s32 s6, s8;
	s6 =	simm.s32 $0x1;
	s8 =	simm.s32 $0x10  }
0x49: {  	[spmem:s3], [sflag:s2] =	dma.local [hbm:s0], $0x50  }
0x4a: {  	_ =	swait.ge [sflag:s4], $0x50  }
0x4b: {  	[sflag:s4] =	ssyncset.done $0x0  }
0x4c: {  	s0 =	rddreg [dreg:$0x4];
	[sflag:s4] =	ssyncadd.s32 $0xFFFFFFB0  }
0x4d: {  	[tilespmem:s10], [sflag:$0x2] =	stream.linear.gather [hbm4b:s0+s11], $0x80, $0x38;
	[tilespmem:$0x2B00] =	vst v63  }
0x4e: {  	_ =	swait.ge [sflag:s4], $0x80  }
0x4f: {  	[sflag:s4] =	ssyncset.done $0x0  }
0x50: {  	s0 =	rddreg [dreg:$0x6];
	[sflag:s4] =	ssyncadd.s32 $0xFFFFFF80  }
0x51: {  	[tilespmem:s11], [sflag:$0x2] =	stream.linear.gather [hbm4b:s0+s11], $0x2800, $0x38;
	[tilespmem:$0x2B00] =	vst v63  }
0x52: {  	_ =	swait.ge [sflag:s4], $0x2800  }
0x53: {  	[sflag:s4] =	ssyncset.done $0x0  }
0x54: {  	[sflag:s4] =	ssyncadd.s32 $0xFFFFD800  }
0x55: {  	[bflag:$0x0] =	sbarrier.arrive $0xFFFF  }
0x56: {  	[spmem:s9] =	stream.indirect.scatter.add.f32 [tilespmem:s10], [sflag:$0x1], $0x1, s11, s12, $0xb8;
	[tilespmem:$0x2B00] =	vst v63  }
0x57: {  	s0 =	rddreg [dreg:$0x7]  }
0x58: {  	[smem:$0x7DA] =	sst s1  }
0x59: {  	[spmem:s9] =	stream.indirect.scatter.add.f32 [tilespmem:s10], [sflag:$0x1], $0x1, s12, s12, $0xb8;
	[tilespmem:$0x2B00] =	vst v63  }
0x5a: {  	s1 =	rddreg [dreg:$0x8]  }
0x5b: {  	[spmem:s9] =	stream.indirect.scatter.add.f32 [tilespmem:s10], [sflag:$0x1], $0x1, s0, s12, $0xb8;
	[tilespmem:$0x2B00] =	vst v63  }
0x5c: {  	s0 =	rddreg [dreg:$0x9]  }
0x5d: {  	[spmem:s9] =	stream.indirect.scatter.add.f32 [tilespmem:s10], [sflag:$0x1], $0x1, s1, s12, $0xb8;
	[tilespmem:$0x2B00] =	vst v63  }
0x5e: {  	s1 =	rddreg [dreg:$0xa]  }
0x5f: {  	[spmem:s9] =	stream.indirect.scatter.add.f32 [tilespmem:s10], [sflag:$0x1], $0x1, s0, s12, $0xb8;
	[tilespmem:$0x2B00] =	vst v63  }
0x60: {  	s0 =	rddreg [dreg:$0xb]  }
0x61: {  	[spmem:s9] =	stream.indirect.scatter.add.f32 [tilespmem:s10], [sflag:$0x1], $0x1, s1, s12, $0xb8;
	[tilespmem:$0x2B00] =	vst v63  }
0x62: {  	s1 =	rddreg [dreg:$0xc]  }
0x63: {  	[spmem:s9] =	stream.indirect.scatter.add.f32 [tilespmem:s10], [sflag:$0x1], $0x1, s0, s12, $0xb8;
	[tilespmem:$0x2B00] =	vst v63  }
0x64: {  	s0 =	rddreg [dreg:$0xd]  }
0x65: {  	[spmem:s9] =	stream.indirect.scatter.add.f32 [tilespmem:s10], [sflag:$0x1], $0x1, s1, s12, $0xb8;
	[tilespmem:$0x2B00] =	vst v63  }
0x66: {  	s1 =	rddreg [dreg:$0xe]  }
0x67: {  	[spmem:s9] =	stream.indirect.scatter.add.f32 [tilespmem:s10], [sflag:$0x1], $0x1, s0, s12, $0xb8;
	[tilespmem:$0x2B00] =	vst v63  }
0x68: {  	s0 =	rddreg [dreg:$0xf]  }
0x69: {  	[spmem:s9] =	stream.indirect.scatter.add.f32 [tilespmem:s10], [sflag:$0x1], $0x1, s1, s12, $0xb8;
	[tilespmem:$0x2B00] =	vst v63  }
0x6a: {  	s1 =	rddreg [dreg:$0x10]  }
0x6b: {  	[spmem:s9] =	stream.indirect.scatter.add.f32 [tilespmem:s10], [sflag:$0x1], $0x1, s0, s12, $0xb8;
	[tilespmem:$0x2B00] =	vst v63  }
0x6c: {  	s0 =	rddreg [dreg:$0x11]  }
0x6d: {  	[spmem:s9] =	stream.indirect.scatter.add.f32 [tilespmem:s10], [sflag:$0x1], $0x1, s1, s12, $0xb8;
	[tilespmem:$0x2B00] =	vst v63  }
0x6e: {  	s1 =	rddreg [dreg:$0x12]  }
0x6f: {  	[spmem:s9] =	stream.indirect.scatter.add.f32 [tilespmem:s10], [sflag:$0x1], $0x1, s0, s12, $0xb8;
	[tilespmem:$0x2B00] =	vst v63  }
0x70: {  	s0 =	rddreg [dreg:$0x13]  }
0x71: {  	[spmem:s9] =	stream.indirect.scatter.add.f32 [tilespmem:s10], [sflag:$0x1], $0x1, s1, s12, $0xb8;
	[tilespmem:$0x2B00] =	vst v63  }
0x72: {  	s1 =	rddreg [dreg:$0x14]  }
0x73: {  	[spmem:s9] =	stream.indirect.scatter.add.f32 [tilespmem:s10], [sflag:$0x1], $0x1, s0, s12, $0xb8;
	[tilespmem:$0x2B00] =	vst v63  }
0x74: {  	s0 =	rddreg [dreg:$0x15]  }
0x75: {  	[spmem:s9] =	stream.indirect.scatter.add.f32 [tilespmem:s10], [sflag:$0x1], $0x1, s1, s12, $0xb8;
	[tilespmem:$0x2B00] =	vst v63  }
0x76: {  	s1 =	rddreg [dreg:$0x16]  }
0x77: {  	[spmem:s9] =	stream.indirect.scatter.add.f32 [tilespmem:s10], [sflag:$0x1], $0x1, s0, s12, $0xb8;
	[tilespmem:$0x2B00] =	vst v63  }
0x78: {  	s0 =	rddreg [dreg:$0x17]  }
0x79: {  	[spmem:s9] =	stream.indirect.scatter.add.f32 [tilespmem:s10], [sflag:$0x1], $0x1, s1, s12, $0xb8;
	[tilespmem:$0x2B00] =	vst v63  }
0x7a: {  	s1 =	rddreg [dreg:$0x18]  }
0x7b: {  	[spmem:s9] =	stream.indirect.scatter.add.f32 [tilespmem:s10], [sflag:$0x1], $0x1, s0, s12, $0xb8;
	[tilespmem:$0x2B00] =	vst v63  }
0x7c: {  	s0 =	rddreg [dreg:$0x19]  }
0x7d: {  	[spmem:s9] =	stream.indirect.scatter.add.f32 [tilespmem:s10], [sflag:$0x1], $0x1, s1, s12, $0xb8;
	[tilespmem:$0x2B00] =	vst v63  }
0x7e: {  	s1 =	rddreg [dreg:$0x1a]  }
0x7f: {  	[spmem:s9] =	stream.indirect.scatter.add.f32 [tilespmem:s10], [sflag:$0x1], $0x1, s0, s12, $0xb8;
	[tilespmem:$0x2B00] =	vst v63  }
0x80: {  	s0 =	rddreg [dreg:$0x1b]  }
0x81: {  	[spmem:s9] =	stream.indirect.scatter.add.f32 [tilespmem:s10], [sflag:$0x1], $0x1, s1, s12, $0xb8;
	[tilespmem:$0x2B00] =	vst v63  }
0x82: {  	s1 =	rddreg [dreg:$0x1c]  }
0x83: {  	[spmem:s9] =	stream.indirect.scatter.add.f32 [tilespmem:s10], [sflag:$0x1], $0x1, s0, s12, $0xb8;
	[tilespmem:$0x2B00] =	vst v63  }
0x84: {  	s0 =	rddreg [dreg:$0x1d]  }
0x85: {  	[spmem:s9] =	stream.indirect.scatter.add.f32 [tilespmem:s10], [sflag:$0x1], $0x1, s1, s12, $0xb8;
	[tilespmem:$0x2B00] =	vst v63  }
0x86: {  	s1 =	rddreg [dreg:$0x1e]  }
0x87: {  	[spmem:s9] =	stream.indirect.scatter.add.f32 [tilespmem:s10], [sflag:$0x1], $0x1, s0, s12, $0xb8;
	[tilespmem:$0x2B00] =	vst v63  }
0x88: {  	s0 =	rddreg [dreg:$0x1f]  }
0x89: {  	[spmem:s9] =	stream.indirect.scatter.add.f32 [tilespmem:s10], [sflag:$0x1], $0x1, s1, s12, $0xb8;
	[tilespmem:$0x2B00] =	vst v63  }
0x8a: {  	s1 =	sld [smem:$0x7DB]  }
0x8b: {  	[spmem:s9] =	stream.indirect.scatter.add.f32 [tilespmem:s10], [sflag:$0x1], $0x1, s0, s12, $0xb8;
	[tilespmem:$0x2B00] =	vst v63  }
0x8c: {  	s0 =	sld [smem:$0x7DC]  }
0x8d: {  	[spmem:s9] =	stream.indirect.scatter.add.f32 [tilespmem:s10], [sflag:$0x1], $0x1, s1, s12, $0xb8;
	[tilespmem:$0x2B00] =	vst v63  }
0x8e: {  	s1 =	sld [smem:$0x7DD]  }
0x8f: {  	[spmem:s9] =	stream.indirect.scatter.add.f32 [tilespmem:s10], [sflag:$0x1], $0x1, s0, s12, $0xb8;
	[tilespmem:$0x2B00] =	vst v63  }
0x90: {  	s0 =	sld [smem:$0x7DE]  }
0x91: {  	[spmem:s9] =	stream.indirect.scatter.add.f32 [tilespmem:s10], [sflag:$0x1], $0x1, s1, s12, $0xb8;
	[tilespmem:$0x2B00] =	vst v63  }
0x92: {  	s1 =	sld [smem:$0x7DF]  }
0x93: {  	[spmem:s9] =	stream.indirect.scatter.add.f32 [tilespmem:s10], [sflag:$0x1], $0x1, s0, s12, $0xb8;
	[tilespmem:$0x2B00] =	vst v63  }
0x94: {  	s0 =	sld [smem:$0x7E0]  }
0x95: {  	[spmem:s9] =	stream.indirect.scatter.add.f32 [tilespmem:s10], [sflag:$0x1], $0x1, s1, s12, $0xb8;
	[tilespmem:$0x2B00] =	vst v63  }
0x96: {  	s1 =	sld [smem:$0x7E1]  }
0x97: {  	[spmem:s9] =	stream.indirect.scatter.add.f32 [tilespmem:s10], [sflag:$0x1], $0x1, s0, s12, $0xb8;
	[tilespmem:$0x2B00] =	vst v63  }
0x98: {  	s0 =	sld [smem:$0x7E2]  }
0x99: {  	[spmem:s9] =	stream.indirect.scatter.add.f32 [tilespmem:s10], [sflag:$0x1], $0x1, s1, s12, $0xb8;
	[tilespmem:$0x2B00] =	vst v63  }
0x9a: {  	s1 =	sld [smem:$0x7E3]  }
0x9b: {  	[spmem:s9] =	stream.indirect.scatter.add.f32 [tilespmem:s10], [sflag:$0x1], $0x1, s0, s12, $0xb8;
	[tilespmem:$0x2B00] =	vst v63  }
0x9c: {  	s0 =	sld [smem:$0x7E4]  }
0x9d: {  	[spmem:s9] =	stream.indirect.scatter.add.f32 [tilespmem:s10], [sflag:$0x1], $0x1, s1, s12, $0xb8;
	[tilespmem:$0x2B00] =	vst v63  }
0x9e: {  	s1 =	sld [smem:$0x7E5]  }
0x9f: {  	[spmem:s9] =	stream.indirect.scatter.add.f32 [tilespmem:s10], [sflag:$0x1], $0x1, s0, s12, $0xb8;
	[tilespmem:$0x2B00] =	vst v63  }
0xa0: {  	s0 =	sld [smem:$0x7E6]  }
0xa1: {  	[spmem:s9] =	stream.indirect.scatter.add.f32 [tilespmem:s10], [sflag:$0x1], $0x1, s1, s12, $0xb8;
	[tilespmem:$0x2B00] =	vst v63  }
0xa2: {  	s1 =	sld [smem:$0x7E7]  }
0xa3: {  	[spmem:s9] =	stream.indirect.scatter.add.f32 [tilespmem:s10], [sflag:$0x1], $0x1, s0, s12, $0xb8;
	[tilespmem:$0x2B00] =	vst v63  }
0xa4: {  	s0 =	sld [smem:$0x7E8]  }
0xa5: {  	[spmem:s9] =	stream.indirect.scatter.add.f32 [tilespmem:s10], [sflag:$0x1], $0x1, s1, s12, $0xb8;
	[tilespmem:$0x2B00] =	vst v63  }
0xa6: {  	s1 =	sld [smem:$0x7E9]  }
0xa7: {  	[spmem:s9] =	stream.indirect.scatter.add.f32 [tilespmem:s10], [sflag:$0x1], $0x1, s0, s12, $0xb8;
	[tilespmem:$0x2B00] =	vst v63  }
0xa8: {  	s0 =	sld [smem:$0x7EA]  }
0xa9: {  	[spmem:s9] =	stream.indirect.scatter.add.f32 [tilespmem:s10], [sflag:$0x1], $0x1, s1, s12, $0xb8;
	[tilespmem:$0x2B00] =	vst v63  }
0xaa: {  	s1 =	sld [smem:$0x7EB]  }
0xab: {  	[spmem:s9] =	stream.indirect.scatter.add.f32 [tilespmem:s10], [sflag:$0x1], $0x1, s0, s12, $0xb8;
	[tilespmem:$0x2B00] =	vst v63  }
0xac: {  	s0 =	sld [smem:$0x7EC]  }
0xad: {  	[spmem:s9] =	stream.indirect.scatter.add.f32 [tilespmem:s10], [sflag:$0x1], $0x1, s1, s12, $0xb8;
	[tilespmem:$0x2B00] =	vst v63  }
0xae: {  	s1 =	sld [smem:$0x7ED]  }
0xaf: {  	[spmem:s9] =	stream.indirect.scatter.add.f32 [tilespmem:s10], [sflag:$0x1], $0x1, s0, s12, $0xb8;
	[tilespmem:$0x2B00] =	vst v63  }
0xb0: {  	s0 =	sld [smem:$0x7EE]  }
0xb1: {  	[spmem:s9] =	stream.indirect.scatter.add.f32 [tilespmem:s10], [sflag:$0x1], $0x1, s1, s12, $0xb8;
	[tilespmem:$0x2B00] =	vst v63  }
0xb2: {  	s1 =	sld [smem:$0x7EF]  }
0xb3: {  	[spmem:s9] =	stream.indirect.scatter.add.f32 [tilespmem:s10], [sflag:$0x1], $0x1, s0, s12, $0xb8;
	[tilespmem:$0x2B00] =	vst v63  }
0xb4: {  	s0 =	sld [smem:$0x7F0]  }
0xb5: {  	[spmem:s9] =	stream.indirect.scatter.add.f32 [tilespmem:s10], [sflag:$0x1], $0x1, s1, s12, $0xb8;
	[tilespmem:$0x2B00] =	vst v63  }
0xb6: {  	s1 =	sld [smem:$0x7F1]  }
0xb7: {  	[spmem:s9] =	stream.indirect.scatter.add.f32 [tilespmem:s10], [sflag:$0x1], $0x1, s0, s12, $0xb8;
	[tilespmem:$0x2B00] =	vst v63  }
0xb8: {  	s0 =	sld [smem:$0x7F2]  }
0xb9: {  	[spmem:s9] =	stream.indirect.scatter.add.f32 [tilespmem:s10], [sflag:$0x1], $0x1, s1, s12, $0xb8;
	[tilespmem:$0x2B00] =	vst v63  }
0xba: {  	s1 =	sld [smem:$0x7F3]  }
0xbb: {  	[spmem:s9] =	stream.indirect.scatter.add.f32 [tilespmem:s10], [sflag:$0x1], $0x1, s0, s12, $0xb8;
	[tilespmem:$0x2B00] =	vst v63  }
0xbc: {  	s0 =	sld [smem:$0x7F4]  }
0xbd: {  	[spmem:s9] =	stream.indirect.scatter.add.f32 [tilespmem:s10], [sflag:$0x1], $0x1, s1, s12, $0xb8;
	[tilespmem:$0x2B00] =	vst v63  }
0xbe: {  	s1 =	sld [smem:$0x7F5]  }
0xbf: {  	[spmem:s9] =	stream.indirect.scatter.add.f32 [tilespmem:s10], [sflag:$0x1], $0x1, s0, s12, $0xb8;
	[tilespmem:$0x2B00] =	vst v63  }
0xc0: {  	s0 =	sld [smem:$0x7F6]  }
0xc1: {  	[spmem:s9] =	stream.indirect.scatter.add.f32 [tilespmem:s10], [sflag:$0x1], $0x1, s1, s12, $0xb8;
	[tilespmem:$0x2B00] =	vst v63  }
0xc2: {  	s1 =	sld [smem:$0x7F7]  }
0xc3: {  	[spmem:s9] =	stream.indirect.scatter.add.f32 [tilespmem:s10], [sflag:$0x1], $0x1, s0, s12, $0xb8;
	[tilespmem:$0x2B00] =	vst v63  }
0xc4: {  	s0 =	sld [smem:$0x7F8]  }
0xc5: {  	[spmem:s9] =	stream.indirect.scatter.add.f32 [tilespmem:s10], [sflag:$0x1], $0x1, s1, s12, $0xb8;
	[tilespmem:$0x2B00] =	vst v63  }
0xc6: {  	s1 =	sld [smem:$0x7F9]  }
0xc7: {  	[spmem:s9] =	stream.indirect.scatter.add.f32 [tilespmem:s10], [sflag:$0x1], $0x1, s0, s12, $0xb8;
	[tilespmem:$0x2B00] =	vst v63  }
0xc8: {  	s0 =	sld [smem:$0x7FA]  }
0xc9: {  	[spmem:s9] =	stream.indirect.scatter.add.f32 [tilespmem:s10], [sflag:$0x1], $0x1, s1, s12, $0xb8;
	[tilespmem:$0x2B00] =	vst v63  }
0xca: {  	s1 =	sld [smem:$0x7FB]  }
0xcb: {  	[spmem:s9] =	stream.indirect.scatter.add.f32 [tilespmem:s10], [sflag:$0x1], $0x1, s0, s12, $0xb8;
	[tilespmem:$0x2B00] =	vst v63  }
0xcc: {  	s0 =	sld [smem:$0x7FC]  }
0xcd: {  	[spmem:s9] =	stream.indirect.scatter.add.f32 [tilespmem:s10], [sflag:$0x1], $0x1, s1, s12, $0xb8;
	[tilespmem:$0x2B00] =	vst v63  }
0xce: {  	s1 =	sld [smem:$0x7FD]  }
0xcf: {  	[spmem:s9] =	stream.indirect.scatter.add.f32 [tilespmem:s10], [sflag:$0x1], $0x1, s0, s12, $0xb8;
	[tilespmem:$0x2B00] =	vst v63  }
0xd0: {  	_ = 	snop  }
0xd1: {  	[spmem:s9] =	stream.indirect.scatter.add.f32 [tilespmem:s10], [sflag:$0x1], $0x1, s1, s12, $0xb8;
	[tilespmem:$0x2B00] =	vst v63  }
0xd2: {  	_ = 	snop  }
0xd3: {  	[spmem:s9] =	stream.indirect.scatter.add.f32 [tilespmem:s10], [sflag:$0x1], $0x1, s13, s12, $0xb8;
	[tilespmem:$0x2B00] =	vst v63  }
0xd4: {  	_ = 	snop  }
0xd5: {  	[spmem:s9] =	stream.indirect.scatter.add.f32 [tilespmem:s10], [sflag:$0x1], $0x1, s14, s12, $0xb8;
	[tilespmem:$0x2B00] =	vst v63  }
0xd6: {  	_ = 	snop  }
0xd7: {  	[spmem:s9] =	stream.indirect.scatter.add.f32 [tilespmem:s10], [sflag:$0x1], $0x1, s15, s12, $0xb8;
	[tilespmem:$0x2B00] =	vst v63  }
0xd8: {  	_ = 	snop  }
0xd9: {  	[spmem:s9] =	stream.indirect.scatter.add.f32 [tilespmem:s10], [sflag:$0x1], $0x1, s16, s12, $0xb8;
	[tilespmem:$0x2B00] =	vst v63  }
0xda: {  	_ = 	snop  }
0xdb: {  	[spmem:s9] =	stream.indirect.scatter.add.f32 [tilespmem:s10], [sflag:$0x1], $0x1, s17, s12, $0xb8;
	[tilespmem:$0x2B00] =	vst v63  }
0xdc: {  	_ = 	snop  }
0xdd: {  	[spmem:s9] =	stream.indirect.scatter.add.f32 [tilespmem:s10], [sflag:$0x1], $0x1, s18, s12, $0xb8;
	[tilespmem:$0x2B00] =	vst v63  }
0xde: {  	_ = 	snop  }
0xdf: {  	[spmem:s9] =	stream.indirect.scatter.add.f32 [tilespmem:s10], [sflag:$0x1], $0x1, s19, s12, $0xb8;
	[tilespmem:$0x2B00] =	vst v63  }
0xe0: {  	_ = 	snop  }
0xe1: {  	[spmem:s9] =	stream.indirect.scatter.add.f32 [tilespmem:s10], [sflag:$0x1], $0x1, s20, s12, $0xb8;
	[tilespmem:$0x2B00] =	vst v63  }
0xe2: {  	_ = 	snop  }
0xe3: {  	[spmem:s9] =	stream.indirect.scatter.add.f32 [tilespmem:s10], [sflag:$0x1], $0x1, s21, s12, $0xb8;
	[tilespmem:$0x2B00] =	vst v63  }
0xe4: {  	_ = 	snop  }
0xe5: {  	[spmem:s9] =	stream.indirect.scatter.add.f32 [tilespmem:s10], [sflag:$0x1], $0x1, s22, s12, $0xb8;
	[tilespmem:$0x2B00] =	vst v63  }
0xe6: {  	_ = 	snop  }
0xe7: {  	[spmem:s9] =	stream.indirect.scatter.add.f32 [tilespmem:s10], [sflag:$0x1], $0x1, s23, s12, $0xb8;
	[tilespmem:$0x2B00] =	vst v63  }
0xe8: {  	_ = 	snop  }
0xe9: {  	[spmem:s9] =	stream.indirect.scatter.add.f32 [tilespmem:s10], [sflag:$0x1], $0x1, s24, s12, $0xb8;
	[tilespmem:$0x2B00] =	vst v63  }
0xea: {  	_ = 	snop  }
0xeb: {  	[spmem:s9] =	stream.indirect.scatter.add.f32 [tilespmem:s10], [sflag:$0x1], $0x1, s25, s12, $0xb8;
	[tilespmem:$0x2B00] =	vst v63  }
0xec: {  	_ = 	snop  }
0xed: {  	[spmem:s9] =	stream.indirect.scatter.add.f32 [tilespmem:s10], [sflag:$0x1], $0x1, s26, s12, $0xb8;
	[tilespmem:$0x2B00] =	vst v63  }
0xee: {  	_ = 	snop  }
0xef: {  	[spmem:s9] =	stream.indirect.scatter.add.f32 [tilespmem:s10], [sflag:$0x1], $0x1, s28, s12, $0xb8;
	[tilespmem:$0x2B00] =	vst v63  }
0xf0: {  	_ = 	snop  }
0xf1: {  	[spmem:s9] =	stream.indirect.scatter.add.f32 [tilespmem:s10], [sflag:$0x1], $0x1, s29, s12, $0xb8;
	[tilespmem:$0x2B00] =	vst v63  }
0xf2: {  	_ = 	snop  }
0xf3: {  	[spmem:s9] =	stream.indirect.scatter.add.f32 [tilespmem:s10], [sflag:$0x1], $0x1, s30, s12, $0xb8;
	[tilespmem:$0x2B00] =	vst v63  }
0xf4: {  	_ = 	snop  }
0xf5: {  	[spmem:s9] =	stream.indirect.scatter.add.f32 [tilespmem:s10], [sflag:$0x1], $0x1, s31, s12, $0xb8;
	[tilespmem:$0x2B00] =	vst v63  }
0xf6: {  	_ =	swait.ge [sflag:s6], $0x80  }
0xf7: {  	[sflag:s6] =	ssyncset.done $0x0  }
0xf8: {  	[sflag:s6] =	ssyncadd.s32 $0xFFFFFF80  }
0xf9: {  	_ =	swait.ge [sflag:s6], $0x80  }
0xfa: {  	[sflag:s6] =	ssyncset.done $0x0  }
0xfb: {  	[sflag:s6] =	ssyncadd.s32 $0xFFFFFF80  }
0xfc: {  	_ =	swait.ge [sflag:s6], $0x80  }
0xfd: {  	[sflag:s6] =	ssyncset.done $0x0  }
0xfe: {  	[sflag:s6] =	ssyncadd.s32 $0xFFFFFF80  }
0xff: {  	_ =	swait.ge [sflag:s6], $0x80  }
0x100: {  	[sflag:s6] =	ssyncset.done $0x0  }
0x101: {  	[sflag:s6] =	ssyncadd.s32 $0xFFFFFF80  }
0x102: {  	_ =	swait.ge [sflag:s6], $0x80  }
0x103: {  	[sflag:s6] =	ssyncset.done $0x0  }
0x104: {  	[sflag:s6] =	ssyncadd.s32 $0xFFFFFF80  }
0x105: {  	_ =	swait.ge [sflag:s6], $0x80  }
0x106: {  	[sflag:s6] =	ssyncset.done $0x0  }
0x107: {  	[sflag:s6] =	ssyncadd.s32 $0xFFFFFF80  }
0x108: {  	_ =	swait.ge [sflag:s6], $0x80  }
0x109: {  	[sflag:s6] =	ssyncset.done $0x0  }
0x10a: {  	[sflag:s6] =	ssyncadd.s32 $0xFFFFFF80  }
0x10b: {  	_ =	swait.ge [sflag:s6], $0x80  }
0x10c: {  	[sflag:s6] =	ssyncset.done $0x0  }
0x10d: {  	[sflag:s6] =	ssyncadd.s32 $0xFFFFFF80  }
0x10e: {  	_ =	swait.ge [sflag:s6], $0x80  }
0x10f: {  	[sflag:s6] =	ssyncset.done $0x0  }
0x110: {  	[sflag:s6] =	ssyncadd.s32 $0xFFFFFF80  }
0x111: {  	_ =	swait.ge [sflag:s6], $0x80  }
0x112: {  	[sflag:s6] =	ssyncset.done $0x0  }
0x113: {  	[sflag:s6] =	ssyncadd.s32 $0xFFFFFF80  }
0x114: {  	_ =	swait.ge [sflag:s6], $0x80  }
0x115: {  	[sflag:s6] =	ssyncset.done $0x0  }
0x116: {  	[sflag:s6] =	ssyncadd.s32 $0xFFFFFF80  }
0x117: {  	_ =	swait.ge [sflag:s6], $0x80  }
0x118: {  	[sflag:s6] =	ssyncset.done $0x0  }
0x119: {  	[sflag:s6] =	ssyncadd.s32 $0xFFFFFF80  }
0x11a: {  	_ =	swait.ge [sflag:s6], $0x80  }
0x11b: {  	[sflag:s6] =	ssyncset.done $0x0  }
0x11c: {  	[sflag:s6] =	ssyncadd.s32 $0xFFFFFF80  }
0x11d: {  	_ =	swait.ge [sflag:s6], $0x80  }
0x11e: {  	[sflag:s6] =	ssyncset.done $0x0  }
0x11f: {  	[sflag:s6] =	ssyncadd.s32 $0xFFFFFF80  }
0x120: {  	_ =	swait.ge [sflag:s6], $0x80  }
0x121: {  	[sflag:s6] =	ssyncset.done $0x0  }
0x122: {  	[sflag:s6] =	ssyncadd.s32 $0xFFFFFF80  }
0x123: {  	_ =	swait.ge [sflag:s6], $0x80  }
0x124: {  	[sflag:s6] =	ssyncset.done $0x0  }
0x125: {  	[sflag:s6] =	ssyncadd.s32 $0xFFFFFF80  }
0x126: {  	_ =	swait.ge [sflag:s6], $0x80  }
0x127: {  	[sflag:s6] =	ssyncset.done $0x0  }
0x128: {  	[sflag:s6] =	ssyncadd.s32 $0xFFFFFF80  }
0x129: {  	_ =	swait.ge [sflag:s6], $0x80  }
0x12a: {  	[sflag:s6] =	ssyncset.done $0x0  }
0x12b: {  	[sflag:s6] =	ssyncadd.s32 $0xFFFFFF80  }
0x12c: {  	_ =	swait.ge [sflag:s6], $0x80  }
0x12d: {  	[sflag:s6] =	ssyncset.done $0x0  }
0x12e: {  	[sflag:s6] =	ssyncadd.s32 $0xFFFFFF80  }
0x12f: {  	_ =	swait.ge [sflag:s6], $0x80  }
0x130: {  	[sflag:s6] =	ssyncset.done $0x0  }
0x131: {  	[sflag:s6] =	ssyncadd.s32 $0xFFFFFF80  }
0x132: {  	_ =	swait.ge [sflag:s6], $0x80  }
0x133: {  	[sflag:s6] =	ssyncset.done $0x0  }
0x134: {  	[sflag:s6] =	ssyncadd.s32 $0xFFFFFF80  }
0x135: {  	_ =	swait.ge [sflag:s6], $0x80  }
0x136: {  	[sflag:s6] =	ssyncset.done $0x0  }
0x137: {  	[sflag:s6] =	ssyncadd.s32 $0xFFFFFF80  }
0x138: {  	_ =	swait.ge [sflag:s6], $0x80  }
0x139: {  	[sflag:s6] =	ssyncset.done $0x0  }
0x13a: {  	[sflag:s6] =	ssyncadd.s32 $0xFFFFFF80  }
0x13b: {  	_ =	swait.ge [sflag:s6], $0x80  }
0x13c: {  	[sflag:s6] =	ssyncset.done $0x0  }
0x13d: {  	[sflag:s6] =	ssyncadd.s32 $0xFFFFFF80  }
0x13e: {  	_ =	swait.ge [sflag:s6], $0x80  }
0x13f: {  	[sflag:s6] =	ssyncset.done $0x0  }
0x140: {  	[sflag:s6] =	ssyncadd.s32 $0xFFFFFF80  }
0x141: {  	_ =	swait.ge [sflag:s6], $0x80  }
0x142: {  	[sflag:s6] =	ssyncset.done $0x0  }
0x143: {  	[sflag:s6] =	ssyncadd.s32 $0xFFFFFF80  }
0x144: {  	_ =	swait.ge [sflag:s6], $0x80  }
0x145: {  	[sflag:s6] =	ssyncset.done $0x0  }
0x146: {  	[sflag:s6] =	ssyncadd.s32 $0xFFFFFF80  }
0x147: {  	_ =	swait.ge [sflag:s6], $0x80  }
0x148: {  	[sflag:s6] =	ssyncset.done $0x0  }
0x149: {  	[sflag:s6] =	ssyncadd.s32 $0xFFFFFF80  }
0x14a: {  	_ =	swait.ge [sflag:s6], $0x80  }
0x14b: {  	[sflag:s6] =	ssyncset.done $0x0  }
0x14c: {  	[sflag:s6] =	ssyncadd.s32 $0xFFFFFF80  }
0x14d: {  	_ =	swait.ge [sflag:s6], $0x80  }
0x14e: {  	[sflag:s6] =	ssyncset.done $0x0  }
0x14f: {  	[sflag:s6] =	ssyncadd.s32 $0xFFFFFF80  }
0x150: {  	_ =	swait.ge [sflag:s6], $0x80  }
0x151: {  	[sflag:s6] =	ssyncset.done $0x0  }
0x152: {  	[sflag:s6] =	ssyncadd.s32 $0xFFFFFF80  }
0x153: {  	_ =	swait.ge [sflag:s6], $0x80  }
0x154: {  	[sflag:s6] =	ssyncset.done $0x0  }
0x155: {  	[sflag:s6] =	ssyncadd.s32 $0xFFFFFF80  }
0x156: {  	_ =	swait.ge [sflag:s6], $0x80  }
0x157: {  	[sflag:s6] =	ssyncset.done $0x0  }
0x158: {  	[sflag:s6] =	ssyncadd.s32 $0xFFFFFF80  }
0x159: {  	_ =	swait.ge [sflag:s6], $0x80  }
0x15a: {  	[sflag:s6] =	ssyncset.done $0x0  }
0x15b: {  	[sflag:s6] =	ssyncadd.s32 $0xFFFFFF80  }
0x15c: {  	_ =	swait.ge [sflag:s6], $0x80  }
0x15d: {  	[sflag:s6] =	ssyncset.done $0x0  }
0x15e: {  	[sflag:s6] =	ssyncadd.s32 $0xFFFFFF80  }
0x15f: {  	_ =	swait.ge [sflag:s6], $0x80  }
0x160: {  	[sflag:s6] =	ssyncset.done $0x0  }
0x161: {  	[sflag:s6] =	ssyncadd.s32 $0xFFFFFF80  }
0x162: {  	_ =	swait.ge [sflag:s6], $0x80  }
0x163: {  	[sflag:s6] =	ssyncset.done $0x0  }
0x164: {  	[sflag:s6] =	ssyncadd.s32 $0xFFFFFF80  }
0x165: {  	_ =	swait.ge [sflag:s6], $0x80  }
0x166: {  	[sflag:s6] =	ssyncset.done $0x0  }
0x167: {  	[sflag:s6] =	ssyncadd.s32 $0xFFFFFF80  }
0x168: {  	_ =	swait.ge [sflag:s6], $0x80  }
0x169: {  	[sflag:s6] =	ssyncset.done $0x0  }
0x16a: {  	[sflag:s6] =	ssyncadd.s32 $0xFFFFFF80  }
0x16b: {  	_ =	swait.ge [sflag:s6], $0x80  }
0x16c: {  	[sflag:s6] =	ssyncset.done $0x0  }
0x16d: {  	[sflag:s6] =	ssyncadd.s32 $0xFFFFFF80  }
0x16e: {  	_ =	swait.ge [sflag:s6], $0x80  }
0x16f: {  	[sflag:s6] =	ssyncset.done $0x0  }
0x170: {  	[sflag:s6] =	ssyncadd.s32 $0xFFFFFF80  }
0x171: {  	_ =	swait.ge [sflag:s6], $0x80  }
0x172: {  	[sflag:s6] =	ssyncset.done $0x0  }
0x173: {  	[sflag:s6] =	ssyncadd.s32 $0xFFFFFF80  }
0x174: {  	_ =	swait.ge [sflag:s6], $0x80  }
0x175: {  	[sflag:s6] =	ssyncset.done $0x0  }
0x176: {  	[sflag:s6] =	ssyncadd.s32 $0xFFFFFF80  }
0x177: {  	_ =	swait.ge [sflag:s6], $0x80  }
0x178: {  	[sflag:s6] =	ssyncset.done $0x0  }
0x179: {  	[sflag:s6] =	ssyncadd.s32 $0xFFFFFF80  }
0x17a: {  	_ =	swait.ge [sflag:s6], $0x80  }
0x17b: {  	[sflag:s6] =	ssyncset.done $0x0  }
0x17c: {  	[sflag:s6] =	ssyncadd.s32 $0xFFFFFF80  }
0x17d: {  	_ =	swait.ge [sflag:s6], $0x80  }
0x17e: {  	[sflag:s6] =	ssyncset.done $0x0  }
0x17f: {  	[sflag:s6] =	ssyncadd.s32 $0xFFFFFF80  }
0x180: {  	_ =	swait.ge [sflag:s6], $0x80  }
0x181: {  	[sflag:s6] =	ssyncset.done $0x0  }
0x182: {  	[sflag:s6] =	ssyncadd.s32 $0xFFFFFF80  }
0x183: {  	_ =	swait.ge [sflag:s6], $0x80  }
0x184: {  	[sflag:s6] =	ssyncset.done $0x0  }
0x185: {  	[sflag:s6] =	ssyncadd.s32 $0xFFFFFF80  }
0x186: {  	_ =	swait.ge [sflag:s6], $0x80  }
0x187: {  	[sflag:s6] =	ssyncset.done $0x0  }
0x188: {  	[sflag:s6] =	ssyncadd.s32 $0xFFFFFF80  }
0x189: {  	_ =	swait.ge [sflag:s6], $0x80  }
0x18a: {  	[sflag:s6] =	ssyncset.done $0x0  }
0x18b: {  	[sflag:s6] =	ssyncadd.s32 $0xFFFFFF80  }
0x18c: {  	_ =	swait.ge [sflag:s6], $0x80  }
0x18d: {  	[sflag:s6] =	ssyncset.done $0x0  }
0x18e: {  	[sflag:s6] =	ssyncadd.s32 $0xFFFFFF80  }
0x18f: {  	_ =	swait.ge [sflag:s6], $0x80  }
0x190: {  	[sflag:s6] =	ssyncset.done $0x0  }
0x191: {  	[sflag:s6] =	ssyncadd.s32 $0xFFFFFF80  }
0x192: {  	_ =	swait.ge [sflag:s6], $0x80  }
0x193: {  	[sflag:s6] =	ssyncset.done $0x0  }
0x194: {  	[sflag:s6] =	ssyncadd.s32 $0xFFFFFF80  }
0x195: {  	_ =	swait.ge [sflag:s6], $0x80  }
0x196: {  	[sflag:s6] =	ssyncset.done $0x0  }
0x197: {  	[sflag:s6] =	ssyncadd.s32 $0xFFFFFF80  }
0x198: {  	_ =	swait.ge [sflag:s6], $0x80  }
0x199: {  	[sflag:s6] =	ssyncset.done $0x0  }
0x19a: {  	[sflag:s6] =	ssyncadd.s32 $0xFFFFFF80  }
0x19b: {  	_ =	swait.ge [sflag:s6], $0x80  }
0x19c: {  	[sflag:s6] =	ssyncset.done $0x0  }
0x19d: {  	[sflag:s6] =	ssyncadd.s32 $0xFFFFFF80  }
0x19e: {  	_ =	swait.ge [sflag:s6], $0x80  }
0x19f: {  	[sflag:s6] =	ssyncset.done $0x0  }
0x1a0: {  	[sflag:s6] =	ssyncadd.s32 $0xFFFFFF80  }
0x1a1: {  	_ =	swait.ge [sflag:s6], $0x80  }
0x1a2: {  	[sflag:s6] =	ssyncset.done $0x0  }
0x1a3: {  	[sflag:s6] =	ssyncadd.s32 $0xFFFFFF80  }
0x1a4: {  	_ =	swait.ge [sflag:s6], $0x80  }
0x1a5: {  	[sflag:s6] =	ssyncset.done $0x0  }
0x1a6: {  	[sflag:s6] =	ssyncadd.s32 $0xFFFFFF80  }
0x1a7: {  	_ =	swait.ge [sflag:s6], $0x80  }
0x1a8: {  	[sflag:s6] =	ssyncset.done $0x0  }
0x1a9: {  	[sflag:s6] =	ssyncadd.s32 $0xFFFFFF80  }
0x1aa: {  	_ =	swait.ge [sflag:s6], $0x80  }
0x1ab: {  	[sflag:s6] =	ssyncset.done $0x0  }
0x1ac: {  	[sflag:s6] =	ssyncadd.s32 $0xFFFFFF80  }
0x1ad: {  	_ =	swait.ge [sflag:s6], $0x80  }
0x1ae: {  	[sflag:s6] =	ssyncset.done $0x0  }
0x1af: {  	[sflag:s6] =	ssyncadd.s32 $0xFFFFFF80  }
0x1b0: {  	_ =	swait.ge [sflag:s6], $0x80  }
0x1b1: {  	[sflag:s6] =	ssyncset.done $0x0  }
0x1b2: {  	[sflag:s6] =	ssyncadd.s32 $0xFFFFFF80  }
0x1b3: {  	_ =	swait.ge [sflag:s6], $0x80  }
0x1b4: {  	[sflag:s6] =	ssyncset.done $0x0  }
0x1b5: {  	[sflag:s6] =	ssyncadd.s32 $0xFFFFFF80  }
0x1b6: {  	_ =	swait.ge [sflag:s6], $0x80  }
0x1b7: {  	[sflag:s6] =	ssyncset.done $0x0  }
0x1b8: {  	[sflag:s6] =	ssyncadd.s32 $0xFFFFFF80  }
0x1b9: {  	_ =	swait.ge [sflag:s6], $0x80  }
0x1ba: {  	[sflag:s6] =	ssyncset.done $0x0  }
0x1bb: {  	[sflag:s6] =	ssyncadd.s32 $0xFFFFFF80  }
0x1bc: {  	_ =	swait.ge [sflag:s6], $0x80  }
0x1bd: {  	[sflag:s6] =	ssyncset.done $0x0  }
0x1be: {  	[sflag:s6] =	ssyncadd.s32 $0xFFFFFF80  }
0x1bf: {  	_ =	swait.ge [sflag:s6], $0x80  }
0x1c0: {  	[sflag:s6] =	ssyncset.done $0x0  }
0x1c1: {  	[sflag:s6] =	ssyncadd.s32 $0xFFFFFF80  }
0x1c2: {  	_ =	swait.ge [sflag:s6], $0x80  }
0x1c3: {  	[sflag:s6] =	ssyncset.done $0x0  }
0x1c4: {  	[sflag:s6] =	ssyncadd.s32 $0xFFFFFF80  }
0x1c5: {  	_ =	swait.ge [sflag:s6], $0x80  }
0x1c6: {  	[sflag:s6] =	ssyncset.done $0x0  }
0x1c7: {  	[sflag:s6] =	ssyncadd.s32 $0xFFFFFF80  }
0x1c8: {  	_ =	swait.ge [sflag:s6], $0x80  }
0x1c9: {  	[sflag:s6] =	ssyncset.done $0x0  }
0x1ca: {  	[sflag:s6] =	ssyncadd.s32 $0xFFFFFF80  }
0x1cb: {  	_ =	swait.ge [sflag:s6], $0x80  }
0x1cc: {  	[sflag:s6] =	ssyncset.done $0x0  }
0x1cd: {  	[sflag:s6] =	ssyncadd.s32 $0xFFFFFF80  }
0x1ce: {  	_ =	swait.ge [sflag:s6], $0x80  }
0x1cf: {  	[sflag:s6] =	ssyncset.done $0x0  }
0x1d0: {  	[sflag:s6] =	ssyncadd.s32 $0xFFFFFF80  }
0x1d1: {  	_ =	swait.ge [sflag:s6], $0x80  }
0x1d2: {  	[sflag:s6] =	ssyncset.done $0x0  }
0x1d3: {  	[sflag:s6] =	ssyncadd.s32 $0xFFFFFF80  }
0x1d4: {  	_ =	swait.ge [sflag:s6], $0x80  }
0x1d5: {  	[sflag:s6] =	ssyncset.done $0x0  }
0x1d6: {  	[sflag:s6] =	ssyncadd.s32 $0xFFFFFF80  }
0x1d7: {  	_ =	swait.ge [sflag:s6], $0x80  }
0x1d8: {  	[sflag:s6] =	ssyncset.done $0x0  }
0x1d9: {  	[sflag:s6] =	ssyncadd.s32 $0xFFFFFF80  }
0x1da: {  	_ =	swait.ge [sflag:s6], $0x80  }
0x1db: {  	[sflag:s6] =	ssyncset.done $0x0  }
0x1dc: {  	[sflag:s6] =	ssyncadd.s32 $0xFFFFFF80  }
0x1dd: {  	_ =	swait.ge [sflag:s6], $0x80  }
0x1de: {  	[sflag:s6] =	ssyncset.done $0x0  }
0x1df: {  	[sflag:s6] =	ssyncadd.s32 $0xFFFFFF80  }
0x1e0: {  	_ =	swait.ge [sflag:s6], $0x80  }
0x1e1: {  	[sflag:s6] =	ssyncset.done $0x0  }
0x1e2: {  	[sflag:s6] =	ssyncadd.s32 $0xFFFFFF80  }
0x1e3: {  	_ =	swait.ge [sflag:s6], $0x80  }
0x1e4: {  	[sflag:s6] =	ssyncset.done $0x0  }
0x1e5: {  	[sflag:s6] =	ssyncadd.s32 $0xFFFFFF80  }
0x1e6: {  	[bflag:$0x0] =	sbarrier.arrive $0xFFFF  }
0x1e7: {  	[hbm:s5@s7], [sflag:s2] =	dma.strided [spmem:s3@s8], $0x50, s6, $0x10   }
0x1e8: {  	s1 =	sld [smem:$0x7DA];
	_ =	sdelay $0x2  }
0x1e9: {  	p1 =	sne.s32 s1, $0x1  }
.Ltmp1:
0x1ea: {  	_ = 	snop;
	(pc) =	sbr.rel @!p1 .LBB2_3-.Ltmp1, $3  }
0x1eb: {  	_ =	sdelay $0x1  }
0x1ec: {  	p0 =	por $0x1, $0x1;
	_ =	swait.ge [sflag:s4], $0x50  }
0x1ed: {  	s0 =	rddreg [dreg:$0x5];
	[sflag:s4] =	ssyncset.done $0x0;
	s1 =	sadd.s32 $0xFFFFFFFF, s1  }
.LBB2_2:
0x1ee: {  	[sflag:s4] =	ssyncadd.s32 $0xFFFFFFB0  }
0x1ef: {  	[spmem:s3], [sflag:s2] =	dma.local [hbm:s0], $0x50  }
0x1f0: {  	_ =	swait.ge [sflag:s4], $0x50  }
0x1f1: {  	[sflag:s4] =	ssyncset.done $0x0  }
0x1f2: {  	s7 =	rddreg [dreg:$0x4];
	[sflag:s4] =	ssyncadd.s32 $0xFFFFFFB0  }
0x1f3: {  	[tilespmem:s10], [sflag:$0x2] =	stream.linear.gather [hbm4b:s7+s11], $0x80, $0x38;
	[tilespmem:$0x2B00] =	vst v63  }
0x1f4: {  	_ =	swait.ge [sflag:s4], $0x80  }
0x1f5: {  	[sflag:s4] =	ssyncset.done $0x0  }
0x1f6: {  	s7 =	rddreg [dreg:$0x6];
	[sflag:s4] =	ssyncadd.s32 $0xFFFFFF80  }
0x1f7: {  	[tilespmem:s11], [sflag:$0x2] =	stream.linear.gather [hbm4b:s7+s11], $0x2800, $0x38;
	[tilespmem:$0x2B00] =	vst v63  }
0x1f8: {  	_ =	swait.ge [sflag:s4], $0x2800  }
0x1f9: {  	[sflag:s4] =	ssyncset.done $0x0  }
0x1fa: {  	[sflag:s4] =	ssyncadd.s32 $0xFFFFD800  }
0x1fb: {  	[bflag:$0x0] =	sbarrier.arrive $0xFFFF  }
0x1fc: {  	[spmem:s9] =	stream.indirect.scatter.add.f32 [tilespmem:s10], [sflag:$0x1], $0x1, s11, s12, $0xb8;
	[tilespmem:$0x2B00] =	vst v63  }
0x1fd: {  	s0 =	rddreg [dreg:$0x7]  }
0x1fe: {  	[spmem:s9] =	stream.indirect.scatter.add.f32 [tilespmem:s10], [sflag:$0x1], $0x1, s12, s12, $0xb8;
	[tilespmem:$0x2B00] =	vst v63  }
0x1ff: {  	s7 =	rddreg [dreg:$0x8]  }
0x200: {  	[spmem:s9] =	stream.indirect.scatter.add.f32 [tilespmem:s10], [sflag:$0x1], $0x1, s0, s12, $0xb8;
	[tilespmem:$0x2B00] =	vst v63  }
0x201: {  	s0 =	rddreg [dreg:$0x9]  }
0x202: {  	[spmem:s9] =	stream.indirect.scatter.add.f32 [tilespmem:s10], [sflag:$0x1], $0x1, s7, s12, $0xb8;
	[tilespmem:$0x2B00] =	vst v63  }
0x203: {  	s7 =	rddreg [dreg:$0xa]  }
0x204: {  	[spmem:s9] =	stream.indirect.scatter.add.f32 [tilespmem:s10], [sflag:$0x1], $0x1, s0, s12, $0xb8;
	[tilespmem:$0x2B00] =	vst v63  }
0x205: {  	s0 =	rddreg [dreg:$0xb]  }
0x206: {  	[spmem:s9] =	stream.indirect.scatter.add.f32 [tilespmem:s10], [sflag:$0x1], $0x1, s7, s12, $0xb8;
	[tilespmem:$0x2B00] =	vst v63  }
0x207: {  	s7 =	rddreg [dreg:$0xc]  }
0x208: {  	[spmem:s9] =	stream.indirect.scatter.add.f32 [tilespmem:s10], [sflag:$0x1], $0x1, s0, s12, $0xb8;
	[tilespmem:$0x2B00] =	vst v63  }
0x209: {  	s0 =	rddreg [dreg:$0xd]  }
0x20a: {  	[spmem:s9] =	stream.indirect.scatter.add.f32 [tilespmem:s10], [sflag:$0x1], $0x1, s7, s12, $0xb8;
	[tilespmem:$0x2B00] =	vst v63  }
0x20b: {  	s7 =	rddreg [dreg:$0xe]  }
0x20c: {  	[spmem:s9] =	stream.indirect.scatter.add.f32 [tilespmem:s10], [sflag:$0x1], $0x1, s0, s12, $0xb8;
	[tilespmem:$0x2B00] =	vst v63  }
0x20d: {  	s0 =	rddreg [dreg:$0xf]  }
0x20e: {  	[spmem:s9] =	stream.indirect.scatter.add.f32 [tilespmem:s10], [sflag:$0x1], $0x1, s7, s12, $0xb8;
	[tilespmem:$0x2B00] =	vst v63  }
0x20f: {  	s7 =	rddreg [dreg:$0x10]  }
0x210: {  	[spmem:s9] =	stream.indirect.scatter.add.f32 [tilespmem:s10], [sflag:$0x1], $0x1, s0, s12, $0xb8;
	[tilespmem:$0x2B00] =	vst v63  }
0x211: {  	s0 =	rddreg [dreg:$0x11]  }
0x212: {  	[spmem:s9] =	stream.indirect.scatter.add.f32 [tilespmem:s10], [sflag:$0x1], $0x1, s7, s12, $0xb8;
	[tilespmem:$0x2B00] =	vst v63  }
0x213: {  	s7 =	rddreg [dreg:$0x12]  }
0x214: {  	[spmem:s9] =	stream.indirect.scatter.add.f32 [tilespmem:s10], [sflag:$0x1], $0x1, s0, s12, $0xb8;
	[tilespmem:$0x2B00] =	vst v63  }
0x215: {  	s0 =	rddreg [dreg:$0x13]  }
0x216: {  	[spmem:s9] =	stream.indirect.scatter.add.f32 [tilespmem:s10], [sflag:$0x1], $0x1, s7, s12, $0xb8;
	[tilespmem:$0x2B00] =	vst v63  }
0x217: {  	s7 =	rddreg [dreg:$0x14]  }
0x218: {  	[spmem:s9] =	stream.indirect.scatter.add.f32 [tilespmem:s10], [sflag:$0x1], $0x1, s0, s12, $0xb8;
	[tilespmem:$0x2B00] =	vst v63  }
0x219: {  	s0 =	rddreg [dreg:$0x15]  }
0x21a: {  	[spmem:s9] =	stream.indirect.scatter.add.f32 [tilespmem:s10], [sflag:$0x1], $0x1, s7, s12, $0xb8;
	[tilespmem:$0x2B00] =	vst v63  }
0x21b: {  	s7 =	rddreg [dreg:$0x16]  }
0x21c: {  	[spmem:s9] =	stream.indirect.scatter.add.f32 [tilespmem:s10], [sflag:$0x1], $0x1, s0, s12, $0xb8;
	[tilespmem:$0x2B00] =	vst v63  }
0x21d: {  	s0 =	rddreg [dreg:$0x17]  }
0x21e: {  	[spmem:s9] =	stream.indirect.scatter.add.f32 [tilespmem:s10], [sflag:$0x1], $0x1, s7, s12, $0xb8;
	[tilespmem:$0x2B00] =	vst v63  }
0x21f: {  	s7 =	rddreg [dreg:$0x18]  }
0x220: {  	[spmem:s9] =	stream.indirect.scatter.add.f32 [tilespmem:s10], [sflag:$0x1], $0x1, s0, s12, $0xb8;
	[tilespmem:$0x2B00] =	vst v63  }
0x221: {  	s0 =	rddreg [dreg:$0x19]  }
0x222: {  	[spmem:s9] =	stream.indirect.scatter.add.f32 [tilespmem:s10], [sflag:$0x1], $0x1, s7, s12, $0xb8;
	[tilespmem:$0x2B00] =	vst v63  }
0x223: {  	s7 =	rddreg [dreg:$0x1a]  }
0x224: {  	[spmem:s9] =	stream.indirect.scatter.add.f32 [tilespmem:s10], [sflag:$0x1], $0x1, s0, s12, $0xb8;
	[tilespmem:$0x2B00] =	vst v63  }
0x225: {  	s0 =	rddreg [dreg:$0x1b]  }
0x226: {  	[spmem:s9] =	stream.indirect.scatter.add.f32 [tilespmem:s10], [sflag:$0x1], $0x1, s7, s12, $0xb8;
	[tilespmem:$0x2B00] =	vst v63  }
0x227: {  	s7 =	rddreg [dreg:$0x1c]  }
0x228: {  	[spmem:s9] =	stream.indirect.scatter.add.f32 [tilespmem:s10], [sflag:$0x1], $0x1, s0, s12, $0xb8;
	[tilespmem:$0x2B00] =	vst v63  }
0x229: {  	s0 =	rddreg [dreg:$0x1d]  }
0x22a: {  	[spmem:s9] =	stream.indirect.scatter.add.f32 [tilespmem:s10], [sflag:$0x1], $0x1, s7, s12, $0xb8;
	[tilespmem:$0x2B00] =	vst v63  }
0x22b: {  	s7 =	rddreg [dreg:$0x1e]  }
0x22c: {  	[spmem:s9] =	stream.indirect.scatter.add.f32 [tilespmem:s10], [sflag:$0x1], $0x1, s0, s12, $0xb8;
	[tilespmem:$0x2B00] =	vst v63  }
0x22d: {  	s0 =	rddreg [dreg:$0x1f]  }
0x22e: {  	[spmem:s9] =	stream.indirect.scatter.add.f32 [tilespmem:s10], [sflag:$0x1], $0x1, s7, s12, $0xb8;
	[tilespmem:$0x2B00] =	vst v63  }
0x22f: {  	s7 =	sld [smem:$0x7DB]  }
0x230: {  	[spmem:s9] =	stream.indirect.scatter.add.f32 [tilespmem:s10], [sflag:$0x1], $0x1, s0, s12, $0xb8;
	[tilespmem:$0x2B00] =	vst v63  }
0x231: {  	s0 =	sld [smem:$0x7DC]  }
0x232: {  	[spmem:s9] =	stream.indirect.scatter.add.f32 [tilespmem:s10], [sflag:$0x1], $0x1, s7, s12, $0xb8;
	[tilespmem:$0x2B00] =	vst v63  }
0x233: {  	s7 =	sld [smem:$0x7DD]  }
0x234: {  	[spmem:s9] =	stream.indirect.scatter.add.f32 [tilespmem:s10], [sflag:$0x1], $0x1, s0, s12, $0xb8;
	[tilespmem:$0x2B00] =	vst v63  }
0x235: {  	s0 =	sld [smem:$0x7DE]  }
0x236: {  	[spmem:s9] =	stream.indirect.scatter.add.f32 [tilespmem:s10], [sflag:$0x1], $0x1, s7, s12, $0xb8;
	[tilespmem:$0x2B00] =	vst v63  }
0x237: {  	s7 =	sld [smem:$0x7DF]  }
0x238: {  	[spmem:s9] =	stream.indirect.scatter.add.f32 [tilespmem:s10], [sflag:$0x1], $0x1, s0, s12, $0xb8;
	[tilespmem:$0x2B00] =	vst v63  }
0x239: {  	s0 =	sld [smem:$0x7E0]  }
0x23a: {  	[spmem:s9] =	stream.indirect.scatter.add.f32 [tilespmem:s10], [sflag:$0x1], $0x1, s7, s12, $0xb8;
	[tilespmem:$0x2B00] =	vst v63  }
0x23b: {  	s7 =	sld [smem:$0x7E1]  }
0x23c: {  	[spmem:s9] =	stream.indirect.scatter.add.f32 [tilespmem:s10], [sflag:$0x1], $0x1, s0, s12, $0xb8;
	[tilespmem:$0x2B00] =	vst v63  }
0x23d: {  	s0 =	sld [smem:$0x7E2]  }
0x23e: {  	[spmem:s9] =	stream.indirect.scatter.add.f32 [tilespmem:s10], [sflag:$0x1], $0x1, s7, s12, $0xb8;
	[tilespmem:$0x2B00] =	vst v63  }
0x23f: {  	s7 =	sld [smem:$0x7E3]  }
0x240: {  	[spmem:s9] =	stream.indirect.scatter.add.f32 [tilespmem:s10], [sflag:$0x1], $0x1, s0, s12, $0xb8;
	[tilespmem:$0x2B00] =	vst v63  }
0x241: {  	s0 =	sld [smem:$0x7E4]  }
0x242: {  	[spmem:s9] =	stream.indirect.scatter.add.f32 [tilespmem:s10], [sflag:$0x1], $0x1, s7, s12, $0xb8;
	[tilespmem:$0x2B00] =	vst v63  }
0x243: {  	s7 =	sld [smem:$0x7E5]  }
0x244: {  	[spmem:s9] =	stream.indirect.scatter.add.f32 [tilespmem:s10], [sflag:$0x1], $0x1, s0, s12, $0xb8;
	[tilespmem:$0x2B00] =	vst v63  }
0x245: {  	s0 =	sld [smem:$0x7E6]  }
0x246: {  	[spmem:s9] =	stream.indirect.scatter.add.f32 [tilespmem:s10], [sflag:$0x1], $0x1, s7, s12, $0xb8;
	[tilespmem:$0x2B00] =	vst v63  }
0x247: {  	s7 =	sld [smem:$0x7E7]  }
0x248: {  	[spmem:s9] =	stream.indirect.scatter.add.f32 [tilespmem:s10], [sflag:$0x1], $0x1, s0, s12, $0xb8;
	[tilespmem:$0x2B00] =	vst v63  }
0x249: {  	s0 =	sld [smem:$0x7E8]  }
0x24a: {  	[spmem:s9] =	stream.indirect.scatter.add.f32 [tilespmem:s10], [sflag:$0x1], $0x1, s7, s12, $0xb8;
	[tilespmem:$0x2B00] =	vst v63  }
0x24b: {  	s7 =	sld [smem:$0x7E9]  }
0x24c: {  	[spmem:s9] =	stream.indirect.scatter.add.f32 [tilespmem:s10], [sflag:$0x1], $0x1, s0, s12, $0xb8;
	[tilespmem:$0x2B00] =	vst v63  }
0x24d: {  	s0 =	sld [smem:$0x7EA]  }
0x24e: {  	[spmem:s9] =	stream.indirect.scatter.add.f32 [tilespmem:s10], [sflag:$0x1], $0x1, s7, s12, $0xb8;
	[tilespmem:$0x2B00] =	vst v63  }
0x24f: {  	s7 =	sld [smem:$0x7EB]  }
0x250: {  	[spmem:s9] =	stream.indirect.scatter.add.f32 [tilespmem:s10], [sflag:$0x1], $0x1, s0, s12, $0xb8;
	[tilespmem:$0x2B00] =	vst v63  }
0x251: {  	s0 =	sld [smem:$0x7EC]  }
0x252: {  	[spmem:s9] =	stream.indirect.scatter.add.f32 [tilespmem:s10], [sflag:$0x1], $0x1, s7, s12, $0xb8;
	[tilespmem:$0x2B00] =	vst v63  }
0x253: {  	s7 =	sld [smem:$0x7ED]  }
0x254: {  	[spmem:s9] =	stream.indirect.scatter.add.f32 [tilespmem:s10], [sflag:$0x1], $0x1, s0, s12, $0xb8;
	[tilespmem:$0x2B00] =	vst v63  }
0x255: {  	s0 =	sld [smem:$0x7EE]  }
0x256: {  	[spmem:s9] =	stream.indirect.scatter.add.f32 [tilespmem:s10], [sflag:$0x1], $0x1, s7, s12, $0xb8;
	[tilespmem:$0x2B00] =	vst v63  }
0x257: {  	s7 =	sld [smem:$0x7EF]  }
0x258: {  	[spmem:s9] =	stream.indirect.scatter.add.f32 [tilespmem:s10], [sflag:$0x1], $0x1, s0, s12, $0xb8;
	[tilespmem:$0x2B00] =	vst v63  }
0x259: {  	s0 =	sld [smem:$0x7F0]  }
0x25a: {  	[spmem:s9] =	stream.indirect.scatter.add.f32 [tilespmem:s10], [sflag:$0x1], $0x1, s7, s12, $0xb8;
	[tilespmem:$0x2B00] =	vst v63  }
0x25b: {  	s7 =	sld [smem:$0x7F1]  }
0x25c: {  	[spmem:s9] =	stream.indirect.scatter.add.f32 [tilespmem:s10], [sflag:$0x1], $0x1, s0, s12, $0xb8;
	[tilespmem:$0x2B00] =	vst v63  }
0x25d: {  	s0 =	sld [smem:$0x7F2]  }
0x25e: {  	[spmem:s9] =	stream.indirect.scatter.add.f32 [tilespmem:s10], [sflag:$0x1], $0x1, s7, s12, $0xb8;
	[tilespmem:$0x2B00] =	vst v63  }
0x25f: {  	s7 =	sld [smem:$0x7F3]  }
0x260: {  	[spmem:s9] =	stream.indirect.scatter.add.f32 [tilespmem:s10], [sflag:$0x1], $0x1, s0, s12, $0xb8;
	[tilespmem:$0x2B00] =	vst v63  }
0x261: {  	s0 =	sld [smem:$0x7F4]  }
0x262: {  	[spmem:s9] =	stream.indirect.scatter.add.f32 [tilespmem:s10], [sflag:$0x1], $0x1, s7, s12, $0xb8;
	[tilespmem:$0x2B00] =	vst v63  }
0x263: {  	s7 =	sld [smem:$0x7F5]  }
0x264: {  	[spmem:s9] =	stream.indirect.scatter.add.f32 [tilespmem:s10], [sflag:$0x1], $0x1, s0, s12, $0xb8;
	[tilespmem:$0x2B00] =	vst v63  }
0x265: {  	s0 =	sld [smem:$0x7F6]  }
0x266: {  	[spmem:s9] =	stream.indirect.scatter.add.f32 [tilespmem:s10], [sflag:$0x1], $0x1, s7, s12, $0xb8;
	[tilespmem:$0x2B00] =	vst v63  }
0x267: {  	s7 =	sld [smem:$0x7F7]  }
0x268: {  	[spmem:s9] =	stream.indirect.scatter.add.f32 [tilespmem:s10], [sflag:$0x1], $0x1, s0, s12, $0xb8;
	[tilespmem:$0x2B00] =	vst v63  }
0x269: {  	s0 =	sld [smem:$0x7F8]  }
0x26a: {  	[spmem:s9] =	stream.indirect.scatter.add.f32 [tilespmem:s10], [sflag:$0x1], $0x1, s7, s12, $0xb8;
	[tilespmem:$0x2B00] =	vst v63  }
0x26b: {  	s7 =	sld [smem:$0x7F9]  }
0x26c: {  	[spmem:s9] =	stream.indirect.scatter.add.f32 [tilespmem:s10], [sflag:$0x1], $0x1, s0, s12, $0xb8;
	[tilespmem:$0x2B00] =	vst v63  }
0x26d: {  	s0 =	sld [smem:$0x7FA]  }
0x26e: {  	[spmem:s9] =	stream.indirect.scatter.add.f32 [tilespmem:s10], [sflag:$0x1], $0x1, s7, s12, $0xb8;
	[tilespmem:$0x2B00] =	vst v63  }
0x26f: {  	s7 =	sld [smem:$0x7FB]  }
0x270: {  	[spmem:s9] =	stream.indirect.scatter.add.f32 [tilespmem:s10], [sflag:$0x1], $0x1, s0, s12, $0xb8;
	[tilespmem:$0x2B00] =	vst v63  }
0x271: {  	s0 =	sld [smem:$0x7FC]  }
0x272: {  	[spmem:s9] =	stream.indirect.scatter.add.f32 [tilespmem:s10], [sflag:$0x1], $0x1, s7, s12, $0xb8;
	[tilespmem:$0x2B00] =	vst v63  }
0x273: {  	s7 =	sld [smem:$0x7FD]  }
0x274: {  	[spmem:s9] =	stream.indirect.scatter.add.f32 [tilespmem:s10], [sflag:$0x1], $0x1, s0, s12, $0xb8;
	[tilespmem:$0x2B00] =	vst v63  }
0x275: {  	_ = 	snop  }
0x276: {  	[spmem:s9] =	stream.indirect.scatter.add.f32 [tilespmem:s10], [sflag:$0x1], $0x1, s7, s12, $0xb8;
	[tilespmem:$0x2B00] =	vst v63  }
0x277: {  	_ = 	snop  }
0x278: {  	[spmem:s9] =	stream.indirect.scatter.add.f32 [tilespmem:s10], [sflag:$0x1], $0x1, s13, s12, $0xb8;
	[tilespmem:$0x2B00] =	vst v63  }
0x279: {  	_ = 	snop  }
0x27a: {  	[spmem:s9] =	stream.indirect.scatter.add.f32 [tilespmem:s10], [sflag:$0x1], $0x1, s14, s12, $0xb8;
	[tilespmem:$0x2B00] =	vst v63  }
0x27b: {  	_ = 	snop  }
0x27c: {  	[spmem:s9] =	stream.indirect.scatter.add.f32 [tilespmem:s10], [sflag:$0x1], $0x1, s15, s12, $0xb8;
	[tilespmem:$0x2B00] =	vst v63  }
0x27d: {  	_ = 	snop  }
0x27e: {  	[spmem:s9] =	stream.indirect.scatter.add.f32 [tilespmem:s10], [sflag:$0x1], $0x1, s16, s12, $0xb8;
	[tilespmem:$0x2B00] =	vst v63  }
0x27f: {  	_ = 	snop  }
0x280: {  	[spmem:s9] =	stream.indirect.scatter.add.f32 [tilespmem:s10], [sflag:$0x1], $0x1, s17, s12, $0xb8;
	[tilespmem:$0x2B00] =	vst v63  }
0x281: {  	_ = 	snop  }
0x282: {  	[spmem:s9] =	stream.indirect.scatter.add.f32 [tilespmem:s10], [sflag:$0x1], $0x1, s18, s12, $0xb8;
	[tilespmem:$0x2B00] =	vst v63  }
0x283: {  	_ = 	snop  }
0x284: {  	[spmem:s9] =	stream.indirect.scatter.add.f32 [tilespmem:s10], [sflag:$0x1], $0x1, s19, s12, $0xb8;
	[tilespmem:$0x2B00] =	vst v63  }
0x285: {  	_ = 	snop  }
0x286: {  	[spmem:s9] =	stream.indirect.scatter.add.f32 [tilespmem:s10], [sflag:$0x1], $0x1, s20, s12, $0xb8;
	[tilespmem:$0x2B00] =	vst v63  }
0x287: {  	_ = 	snop  }
0x288: {  	[spmem:s9] =	stream.indirect.scatter.add.f32 [tilespmem:s10], [sflag:$0x1], $0x1, s21, s12, $0xb8;
	[tilespmem:$0x2B00] =	vst v63  }
0x289: {  	_ = 	snop  }
0x28a: {  	[spmem:s9] =	stream.indirect.scatter.add.f32 [tilespmem:s10], [sflag:$0x1], $0x1, s22, s12, $0xb8;
	[tilespmem:$0x2B00] =	vst v63  }
0x28b: {  	_ = 	snop  }
0x28c: {  	[spmem:s9] =	stream.indirect.scatter.add.f32 [tilespmem:s10], [sflag:$0x1], $0x1, s23, s12, $0xb8;
	[tilespmem:$0x2B00] =	vst v63  }
0x28d: {  	_ = 	snop  }
0x28e: {  	[spmem:s9] =	stream.indirect.scatter.add.f32 [tilespmem:s10], [sflag:$0x1], $0x1, s24, s12, $0xb8;
	[tilespmem:$0x2B00] =	vst v63  }
0x28f: {  	_ = 	snop  }
0x290: {  	[spmem:s9] =	stream.indirect.scatter.add.f32 [tilespmem:s10], [sflag:$0x1], $0x1, s25, s12, $0xb8;
	[tilespmem:$0x2B00] =	vst v63  }
0x291: {  	_ = 	snop  }
0x292: {  	[spmem:s9] =	stream.indirect.scatter.add.f32 [tilespmem:s10], [sflag:$0x1], $0x1, s26, s12, $0xb8;
	[tilespmem:$0x2B00] =	vst v63  }
0x293: {  	_ = 	snop  }
0x294: {  	[spmem:s9] =	stream.indirect.scatter.add.f32 [tilespmem:s10], [sflag:$0x1], $0x1, s28, s12, $0xb8;
	[tilespmem:$0x2B00] =	vst v63  }
0x295: {  	_ = 	snop  }
0x296: {  	[spmem:s9] =	stream.indirect.scatter.add.f32 [tilespmem:s10], [sflag:$0x1], $0x1, s29, s12, $0xb8;
	[tilespmem:$0x2B00] =	vst v63  }
0x297: {  	_ = 	snop  }
0x298: {  	[spmem:s9] =	stream.indirect.scatter.add.f32 [tilespmem:s10], [sflag:$0x1], $0x1, s30, s12, $0xb8;
	[tilespmem:$0x2B00] =	vst v63  }
0x299: {  	_ = 	snop  }
0x29a: {  	[spmem:s9] =	stream.indirect.scatter.add.f32 [tilespmem:s10], [sflag:$0x1], $0x1, s31, s12, $0xb8;
	[tilespmem:$0x2B00] =	vst v63  }
0x29b: {  	_ =	swait.ge [sflag:s6], $0x80  }
0x29c: {  	[sflag:s6] =	ssyncset.done $0x0  }
0x29d: {  	[sflag:s6] =	ssyncadd.s32 $0xFFFFFF80  }
0x29e: {  	_ =	swait.ge [sflag:s6], $0x80  }
0x29f: {  	[sflag:s6] =	ssyncset.done $0x0  }
0x2a0: {  	[sflag:s6] =	ssyncadd.s32 $0xFFFFFF80  }
0x2a1: {  	_ =	swait.ge [sflag:s6], $0x80  }
0x2a2: {  	[sflag:s6] =	ssyncset.done $0x0  }
0x2a3: {  	[sflag:s6] =	ssyncadd.s32 $0xFFFFFF80  }
0x2a4: {  	_ =	swait.ge [sflag:s6], $0x80  }
0x2a5: {  	[sflag:s6] =	ssyncset.done $0x0  }
0x2a6: {  	[sflag:s6] =	ssyncadd.s32 $0xFFFFFF80  }
0x2a7: {  	_ =	swait.ge [sflag:s6], $0x80  }
0x2a8: {  	[sflag:s6] =	ssyncset.done $0x0  }
0x2a9: {  	[sflag:s6] =	ssyncadd.s32 $0xFFFFFF80  }
0x2aa: {  	_ =	swait.ge [sflag:s6], $0x80  }
0x2ab: {  	[sflag:s6] =	ssyncset.done $0x0  }
0x2ac: {  	[sflag:s6] =	ssyncadd.s32 $0xFFFFFF80  }
0x2ad: {  	_ =	swait.ge [sflag:s6], $0x80  }
0x2ae: {  	[sflag:s6] =	ssyncset.done $0x0  }
0x2af: {  	[sflag:s6] =	ssyncadd.s32 $0xFFFFFF80  }
0x2b0: {  	_ =	swait.ge [sflag:s6], $0x80  }
0x2b1: {  	[sflag:s6] =	ssyncset.done $0x0  }
0x2b2: {  	[sflag:s6] =	ssyncadd.s32 $0xFFFFFF80  }
0x2b3: {  	_ =	swait.ge [sflag:s6], $0x80  }
0x2b4: {  	[sflag:s6] =	ssyncset.done $0x0  }
0x2b5: {  	[sflag:s6] =	ssyncadd.s32 $0xFFFFFF80  }
0x2b6: {  	_ =	swait.ge [sflag:s6], $0x80  }
0x2b7: {  	[sflag:s6] =	ssyncset.done $0x0  }
0x2b8: {  	[sflag:s6] =	ssyncadd.s32 $0xFFFFFF80  }
0x2b9: {  	_ =	swait.ge [sflag:s6], $0x80  }
0x2ba: {  	[sflag:s6] =	ssyncset.done $0x0  }
0x2bb: {  	[sflag:s6] =	ssyncadd.s32 $0xFFFFFF80  }
0x2bc: {  	_ =	swait.ge [sflag:s6], $0x80  }
0x2bd: {  	[sflag:s6] =	ssyncset.done $0x0  }
0x2be: {  	[sflag:s6] =	ssyncadd.s32 $0xFFFFFF80  }
0x2bf: {  	_ =	swait.ge [sflag:s6], $0x80  }
0x2c0: {  	[sflag:s6] =	ssyncset.done $0x0  }
0x2c1: {  	[sflag:s6] =	ssyncadd.s32 $0xFFFFFF80  }
0x2c2: {  	_ =	swait.ge [sflag:s6], $0x80  }
0x2c3: {  	[sflag:s6] =	ssyncset.done $0x0  }
0x2c4: {  	[sflag:s6] =	ssyncadd.s32 $0xFFFFFF80  }
0x2c5: {  	_ =	swait.ge [sflag:s6], $0x80  }
0x2c6: {  	[sflag:s6] =	ssyncset.done $0x0  }
0x2c7: {  	[sflag:s6] =	ssyncadd.s32 $0xFFFFFF80  }
0x2c8: {  	_ =	swait.ge [sflag:s6], $0x80  }
0x2c9: {  	[sflag:s6] =	ssyncset.done $0x0  }
0x2ca: {  	[sflag:s6] =	ssyncadd.s32 $0xFFFFFF80  }
0x2cb: {  	_ =	swait.ge [sflag:s6], $0x80  }
0x2cc: {  	[sflag:s6] =	ssyncset.done $0x0  }
0x2cd: {  	[sflag:s6] =	ssyncadd.s32 $0xFFFFFF80  }
0x2ce: {  	_ =	swait.ge [sflag:s6], $0x80  }
0x2cf: {  	[sflag:s6] =	ssyncset.done $0x0  }
0x2d0: {  	[sflag:s6] =	ssyncadd.s32 $0xFFFFFF80  }
0x2d1: {  	_ =	swait.ge [sflag:s6], $0x80  }
0x2d2: {  	[sflag:s6] =	ssyncset.done $0x0  }
0x2d3: {  	[sflag:s6] =	ssyncadd.s32 $0xFFFFFF80  }
0x2d4: {  	_ =	swait.ge [sflag:s6], $0x80  }
0x2d5: {  	[sflag:s6] =	ssyncset.done $0x0  }
0x2d6: {  	[sflag:s6] =	ssyncadd.s32 $0xFFFFFF80  }
0x2d7: {  	_ =	swait.ge [sflag:s6], $0x80  }
0x2d8: {  	[sflag:s6] =	ssyncset.done $0x0  }
0x2d9: {  	[sflag:s6] =	ssyncadd.s32 $0xFFFFFF80  }
0x2da: {  	_ =	swait.ge [sflag:s6], $0x80  }
0x2db: {  	[sflag:s6] =	ssyncset.done $0x0  }
0x2dc: {  	[sflag:s6] =	ssyncadd.s32 $0xFFFFFF80  }
0x2dd: {  	_ =	swait.ge [sflag:s6], $0x80  }
0x2de: {  	[sflag:s6] =	ssyncset.done $0x0  }
0x2df: {  	[sflag:s6] =	ssyncadd.s32 $0xFFFFFF80  }
0x2e0: {  	_ =	swait.ge [sflag:s6], $0x80  }
0x2e1: {  	[sflag:s6] =	ssyncset.done $0x0  }
0x2e2: {  	[sflag:s6] =	ssyncadd.s32 $0xFFFFFF80  }
0x2e3: {  	_ =	swait.ge [sflag:s6], $0x80  }
0x2e4: {  	[sflag:s6] =	ssyncset.done $0x0  }
0x2e5: {  	[sflag:s6] =	ssyncadd.s32 $0xFFFFFF80  }
0x2e6: {  	_ =	swait.ge [sflag:s6], $0x80  }
0x2e7: {  	[sflag:s6] =	ssyncset.done $0x0  }
0x2e8: {  	[sflag:s6] =	ssyncadd.s32 $0xFFFFFF80  }
0x2e9: {  	_ =	swait.ge [sflag:s6], $0x80  }
0x2ea: {  	[sflag:s6] =	ssyncset.done $0x0  }
0x2eb: {  	[sflag:s6] =	ssyncadd.s32 $0xFFFFFF80  }
0x2ec: {  	_ =	swait.ge [sflag:s6], $0x80  }
0x2ed: {  	[sflag:s6] =	ssyncset.done $0x0  }
0x2ee: {  	[sflag:s6] =	ssyncadd.s32 $0xFFFFFF80  }
0x2ef: {  	_ =	swait.ge [sflag:s6], $0x80  }
0x2f0: {  	[sflag:s6] =	ssyncset.done $0x0  }
0x2f1: {  	[sflag:s6] =	ssyncadd.s32 $0xFFFFFF80  }
0x2f2: {  	_ =	swait.ge [sflag:s6], $0x80  }
0x2f3: {  	[sflag:s6] =	ssyncset.done $0x0  }
0x2f4: {  	[sflag:s6] =	ssyncadd.s32 $0xFFFFFF80  }
0x2f5: {  	_ =	swait.ge [sflag:s6], $0x80  }
0x2f6: {  	[sflag:s6] =	ssyncset.done $0x0  }
0x2f7: {  	[sflag:s6] =	ssyncadd.s32 $0xFFFFFF80  }
0x2f8: {  	_ =	swait.ge [sflag:s6], $0x80  }
0x2f9: {  	[sflag:s6] =	ssyncset.done $0x0  }
0x2fa: {  	[sflag:s6] =	ssyncadd.s32 $0xFFFFFF80  }
0x2fb: {  	_ =	swait.ge [sflag:s6], $0x80  }
0x2fc: {  	[sflag:s6] =	ssyncset.done $0x0  }
0x2fd: {  	[sflag:s6] =	ssyncadd.s32 $0xFFFFFF80  }
0x2fe: {  	_ =	swait.ge [sflag:s6], $0x80  }
0x2ff: {  	[sflag:s6] =	ssyncset.done $0x0  }
0x300: {  	[sflag:s6] =	ssyncadd.s32 $0xFFFFFF80  }
0x301: {  	_ =	swait.ge [sflag:s6], $0x80  }
0x302: {  	[sflag:s6] =	ssyncset.done $0x0  }
0x303: {  	[sflag:s6] =	ssyncadd.s32 $0xFFFFFF80  }
0x304: {  	_ =	swait.ge [sflag:s6], $0x80  }
0x305: {  	[sflag:s6] =	ssyncset.done $0x0  }
0x306: {  	[sflag:s6] =	ssyncadd.s32 $0xFFFFFF80  }
0x307: {  	_ =	swait.ge [sflag:s6], $0x80  }
0x308: {  	[sflag:s6] =	ssyncset.done $0x0  }
0x309: {  	[sflag:s6] =	ssyncadd.s32 $0xFFFFFF80  }
0x30a: {  	_ =	swait.ge [sflag:s6], $0x80  }
0x30b: {  	[sflag:s6] =	ssyncset.done $0x0  }
0x30c: {  	[sflag:s6] =	ssyncadd.s32 $0xFFFFFF80  }
0x30d: {  	_ =	swait.ge [sflag:s6], $0x80  }
0x30e: {  	[sflag:s6] =	ssyncset.done $0x0  }
0x30f: {  	[sflag:s6] =	ssyncadd.s32 $0xFFFFFF80  }
0x310: {  	_ =	swait.ge [sflag:s6], $0x80  }
0x311: {  	[sflag:s6] =	ssyncset.done $0x0  }
0x312: {  	[sflag:s6] =	ssyncadd.s32 $0xFFFFFF80  }
0x313: {  	_ =	swait.ge [sflag:s6], $0x80  }
0x314: {  	[sflag:s6] =	ssyncset.done $0x0  }
0x315: {  	[sflag:s6] =	ssyncadd.s32 $0xFFFFFF80  }
0x316: {  	_ =	swait.ge [sflag:s6], $0x80  }
0x317: {  	[sflag:s6] =	ssyncset.done $0x0  }
0x318: {  	[sflag:s6] =	ssyncadd.s32 $0xFFFFFF80  }
0x319: {  	_ =	swait.ge [sflag:s6], $0x80  }
0x31a: {  	[sflag:s6] =	ssyncset.done $0x0  }
0x31b: {  	[sflag:s6] =	ssyncadd.s32 $0xFFFFFF80  }
0x31c: {  	_ =	swait.ge [sflag:s6], $0x80  }
0x31d: {  	[sflag:s6] =	ssyncset.done $0x0  }
0x31e: {  	[sflag:s6] =	ssyncadd.s32 $0xFFFFFF80  }
0x31f: {  	_ =	swait.ge [sflag:s6], $0x80  }
0x320: {  	[sflag:s6] =	ssyncset.done $0x0  }
0x321: {  	[sflag:s6] =	ssyncadd.s32 $0xFFFFFF80  }
0x322: {  	_ =	swait.ge [sflag:s6], $0x80  }
0x323: {  	[sflag:s6] =	ssyncset.done $0x0  }
0x324: {  	[sflag:s6] =	ssyncadd.s32 $0xFFFFFF80  }
0x325: {  	_ =	swait.ge [sflag:s6], $0x80  }
0x326: {  	[sflag:s6] =	ssyncset.done $0x0  }
0x327: {  	[sflag:s6] =	ssyncadd.s32 $0xFFFFFF80  }
0x328: {  	_ =	swait.ge [sflag:s6], $0x80  }
0x329: {  	[sflag:s6] =	ssyncset.done $0x0  }
0x32a: {  	[sflag:s6] =	ssyncadd.s32 $0xFFFFFF80  }
0x32b: {  	_ =	swait.ge [sflag:s6], $0x80  }
0x32c: {  	[sflag:s6] =	ssyncset.done $0x0  }
0x32d: {  	[sflag:s6] =	ssyncadd.s32 $0xFFFFFF80  }
0x32e: {  	_ =	swait.ge [sflag:s6], $0x80  }
0x32f: {  	[sflag:s6] =	ssyncset.done $0x0  }
0x330: {  	[sflag:s6] =	ssyncadd.s32 $0xFFFFFF80  }
0x331: {  	_ =	swait.ge [sflag:s6], $0x80  }
0x332: {  	[sflag:s6] =	ssyncset.done $0x0  }
0x333: {  	[sflag:s6] =	ssyncadd.s32 $0xFFFFFF80  }
0x334: {  	_ =	swait.ge [sflag:s6], $0x80  }
0x335: {  	[sflag:s6] =	ssyncset.done $0x0  }
0x336: {  	[sflag:s6] =	ssyncadd.s32 $0xFFFFFF80  }
0x337: {  	_ =	swait.ge [sflag:s6], $0x80  }
0x338: {  	[sflag:s6] =	ssyncset.done $0x0  }
0x339: {  	[sflag:s6] =	ssyncadd.s32 $0xFFFFFF80  }
0x33a: {  	_ =	swait.ge [sflag:s6], $0x80  }
0x33b: {  	[sflag:s6] =	ssyncset.done $0x0  }
0x33c: {  	[sflag:s6] =	ssyncadd.s32 $0xFFFFFF80  }
0x33d: {  	_ =	swait.ge [sflag:s6], $0x80  }
0x33e: {  	[sflag:s6] =	ssyncset.done $0x0  }
0x33f: {  	[sflag:s6] =	ssyncadd.s32 $0xFFFFFF80  }
0x340: {  	_ =	swait.ge [sflag:s6], $0x80  }
0x341: {  	[sflag:s6] =	ssyncset.done $0x0  }
0x342: {  	[sflag:s6] =	ssyncadd.s32 $0xFFFFFF80  }
0x343: {  	_ =	swait.ge [sflag:s6], $0x80  }
0x344: {  	[sflag:s6] =	ssyncset.done $0x0  }
0x345: {  	[sflag:s6] =	ssyncadd.s32 $0xFFFFFF80  }
0x346: {  	_ =	swait.ge [sflag:s6], $0x80  }
0x347: {  	[sflag:s6] =	ssyncset.done $0x0  }
0x348: {  	[sflag:s6] =	ssyncadd.s32 $0xFFFFFF80  }
0x349: {  	_ =	swait.ge [sflag:s6], $0x80  }
0x34a: {  	[sflag:s6] =	ssyncset.done $0x0  }
0x34b: {  	[sflag:s6] =	ssyncadd.s32 $0xFFFFFF80  }
0x34c: {  	_ =	swait.ge [sflag:s6], $0x80  }
0x34d: {  	[sflag:s6] =	ssyncset.done $0x0  }
0x34e: {  	[sflag:s6] =	ssyncadd.s32 $0xFFFFFF80  }
0x34f: {  	_ =	swait.ge [sflag:s6], $0x80  }
0x350: {  	[sflag:s6] =	ssyncset.done $0x0  }
0x351: {  	[sflag:s6] =	ssyncadd.s32 $0xFFFFFF80  }
0x352: {  	_ =	swait.ge [sflag:s6], $0x80  }
0x353: {  	[sflag:s6] =	ssyncset.done $0x0  }
0x354: {  	[sflag:s6] =	ssyncadd.s32 $0xFFFFFF80  }
0x355: {  	_ =	swait.ge [sflag:s6], $0x80  }
0x356: {  	[sflag:s6] =	ssyncset.done $0x0  }
0x357: {  	[sflag:s6] =	ssyncadd.s32 $0xFFFFFF80  }
0x358: {  	_ =	swait.ge [sflag:s6], $0x80  }
0x359: {  	[sflag:s6] =	ssyncset.done $0x0  }
0x35a: {  	[sflag:s6] =	ssyncadd.s32 $0xFFFFFF80  }
0x35b: {  	_ =	swait.ge [sflag:s6], $0x80  }
0x35c: {  	[sflag:s6] =	ssyncset.done $0x0  }
0x35d: {  	[sflag:s6] =	ssyncadd.s32 $0xFFFFFF80  }
0x35e: {  	_ =	swait.ge [sflag:s6], $0x80  }
0x35f: {  	[sflag:s6] =	ssyncset.done $0x0  }
0x360: {  	[sflag:s6] =	ssyncadd.s32 $0xFFFFFF80  }
0x361: {  	_ =	swait.ge [sflag:s6], $0x80  }
0x362: {  	[sflag:s6] =	ssyncset.done $0x0  }
0x363: {  	[sflag:s6] =	ssyncadd.s32 $0xFFFFFF80  }
0x364: {  	_ =	swait.ge [sflag:s6], $0x80  }
0x365: {  	[sflag:s6] =	ssyncset.done $0x0  }
0x366: {  	[sflag:s6] =	ssyncadd.s32 $0xFFFFFF80  }
0x367: {  	_ =	swait.ge [sflag:s6], $0x80  }
0x368: {  	[sflag:s6] =	ssyncset.done $0x0  }
0x369: {  	[sflag:s6] =	ssyncadd.s32 $0xFFFFFF80  }
0x36a: {  	_ =	swait.ge [sflag:s6], $0x80  }
0x36b: {  	[sflag:s6] =	ssyncset.done $0x0  }
0x36c: {  	[sflag:s6] =	ssyncadd.s32 $0xFFFFFF80  }
0x36d: {  	_ =	swait.ge [sflag:s6], $0x80  }
0x36e: {  	[sflag:s6] =	ssyncset.done $0x0  }
0x36f: {  	[sflag:s6] =	ssyncadd.s32 $0xFFFFFF80  }
0x370: {  	_ =	swait.ge [sflag:s6], $0x80  }
0x371: {  	[sflag:s6] =	ssyncset.done $0x0  }
0x372: {  	[sflag:s6] =	ssyncadd.s32 $0xFFFFFF80  }
0x373: {  	_ =	swait.ge [sflag:s6], $0x80  }
0x374: {  	[sflag:s6] =	ssyncset.done $0x0  }
0x375: {  	[sflag:s6] =	ssyncadd.s32 $0xFFFFFF80  }
0x376: {  	_ =	swait.ge [sflag:s6], $0x80  }
0x377: {  	[sflag:s6] =	ssyncset.done $0x0  }
0x378: {  	[sflag:s6] =	ssyncadd.s32 $0xFFFFFF80  }
0x379: {  	_ =	swait.ge [sflag:s6], $0x80  }
0x37a: {  	[sflag:s6] =	ssyncset.done $0x0  }
0x37b: {  	[sflag:s6] =	ssyncadd.s32 $0xFFFFFF80  }
0x37c: {  	_ =	swait.ge [sflag:s6], $0x80  }
0x37d: {  	[sflag:s6] =	ssyncset.done $0x0  }
0x37e: {  	[sflag:s6] =	ssyncadd.s32 $0xFFFFFF80  }
0x37f: {  	_ =	swait.ge [sflag:s6], $0x80  }
0x380: {  	[sflag:s6] =	ssyncset.done $0x0  }
0x381: {  	[sflag:s6] =	ssyncadd.s32 $0xFFFFFF80  }
0x382: {  	_ =	swait.ge [sflag:s6], $0x80  }
0x383: {  	[sflag:s6] =	ssyncset.done $0x0  }
0x384: {  	[sflag:s6] =	ssyncadd.s32 $0xFFFFFF80  }
0x385: {  	_ =	swait.ge [sflag:s6], $0x80  }
0x386: {  	[sflag:s6] =	ssyncset.done $0x0  }
0x387: {  	[sflag:s6] =	ssyncadd.s32 $0xFFFFFF80  }
0x388: {  	_ =	swait.ge [sflag:s6], $0x80  }
0x389: {  	p1 =	sne.s32 s1, $0x1;
	[sflag:s6] =	ssyncset.done $0x0  }
.Ltmp2:
0x38a: {  	[sflag:s6] =	ssyncadd.s32 $0xFFFFFF80;
	(pc) =	sbr.rel @p1 .LBB2_2-.Ltmp2, $4  }
0x38b: {  	s7 =	simm.s32 $0x20;
	[bflag:$0x0] =	sbarrier.arrive $0xFFFF  }
0x38c: {  	[hbm:s5@s7], [sflag:s2] =	dma.strided [spmem:s3@s8], $0x50, s6, $0x10   }
0x38d: {  	_ =	swait.ge [sflag:s4], $0x50  }
0x38e: {  	s1 =	sadd.s32 $0xFFFFFFFF, s1;
	s0 =	rddreg [dreg:$0x5];
	[sflag:s4] =	ssyncset.done $0x0  }
.LBB2_3:
0x38f: {  	[sflag:s4] =	ssyncadd.s32 @p0 $0xFFFFFFB0  }
0x390: {  	[spmem:s3], [sflag:s2] =	dma.local [hbm:s0], $0x50  }
0x391: {  	_ =	swait.ge [sflag:s4], $0x50  }
0x392: {  	[sflag:s4] =	ssyncset.done $0x0  }
0x393: {  	s1 =	rddreg [dreg:$0x4];
	[sflag:s4] =	ssyncadd.s32 $0xFFFFFFB0  }
0x394: {  	[tilespmem:s10], [sflag:$0x2] =	stream.linear.gather [hbm4b:s1+s11], $0x80, $0x38;
	[tilespmem:$0x2B00] =	vst v63  }
0x395: {  	_ =	swait.ge [sflag:s4], $0x80  }
0x396: {  	[sflag:s4] =	ssyncset.done $0x0  }
0x397: {  	s1 =	rddreg [dreg:$0x6];
	[sflag:s4] =	ssyncadd.s32 $0xFFFFFF80  }
0x398: {  	[tilespmem:s11], [sflag:$0x2] =	stream.linear.gather [hbm4b:s1+s11], $0x2800, $0x38;
	[tilespmem:$0x2B00] =	vst v63  }
0x399: {  	_ =	swait.ge [sflag:s4], $0x2800  }
0x39a: {  	[sflag:s4] =	ssyncset.done $0x0  }
0x39b: {  	[sflag:s4] =	ssyncadd.s32 $0xFFFFD800  }
0x39c: {  	[bflag:$0x0] =	sbarrier.arrive $0xFFFF  }
0x39d: {  	[spmem:s9] =	stream.indirect.scatter.add.f32 [tilespmem:s10], [sflag:$0x1], $0x1, s11, s12, $0xb8;
	[tilespmem:$0x2B00] =	vst v63  }
0x39e: {  	s11 =	rddreg [dreg:$0x7]  }
0x39f: {  	[spmem:s9] =	stream.indirect.scatter.add.f32 [tilespmem:s10], [sflag:$0x1], $0x1, s12, s12, $0xb8;
	[tilespmem:$0x2B00] =	vst v63  }
0x3a0: {  	s1 =	rddreg [dreg:$0x8]  }
0x3a1: {  	[spmem:s9] =	stream.indirect.scatter.add.f32 [tilespmem:s10], [sflag:$0x1], $0x1, s11, s12, $0xb8;
	[tilespmem:$0x2B00] =	vst v63  }
0x3a2: {  	s0 =	rddreg [dreg:$0x9]  }
0x3a3: {  	[spmem:s9] =	stream.indirect.scatter.add.f32 [tilespmem:s10], [sflag:$0x1], $0x1, s1, s12, $0xb8;
	[tilespmem:$0x2B00] =	vst v63  }
0x3a4: {  	s11 =	rddreg [dreg:$0xa]  }
0x3a5: {  	[spmem:s9] =	stream.indirect.scatter.add.f32 [tilespmem:s10], [sflag:$0x1], $0x1, s0, s12, $0xb8;
	[tilespmem:$0x2B00] =	vst v63  }
0x3a6: {  	s0 =	rddreg [dreg:$0xb]  }
0x3a7: {  	[spmem:s9] =	stream.indirect.scatter.add.f32 [tilespmem:s10], [sflag:$0x1], $0x1, s11, s12, $0xb8;
	[tilespmem:$0x2B00] =	vst v63  }
0x3a8: {  	s11 =	rddreg [dreg:$0xc]  }
0x3a9: {  	[spmem:s9] =	stream.indirect.scatter.add.f32 [tilespmem:s10], [sflag:$0x1], $0x1, s0, s12, $0xb8;
	[tilespmem:$0x2B00] =	vst v63  }
0x3aa: {  	s0 =	rddreg [dreg:$0xd]  }
0x3ab: {  	[spmem:s9] =	stream.indirect.scatter.add.f32 [tilespmem:s10], [sflag:$0x1], $0x1, s11, s12, $0xb8;
	[tilespmem:$0x2B00] =	vst v63  }
0x3ac: {  	s11 =	rddreg [dreg:$0xe]  }
0x3ad: {  	[spmem:s9] =	stream.indirect.scatter.add.f32 [tilespmem:s10], [sflag:$0x1], $0x1, s0, s12, $0xb8;
	[tilespmem:$0x2B00] =	vst v63  }
0x3ae: {  	s0 =	rddreg [dreg:$0xf]  }
0x3af: {  	[spmem:s9] =	stream.indirect.scatter.add.f32 [tilespmem:s10], [sflag:$0x1], $0x1, s11, s12, $0xb8;
	[tilespmem:$0x2B00] =	vst v63  }
0x3b0: {  	s11 =	rddreg [dreg:$0x10]  }
0x3b1: {  	[spmem:s9] =	stream.indirect.scatter.add.f32 [tilespmem:s10], [sflag:$0x1], $0x1, s0, s12, $0xb8;
	[tilespmem:$0x2B00] =	vst v63  }
0x3b2: {  	s0 =	rddreg [dreg:$0x11]  }
0x3b3: {  	[spmem:s9] =	stream.indirect.scatter.add.f32 [tilespmem:s10], [sflag:$0x1], $0x1, s11, s12, $0xb8;
	[tilespmem:$0x2B00] =	vst v63  }
0x3b4: {  	s11 =	rddreg [dreg:$0x12]  }
0x3b5: {  	[spmem:s9] =	stream.indirect.scatter.add.f32 [tilespmem:s10], [sflag:$0x1], $0x1, s0, s12, $0xb8;
	[tilespmem:$0x2B00] =	vst v63  }
0x3b6: {  	s0 =	rddreg [dreg:$0x13]  }
0x3b7: {  	[spmem:s9] =	stream.indirect.scatter.add.f32 [tilespmem:s10], [sflag:$0x1], $0x1, s11, s12, $0xb8;
	[tilespmem:$0x2B00] =	vst v63  }
0x3b8: {  	s11 =	rddreg [dreg:$0x14]  }
0x3b9: {  	[spmem:s9] =	stream.indirect.scatter.add.f32 [tilespmem:s10], [sflag:$0x1], $0x1, s0, s12, $0xb8;
	[tilespmem:$0x2B00] =	vst v63  }
0x3ba: {  	s0 =	rddreg [dreg:$0x15]  }
0x3bb: {  	[spmem:s9] =	stream.indirect.scatter.add.f32 [tilespmem:s10], [sflag:$0x1], $0x1, s11, s12, $0xb8;
	[tilespmem:$0x2B00] =	vst v63  }
0x3bc: {  	s11 =	rddreg [dreg:$0x16]  }
0x3bd: {  	[spmem:s9] =	stream.indirect.scatter.add.f32 [tilespmem:s10], [sflag:$0x1], $0x1, s0, s12, $0xb8;
	[tilespmem:$0x2B00] =	vst v63  }
0x3be: {  	s0 =	rddreg [dreg:$0x17]  }
0x3bf: {  	[spmem:s9] =	stream.indirect.scatter.add.f32 [tilespmem:s10], [sflag:$0x1], $0x1, s11, s12, $0xb8;
	[tilespmem:$0x2B00] =	vst v63  }
0x3c0: {  	s11 =	rddreg [dreg:$0x18]  }
0x3c1: {  	[spmem:s9] =	stream.indirect.scatter.add.f32 [tilespmem:s10], [sflag:$0x1], $0x1, s0, s12, $0xb8;
	[tilespmem:$0x2B00] =	vst v63  }
0x3c2: {  	s0 =	rddreg [dreg:$0x19]  }
0x3c3: {  	[spmem:s9] =	stream.indirect.scatter.add.f32 [tilespmem:s10], [sflag:$0x1], $0x1, s11, s12, $0xb8;
	[tilespmem:$0x2B00] =	vst v63  }
0x3c4: {  	s11 =	rddreg [dreg:$0x1a]  }
0x3c5: {  	[spmem:s9] =	stream.indirect.scatter.add.f32 [tilespmem:s10], [sflag:$0x1], $0x1, s0, s12, $0xb8;
	[tilespmem:$0x2B00] =	vst v63  }
0x3c6: {  	s0 =	rddreg [dreg:$0x1b]  }
0x3c7: {  	[spmem:s9] =	stream.indirect.scatter.add.f32 [tilespmem:s10], [sflag:$0x1], $0x1, s11, s12, $0xb8;
	[tilespmem:$0x2B00] =	vst v63  }
0x3c8: {  	s11 =	rddreg [dreg:$0x1c]  }
0x3c9: {  	[spmem:s9] =	stream.indirect.scatter.add.f32 [tilespmem:s10], [sflag:$0x1], $0x1, s0, s12, $0xb8;
	[tilespmem:$0x2B00] =	vst v63  }
0x3ca: {  	s0 =	rddreg [dreg:$0x1d]  }
0x3cb: {  	[spmem:s9] =	stream.indirect.scatter.add.f32 [tilespmem:s10], [sflag:$0x1], $0x1, s11, s12, $0xb8;
	[tilespmem:$0x2B00] =	vst v63  }
0x3cc: {  	s11 =	rddreg [dreg:$0x1e]  }
0x3cd: {  	[spmem:s9] =	stream.indirect.scatter.add.f32 [tilespmem:s10], [sflag:$0x1], $0x1, s0, s12, $0xb8;
	[tilespmem:$0x2B00] =	vst v63  }
0x3ce: {  	s0 =	rddreg [dreg:$0x1f]  }
0x3cf: {  	[spmem:s9] =	stream.indirect.scatter.add.f32 [tilespmem:s10], [sflag:$0x1], $0x1, s11, s12, $0xb8;
	[tilespmem:$0x2B00] =	vst v63  }
0x3d0: {  	s11 =	sld [smem:$0x7DB]  }
0x3d1: {  	[spmem:s9] =	stream.indirect.scatter.add.f32 [tilespmem:s10], [sflag:$0x1], $0x1, s0, s12, $0xb8;
	[tilespmem:$0x2B00] =	vst v63  }
0x3d2: {  	s0 =	sld [smem:$0x7DC]  }
0x3d3: {  	[spmem:s9] =	stream.indirect.scatter.add.f32 [tilespmem:s10], [sflag:$0x1], $0x1, s11, s12, $0xb8;
	[tilespmem:$0x2B00] =	vst v63  }
0x3d4: {  	s11 =	sld [smem:$0x7DD]  }
0x3d5: {  	[spmem:s9] =	stream.indirect.scatter.add.f32 [tilespmem:s10], [sflag:$0x1], $0x1, s0, s12, $0xb8;
	[tilespmem:$0x2B00] =	vst v63  }
0x3d6: {  	s0 =	sld [smem:$0x7DE]  }
0x3d7: {  	[spmem:s9] =	stream.indirect.scatter.add.f32 [tilespmem:s10], [sflag:$0x1], $0x1, s11, s12, $0xb8;
	[tilespmem:$0x2B00] =	vst v63  }
0x3d8: {  	s11 =	sld [smem:$0x7DF]  }
0x3d9: {  	[spmem:s9] =	stream.indirect.scatter.add.f32 [tilespmem:s10], [sflag:$0x1], $0x1, s0, s12, $0xb8;
	[tilespmem:$0x2B00] =	vst v63  }
0x3da: {  	s0 =	sld [smem:$0x7E0]  }
0x3db: {  	[spmem:s9] =	stream.indirect.scatter.add.f32 [tilespmem:s10], [sflag:$0x1], $0x1, s11, s12, $0xb8;
	[tilespmem:$0x2B00] =	vst v63  }
0x3dc: {  	s11 =	sld [smem:$0x7E1]  }
0x3dd: {  	[spmem:s9] =	stream.indirect.scatter.add.f32 [tilespmem:s10], [sflag:$0x1], $0x1, s0, s12, $0xb8;
	[tilespmem:$0x2B00] =	vst v63  }
0x3de: {  	s0 =	sld [smem:$0x7E2]  }
0x3df: {  	[spmem:s9] =	stream.indirect.scatter.add.f32 [tilespmem:s10], [sflag:$0x1], $0x1, s11, s12, $0xb8;
	[tilespmem:$0x2B00] =	vst v63  }
0x3e0: {  	s11 =	sld [smem:$0x7E3]  }
0x3e1: {  	[spmem:s9] =	stream.indirect.scatter.add.f32 [tilespmem:s10], [sflag:$0x1], $0x1, s0, s12, $0xb8;
	[tilespmem:$0x2B00] =	vst v63  }
0x3e2: {  	s0 =	sld [smem:$0x7E4]  }
0x3e3: {  	[spmem:s9] =	stream.indirect.scatter.add.f32 [tilespmem:s10], [sflag:$0x1], $0x1, s11, s12, $0xb8;
	[tilespmem:$0x2B00] =	vst v63  }
0x3e4: {  	s11 =	sld [smem:$0x7E5]  }
0x3e5: {  	[spmem:s9] =	stream.indirect.scatter.add.f32 [tilespmem:s10], [sflag:$0x1], $0x1, s0, s12, $0xb8;
	[tilespmem:$0x2B00] =	vst v63  }
0x3e6: {  	s0 =	sld [smem:$0x7E6]  }
0x3e7: {  	[spmem:s9] =	stream.indirect.scatter.add.f32 [tilespmem:s10], [sflag:$0x1], $0x1, s11, s12, $0xb8;
	[tilespmem:$0x2B00] =	vst v63  }
0x3e8: {  	s11 =	sld [smem:$0x7E7]  }
0x3e9: {  	[spmem:s9] =	stream.indirect.scatter.add.f32 [tilespmem:s10], [sflag:$0x1], $0x1, s0, s12, $0xb8;
	[tilespmem:$0x2B00] =	vst v63  }
0x3ea: {  	s0 =	sld [smem:$0x7E8]  }
0x3eb: {  	[spmem:s9] =	stream.indirect.scatter.add.f32 [tilespmem:s10], [sflag:$0x1], $0x1, s11, s12, $0xb8;
	[tilespmem:$0x2B00] =	vst v63  }
0x3ec: {  	s11 =	sld [smem:$0x7E9]  }
0x3ed: {  	[spmem:s9] =	stream.indirect.scatter.add.f32 [tilespmem:s10], [sflag:$0x1], $0x1, s0, s12, $0xb8;
	[tilespmem:$0x2B00] =	vst v63  }
0x3ee: {  	s0 =	sld [smem:$0x7EA]  }
0x3ef: {  	[spmem:s9] =	stream.indirect.scatter.add.f32 [tilespmem:s10], [sflag:$0x1], $0x1, s11, s12, $0xb8;
	[tilespmem:$0x2B00] =	vst v63  }
0x3f0: {  	s11 =	sld [smem:$0x7EB]  }
0x3f1: {  	[spmem:s9] =	stream.indirect.scatter.add.f32 [tilespmem:s10], [sflag:$0x1], $0x1, s0, s12, $0xb8;
	[tilespmem:$0x2B00] =	vst v63  }
0x3f2: {  	s0 =	sld [smem:$0x7EC]  }
0x3f3: {  	[spmem:s9] =	stream.indirect.scatter.add.f32 [tilespmem:s10], [sflag:$0x1], $0x1, s11, s12, $0xb8;
	[tilespmem:$0x2B00] =	vst v63  }
0x3f4: {  	s11 =	sld [smem:$0x7ED]  }
0x3f5: {  	[spmem:s9] =	stream.indirect.scatter.add.f32 [tilespmem:s10], [sflag:$0x1], $0x1, s0, s12, $0xb8;
	[tilespmem:$0x2B00] =	vst v63  }
0x3f6: {  	s0 =	sld [smem:$0x7EE]  }
0x3f7: {  	[spmem:s9] =	stream.indirect.scatter.add.f32 [tilespmem:s10], [sflag:$0x1], $0x1, s11, s12, $0xb8;
	[tilespmem:$0x2B00] =	vst v63  }
0x3f8: {  	s11 =	sld [smem:$0x7EF]  }
0x3f9: {  	[spmem:s9] =	stream.indirect.scatter.add.f32 [tilespmem:s10], [sflag:$0x1], $0x1, s0, s12, $0xb8;
	[tilespmem:$0x2B00] =	vst v63  }
0x3fa: {  	s0 =	sld [smem:$0x7F0]  }
0x3fb: {  	[spmem:s9] =	stream.indirect.scatter.add.f32 [tilespmem:s10], [sflag:$0x1], $0x1, s11, s12, $0xb8;
	[tilespmem:$0x2B00] =	vst v63  }
0x3fc: {  	s11 =	sld [smem:$0x7F1]  }
0x3fd: {  	[spmem:s9] =	stream.indirect.scatter.add.f32 [tilespmem:s10], [sflag:$0x1], $0x1, s0, s12, $0xb8;
	[tilespmem:$0x2B00] =	vst v63  }
0x3fe: {  	s0 =	sld [smem:$0x7F2]  }
0x3ff: {  	[spmem:s9] =	stream.indirect.scatter.add.f32 [tilespmem:s10], [sflag:$0x1], $0x1, s11, s12, $0xb8;
	[tilespmem:$0x2B00] =	vst v63  }
0x400: {  	s11 =	sld [smem:$0x7F3]  }
0x401: {  	[spmem:s9] =	stream.indirect.scatter.add.f32 [tilespmem:s10], [sflag:$0x1], $0x1, s0, s12, $0xb8;
	[tilespmem:$0x2B00] =	vst v63  }
0x402: {  	s0 =	sld [smem:$0x7F4]  }
0x403: {  	[spmem:s9] =	stream.indirect.scatter.add.f32 [tilespmem:s10], [sflag:$0x1], $0x1, s11, s12, $0xb8;
	[tilespmem:$0x2B00] =	vst v63  }
0x404: {  	s11 =	sld [smem:$0x7F5]  }
0x405: {  	[spmem:s9] =	stream.indirect.scatter.add.f32 [tilespmem:s10], [sflag:$0x1], $0x1, s0, s12, $0xb8;
	[tilespmem:$0x2B00] =	vst v63  }
0x406: {  	s0 =	sld [smem:$0x7F6]  }
0x407: {  	[spmem:s9] =	stream.indirect.scatter.add.f32 [tilespmem:s10], [sflag:$0x1], $0x1, s11, s12, $0xb8;
	[tilespmem:$0x2B00] =	vst v63  }
0x408: {  	s11 =	sld [smem:$0x7F7]  }
0x409: {  	[spmem:s9] =	stream.indirect.scatter.add.f32 [tilespmem:s10], [sflag:$0x1], $0x1, s0, s12, $0xb8;
	[tilespmem:$0x2B00] =	vst v63  }
0x40a: {  	s0 =	sld [smem:$0x7F8]  }
0x40b: {  	[spmem:s9] =	stream.indirect.scatter.add.f32 [tilespmem:s10], [sflag:$0x1], $0x1, s11, s12, $0xb8;
	[tilespmem:$0x2B00] =	vst v63  }
0x40c: {  	s11 =	sld [smem:$0x7F9]  }
0x40d: {  	[spmem:s9] =	stream.indirect.scatter.add.f32 [tilespmem:s10], [sflag:$0x1], $0x1, s0, s12, $0xb8;
	[tilespmem:$0x2B00] =	vst v63  }
0x40e: {  	s0 =	sld [smem:$0x7FA]  }
0x40f: {  	[spmem:s9] =	stream.indirect.scatter.add.f32 [tilespmem:s10], [sflag:$0x1], $0x1, s11, s12, $0xb8;
	[tilespmem:$0x2B00] =	vst v63  }
0x410: {  	s11 =	sld [smem:$0x7FB]  }
0x411: {  	[spmem:s9] =	stream.indirect.scatter.add.f32 [tilespmem:s10], [sflag:$0x1], $0x1, s0, s12, $0xb8;
	[tilespmem:$0x2B00] =	vst v63  }
0x412: {  	s0 =	sld [smem:$0x7FC]  }
0x413: {  	[spmem:s9] =	stream.indirect.scatter.add.f32 [tilespmem:s10], [sflag:$0x1], $0x1, s11, s12, $0xb8;
	[tilespmem:$0x2B00] =	vst v63  }
0x414: {  	s11 =	sld [smem:$0x7FD]  }
0x415: {  	[spmem:s9] =	stream.indirect.scatter.add.f32 [tilespmem:s10], [sflag:$0x1], $0x1, s0, s12, $0xb8;
	[tilespmem:$0x2B00] =	vst v63  }
0x416: {  	_ = 	snop  }
0x417: {  	[spmem:s9] =	stream.indirect.scatter.add.f32 [tilespmem:s10], [sflag:$0x1], $0x1, s11, s12, $0xb8;
	[tilespmem:$0x2B00] =	vst v63  }
0x418: {  	_ = 	snop  }
0x419: {  	[spmem:s9] =	stream.indirect.scatter.add.f32 [tilespmem:s10], [sflag:$0x1], $0x1, s13, s12, $0xb8;
	[tilespmem:$0x2B00] =	vst v63  }
0x41a: {  	_ = 	snop  }
0x41b: {  	[spmem:s9] =	stream.indirect.scatter.add.f32 [tilespmem:s10], [sflag:$0x1], $0x1, s14, s12, $0xb8;
	[tilespmem:$0x2B00] =	vst v63  }
0x41c: {  	_ = 	snop  }
0x41d: {  	[spmem:s9] =	stream.indirect.scatter.add.f32 [tilespmem:s10], [sflag:$0x1], $0x1, s15, s12, $0xb8;
	[tilespmem:$0x2B00] =	vst v63  }
0x41e: {  	_ = 	snop  }
0x41f: {  	[spmem:s9] =	stream.indirect.scatter.add.f32 [tilespmem:s10], [sflag:$0x1], $0x1, s16, s12, $0xb8;
	[tilespmem:$0x2B00] =	vst v63  }
0x420: {  	_ = 	snop  }
0x421: {  	[spmem:s9] =	stream.indirect.scatter.add.f32 [tilespmem:s10], [sflag:$0x1], $0x1, s17, s12, $0xb8;
	[tilespmem:$0x2B00] =	vst v63  }
0x422: {  	_ = 	snop  }
0x423: {  	[spmem:s9] =	stream.indirect.scatter.add.f32 [tilespmem:s10], [sflag:$0x1], $0x1, s18, s12, $0xb8;
	[tilespmem:$0x2B00] =	vst v63  }
0x424: {  	_ = 	snop  }
0x425: {  	[spmem:s9] =	stream.indirect.scatter.add.f32 [tilespmem:s10], [sflag:$0x1], $0x1, s19, s12, $0xb8;
	[tilespmem:$0x2B00] =	vst v63  }
0x426: {  	_ = 	snop  }
0x427: {  	[spmem:s9] =	stream.indirect.scatter.add.f32 [tilespmem:s10], [sflag:$0x1], $0x1, s20, s12, $0xb8;
	[tilespmem:$0x2B00] =	vst v63  }
0x428: {  	_ = 	snop  }
0x429: {  	[spmem:s9] =	stream.indirect.scatter.add.f32 [tilespmem:s10], [sflag:$0x1], $0x1, s21, s12, $0xb8;
	[tilespmem:$0x2B00] =	vst v63  }
0x42a: {  	_ = 	snop  }
0x42b: {  	[spmem:s9] =	stream.indirect.scatter.add.f32 [tilespmem:s10], [sflag:$0x1], $0x1, s22, s12, $0xb8;
	[tilespmem:$0x2B00] =	vst v63  }
0x42c: {  	_ = 	snop  }
0x42d: {  	[spmem:s9] =	stream.indirect.scatter.add.f32 [tilespmem:s10], [sflag:$0x1], $0x1, s23, s12, $0xb8;
	[tilespmem:$0x2B00] =	vst v63  }
0x42e: {  	_ = 	snop  }
0x42f: {  	[spmem:s9] =	stream.indirect.scatter.add.f32 [tilespmem:s10], [sflag:$0x1], $0x1, s24, s12, $0xb8;
	[tilespmem:$0x2B00] =	vst v63  }
0x430: {  	_ = 	snop  }
0x431: {  	[spmem:s9] =	stream.indirect.scatter.add.f32 [tilespmem:s10], [sflag:$0x1], $0x1, s25, s12, $0xb8;
	[tilespmem:$0x2B00] =	vst v63  }
0x432: {  	_ = 	snop  }
0x433: {  	[spmem:s9] =	stream.indirect.scatter.add.f32 [tilespmem:s10], [sflag:$0x1], $0x1, s26, s12, $0xb8;
	[tilespmem:$0x2B00] =	vst v63  }
0x434: {  	_ = 	snop  }
0x435: {  	[spmem:s9] =	stream.indirect.scatter.add.f32 [tilespmem:s10], [sflag:$0x1], $0x1, s28, s12, $0xb8;
	[tilespmem:$0x2B00] =	vst v63  }
0x436: {  	_ = 	snop  }
0x437: {  	[spmem:s9] =	stream.indirect.scatter.add.f32 [tilespmem:s10], [sflag:$0x1], $0x1, s29, s12, $0xb8;
	[tilespmem:$0x2B00] =	vst v63  }
0x438: {  	_ = 	snop  }
0x439: {  	[spmem:s9] =	stream.indirect.scatter.add.f32 [tilespmem:s10], [sflag:$0x1], $0x1, s30, s12, $0xb8;
	[tilespmem:$0x2B00] =	vst v63  }
0x43a: {  	_ = 	snop  }
0x43b: {  	[spmem:s9] =	stream.indirect.scatter.add.f32 [tilespmem:s10], [sflag:$0x1], $0x1, s31, s12, $0xb8;
	[tilespmem:$0x2B00] =	vst v63  }
0x43c: {  	_ =	swait.ge [sflag:s6], $0x80  }
0x43d: {  	[sflag:s6] =	ssyncset.done $0x0  }
0x43e: {  	[sflag:s6] =	ssyncadd.s32 $0xFFFFFF80  }
0x43f: {  	_ =	swait.ge [sflag:s6], $0x80  }
0x440: {  	[sflag:s6] =	ssyncset.done $0x0  }
0x441: {  	[sflag:s6] =	ssyncadd.s32 $0xFFFFFF80  }
0x442: {  	_ =	swait.ge [sflag:s6], $0x80  }
0x443: {  	[sflag:s6] =	ssyncset.done $0x0  }
0x444: {  	[sflag:s6] =	ssyncadd.s32 $0xFFFFFF80  }
0x445: {  	_ =	swait.ge [sflag:s6], $0x80  }
0x446: {  	[sflag:s6] =	ssyncset.done $0x0  }
0x447: {  	[sflag:s6] =	ssyncadd.s32 $0xFFFFFF80  }
0x448: {  	_ =	swait.ge [sflag:s6], $0x80  }
0x449: {  	[sflag:s6] =	ssyncset.done $0x0  }
0x44a: {  	[sflag:s6] =	ssyncadd.s32 $0xFFFFFF80  }
0x44b: {  	_ =	swait.ge [sflag:s6], $0x80  }
0x44c: {  	[sflag:s6] =	ssyncset.done $0x0  }
0x44d: {  	[sflag:s6] =	ssyncadd.s32 $0xFFFFFF80  }
0x44e: {  	_ =	swait.ge [sflag:s6], $0x80  }
0x44f: {  	[sflag:s6] =	ssyncset.done $0x0  }
0x450: {  	[sflag:s6] =	ssyncadd.s32 $0xFFFFFF80  }
0x451: {  	_ =	swait.ge [sflag:s6], $0x80  }
0x452: {  	[sflag:s6] =	ssyncset.done $0x0  }
0x453: {  	[sflag:s6] =	ssyncadd.s32 $0xFFFFFF80  }
0x454: {  	_ =	swait.ge [sflag:s6], $0x80  }
0x455: {  	[sflag:s6] =	ssyncset.done $0x0  }
0x456: {  	[sflag:s6] =	ssyncadd.s32 $0xFFFFFF80  }
0x457: {  	_ =	swait.ge [sflag:s6], $0x80  }
0x458: {  	[sflag:s6] =	ssyncset.done $0x0  }
0x459: {  	[sflag:s6] =	ssyncadd.s32 $0xFFFFFF80  }
0x45a: {  	_ =	swait.ge [sflag:s6], $0x80  }
0x45b: {  	[sflag:s6] =	ssyncset.done $0x0  }
0x45c: {  	[sflag:s6] =	ssyncadd.s32 $0xFFFFFF80  }
0x45d: {  	_ =	swait.ge [sflag:s6], $0x80  }
0x45e: {  	[sflag:s6] =	ssyncset.done $0x0  }
0x45f: {  	[sflag:s6] =	ssyncadd.s32 $0xFFFFFF80  }
0x460: {  	_ =	swait.ge [sflag:s6], $0x80  }
0x461: {  	[sflag:s6] =	ssyncset.done $0x0  }
0x462: {  	[sflag:s6] =	ssyncadd.s32 $0xFFFFFF80  }
0x463: {  	_ =	swait.ge [sflag:s6], $0x80  }
0x464: {  	[sflag:s6] =	ssyncset.done $0x0  }
0x465: {  	[sflag:s6] =	ssyncadd.s32 $0xFFFFFF80  }
0x466: {  	_ =	swait.ge [sflag:s6], $0x80  }
0x467: {  	[sflag:s6] =	ssyncset.done $0x0  }
0x468: {  	[sflag:s6] =	ssyncadd.s32 $0xFFFFFF80  }
0x469: {  	_ =	swait.ge [sflag:s6], $0x80  }
0x46a: {  	[sflag:s6] =	ssyncset.done $0x0  }
0x46b: {  	[sflag:s6] =	ssyncadd.s32 $0xFFFFFF80  }
0x46c: {  	_ =	swait.ge [sflag:s6], $0x80  }
0x46d: {  	[sflag:s6] =	ssyncset.done $0x0  }
0x46e: {  	[sflag:s6] =	ssyncadd.s32 $0xFFFFFF80  }
0x46f: {  	_ =	swait.ge [sflag:s6], $0x80  }
0x470: {  	[sflag:s6] =	ssyncset.done $0x0  }
0x471: {  	[sflag:s6] =	ssyncadd.s32 $0xFFFFFF80  }
0x472: {  	_ =	swait.ge [sflag:s6], $0x80  }
0x473: {  	[sflag:s6] =	ssyncset.done $0x0  }
0x474: {  	[sflag:s6] =	ssyncadd.s32 $0xFFFFFF80  }
0x475: {  	_ =	swait.ge [sflag:s6], $0x80  }
0x476: {  	[sflag:s6] =	ssyncset.done $0x0  }
0x477: {  	[sflag:s6] =	ssyncadd.s32 $0xFFFFFF80  }
0x478: {  	_ =	swait.ge [sflag:s6], $0x80  }
0x479: {  	[sflag:s6] =	ssyncset.done $0x0  }
0x47a: {  	[sflag:s6] =	ssyncadd.s32 $0xFFFFFF80  }
0x47b: {  	_ =	swait.ge [sflag:s6], $0x80  }
0x47c: {  	[sflag:s6] =	ssyncset.done $0x0  }
0x47d: {  	[sflag:s6] =	ssyncadd.s32 $0xFFFFFF80  }
0x47e: {  	_ =	swait.ge [sflag:s6], $0x80  }
0x47f: {  	[sflag:s6] =	ssyncset.done $0x0  }
0x480: {  	[sflag:s6] =	ssyncadd.s32 $0xFFFFFF80  }
0x481: {  	_ =	swait.ge [sflag:s6], $0x80  }
0x482: {  	[sflag:s6] =	ssyncset.done $0x0  }
0x483: {  	[sflag:s6] =	ssyncadd.s32 $0xFFFFFF80  }
0x484: {  	_ =	swait.ge [sflag:s6], $0x80  }
0x485: {  	[sflag:s6] =	ssyncset.done $0x0  }
0x486: {  	[sflag:s6] =	ssyncadd.s32 $0xFFFFFF80  }
0x487: {  	_ =	swait.ge [sflag:s6], $0x80  }
0x488: {  	[sflag:s6] =	ssyncset.done $0x0  }
0x489: {  	[sflag:s6] =	ssyncadd.s32 $0xFFFFFF80  }
0x48a: {  	_ =	swait.ge [sflag:s6], $0x80  }
0x48b: {  	[sflag:s6] =	ssyncset.done $0x0  }
0x48c: {  	[sflag:s6] =	ssyncadd.s32 $0xFFFFFF80  }
0x48d: {  	_ =	swait.ge [sflag:s6], $0x80  }
0x48e: {  	[sflag:s6] =	ssyncset.done $0x0  }
0x48f: {  	[sflag:s6] =	ssyncadd.s32 $0xFFFFFF80  }
0x490: {  	_ =	swait.ge [sflag:s6], $0x80  }
0x491: {  	[sflag:s6] =	ssyncset.done $0x0  }
0x492: {  	[sflag:s6] =	ssyncadd.s32 $0xFFFFFF80  }
0x493: {  	_ =	swait.ge [sflag:s6], $0x80  }
0x494: {  	[sflag:s6] =	ssyncset.done $0x0  }
0x495: {  	[sflag:s6] =	ssyncadd.s32 $0xFFFFFF80  }
0x496: {  	_ =	swait.ge [sflag:s6], $0x80  }
0x497: {  	[sflag:s6] =	ssyncset.done $0x0  }
0x498: {  	[sflag:s6] =	ssyncadd.s32 $0xFFFFFF80  }
0x499: {  	_ =	swait.ge [sflag:s6], $0x80  }
0x49a: {  	[sflag:s6] =	ssyncset.done $0x0  }
0x49b: {  	[sflag:s6] =	ssyncadd.s32 $0xFFFFFF80  }
0x49c: {  	_ =	swait.ge [sflag:s6], $0x80  }
0x49d: {  	[sflag:s6] =	ssyncset.done $0x0  }
0x49e: {  	[sflag:s6] =	ssyncadd.s32 $0xFFFFFF80  }
0x49f: {  	_ =	swait.ge [sflag:s6], $0x80  }
0x4a0: {  	[sflag:s6] =	ssyncset.done $0x0  }
0x4a1: {  	[sflag:s6] =	ssyncadd.s32 $0xFFFFFF80  }
0x4a2: {  	_ =	swait.ge [sflag:s6], $0x80  }
0x4a3: {  	[sflag:s6] =	ssyncset.done $0x0  }
0x4a4: {  	[sflag:s6] =	ssyncadd.s32 $0xFFFFFF80  }
0x4a5: {  	_ =	swait.ge [sflag:s6], $0x80  }
0x4a6: {  	[sflag:s6] =	ssyncset.done $0x0  }
0x4a7: {  	[sflag:s6] =	ssyncadd.s32 $0xFFFFFF80  }
0x4a8: {  	_ =	swait.ge [sflag:s6], $0x80  }
0x4a9: {  	[sflag:s6] =	ssyncset.done $0x0  }
0x4aa: {  	[sflag:s6] =	ssyncadd.s32 $0xFFFFFF80  }
0x4ab: {  	_ =	swait.ge [sflag:s6], $0x80  }
0x4ac: {  	[sflag:s6] =	ssyncset.done $0x0  }
0x4ad: {  	[sflag:s6] =	ssyncadd.s32 $0xFFFFFF80  }
0x4ae: {  	_ =	swait.ge [sflag:s6], $0x80  }
0x4af: {  	[sflag:s6] =	ssyncset.done $0x0  }
0x4b0: {  	[sflag:s6] =	ssyncadd.s32 $0xFFFFFF80  }
0x4b1: {  	_ =	swait.ge [sflag:s6], $0x80  }
0x4b2: {  	[sflag:s6] =	ssyncset.done $0x0  }
0x4b3: {  	[sflag:s6] =	ssyncadd.s32 $0xFFFFFF80  }
0x4b4: {  	_ =	swait.ge [sflag:s6], $0x80  }
0x4b5: {  	[sflag:s6] =	ssyncset.done $0x0  }
0x4b6: {  	[sflag:s6] =	ssyncadd.s32 $0xFFFFFF80  }
0x4b7: {  	_ =	swait.ge [sflag:s6], $0x80  }
0x4b8: {  	[sflag:s6] =	ssyncset.done $0x0  }
0x4b9: {  	[sflag:s6] =	ssyncadd.s32 $0xFFFFFF80  }
0x4ba: {  	_ =	swait.ge [sflag:s6], $0x80  }
0x4bb: {  	[sflag:s6] =	ssyncset.done $0x0  }
0x4bc: {  	[sflag:s6] =	ssyncadd.s32 $0xFFFFFF80  }
0x4bd: {  	_ =	swait.ge [sflag:s6], $0x80  }
0x4be: {  	[sflag:s6] =	ssyncset.done $0x0  }
0x4bf: {  	[sflag:s6] =	ssyncadd.s32 $0xFFFFFF80  }
0x4c0: {  	_ =	swait.ge [sflag:s6], $0x80  }
0x4c1: {  	[sflag:s6] =	ssyncset.done $0x0  }
0x4c2: {  	[sflag:s6] =	ssyncadd.s32 $0xFFFFFF80  }
0x4c3: {  	_ =	swait.ge [sflag:s6], $0x80  }
0x4c4: {  	[sflag:s6] =	ssyncset.done $0x0  }
0x4c5: {  	[sflag:s6] =	ssyncadd.s32 $0xFFFFFF80  }
0x4c6: {  	_ =	swait.ge [sflag:s6], $0x80  }
0x4c7: {  	[sflag:s6] =	ssyncset.done $0x0  }
0x4c8: {  	[sflag:s6] =	ssyncadd.s32 $0xFFFFFF80  }
0x4c9: {  	_ =	swait.ge [sflag:s6], $0x80  }
0x4ca: {  	[sflag:s6] =	ssyncset.done $0x0  }
0x4cb: {  	[sflag:s6] =	ssyncadd.s32 $0xFFFFFF80  }
0x4cc: {  	_ =	swait.ge [sflag:s6], $0x80  }
0x4cd: {  	[sflag:s6] =	ssyncset.done $0x0  }
0x4ce: {  	[sflag:s6] =	ssyncadd.s32 $0xFFFFFF80  }
0x4cf: {  	_ =	swait.ge [sflag:s6], $0x80  }
0x4d0: {  	[sflag:s6] =	ssyncset.done $0x0  }
0x4d1: {  	[sflag:s6] =	ssyncadd.s32 $0xFFFFFF80  }
0x4d2: {  	_ =	swait.ge [sflag:s6], $0x80  }
0x4d3: {  	[sflag:s6] =	ssyncset.done $0x0  }
0x4d4: {  	[sflag:s6] =	ssyncadd.s32 $0xFFFFFF80  }
0x4d5: {  	_ =	swait.ge [sflag:s6], $0x80  }
0x4d6: {  	[sflag:s6] =	ssyncset.done $0x0  }
0x4d7: {  	[sflag:s6] =	ssyncadd.s32 $0xFFFFFF80  }
0x4d8: {  	_ =	swait.ge [sflag:s6], $0x80  }
0x4d9: {  	[sflag:s6] =	ssyncset.done $0x0  }
0x4da: {  	[sflag:s6] =	ssyncadd.s32 $0xFFFFFF80  }
0x4db: {  	_ =	swait.ge [sflag:s6], $0x80  }
0x4dc: {  	[sflag:s6] =	ssyncset.done $0x0  }
0x4dd: {  	[sflag:s6] =	ssyncadd.s32 $0xFFFFFF80  }
0x4de: {  	_ =	swait.ge [sflag:s6], $0x80  }
0x4df: {  	[sflag:s6] =	ssyncset.done $0x0  }
0x4e0: {  	[sflag:s6] =	ssyncadd.s32 $0xFFFFFF80  }
0x4e1: {  	_ =	swait.ge [sflag:s6], $0x80  }
0x4e2: {  	[sflag:s6] =	ssyncset.done $0x0  }
0x4e3: {  	[sflag:s6] =	ssyncadd.s32 $0xFFFFFF80  }
0x4e4: {  	_ =	swait.ge [sflag:s6], $0x80  }
0x4e5: {  	[sflag:s6] =	ssyncset.done $0x0  }
0x4e6: {  	[sflag:s6] =	ssyncadd.s32 $0xFFFFFF80  }
0x4e7: {  	_ =	swait.ge [sflag:s6], $0x80  }
0x4e8: {  	[sflag:s6] =	ssyncset.done $0x0  }
0x4e9: {  	[sflag:s6] =	ssyncadd.s32 $0xFFFFFF80  }
0x4ea: {  	_ =	swait.ge [sflag:s6], $0x80  }
0x4eb: {  	[sflag:s6] =	ssyncset.done $0x0  }
0x4ec: {  	[sflag:s6] =	ssyncadd.s32 $0xFFFFFF80  }
0x4ed: {  	_ =	swait.ge [sflag:s6], $0x80  }
0x4ee: {  	[sflag:s6] =	ssyncset.done $0x0  }
0x4ef: {  	[sflag:s6] =	ssyncadd.s32 $0xFFFFFF80  }
0x4f0: {  	_ =	swait.ge [sflag:s6], $0x80  }
0x4f1: {  	[sflag:s6] =	ssyncset.done $0x0  }
0x4f2: {  	[sflag:s6] =	ssyncadd.s32 $0xFFFFFF80  }
0x4f3: {  	_ =	swait.ge [sflag:s6], $0x80  }
0x4f4: {  	[sflag:s6] =	ssyncset.done $0x0  }
0x4f5: {  	[sflag:s6] =	ssyncadd.s32 $0xFFFFFF80  }
0x4f6: {  	_ =	swait.ge [sflag:s6], $0x80  }
0x4f7: {  	[sflag:s6] =	ssyncset.done $0x0  }
0x4f8: {  	[sflag:s6] =	ssyncadd.s32 $0xFFFFFF80  }
0x4f9: {  	_ =	swait.ge [sflag:s6], $0x80  }
0x4fa: {  	[sflag:s6] =	ssyncset.done $0x0  }
0x4fb: {  	[sflag:s6] =	ssyncadd.s32 $0xFFFFFF80  }
0x4fc: {  	_ =	swait.ge [sflag:s6], $0x80  }
0x4fd: {  	[sflag:s6] =	ssyncset.done $0x0  }
0x4fe: {  	[sflag:s6] =	ssyncadd.s32 $0xFFFFFF80  }
0x4ff: {  	_ =	swait.ge [sflag:s6], $0x80  }
0x500: {  	[sflag:s6] =	ssyncset.done $0x0  }
0x501: {  	[sflag:s6] =	ssyncadd.s32 $0xFFFFFF80  }
0x502: {  	_ =	swait.ge [sflag:s6], $0x80  }
0x503: {  	[sflag:s6] =	ssyncset.done $0x0  }
0x504: {  	[sflag:s6] =	ssyncadd.s32 $0xFFFFFF80  }
0x505: {  	_ =	swait.ge [sflag:s6], $0x80  }
0x506: {  	[sflag:s6] =	ssyncset.done $0x0  }
0x507: {  	[sflag:s6] =	ssyncadd.s32 $0xFFFFFF80  }
0x508: {  	_ =	swait.ge [sflag:s6], $0x80  }
0x509: {  	[sflag:s6] =	ssyncset.done $0x0  }
0x50a: {  	[sflag:s6] =	ssyncadd.s32 $0xFFFFFF80  }
0x50b: {  	_ =	swait.ge [sflag:s6], $0x80  }
0x50c: {  	[sflag:s6] =	ssyncset.done $0x0  }
0x50d: {  	[sflag:s6] =	ssyncadd.s32 $0xFFFFFF80  }
0x50e: {  	_ =	swait.ge [sflag:s6], $0x80  }
0x50f: {  	[sflag:s6] =	ssyncset.done $0x0  }
0x510: {  	[sflag:s6] =	ssyncadd.s32 $0xFFFFFF80  }
0x511: {  	_ =	swait.ge [sflag:s6], $0x80  }
0x512: {  	[sflag:s6] =	ssyncset.done $0x0  }
0x513: {  	[sflag:s6] =	ssyncadd.s32 $0xFFFFFF80  }
0x514: {  	_ =	swait.ge [sflag:s6], $0x80  }
0x515: {  	[sflag:s6] =	ssyncset.done $0x0  }
0x516: {  	[sflag:s6] =	ssyncadd.s32 $0xFFFFFF80  }
0x517: {  	_ =	swait.ge [sflag:s6], $0x80  }
0x518: {  	[sflag:s6] =	ssyncset.done $0x0  }
0x519: {  	[sflag:s6] =	ssyncadd.s32 $0xFFFFFF80  }
0x51a: {  	_ =	swait.ge [sflag:s6], $0x80  }
0x51b: {  	[sflag:s6] =	ssyncset.done $0x0  }
0x51c: {  	[sflag:s6] =	ssyncadd.s32 $0xFFFFFF80  }
0x51d: {  	_ =	swait.ge [sflag:s6], $0x80  }
0x51e: {  	[sflag:s6] =	ssyncset.done $0x0  }
0x51f: {  	[sflag:s6] =	ssyncadd.s32 $0xFFFFFF80  }
0x520: {  	_ =	swait.ge [sflag:s6], $0x80  }
0x521: {  	[sflag:s6] =	ssyncset.done $0x0  }
0x522: {  	[sflag:s6] =	ssyncadd.s32 $0xFFFFFF80  }
0x523: {  	_ =	swait.ge [sflag:s6], $0x80  }
0x524: {  	[sflag:s6] =	ssyncset.done $0x0  }
0x525: {  	[sflag:s6] =	ssyncadd.s32 $0xFFFFFF80  }
0x526: {  	_ =	swait.ge [sflag:s6], $0x80  }
0x527: {  	[sflag:s6] =	ssyncset.done $0x0  }
0x528: {  	[sflag:s6] =	ssyncadd.s32 $0xFFFFFF80  }
0x529: {  	_ =	swait.ge [sflag:s6], $0x80  }
0x52a: {  	[sflag:s6] =	ssyncset.done $0x0  }
0x52b: {  	[sflag:s6] =	ssyncadd.s32 $0xFFFFFF80  }
0x52c: {  	[bflag:$0x0] =	sbarrier.arrive $0xFFFF  }
0x52d: {  	[hbm:s5@s7], [sflag:s2] =	dma.strided [spmem:s3@s8], $0x50, s6, $0x10   }
0x52e: {  	_ =	swait.ge [sflag:s4], $0x50  }
0x52f: {  	[sflag:s4] =	ssyncset.done $0x0  }
0x530: {  	[sflag:s4] =	ssyncadd.s32 $0xFFFFFFB0  }
0x531: {  	_ =	sfence.sel $0x180000  }
0x532: {  	[bflag:$0x0] =	sbarrier.arrive $0xFFFF  }
0x533: {  	_ =	strace $0x90000047  }
0x534: {  	s31 =	stileid.u32;
	[bflag:$0x2] =	sbarrier.arrive $0xFFFF  }
0x535: {  	p0 =	sne.s32 s31, $0x0;
	s0 =	rddreg [dreg:$0x3]  }
0x536: {  	s0 =	sadd.s32 @!p0 $0x100000, s0  }
0x537: {  	[sflag:s0] =	ssyncadd.tile.s32 @!p0 $0x1;
	_ =	shalt  }
.Lfunc_end2:
_tile_overlayer_lowered:
.L_overlay_start_2:
0x538: {  	(tag) =	ssettag $0x2  }
0x539: {  	s0 =	rddreg [dreg:$0x0];
	s2 =	stileid.u32  }
0x53a: {  	s1 =	rddreg [dreg:$0x1];
	p0 =	sne.s32 s2, $0x0  }
0x53b: {  	s3 =	rddreg [dreg:$0x2];
	[bflag:$0x3] =	sbarrier.arrive $0xFFFF;
	s2 =	simm.s32 @!p0 $0x1C02  }
0x53c: {  	[timem:s3], [sflag:s2] =	dma.local @!p0 [hbm:s0], s1  }
0x53d: {  	s0 =	simm.s32 @!p0 $0x2  }
0x53e: {  	_ =	swait.ge @!p0 [sflag:s0], s1  }
0x53f: {  	s1 =	ssub.s32 @!p0 $0x0, s1;
	[sflag:s0] =	ssyncset.done @!p0 $0x0  }
0x540: {  	[sflag:s0] =	ssyncadd.s32 @!p0 s1  }
0x541: {  	[bflag:$0x3] =	sbarrier.arrive $0xFFFF  }
0x542: {  	_ =	shalt  }

</sc_bundles>
